<compile_context>
chip_gen: v7x
topology: tpu7x:2x2x1
jax: 0.10.2.dev20260603
libtpu: 0.0.44.dev20260713+nightly
codegen_flags: <defaults>
</compile_context>

<pallas_src>
import functools

import jax
import jax.numpy as jnp
from jax import lax
from jax.experimental import pallas as pl
from jax.experimental.pallas import tpu as pltpu
from jax.experimental.pallas import tpu_sc as plsc

N_USERS = 1_000_000
N_ITEMS = 100_000
DIM = 32

_NC = 2
_NS = 16
_NW = _NC * _NS

_CHUNK = 256
_NB = 3

_U_SLOTS = -(-(-(-N_USERS // _CHUNK)) // _NW)

_I_BLOCK = 4000

_mesh = plsc.VectorSubcoreMesh(core_axis_name="c", subcore_axis_name="s")


@functools.partial(
    pl.kernel,
    out_type=jax.ShapeDtypeStruct((N_USERS, DIM), jnp.float32),
    mesh=_mesh,
    scratch_types=(
        [pltpu.VMEM((_CHUNK, DIM), jnp.float32) for _ in range(_NB)]
        + [pltpu.SemaphoreType.DMA for _ in range(2 * _NB)]
    ),
)
def _copy_user(u_in, u_out, *scratch):
    bufs = scratch[:_NB]
    rsems = scratch[_NB:2 * _NB]
    wsems = scratch[2 * _NB:]
    wid = lax.axis_index("s") * _NC + lax.axis_index("c")

    bases = []
    for t in range(_U_SLOTS):
        base = jnp.minimum((wid + t * _NW) * _CHUNK, N_USERS - _CHUNK)
        bases.append(pl.multiple_of(base, 32))
    n = len(bases)

    def read(j, b):
        return pltpu.async_copy(
            u_in.at[pl.ds(bases[j], _CHUNK)], bufs[b], rsems[b])

    def write(j, b):
        return pltpu.async_copy(
            bufs[b], u_out.at[pl.ds(bases[j], _CHUNK)], wsems[b])

    reads = [None] * n
    writes = [None] * n
    for b in range(min(_NB, n)):
        reads[b] = read(b, b)
    for j in range(n):
        b = j % _NB
        reads[j].wait()
        writes[j] = write(j, b)
        if j + _NB < n:
            writes[j].wait()
            reads[j + _NB] = read(j + _NB, b)
    for j in range(max(0, n - _NB), n):
        writes[j].wait()


def _tc_copy_body(src_ref, dst_ref):
    dst_ref[...] = src_ref[...]


def kernel(user_table, item_table):
    item_out = pl.pallas_call(
        _tc_copy_body,
        grid=(N_ITEMS // _I_BLOCK,),
        in_specs=[pl.BlockSpec((_I_BLOCK, DIM), lambda i: (i, 0))],
        out_specs=pl.BlockSpec((_I_BLOCK, DIM), lambda i: (i, 0)),
        out_shape=jax.ShapeDtypeStruct((N_ITEMS, DIM), jnp.float32),
    )(item_table)
    user_out = _copy_user(user_table)
    return user_out, item_out

# --- scband reference (transcript-rebuilt; emitter-appended) ---
"""Pipeline reference for scband-mf-70196945486133 (READ-ONLY COPY).

The authoritative reference and input builder live on the scoring server;
editing this copy changes nothing except your own understanding.
"""

import jax, jax.numpy as jnp
import numpy as np

N_USERS = 1000000
N_ITEMS = 100000
DIM = 32


def setup_inputs(seed: int = 0) -> dict:
    key = jax.random.key(seed)
    k1, k2 = jax.random.split(key)
    # xavier_uniform init: bound = sqrt(6 / (fan_in + fan_out))
    bu = float(np.sqrt(6.0 / (N_USERS + DIM)))
    bi = float(np.sqrt(6.0 / (N_ITEMS + DIM)))
    user_table = jax.random.uniform(k1, (N_USERS, DIM), jnp.float32, -bu, bu)
    item_table = jax.random.uniform(k2, (N_ITEMS, DIM), jnp.float32, -bi, bi)
    return {"user_table": user_table, "item_table": item_table}


def reference(user_table, item_table):
    # MF.forward(): returns the full user and item embedding weight matrices
    u_g_embeddings = user_table
    i_g_embeddings = item_table
    return (u_g_embeddings, i_g_embeddings)

if __name__ == "__main__":
    import jax
    _d = setup_inputs()
    print(jax.jit(kernel)(*tuple(_d.values())))

</pallas_src>

<mosaic_0001>
#map = affine_map<(d0, d1) -> (0, 0)>
module attributes {stable_mosaic.version = 14 : i64} {
  func.func @_copy_user(%arg0: i32, %arg1: i32, %arg2: memref<1000000x32xf32, #tpu.memory_space<hbm>>, %arg3: memref<1000000x32xf32, #tpu.memory_space<hbm>>, %arg4: memref<256x32xf32, #tpu.memory_space<vmem>>, %arg5: memref<256x32xf32, #tpu.memory_space<vmem>>, %arg6: memref<256x32xf32, #tpu.memory_space<vmem>>, %arg7: memref<!tpu.dma_semaphore, #tpu.memory_space<semaphore_mem>>, %arg8: memref<!tpu.dma_semaphore, #tpu.memory_space<semaphore_mem>>, %arg9: memref<!tpu.dma_semaphore, #tpu.memory_space<semaphore_mem>>, %arg10: memref<!tpu.dma_semaphore, #tpu.memory_space<semaphore_mem>>, %arg11: memref<!tpu.dma_semaphore, #tpu.memory_space<semaphore_mem>>, %arg12: memref<!tpu.dma_semaphore, #tpu.memory_space<semaphore_mem>>) attributes {dimension_semantics = [#tpu.dimension_semantics<core_parallel>, #tpu.dimension_semantics<subcore_parallel>], iteration_bounds = array<i64: 2, 16>, scalar_prefetch = 0 : i64, scratch_operands = 9 : i64, tpu.core_type = #tpu.core_type<sc_vector_subcore>, window_params = [{transform_indices = #map}, {transform_indices = #map}]} {
    %mul3A = arith.constant 2 : i32
    %mul3A_0 = arith.muli %arg1, %mul3A : i32
    %add3A = arith.addi %mul3A_0, %arg0 : i32
    %add3A_1 = arith.constant 0 : i32
    %add3A_2 = arith.addi %add3A, %add3A_1 : i32
    %mul3A_3 = arith.constant 256 : i32
    %mul3A_4 = arith.muli %add3A_2, %mul3A_3 : i32
    %min3A = arith.constant 999744 : i32
    %min3A_5 = arith.minsi %mul3A_4, %min3A : i32
    %multiple_of3A = tpu.assume_multiple %min3A_5, 32 : i32
    %add3A_6 = arith.constant 32 : i32
    %add3A_7 = arith.addi %add3A, %add3A_6 : i32
    %mul3A_8 = arith.constant 256 : i32
    %mul3A_9 = arith.muli %add3A_7, %mul3A_8 : i32
    %min3A_10 = arith.constant 999744 : i32
    %min3A_11 = arith.minsi %mul3A_9, %min3A_10 : i32
    %multiple_of3A_12 = tpu.assume_multiple %min3A_11, 32 : i32
    %add3A_13 = arith.constant 64 : i32
    %add3A_14 = arith.addi %add3A, %add3A_13 : i32
    %mul3A_15 = arith.constant 256 : i32
    %mul3A_16 = arith.muli %add3A_14, %mul3A_15 : i32
    %min3A_17 = arith.constant 999744 : i32
    %min3A_18 = arith.minsi %mul3A_16, %min3A_17 : i32
    %multiple_of3A_19 = tpu.assume_multiple %min3A_18, 32 : i32
    %add3A_20 = arith.constant 96 : i32
    %add3A_21 = arith.addi %add3A, %add3A_20 : i32
    %mul3A_22 = arith.constant 256 : i32
    %mul3A_23 = arith.muli %add3A_21, %mul3A_22 : i32
    %min3A_24 = arith.constant 999744 : i32
    %min3A_25 = arith.minsi %mul3A_23, %min3A_24 : i32
    %multiple_of3A_26 = tpu.assume_multiple %min3A_25, 32 : i32
    %add3A_27 = arith.constant 128 : i32
    %add3A_28 = arith.addi %add3A, %add3A_27 : i32
    %mul3A_29 = arith.constant 256 : i32
    %mul3A_30 = arith.muli %add3A_28, %mul3A_29 : i32
    %min3A_31 = arith.constant 999744 : i32
    %min3A_32 = arith.minsi %mul3A_30, %min3A_31 : i32
    %multiple_of3A_33 = tpu.assume_multiple %min3A_32, 32 : i32
    %add3A_34 = arith.constant 160 : i32
    %add3A_35 = arith.addi %add3A, %add3A_34 : i32
    %mul3A_36 = arith.constant 256 : i32
    %mul3A_37 = arith.muli %add3A_35, %mul3A_36 : i32
    %min3A_38 = arith.constant 999744 : i32
    %min3A_39 = arith.minsi %mul3A_37, %min3A_38 : i32
    %multiple_of3A_40 = tpu.assume_multiple %min3A_39, 32 : i32
    %add3A_41 = arith.constant 192 : i32
    %add3A_42 = arith.addi %add3A, %add3A_41 : i32
    %mul3A_43 = arith.constant 256 : i32
    %mul3A_44 = arith.muli %add3A_42, %mul3A_43 : i32
    %min3A_45 = arith.constant 999744 : i32
    %min3A_46 = arith.minsi %mul3A_44, %min3A_45 : i32
    %multiple_of3A_47 = tpu.assume_multiple %min3A_46, 32 : i32
    %add3A_48 = arith.constant 224 : i32
    %add3A_49 = arith.addi %add3A, %add3A_48 : i32
    %mul3A_50 = arith.constant 256 : i32
    %mul3A_51 = arith.muli %add3A_49, %mul3A_50 : i32
    %min3A_52 = arith.constant 999744 : i32
    %min3A_53 = arith.minsi %mul3A_51, %min3A_52 : i32
    %multiple_of3A_54 = tpu.assume_multiple %min3A_53, 32 : i32
    %add3A_55 = arith.constant 256 : i32
    %add3A_56 = arith.addi %add3A, %add3A_55 : i32
    %mul3A_57 = arith.constant 256 : i32
    %mul3A_58 = arith.muli %add3A_56, %mul3A_57 : i32
    %min3A_59 = arith.constant 999744 : i32
    %min3A_60 = arith.minsi %mul3A_58, %min3A_59 : i32
    %multiple_of3A_61 = tpu.assume_multiple %min3A_60, 32 : i32
    %add3A_62 = arith.constant 288 : i32
    %add3A_63 = arith.addi %add3A, %add3A_62 : i32
    %mul3A_64 = arith.constant 256 : i32
    %mul3A_65 = arith.muli %add3A_63, %mul3A_64 : i32
    %min3A_66 = arith.constant 999744 : i32
    %min3A_67 = arith.minsi %mul3A_65, %min3A_66 : i32
    %multiple_of3A_68 = tpu.assume_multiple %min3A_67, 32 : i32
    %add3A_69 = arith.constant 320 : i32
    %add3A_70 = arith.addi %add3A, %add3A_69 : i32
    %mul3A_71 = arith.constant 256 : i32
    %mul3A_72 = arith.muli %add3A_70, %mul3A_71 : i32
    %min3A_73 = arith.constant 999744 : i32
    %min3A_74 = arith.minsi %mul3A_72, %min3A_73 : i32
    %multiple_of3A_75 = tpu.assume_multiple %min3A_74, 32 : i32
    %add3A_76 = arith.constant 352 : i32
    %add3A_77 = arith.addi %add3A, %add3A_76 : i32
    %mul3A_78 = arith.constant 256 : i32
    %mul3A_79 = arith.muli %add3A_77, %mul3A_78 : i32
    %min3A_80 = arith.constant 999744 : i32
    %min3A_81 = arith.minsi %mul3A_79, %min3A_80 : i32
    %multiple_of3A_82 = tpu.assume_multiple %min3A_81, 32 : i32
    %add3A_83 = arith.constant 384 : i32
    %add3A_84 = arith.addi %add3A, %add3A_83 : i32
    %mul3A_85 = arith.constant 256 : i32
    %mul3A_86 = arith.muli %add3A_84, %mul3A_85 : i32
    %min3A_87 = arith.constant 999744 : i32
    %min3A_88 = arith.minsi %mul3A_86, %min3A_87 : i32
    %multiple_of3A_89 = tpu.assume_multiple %min3A_88, 32 : i32
    %add3A_90 = arith.constant 416 : i32
    %add3A_91 = arith.addi %add3A, %add3A_90 : i32
    %mul3A_92 = arith.constant 256 : i32
    %mul3A_93 = arith.muli %add3A_91, %mul3A_92 : i32
    %min3A_94 = arith.constant 999744 : i32
    %min3A_95 = arith.minsi %mul3A_93, %min3A_94 : i32
    %multiple_of3A_96 = tpu.assume_multiple %min3A_95, 32 : i32
    %add3A_97 = arith.constant 448 : i32
    %add3A_98 = arith.addi %add3A, %add3A_97 : i32
    %mul3A_99 = arith.constant 256 : i32
    %mul3A_100 = arith.muli %add3A_98, %mul3A_99 : i32
    %min3A_101 = arith.constant 999744 : i32
    %min3A_102 = arith.minsi %mul3A_100, %min3A_101 : i32
    %multiple_of3A_103 = tpu.assume_multiple %min3A_102, 32 : i32
    %add3A_104 = arith.constant 480 : i32
    %add3A_105 = arith.addi %add3A, %add3A_104 : i32
    %mul3A_106 = arith.constant 256 : i32
    %mul3A_107 = arith.muli %add3A_105, %mul3A_106 : i32
    %min3A_108 = arith.constant 999744 : i32
    %min3A_109 = arith.minsi %mul3A_107, %min3A_108 : i32
    %multiple_of3A_110 = tpu.assume_multiple %min3A_109, 32 : i32
    %add3A_111 = arith.constant 512 : i32
    %add3A_112 = arith.addi %add3A, %add3A_111 : i32
    %mul3A_113 = arith.constant 256 : i32
    %mul3A_114 = arith.muli %add3A_112, %mul3A_113 : i32
    %min3A_115 = arith.constant 999744 : i32
    %min3A_116 = arith.minsi %mul3A_114, %min3A_115 : i32
    %multiple_of3A_117 = tpu.assume_multiple %min3A_116, 32 : i32
    %add3A_118 = arith.constant 544 : i32
    %add3A_119 = arith.addi %add3A, %add3A_118 : i32
    %mul3A_120 = arith.constant 256 : i32
    %mul3A_121 = arith.muli %add3A_119, %mul3A_120 : i32
    %min3A_122 = arith.constant 999744 : i32
    %min3A_123 = arith.minsi %mul3A_121, %min3A_122 : i32
    %multiple_of3A_124 = tpu.assume_multiple %min3A_123, 32 : i32
    %add3A_125 = arith.constant 576 : i32
    %add3A_126 = arith.addi %add3A, %add3A_125 : i32
    %mul3A_127 = arith.constant 256 : i32
    %mul3A_128 = arith.muli %add3A_126, %mul3A_127 : i32
    %min3A_129 = arith.constant 999744 : i32
    %min3A_130 = arith.minsi %mul3A_128, %min3A_129 : i32
    %multiple_of3A_131 = tpu.assume_multiple %min3A_130, 32 : i32
    %add3A_132 = arith.constant 608 : i32
    %add3A_133 = arith.addi %add3A, %add3A_132 : i32
    %mul3A_134 = arith.constant 256 : i32
    %mul3A_135 = arith.muli %add3A_133, %mul3A_134 : i32
    %min3A_136 = arith.constant 999744 : i32
    %min3A_137 = arith.minsi %mul3A_135, %min3A_136 : i32
    %multiple_of3A_138 = tpu.assume_multiple %min3A_137, 32 : i32
    %add3A_139 = arith.constant 640 : i32
    %add3A_140 = arith.addi %add3A, %add3A_139 : i32
    %mul3A_141 = arith.constant 256 : i32
    %mul3A_142 = arith.muli %add3A_140, %mul3A_141 : i32
    %min3A_143 = arith.constant 999744 : i32
    %min3A_144 = arith.minsi %mul3A_142, %min3A_143 : i32
    %multiple_of3A_145 = tpu.assume_multiple %min3A_144, 32 : i32
    %add3A_146 = arith.constant 672 : i32
    %add3A_147 = arith.addi %add3A, %add3A_146 : i32
    %mul3A_148 = arith.constant 256 : i32
    %mul3A_149 = arith.muli %add3A_147, %mul3A_148 : i32
    %min3A_150 = arith.constant 999744 : i32
    %min3A_151 = arith.minsi %mul3A_149, %min3A_150 : i32
    %multiple_of3A_152 = tpu.assume_multiple %min3A_151, 32 : i32
    %add3A_153 = arith.constant 704 : i32
    %add3A_154 = arith.addi %add3A, %add3A_153 : i32
    %mul3A_155 = arith.constant 256 : i32
    %mul3A_156 = arith.muli %add3A_154, %mul3A_155 : i32
    %min3A_157 = arith.constant 999744 : i32
    %min3A_158 = arith.minsi %mul3A_156, %min3A_157 : i32
    %multiple_of3A_159 = tpu.assume_multiple %min3A_158, 32 : i32
    %add3A_160 = arith.constant 736 : i32
    %add3A_161 = arith.addi %add3A, %add3A_160 : i32
    %mul3A_162 = arith.constant 256 : i32
    %mul3A_163 = arith.muli %add3A_161, %mul3A_162 : i32
    %min3A_164 = arith.constant 999744 : i32
    %min3A_165 = arith.minsi %mul3A_163, %min3A_164 : i32
    %multiple_of3A_166 = tpu.assume_multiple %min3A_165, 32 : i32
    %add3A_167 = arith.constant 768 : i32
    %add3A_168 = arith.addi %add3A, %add3A_167 : i32
    %mul3A_169 = arith.constant 256 : i32
    %mul3A_170 = arith.muli %add3A_168, %mul3A_169 : i32
    %min3A_171 = arith.constant 999744 : i32
    %min3A_172 = arith.minsi %mul3A_170, %min3A_171 : i32
    %multiple_of3A_173 = tpu.assume_multiple %min3A_172, 32 : i32
    %add3A_174 = arith.constant 800 : i32
    %add3A_175 = arith.addi %add3A, %add3A_174 : i32
    %mul3A_176 = arith.constant 256 : i32
    %mul3A_177 = arith.muli %add3A_175, %mul3A_176 : i32
    %min3A_178 = arith.constant 999744 : i32
    %min3A_179 = arith.minsi %mul3A_177, %min3A_178 : i32
    %multiple_of3A_180 = tpu.assume_multiple %min3A_179, 32 : i32
    %add3A_181 = arith.constant 832 : i32
    %add3A_182 = arith.addi %add3A, %add3A_181 : i32
    %mul3A_183 = arith.constant 256 : i32
    %mul3A_184 = arith.muli %add3A_182, %mul3A_183 : i32
    %min3A_185 = arith.constant 999744 : i32
    %min3A_186 = arith.minsi %mul3A_184, %min3A_185 : i32
    %multiple_of3A_187 = tpu.assume_multiple %min3A_186, 32 : i32
    %add3A_188 = arith.constant 864 : i32
    %add3A_189 = arith.addi %add3A, %add3A_188 : i32
    %mul3A_190 = arith.constant 256 : i32
    %mul3A_191 = arith.muli %add3A_189, %mul3A_190 : i32
    %min3A_192 = arith.constant 999744 : i32
    %min3A_193 = arith.minsi %mul3A_191, %min3A_192 : i32
    %multiple_of3A_194 = tpu.assume_multiple %min3A_193, 32 : i32
    %add3A_195 = arith.constant 896 : i32
    %add3A_196 = arith.addi %add3A, %add3A_195 : i32
    %mul3A_197 = arith.constant 256 : i32
    %mul3A_198 = arith.muli %add3A_196, %mul3A_197 : i32
    %min3A_199 = arith.constant 999744 : i32
    %min3A_200 = arith.minsi %mul3A_198, %min3A_199 : i32
    %multiple_of3A_201 = tpu.assume_multiple %min3A_200, 32 : i32
    %add3A_202 = arith.constant 928 : i32
    %add3A_203 = arith.addi %add3A, %add3A_202 : i32
    %mul3A_204 = arith.constant 256 : i32
    %mul3A_205 = arith.muli %add3A_203, %mul3A_204 : i32
    %min3A_206 = arith.constant 999744 : i32
    %min3A_207 = arith.minsi %mul3A_205, %min3A_206 : i32
    %multiple_of3A_208 = tpu.assume_multiple %min3A_207, 32 : i32
    %add3A_209 = arith.constant 960 : i32
    %add3A_210 = arith.addi %add3A, %add3A_209 : i32
    %mul3A_211 = arith.constant 256 : i32
    %mul3A_212 = arith.muli %add3A_210, %mul3A_211 : i32
    %min3A_213 = arith.constant 999744 : i32
    %min3A_214 = arith.minsi %mul3A_212, %min3A_213 : i32
    %multiple_of3A_215 = tpu.assume_multiple %min3A_214, 32 : i32
    %add3A_216 = arith.constant 992 : i32
    %add3A_217 = arith.addi %add3A, %add3A_216 : i32
    %mul3A_218 = arith.constant 256 : i32
    %mul3A_219 = arith.muli %add3A_217, %mul3A_218 : i32
    %min3A_220 = arith.constant 999744 : i32
    %min3A_221 = arith.minsi %mul3A_219, %min3A_220 : i32
    %multiple_of3A_222 = tpu.assume_multiple %min3A_221, 32 : i32
    %add3A_223 = arith.constant 1024 : i32
    %add3A_224 = arith.addi %add3A, %add3A_223 : i32
    %mul3A_225 = arith.constant 256 : i32
    %mul3A_226 = arith.muli %add3A_224, %mul3A_225 : i32
    %min3A_227 = arith.constant 999744 : i32
    %min3A_228 = arith.minsi %mul3A_226, %min3A_227 : i32
    %multiple_of3A_229 = tpu.assume_multiple %min3A_228, 32 : i32
    %add3A_230 = arith.constant 1056 : i32
    %add3A_231 = arith.addi %add3A, %add3A_230 : i32
    %mul3A_232 = arith.constant 256 : i32
    %mul3A_233 = arith.muli %add3A_231, %mul3A_232 : i32
    %min3A_234 = arith.constant 999744 : i32
    %min3A_235 = arith.minsi %mul3A_233, %min3A_234 : i32
    %multiple_of3A_236 = tpu.assume_multiple %min3A_235, 32 : i32
    %add3A_237 = arith.constant 1088 : i32
    %add3A_238 = arith.addi %add3A, %add3A_237 : i32
    %mul3A_239 = arith.constant 256 : i32
    %mul3A_240 = arith.muli %add3A_238, %mul3A_239 : i32
    %min3A_241 = arith.constant 999744 : i32
    %min3A_242 = arith.minsi %mul3A_240, %min3A_241 : i32
    %multiple_of3A_243 = tpu.assume_multiple %min3A_242, 32 : i32
    %add3A_244 = arith.constant 1120 : i32
    %add3A_245 = arith.addi %add3A, %add3A_244 : i32
    %mul3A_246 = arith.constant 256 : i32
    %mul3A_247 = arith.muli %add3A_245, %mul3A_246 : i32
    %min3A_248 = arith.constant 999744 : i32
    %min3A_249 = arith.minsi %mul3A_247, %min3A_248 : i32
    %multiple_of3A_250 = tpu.assume_multiple %min3A_249, 32 : i32
    %add3A_251 = arith.constant 1152 : i32
    %add3A_252 = arith.addi %add3A, %add3A_251 : i32
    %mul3A_253 = arith.constant 256 : i32
    %mul3A_254 = arith.muli %add3A_252, %mul3A_253 : i32
    %min3A_255 = arith.constant 999744 : i32
    %min3A_256 = arith.minsi %mul3A_254, %min3A_255 : i32
    %multiple_of3A_257 = tpu.assume_multiple %min3A_256, 32 : i32
    %add3A_258 = arith.constant 1184 : i32
    %add3A_259 = arith.addi %add3A, %add3A_258 : i32
    %mul3A_260 = arith.constant 256 : i32
    %mul3A_261 = arith.muli %add3A_259, %mul3A_260 : i32
    %min3A_262 = arith.constant 999744 : i32
    %min3A_263 = arith.minsi %mul3A_261, %min3A_262 : i32
    %multiple_of3A_264 = tpu.assume_multiple %min3A_263, 32 : i32
    %add3A_265 = arith.constant 1216 : i32
    %add3A_266 = arith.addi %add3A, %add3A_265 : i32
    %mul3A_267 = arith.constant 256 : i32
    %mul3A_268 = arith.muli %add3A_266, %mul3A_267 : i32
    %min3A_269 = arith.constant 999744 : i32
    %min3A_270 = arith.minsi %mul3A_268, %min3A_269 : i32
    %multiple_of3A_271 = tpu.assume_multiple %min3A_270, 32 : i32
    %add3A_272 = arith.constant 1248 : i32
    %add3A_273 = arith.addi %add3A, %add3A_272 : i32
    %mul3A_274 = arith.constant 256 : i32
    %mul3A_275 = arith.muli %add3A_273, %mul3A_274 : i32
    %min3A_276 = arith.constant 999744 : i32
    %min3A_277 = arith.minsi %mul3A_275, %min3A_276 : i32
    %multiple_of3A_278 = tpu.assume_multiple %min3A_277, 32 : i32
    %add3A_279 = arith.constant 1280 : i32
    %add3A_280 = arith.addi %add3A, %add3A_279 : i32
    %mul3A_281 = arith.constant 256 : i32
    %mul3A_282 = arith.muli %add3A_280, %mul3A_281 : i32
    %min3A_283 = arith.constant 999744 : i32
    %min3A_284 = arith.minsi %mul3A_282, %min3A_283 : i32
    %multiple_of3A_285 = tpu.assume_multiple %min3A_284, 32 : i32
    %add3A_286 = arith.constant 1312 : i32
    %add3A_287 = arith.addi %add3A, %add3A_286 : i32
    %mul3A_288 = arith.constant 256 : i32
    %mul3A_289 = arith.muli %add3A_287, %mul3A_288 : i32
    %min3A_290 = arith.constant 999744 : i32
    %min3A_291 = arith.minsi %mul3A_289, %min3A_290 : i32
    %multiple_of3A_292 = tpu.assume_multiple %min3A_291, 32 : i32
    %add3A_293 = arith.constant 1344 : i32
    %add3A_294 = arith.addi %add3A, %add3A_293 : i32
    %mul3A_295 = arith.constant 256 : i32
    %mul3A_296 = arith.muli %add3A_294, %mul3A_295 : i32
    %min3A_297 = arith.constant 999744 : i32
    %min3A_298 = arith.minsi %mul3A_296, %min3A_297 : i32
    %multiple_of3A_299 = tpu.assume_multiple %min3A_298, 32 : i32
    %add3A_300 = arith.constant 1376 : i32
    %add3A_301 = arith.addi %add3A, %add3A_300 : i32
    %mul3A_302 = arith.constant 256 : i32
    %mul3A_303 = arith.muli %add3A_301, %mul3A_302 : i32
    %min3A_304 = arith.constant 999744 : i32
    %min3A_305 = arith.minsi %mul3A_303, %min3A_304 : i32
    %multiple_of3A_306 = tpu.assume_multiple %min3A_305, 32 : i32
    %add3A_307 = arith.constant 1408 : i32
    %add3A_308 = arith.addi %add3A, %add3A_307 : i32
    %mul3A_309 = arith.constant 256 : i32
    %mul3A_310 = arith.muli %add3A_308, %mul3A_309 : i32
    %min3A_311 = arith.constant 999744 : i32
    %min3A_312 = arith.minsi %mul3A_310, %min3A_311 : i32
    %multiple_of3A_313 = tpu.assume_multiple %min3A_312, 32 : i32
    %add3A_314 = arith.constant 1440 : i32
    %add3A_315 = arith.addi %add3A, %add3A_314 : i32
    %mul3A_316 = arith.constant 256 : i32
    %mul3A_317 = arith.muli %add3A_315, %mul3A_316 : i32
    %min3A_318 = arith.constant 999744 : i32
    %min3A_319 = arith.minsi %mul3A_317, %min3A_318 : i32
    %multiple_of3A_320 = tpu.assume_multiple %min3A_319, 32 : i32
    %add3A_321 = arith.constant 1472 : i32
    %add3A_322 = arith.addi %add3A, %add3A_321 : i32
    %mul3A_323 = arith.constant 256 : i32
    %mul3A_324 = arith.muli %add3A_322, %mul3A_323 : i32
    %min3A_325 = arith.constant 999744 : i32
    %min3A_326 = arith.minsi %mul3A_324, %min3A_325 : i32
    %multiple_of3A_327 = tpu.assume_multiple %min3A_326, 32 : i32
    %add3A_328 = arith.constant 1504 : i32
    %add3A_329 = arith.addi %add3A, %add3A_328 : i32
    %mul3A_330 = arith.constant 256 : i32
    %mul3A_331 = arith.muli %add3A_329, %mul3A_330 : i32
    %min3A_332 = arith.constant 999744 : i32
    %min3A_333 = arith.minsi %mul3A_331, %min3A_332 : i32
    %multiple_of3A_334 = tpu.assume_multiple %min3A_333, 32 : i32
    %add3A_335 = arith.constant 1536 : i32
    %add3A_336 = arith.addi %add3A, %add3A_335 : i32
    %mul3A_337 = arith.constant 256 : i32
    %mul3A_338 = arith.muli %add3A_336, %mul3A_337 : i32
    %min3A_339 = arith.constant 999744 : i32
    %min3A_340 = arith.minsi %mul3A_338, %min3A_339 : i32
    %multiple_of3A_341 = tpu.assume_multiple %min3A_340, 32 : i32
    %add3A_342 = arith.constant 1568 : i32
    %add3A_343 = arith.addi %add3A, %add3A_342 : i32
    %mul3A_344 = arith.constant 256 : i32
    %mul3A_345 = arith.muli %add3A_343, %mul3A_344 : i32
    %min3A_346 = arith.constant 999744 : i32
    %min3A_347 = arith.minsi %mul3A_345, %min3A_346 : i32
    %multiple_of3A_348 = tpu.assume_multiple %min3A_347, 32 : i32
    %add3A_349 = arith.constant 1600 : i32
    %add3A_350 = arith.addi %add3A, %add3A_349 : i32
    %mul3A_351 = arith.constant 256 : i32
    %mul3A_352 = arith.muli %add3A_350, %mul3A_351 : i32
    %min3A_353 = arith.constant 999744 : i32
    %min3A_354 = arith.minsi %mul3A_352, %min3A_353 : i32
    %multiple_of3A_355 = tpu.assume_multiple %min3A_354, 32 : i32
    %add3A_356 = arith.constant 1632 : i32
    %add3A_357 = arith.addi %add3A, %add3A_356 : i32
    %mul3A_358 = arith.constant 256 : i32
    %mul3A_359 = arith.muli %add3A_357, %mul3A_358 : i32
    %min3A_360 = arith.constant 999744 : i32
    %min3A_361 = arith.minsi %mul3A_359, %min3A_360 : i32
    %multiple_of3A_362 = tpu.assume_multiple %min3A_361, 32 : i32
    %add3A_363 = arith.constant 1664 : i32
    %add3A_364 = arith.addi %add3A, %add3A_363 : i32
    %mul3A_365 = arith.constant 256 : i32
    %mul3A_366 = arith.muli %add3A_364, %mul3A_365 : i32
    %min3A_367 = arith.constant 999744 : i32
    %min3A_368 = arith.minsi %mul3A_366, %min3A_367 : i32
    %multiple_of3A_369 = tpu.assume_multiple %min3A_368, 32 : i32
    %add3A_370 = arith.constant 1696 : i32
    %add3A_371 = arith.addi %add3A, %add3A_370 : i32
    %mul3A_372 = arith.constant 256 : i32
    %mul3A_373 = arith.muli %add3A_371, %mul3A_372 : i32
    %min3A_374 = arith.constant 999744 : i32
    %min3A_375 = arith.minsi %mul3A_373, %min3A_374 : i32
    %multiple_of3A_376 = tpu.assume_multiple %min3A_375, 32 : i32
    %add3A_377 = arith.constant 1728 : i32
    %add3A_378 = arith.addi %add3A, %add3A_377 : i32
    %mul3A_379 = arith.constant 256 : i32
    %mul3A_380 = arith.muli %add3A_378, %mul3A_379 : i32
    %min3A_381 = arith.constant 999744 : i32
    %min3A_382 = arith.minsi %mul3A_380, %min3A_381 : i32
    %multiple_of3A_383 = tpu.assume_multiple %min3A_382, 32 : i32
    %add3A_384 = arith.constant 1760 : i32
    %add3A_385 = arith.addi %add3A, %add3A_384 : i32
    %mul3A_386 = arith.constant 256 : i32
    %mul3A_387 = arith.muli %add3A_385, %mul3A_386 : i32
    %min3A_388 = arith.constant 999744 : i32
    %min3A_389 = arith.minsi %mul3A_387, %min3A_388 : i32
    %multiple_of3A_390 = tpu.assume_multiple %min3A_389, 32 : i32
    %add3A_391 = arith.constant 1792 : i32
    %add3A_392 = arith.addi %add3A, %add3A_391 : i32
    %mul3A_393 = arith.constant 256 : i32
    %mul3A_394 = arith.muli %add3A_392, %mul3A_393 : i32
    %min3A_395 = arith.constant 999744 : i32
    %min3A_396 = arith.minsi %mul3A_394, %min3A_395 : i32
    %multiple_of3A_397 = tpu.assume_multiple %min3A_396, 32 : i32
    %add3A_398 = arith.constant 1824 : i32
    %add3A_399 = arith.addi %add3A, %add3A_398 : i32
    %mul3A_400 = arith.constant 256 : i32
    %mul3A_401 = arith.muli %add3A_399, %mul3A_400 : i32
    %min3A_402 = arith.constant 999744 : i32
    %min3A_403 = arith.minsi %mul3A_401, %min3A_402 : i32
    %multiple_of3A_404 = tpu.assume_multiple %min3A_403, 32 : i32
    %add3A_405 = arith.constant 1856 : i32
    %add3A_406 = arith.addi %add3A, %add3A_405 : i32
    %mul3A_407 = arith.constant 256 : i32
    %mul3A_408 = arith.muli %add3A_406, %mul3A_407 : i32
    %min3A_409 = arith.constant 999744 : i32
    %min3A_410 = arith.minsi %mul3A_408, %min3A_409 : i32
    %multiple_of3A_411 = tpu.assume_multiple %min3A_410, 32 : i32
    %add3A_412 = arith.constant 1888 : i32
    %add3A_413 = arith.addi %add3A, %add3A_412 : i32
    %mul3A_414 = arith.constant 256 : i32
    %mul3A_415 = arith.muli %add3A_413, %mul3A_414 : i32
    %min3A_416 = arith.constant 999744 : i32
    %min3A_417 = arith.minsi %mul3A_415, %min3A_416 : i32
    %multiple_of3A_418 = tpu.assume_multiple %min3A_417, 32 : i32
    %add3A_419 = arith.constant 1920 : i32
    %add3A_420 = arith.addi %add3A, %add3A_419 : i32
    %mul3A_421 = arith.constant 256 : i32
    %mul3A_422 = arith.muli %add3A_420, %mul3A_421 : i32
    %min3A_423 = arith.constant 999744 : i32
    %min3A_424 = arith.minsi %mul3A_422, %min3A_423 : i32
    %multiple_of3A_425 = tpu.assume_multiple %min3A_424, 32 : i32
    %add3A_426 = arith.constant 1952 : i32
    %add3A_427 = arith.addi %add3A, %add3A_426 : i32
    %mul3A_428 = arith.constant 256 : i32
    %mul3A_429 = arith.muli %add3A_427, %mul3A_428 : i32
    %min3A_430 = arith.constant 999744 : i32
    %min3A_431 = arith.minsi %mul3A_429, %min3A_430 : i32
    %multiple_of3A_432 = tpu.assume_multiple %min3A_431, 32 : i32
    %add3A_433 = arith.constant 1984 : i32
    %add3A_434 = arith.addi %add3A, %add3A_433 : i32
    %mul3A_435 = arith.constant 256 : i32
    %mul3A_436 = arith.muli %add3A_434, %mul3A_435 : i32
    %min3A_437 = arith.constant 999744 : i32
    %min3A_438 = arith.minsi %mul3A_436, %min3A_437 : i32
    %multiple_of3A_439 = tpu.assume_multiple %min3A_438, 32 : i32
    %add3A_440 = arith.constant 2016 : i32
    %add3A_441 = arith.addi %add3A, %add3A_440 : i32
    %mul3A_442 = arith.constant 256 : i32
    %mul3A_443 = arith.muli %add3A_441, %mul3A_442 : i32
    %min3A_444 = arith.constant 999744 : i32
    %min3A_445 = arith.minsi %mul3A_443, %min3A_444 : i32
    %multiple_of3A_446 = tpu.assume_multiple %min3A_445, 32 : i32
    %add3A_447 = arith.constant 2048 : i32
    %add3A_448 = arith.addi %add3A, %add3A_447 : i32
    %mul3A_449 = arith.constant 256 : i32
    %mul3A_450 = arith.muli %add3A_448, %mul3A_449 : i32
    %min3A_451 = arith.constant 999744 : i32
    %min3A_452 = arith.minsi %mul3A_450, %min3A_451 : i32
    %multiple_of3A_453 = tpu.assume_multiple %min3A_452, 32 : i32
    %add3A_454 = arith.constant 2080 : i32
    %add3A_455 = arith.addi %add3A, %add3A_454 : i32
    %mul3A_456 = arith.constant 256 : i32
    %mul3A_457 = arith.muli %add3A_455, %mul3A_456 : i32
    %min3A_458 = arith.constant 999744 : i32
    %min3A_459 = arith.minsi %mul3A_457, %min3A_458 : i32
    %multiple_of3A_460 = tpu.assume_multiple %min3A_459, 32 : i32
    %add3A_461 = arith.constant 2112 : i32
    %add3A_462 = arith.addi %add3A, %add3A_461 : i32
    %mul3A_463 = arith.constant 256 : i32
    %mul3A_464 = arith.muli %add3A_462, %mul3A_463 : i32
    %min3A_465 = arith.constant 999744 : i32
    %min3A_466 = arith.minsi %mul3A_464, %min3A_465 : i32
    %multiple_of3A_467 = tpu.assume_multiple %min3A_466, 32 : i32
    %add3A_468 = arith.constant 2144 : i32
    %add3A_469 = arith.addi %add3A, %add3A_468 : i32
    %mul3A_470 = arith.constant 256 : i32
    %mul3A_471 = arith.muli %add3A_469, %mul3A_470 : i32
    %min3A_472 = arith.constant 999744 : i32
    %min3A_473 = arith.minsi %mul3A_471, %min3A_472 : i32
    %multiple_of3A_474 = tpu.assume_multiple %min3A_473, 32 : i32
    %add3A_475 = arith.constant 2176 : i32
    %add3A_476 = arith.addi %add3A, %add3A_475 : i32
    %mul3A_477 = arith.constant 256 : i32
    %mul3A_478 = arith.muli %add3A_476, %mul3A_477 : i32
    %min3A_479 = arith.constant 999744 : i32
    %min3A_480 = arith.minsi %mul3A_478, %min3A_479 : i32
    %multiple_of3A_481 = tpu.assume_multiple %min3A_480, 32 : i32
    %add3A_482 = arith.constant 2208 : i32
    %add3A_483 = arith.addi %add3A, %add3A_482 : i32
    %mul3A_484 = arith.constant 256 : i32
    %mul3A_485 = arith.muli %add3A_483, %mul3A_484 : i32
    %min3A_486 = arith.constant 999744 : i32
    %min3A_487 = arith.minsi %mul3A_485, %min3A_486 : i32
    %multiple_of3A_488 = tpu.assume_multiple %min3A_487, 32 : i32
    %add3A_489 = arith.constant 2240 : i32
    %add3A_490 = arith.addi %add3A, %add3A_489 : i32
    %mul3A_491 = arith.constant 256 : i32
    %mul3A_492 = arith.muli %add3A_490, %mul3A_491 : i32
    %min3A_493 = arith.constant 999744 : i32
    %min3A_494 = arith.minsi %mul3A_492, %min3A_493 : i32
    %multiple_of3A_495 = tpu.assume_multiple %min3A_494, 32 : i32
    %add3A_496 = arith.constant 2272 : i32
    %add3A_497 = arith.addi %add3A, %add3A_496 : i32
    %mul3A_498 = arith.constant 256 : i32
    %mul3A_499 = arith.muli %add3A_497, %mul3A_498 : i32
    %min3A_500 = arith.constant 999744 : i32
    %min3A_501 = arith.minsi %mul3A_499, %min3A_500 : i32
    %multiple_of3A_502 = tpu.assume_multiple %min3A_501, 32 : i32
    %add3A_503 = arith.constant 2304 : i32
    %add3A_504 = arith.addi %add3A, %add3A_503 : i32
    %mul3A_505 = arith.constant 256 : i32
    %mul3A_506 = arith.muli %add3A_504, %mul3A_505 : i32
    %min3A_507 = arith.constant 999744 : i32
    %min3A_508 = arith.minsi %mul3A_506, %min3A_507 : i32
    %multiple_of3A_509 = tpu.assume_multiple %min3A_508, 32 : i32
    %add3A_510 = arith.constant 2336 : i32
    %add3A_511 = arith.addi %add3A, %add3A_510 : i32
    %mul3A_512 = arith.constant 256 : i32
    %mul3A_513 = arith.muli %add3A_511, %mul3A_512 : i32
    %min3A_514 = arith.constant 999744 : i32
    %min3A_515 = arith.minsi %mul3A_513, %min3A_514 : i32
    %multiple_of3A_516 = tpu.assume_multiple %min3A_515, 32 : i32
    %add3A_517 = arith.constant 2368 : i32
    %add3A_518 = arith.addi %add3A, %add3A_517 : i32
    %mul3A_519 = arith.constant 256 : i32
    %mul3A_520 = arith.muli %add3A_518, %mul3A_519 : i32
    %min3A_521 = arith.constant 999744 : i32
    %min3A_522 = arith.minsi %mul3A_520, %min3A_521 : i32
    %multiple_of3A_523 = tpu.assume_multiple %min3A_522, 32 : i32
    %add3A_524 = arith.constant 2400 : i32
    %add3A_525 = arith.addi %add3A, %add3A_524 : i32
    %mul3A_526 = arith.constant 256 : i32
    %mul3A_527 = arith.muli %add3A_525, %mul3A_526 : i32
    %min3A_528 = arith.constant 999744 : i32
    %min3A_529 = arith.minsi %mul3A_527, %min3A_528 : i32
    %multiple_of3A_530 = tpu.assume_multiple %min3A_529, 32 : i32
    %add3A_531 = arith.constant 2432 : i32
    %add3A_532 = arith.addi %add3A, %add3A_531 : i32
    %mul3A_533 = arith.constant 256 : i32
    %mul3A_534 = arith.muli %add3A_532, %mul3A_533 : i32
    %min3A_535 = arith.constant 999744 : i32
    %min3A_536 = arith.minsi %mul3A_534, %min3A_535 : i32
    %multiple_of3A_537 = tpu.assume_multiple %min3A_536, 32 : i32
    %add3A_538 = arith.constant 2464 : i32
    %add3A_539 = arith.addi %add3A, %add3A_538 : i32
    %mul3A_540 = arith.constant 256 : i32
    %mul3A_541 = arith.muli %add3A_539, %mul3A_540 : i32
    %min3A_542 = arith.constant 999744 : i32
    %min3A_543 = arith.minsi %mul3A_541, %min3A_542 : i32
    %multiple_of3A_544 = tpu.assume_multiple %min3A_543, 32 : i32
    %add3A_545 = arith.constant 2496 : i32
    %add3A_546 = arith.addi %add3A, %add3A_545 : i32
    %mul3A_547 = arith.constant 256 : i32
    %mul3A_548 = arith.muli %add3A_546, %mul3A_547 : i32
    %min3A_549 = arith.constant 999744 : i32
    %min3A_550 = arith.minsi %mul3A_548, %min3A_549 : i32
    %multiple_of3A_551 = tpu.assume_multiple %min3A_550, 32 : i32
    %add3A_552 = arith.constant 2528 : i32
    %add3A_553 = arith.addi %add3A, %add3A_552 : i32
    %mul3A_554 = arith.constant 256 : i32
    %mul3A_555 = arith.muli %add3A_553, %mul3A_554 : i32
    %min3A_556 = arith.constant 999744 : i32
    %min3A_557 = arith.minsi %mul3A_555, %min3A_556 : i32
    %multiple_of3A_558 = tpu.assume_multiple %min3A_557, 32 : i32
    %add3A_559 = arith.constant 2560 : i32
    %add3A_560 = arith.addi %add3A, %add3A_559 : i32
    %mul3A_561 = arith.constant 256 : i32
    %mul3A_562 = arith.muli %add3A_560, %mul3A_561 : i32
    %min3A_563 = arith.constant 999744 : i32
    %min3A_564 = arith.minsi %mul3A_562, %min3A_563 : i32
    %multiple_of3A_565 = tpu.assume_multiple %min3A_564, 32 : i32
    %add3A_566 = arith.constant 2592 : i32
    %add3A_567 = arith.addi %add3A, %add3A_566 : i32
    %mul3A_568 = arith.constant 256 : i32
    %mul3A_569 = arith.muli %add3A_567, %mul3A_568 : i32
    %min3A_570 = arith.constant 999744 : i32
    %min3A_571 = arith.minsi %mul3A_569, %min3A_570 : i32
    %multiple_of3A_572 = tpu.assume_multiple %min3A_571, 32 : i32
    %add3A_573 = arith.constant 2624 : i32
    %add3A_574 = arith.addi %add3A, %add3A_573 : i32
    %mul3A_575 = arith.constant 256 : i32
    %mul3A_576 = arith.muli %add3A_574, %mul3A_575 : i32
    %min3A_577 = arith.constant 999744 : i32
    %min3A_578 = arith.minsi %mul3A_576, %min3A_577 : i32
    %multiple_of3A_579 = tpu.assume_multiple %min3A_578, 32 : i32
    %add3A_580 = arith.constant 2656 : i32
    %add3A_581 = arith.addi %add3A, %add3A_580 : i32
    %mul3A_582 = arith.constant 256 : i32
    %mul3A_583 = arith.muli %add3A_581, %mul3A_582 : i32
    %min3A_584 = arith.constant 999744 : i32
    %min3A_585 = arith.minsi %mul3A_583, %min3A_584 : i32
    %multiple_of3A_586 = tpu.assume_multiple %min3A_585, 32 : i32
    %add3A_587 = arith.constant 2688 : i32
    %add3A_588 = arith.addi %add3A, %add3A_587 : i32
    %mul3A_589 = arith.constant 256 : i32
    %mul3A_590 = arith.muli %add3A_588, %mul3A_589 : i32
    %min3A_591 = arith.constant 999744 : i32
    %min3A_592 = arith.minsi %mul3A_590, %min3A_591 : i32
    %multiple_of3A_593 = tpu.assume_multiple %min3A_592, 32 : i32
    %add3A_594 = arith.constant 2720 : i32
    %add3A_595 = arith.addi %add3A, %add3A_594 : i32
    %mul3A_596 = arith.constant 256 : i32
    %mul3A_597 = arith.muli %add3A_595, %mul3A_596 : i32
    %min3A_598 = arith.constant 999744 : i32
    %min3A_599 = arith.minsi %mul3A_597, %min3A_598 : i32
    %multiple_of3A_600 = tpu.assume_multiple %min3A_599, 32 : i32
    %add3A_601 = arith.constant 2752 : i32
    %add3A_602 = arith.addi %add3A, %add3A_601 : i32
    %mul3A_603 = arith.constant 256 : i32
    %mul3A_604 = arith.muli %add3A_602, %mul3A_603 : i32
    %min3A_605 = arith.constant 999744 : i32
    %min3A_606 = arith.minsi %mul3A_604, %min3A_605 : i32
    %multiple_of3A_607 = tpu.assume_multiple %min3A_606, 32 : i32
    %add3A_608 = arith.constant 2784 : i32
    %add3A_609 = arith.addi %add3A, %add3A_608 : i32
    %mul3A_610 = arith.constant 256 : i32
    %mul3A_611 = arith.muli %add3A_609, %mul3A_610 : i32
    %min3A_612 = arith.constant 999744 : i32
    %min3A_613 = arith.minsi %mul3A_611, %min3A_612 : i32
    %multiple_of3A_614 = tpu.assume_multiple %min3A_613, 32 : i32
    %add3A_615 = arith.constant 2816 : i32
    %add3A_616 = arith.addi %add3A, %add3A_615 : i32
    %mul3A_617 = arith.constant 256 : i32
    %mul3A_618 = arith.muli %add3A_616, %mul3A_617 : i32
    %min3A_619 = arith.constant 999744 : i32
    %min3A_620 = arith.minsi %mul3A_618, %min3A_619 : i32
    %multiple_of3A_621 = tpu.assume_multiple %min3A_620, 32 : i32
    %add3A_622 = arith.constant 2848 : i32
    %add3A_623 = arith.addi %add3A, %add3A_622 : i32
    %mul3A_624 = arith.constant 256 : i32
    %mul3A_625 = arith.muli %add3A_623, %mul3A_624 : i32
    %min3A_626 = arith.constant 999744 : i32
    %min3A_627 = arith.minsi %mul3A_625, %min3A_626 : i32
    %multiple_of3A_628 = tpu.assume_multiple %min3A_627, 32 : i32
    %add3A_629 = arith.constant 2880 : i32
    %add3A_630 = arith.addi %add3A, %add3A_629 : i32
    %mul3A_631 = arith.constant 256 : i32
    %mul3A_632 = arith.muli %add3A_630, %mul3A_631 : i32
    %min3A_633 = arith.constant 999744 : i32
    %min3A_634 = arith.minsi %mul3A_632, %min3A_633 : i32
    %multiple_of3A_635 = tpu.assume_multiple %min3A_634, 32 : i32
    %add3A_636 = arith.constant 2912 : i32
    %add3A_637 = arith.addi %add3A, %add3A_636 : i32
    %mul3A_638 = arith.constant 256 : i32
    %mul3A_639 = arith.muli %add3A_637, %mul3A_638 : i32
    %min3A_640 = arith.constant 999744 : i32
    %min3A_641 = arith.minsi %mul3A_639, %min3A_640 : i32
    %multiple_of3A_642 = tpu.assume_multiple %min3A_641, 32 : i32
    %add3A_643 = arith.constant 2944 : i32
    %add3A_644 = arith.addi %add3A, %add3A_643 : i32
    %mul3A_645 = arith.constant 256 : i32
    %mul3A_646 = arith.muli %add3A_644, %mul3A_645 : i32
    %min3A_647 = arith.constant 999744 : i32
    %min3A_648 = arith.minsi %mul3A_646, %min3A_647 : i32
    %multiple_of3A_649 = tpu.assume_multiple %min3A_648, 32 : i32
    %add3A_650 = arith.constant 2976 : i32
    %add3A_651 = arith.addi %add3A, %add3A_650 : i32
    %mul3A_652 = arith.constant 256 : i32
    %mul3A_653 = arith.muli %add3A_651, %mul3A_652 : i32
    %min3A_654 = arith.constant 999744 : i32
    %min3A_655 = arith.minsi %mul3A_653, %min3A_654 : i32
    %multiple_of3A_656 = tpu.assume_multiple %min3A_655, 32 : i32
    %add3A_657 = arith.constant 3008 : i32
    %add3A_658 = arith.addi %add3A, %add3A_657 : i32
    %mul3A_659 = arith.constant 256 : i32
    %mul3A_660 = arith.muli %add3A_658, %mul3A_659 : i32
    %min3A_661 = arith.constant 999744 : i32
    %min3A_662 = arith.minsi %mul3A_660, %min3A_661 : i32
    %multiple_of3A_663 = tpu.assume_multiple %min3A_662, 32 : i32
    %add3A_664 = arith.constant 3040 : i32
    %add3A_665 = arith.addi %add3A, %add3A_664 : i32
    %mul3A_666 = arith.constant 256 : i32
    %mul3A_667 = arith.muli %add3A_665, %mul3A_666 : i32
    %min3A_668 = arith.constant 999744 : i32
    %min3A_669 = arith.minsi %mul3A_667, %min3A_668 : i32
    %multiple_of3A_670 = tpu.assume_multiple %min3A_669, 32 : i32
    %add3A_671 = arith.constant 3072 : i32
    %add3A_672 = arith.addi %add3A, %add3A_671 : i32
    %mul3A_673 = arith.constant 256 : i32
    %mul3A_674 = arith.muli %add3A_672, %mul3A_673 : i32
    %min3A_675 = arith.constant 999744 : i32
    %min3A_676 = arith.minsi %mul3A_674, %min3A_675 : i32
    %multiple_of3A_677 = tpu.assume_multiple %min3A_676, 32 : i32
    %add3A_678 = arith.constant 3104 : i32
    %add3A_679 = arith.addi %add3A, %add3A_678 : i32
    %mul3A_680 = arith.constant 256 : i32
    %mul3A_681 = arith.muli %add3A_679, %mul3A_680 : i32
    %min3A_682 = arith.constant 999744 : i32
    %min3A_683 = arith.minsi %mul3A_681, %min3A_682 : i32
    %multiple_of3A_684 = tpu.assume_multiple %min3A_683, 32 : i32
    %add3A_685 = arith.constant 3136 : i32
    %add3A_686 = arith.addi %add3A, %add3A_685 : i32
    %mul3A_687 = arith.constant 256 : i32
    %mul3A_688 = arith.muli %add3A_686, %mul3A_687 : i32
    %min3A_689 = arith.constant 999744 : i32
    %min3A_690 = arith.minsi %mul3A_688, %min3A_689 : i32
    %multiple_of3A_691 = tpu.assume_multiple %min3A_690, 32 : i32
    %add3A_692 = arith.constant 3168 : i32
    %add3A_693 = arith.addi %add3A, %add3A_692 : i32
    %mul3A_694 = arith.constant 256 : i32
    %mul3A_695 = arith.muli %add3A_693, %mul3A_694 : i32
    %min3A_696 = arith.constant 999744 : i32
    %min3A_697 = arith.minsi %mul3A_695, %min3A_696 : i32
    %multiple_of3A_698 = tpu.assume_multiple %min3A_697, 32 : i32
    %add3A_699 = arith.constant 3200 : i32
    %add3A_700 = arith.addi %add3A, %add3A_699 : i32
    %mul3A_701 = arith.constant 256 : i32
    %mul3A_702 = arith.muli %add3A_700, %mul3A_701 : i32
    %min3A_703 = arith.constant 999744 : i32
    %min3A_704 = arith.minsi %mul3A_702, %min3A_703 : i32
    %multiple_of3A_705 = tpu.assume_multiple %min3A_704, 32 : i32
    %add3A_706 = arith.constant 3232 : i32
    %add3A_707 = arith.addi %add3A, %add3A_706 : i32
    %mul3A_708 = arith.constant 256 : i32
    %mul3A_709 = arith.muli %add3A_707, %mul3A_708 : i32
    %min3A_710 = arith.constant 999744 : i32
    %min3A_711 = arith.minsi %mul3A_709, %min3A_710 : i32
    %multiple_of3A_712 = tpu.assume_multiple %min3A_711, 32 : i32
    %add3A_713 = arith.constant 3264 : i32
    %add3A_714 = arith.addi %add3A, %add3A_713 : i32
    %mul3A_715 = arith.constant 256 : i32
    %mul3A_716 = arith.muli %add3A_714, %mul3A_715 : i32
    %min3A_717 = arith.constant 999744 : i32
    %min3A_718 = arith.minsi %mul3A_716, %min3A_717 : i32
    %multiple_of3A_719 = tpu.assume_multiple %min3A_718, 32 : i32
    %add3A_720 = arith.constant 3296 : i32
    %add3A_721 = arith.addi %add3A, %add3A_720 : i32
    %mul3A_722 = arith.constant 256 : i32
    %mul3A_723 = arith.muli %add3A_721, %mul3A_722 : i32
    %min3A_724 = arith.constant 999744 : i32
    %min3A_725 = arith.minsi %mul3A_723, %min3A_724 : i32
    %multiple_of3A_726 = tpu.assume_multiple %min3A_725, 32 : i32
    %add3A_727 = arith.constant 3328 : i32
    %add3A_728 = arith.addi %add3A, %add3A_727 : i32
    %mul3A_729 = arith.constant 256 : i32
    %mul3A_730 = arith.muli %add3A_728, %mul3A_729 : i32
    %min3A_731 = arith.constant 999744 : i32
    %min3A_732 = arith.minsi %mul3A_730, %min3A_731 : i32
    %multiple_of3A_733 = tpu.assume_multiple %min3A_732, 32 : i32
    %add3A_734 = arith.constant 3360 : i32
    %add3A_735 = arith.addi %add3A, %add3A_734 : i32
    %mul3A_736 = arith.constant 256 : i32
    %mul3A_737 = arith.muli %add3A_735, %mul3A_736 : i32
    %min3A_738 = arith.constant 999744 : i32
    %min3A_739 = arith.minsi %mul3A_737, %min3A_738 : i32
    %multiple_of3A_740 = tpu.assume_multiple %min3A_739, 32 : i32
    %add3A_741 = arith.constant 3392 : i32
    %add3A_742 = arith.addi %add3A, %add3A_741 : i32
    %mul3A_743 = arith.constant 256 : i32
    %mul3A_744 = arith.muli %add3A_742, %mul3A_743 : i32
    %min3A_745 = arith.constant 999744 : i32
    %min3A_746 = arith.minsi %mul3A_744, %min3A_745 : i32
    %multiple_of3A_747 = tpu.assume_multiple %min3A_746, 32 : i32
    %add3A_748 = arith.constant 3424 : i32
    %add3A_749 = arith.addi %add3A, %add3A_748 : i32
    %mul3A_750 = arith.constant 256 : i32
    %mul3A_751 = arith.muli %add3A_749, %mul3A_750 : i32
    %min3A_752 = arith.constant 999744 : i32
    %min3A_753 = arith.minsi %mul3A_751, %min3A_752 : i32
    %multiple_of3A_754 = tpu.assume_multiple %min3A_753, 32 : i32
    %add3A_755 = arith.constant 3456 : i32
    %add3A_756 = arith.addi %add3A, %add3A_755 : i32
    %mul3A_757 = arith.constant 256 : i32
    %mul3A_758 = arith.muli %add3A_756, %mul3A_757 : i32
    %min3A_759 = arith.constant 999744 : i32
    %min3A_760 = arith.minsi %mul3A_758, %min3A_759 : i32
    %multiple_of3A_761 = tpu.assume_multiple %min3A_760, 32 : i32
    %add3A_762 = arith.constant 3488 : i32
    %add3A_763 = arith.addi %add3A, %add3A_762 : i32
    %mul3A_764 = arith.constant 256 : i32
    %mul3A_765 = arith.muli %add3A_763, %mul3A_764 : i32
    %min3A_766 = arith.constant 999744 : i32
    %min3A_767 = arith.minsi %mul3A_765, %min3A_766 : i32
    %multiple_of3A_768 = tpu.assume_multiple %min3A_767, 32 : i32
    %add3A_769 = arith.constant 3520 : i32
    %add3A_770 = arith.addi %add3A, %add3A_769 : i32
    %mul3A_771 = arith.constant 256 : i32
    %mul3A_772 = arith.muli %add3A_770, %mul3A_771 : i32
    %min3A_773 = arith.constant 999744 : i32
    %min3A_774 = arith.minsi %mul3A_772, %min3A_773 : i32
    %multiple_of3A_775 = tpu.assume_multiple %min3A_774, 32 : i32
    %add3A_776 = arith.constant 3552 : i32
    %add3A_777 = arith.addi %add3A, %add3A_776 : i32
    %mul3A_778 = arith.constant 256 : i32
    %mul3A_779 = arith.muli %add3A_777, %mul3A_778 : i32
    %min3A_780 = arith.constant 999744 : i32
    %min3A_781 = arith.minsi %mul3A_779, %min3A_780 : i32
    %multiple_of3A_782 = tpu.assume_multiple %min3A_781, 32 : i32
    %add3A_783 = arith.constant 3584 : i32
    %add3A_784 = arith.addi %add3A, %add3A_783 : i32
    %mul3A_785 = arith.constant 256 : i32
    %mul3A_786 = arith.muli %add3A_784, %mul3A_785 : i32
    %min3A_787 = arith.constant 999744 : i32
    %min3A_788 = arith.minsi %mul3A_786, %min3A_787 : i32
    %multiple_of3A_789 = tpu.assume_multiple %min3A_788, 32 : i32
    %add3A_790 = arith.constant 3616 : i32
    %add3A_791 = arith.addi %add3A, %add3A_790 : i32
    %mul3A_792 = arith.constant 256 : i32
    %mul3A_793 = arith.muli %add3A_791, %mul3A_792 : i32
    %min3A_794 = arith.constant 999744 : i32
    %min3A_795 = arith.minsi %mul3A_793, %min3A_794 : i32
    %multiple_of3A_796 = tpu.assume_multiple %min3A_795, 32 : i32
    %add3A_797 = arith.constant 3648 : i32
    %add3A_798 = arith.addi %add3A, %add3A_797 : i32
    %mul3A_799 = arith.constant 256 : i32
    %mul3A_800 = arith.muli %add3A_798, %mul3A_799 : i32
    %min3A_801 = arith.constant 999744 : i32
    %min3A_802 = arith.minsi %mul3A_800, %min3A_801 : i32
    %multiple_of3A_803 = tpu.assume_multiple %min3A_802, 32 : i32
    %add3A_804 = arith.constant 3680 : i32
    %add3A_805 = arith.addi %add3A, %add3A_804 : i32
    %mul3A_806 = arith.constant 256 : i32
    %mul3A_807 = arith.muli %add3A_805, %mul3A_806 : i32
    %min3A_808 = arith.constant 999744 : i32
    %min3A_809 = arith.minsi %mul3A_807, %min3A_808 : i32
    %multiple_of3A_810 = tpu.assume_multiple %min3A_809, 32 : i32
    %add3A_811 = arith.constant 3712 : i32
    %add3A_812 = arith.addi %add3A, %add3A_811 : i32
    %mul3A_813 = arith.constant 256 : i32
    %mul3A_814 = arith.muli %add3A_812, %mul3A_813 : i32
    %min3A_815 = arith.constant 999744 : i32
    %min3A_816 = arith.minsi %mul3A_814, %min3A_815 : i32
    %multiple_of3A_817 = tpu.assume_multiple %min3A_816, 32 : i32
    %add3A_818 = arith.constant 3744 : i32
    %add3A_819 = arith.addi %add3A, %add3A_818 : i32
    %mul3A_820 = arith.constant 256 : i32
    %mul3A_821 = arith.muli %add3A_819, %mul3A_820 : i32
    %min3A_822 = arith.constant 999744 : i32
    %min3A_823 = arith.minsi %mul3A_821, %min3A_822 : i32
    %multiple_of3A_824 = tpu.assume_multiple %min3A_823, 32 : i32
    %add3A_825 = arith.constant 3776 : i32
    %add3A_826 = arith.addi %add3A, %add3A_825 : i32
    %mul3A_827 = arith.constant 256 : i32
    %mul3A_828 = arith.muli %add3A_826, %mul3A_827 : i32
    %min3A_829 = arith.constant 999744 : i32
    %min3A_830 = arith.minsi %mul3A_828, %min3A_829 : i32
    %multiple_of3A_831 = tpu.assume_multiple %min3A_830, 32 : i32
    %add3A_832 = arith.constant 3808 : i32
    %add3A_833 = arith.addi %add3A, %add3A_832 : i32
    %mul3A_834 = arith.constant 256 : i32
    %mul3A_835 = arith.muli %add3A_833, %mul3A_834 : i32
    %min3A_836 = arith.constant 999744 : i32
    %min3A_837 = arith.minsi %mul3A_835, %min3A_836 : i32
    %multiple_of3A_838 = tpu.assume_multiple %min3A_837, 32 : i32
    %add3A_839 = arith.constant 3840 : i32
    %add3A_840 = arith.addi %add3A, %add3A_839 : i32
    %mul3A_841 = arith.constant 256 : i32
    %mul3A_842 = arith.muli %add3A_840, %mul3A_841 : i32
    %min3A_843 = arith.constant 999744 : i32
    %min3A_844 = arith.minsi %mul3A_842, %min3A_843 : i32
    %multiple_of3A_845 = tpu.assume_multiple %min3A_844, 32 : i32
    %add3A_846 = arith.constant 3872 : i32
    %add3A_847 = arith.addi %add3A, %add3A_846 : i32
    %mul3A_848 = arith.constant 256 : i32
    %mul3A_849 = arith.muli %add3A_847, %mul3A_848 : i32
    %min3A_850 = arith.constant 999744 : i32
    %min3A_851 = arith.minsi %mul3A_849, %min3A_850 : i32
    %multiple_of3A_852 = tpu.assume_multiple %min3A_851, 32 : i32
    %add3A_853 = arith.constant 3904 : i32
    %add3A_854 = arith.addi %add3A, %add3A_853 : i32
    %mul3A_855 = arith.constant 256 : i32
    %mul3A_856 = arith.muli %add3A_854, %mul3A_855 : i32
    %min3A_857 = arith.constant 999744 : i32
    %min3A_858 = arith.minsi %mul3A_856, %min3A_857 : i32
    %multiple_of3A_859 = tpu.assume_multiple %min3A_858, 32 : i32
    %dma_start3A = arith.constant 0 : i32
    %dma_start3A_860 = tpu.memref_slice %arg2[%multiple_of3A, %dma_start3A] : memref<1000000x32xf32, #tpu.memory_space<hbm>> -> memref<256x32xf32, #tpu.memory_space<hbm>>
    %dma_start3A_861 = arith.constant 0 : i32
    %dma_start3A_862 = tpu.memref_slice %arg2[%multiple_of3A, %dma_start3A_861] : memref<1000000x32xf32, #tpu.memory_space<hbm>> -> memref<256x32xf32, #tpu.memory_space<hbm>>
    tpu.enqueue_dma source(%dma_start3A_862 : memref<256x32xf32, #tpu.memory_space<hbm>>) target(%arg4 : memref<256x32xf32, #tpu.memory_space<vmem>>) target_semaphore(%arg7 : memref<!tpu.dma_semaphore, #tpu.memory_space<semaphore_mem>>)
    %dma_start3A_863 = arith.constant 0 : i32
    %dma_start3A_864 = tpu.memref_slice %arg2[%multiple_of3A_12, %dma_start3A_863] : memref<1000000x32xf32, #tpu.memory_space<hbm>> -> memref<256x32xf32, #tpu.memory_space<hbm>>
    %dma_start3A_865 = arith.constant 0 : i32
    %dma_start3A_866 = tpu.memref_slice %arg2[%multiple_of3A_12, %dma_start3A_865] : memref<1000000x32xf32, #tpu.memory_space<hbm>> -> memref<256x32xf32, #tpu.memory_space<hbm>>
    tpu.enqueue_dma source(%dma_start3A_866 : memref<256x32xf32, #tpu.memory_space<hbm>>) target(%arg5 : memref<256x32xf32, #tpu.memory_space<vmem>>) target_semaphore(%arg8 : memref<!tpu.dma_semaphore, #tpu.memory_space<semaphore_mem>>)
    %dma_start3A_867 = arith.constant 0 : i32
    %dma_start3A_868 = tpu.memref_slice %arg2[%multiple_of3A_19, %dma_start3A_867] : memref<1000000x32xf32, #tpu.memory_space<hbm>> -> memref<256x32xf32, #tpu.memory_space<hbm>>
    %dma_start3A_869 = arith.constant 0 : i32
    %dma_start3A_870 = tpu.memref_slice %arg2[%multiple_of3A_19, %dma_start3A_869] : memref<1000000x32xf32, #tpu.memory_space<hbm>> -> memref<256x32xf32, #tpu.memory_space<hbm>>
    tpu.enqueue_dma source(%dma_start3A_870 : memref<256x32xf32, #tpu.memory_space<hbm>>) target(%arg6 : memref<256x32xf32, #tpu.memory_space<vmem>>) target_semaphore(%arg9 : memref<!tpu.dma_semaphore, #tpu.memory_space<semaphore_mem>>)
    %dma_wait3A = arith.constant 0 : i32
    %dma_wait3A_871 = tpu.memref_slice %arg2[%multiple_of3A, %dma_wait3A] : memref<1000000x32xf32, #tpu.memory_space<hbm>> -> memref<256x32xf32, #tpu.memory_space<hbm>>
    %dma_wait3A_872 = arith.constant 0 : i32
    %dma_wait3A_873 = tpu.memref_slice %arg2[%multiple_of3A, %dma_wait3A_872] : memref<1000000x32xf32, #tpu.memory_space<hbm>> -> memref<256x32xf32, #tpu.memory_space<hbm>>
    tpu.wait_dma2 semaphore(%arg7 : memref<!tpu.dma_semaphore, #tpu.memory_space<semaphore_mem>>) src(%dma_wait3A_873 : memref<256x32xf32, #tpu.memory_space<hbm>>) dst(%arg4 : memref<256x32xf32, #tpu.memory_space<vmem>>)
    %dma_start3A_874 = arith.constant 0 : i32
    %dma_start3A_875 = tpu.memref_slice %arg3[%multiple_of3A, %dma_start3A_874] : memref<1000000x32xf32, #tpu.memory_space<hbm>> -> memref<256x32xf32, #tpu.memory_space<hbm>>
    %dma_start3A_876 = arith.constant 0 : i32
    %dma_start3A_877 = tpu.memref_slice %arg3[%multiple_of3A, %dma_start3A_876] : memref<1000000x32xf32, #tpu.memory_space<hbm>> -> memref<256x32xf32, #tpu.memory_space<hbm>>
    tpu.enqueue_dma source(%arg4 : memref<256x32xf32, #tpu.memory_space<vmem>>) target(%dma_start3A_877 : memref<256x32xf32, #tpu.memory_space<hbm>>) target_semaphore(%arg10 : memref<!tpu.dma_semaphore, #tpu.memory_space<semaphore_mem>>)
    %dma_wait3A_878 = arith.constant 0 : i32
    %dma_wait3A_879 = tpu.memref_slice %arg3[%multiple_of3A, %dma_wait3A_878] : memref<1000000x32xf32, #tpu.memory_space<hbm>> -> memref<256x32xf32, #tpu.memory_space<hbm>>
    %dma_wait3A_880 = arith.constant 0 : i32
    %dma_wait3A_881 = tpu.memref_slice %arg3[%multiple_of3A, %dma_wait3A_880] : memref<1000000x32xf32, #tpu.memory_space<hbm>> -> memref<256x32xf32, #tpu.memory_space<hbm>>
    tpu.wait_dma2 semaphore(%arg10 : memref<!tpu.dma_semaphore, #tpu.memory_space<semaphore_mem>>) src(%arg4 : memref<256x32xf32, #tpu.memory_space<vmem>>) dst(%dma_wait3A_881 : memref<256x32xf32, #tpu.memory_space<hbm>>)
    %dma_start3A_882 = arith.constant 0 : i32
    %dma_start3A_883 = tpu.memref_slice %arg2[%multiple_of3A_26, %dma_start3A_882] : memref<1000000x32xf32, #tpu.memory_space<hbm>> -> memref<256x32xf32, #tpu.memory_space<hbm>>
    %dma_start3A_884 = arith.constant 0 : i32
    %dma_start3A_885 = tpu.memref_slice %arg2[%multiple_of3A_26, %dma_start3A_884] : memref<1000000x32xf32, #tpu.memory_space<hbm>> -> memref<256x32xf32, #tpu.memory_space<hbm>>
    tpu.enqueue_dma source(%dma_start3A_885 : memref<256x32xf32, #tpu.memory_space<hbm>>) target(%arg4 : memref<256x32xf32, #tpu.memory_space<vmem>>) target_semaphore(%arg7 : memref<!tpu.dma_semaphore, #tpu.memory_space<semaphore_mem>>)
    %dma_wait3A_886 = arith.constant 0 : i32
    %dma_wait3A_887 = tpu.memref_slice %arg2[%multiple_of3A_12, %dma_wait3A_886] : memref<1000000x32xf32, #tpu.memory_space<hbm>> -> memref<256x32xf32, #tpu.memory_space<hbm>>
    %dma_wait3A_888 = arith.constant 0 : i32
    %dma_wait3A_889 = tpu.memref_slice %arg2[%multiple_of3A_12, %dma_wait3A_888] : memref<1000000x32xf32, #tpu.memory_space<hbm>> -> memref<256x32xf32, #tpu.memory_space<hbm>>
    tpu.wait_dma2 semaphore(%arg8 : memref<!tpu.dma_semaphore, #tpu.memory_space<semaphore_mem>>) src(%dma_wait3A_889 : memref<256x32xf32, #tpu.memory_space<hbm>>) dst(%arg5 : memref<256x32xf32, #tpu.memory_space<vmem>>)
    %dma_start3A_890 = arith.constant 0 : i32
    %dma_start3A_891 = tpu.memref_slice %arg3[%multiple_of3A_12, %dma_start3A_890] : memref<1000000x32xf32, #tpu.memory_space<hbm>> -> memref<256x32xf32, #tpu.memory_space<hbm>>
    %dma_start3A_892 = arith.constant 0 : i32
    %dma_start3A_893 = tpu.memref_slice %arg3[%multiple_of3A_12, %dma_start3A_892] : memref<1000000x32xf32, #tpu.memory_space<hbm>> -> memref<256x32xf32, #tpu.memory_space<hbm>>
    tpu.enqueue_dma source(%arg5 : memref<256x32xf32, #tpu.memory_space<vmem>>) target(%dma_start3A_893 : memref<256x32xf32, #tpu.memory_space<hbm>>) target_semaphore(%arg11 : memref<!tpu.dma_semaphore, #tpu.memory_space<semaphore_mem>>)
    %dma_wait3A_894 = arith.constant 0 : i32
    %dma_wait3A_895 = tpu.memref_slice %arg3[%multiple_of3A_12, %dma_wait3A_894] : memref<1000000x32xf32, #tpu.memory_space<hbm>> -> memref<256x32xf32, #tpu.memory_space<hbm>>
    %dma_wait3A_896 = arith.constant 0 : i32
    %dma_wait3A_897 = tpu.memref_slice %arg3[%multiple_of3A_12, %dma_wait3A_896] : memref<1000000x32xf32, #tpu.memory_space<hbm>> -> memref<256x32xf32, #tpu.memory_space<hbm>>
    tpu.wait_dma2 semaphore(%arg11 : memref<!tpu.dma_semaphore, #tpu.memory_space<semaphore_mem>>) src(%arg5 : memref<256x32xf32, #tpu.memory_space<vmem>>) dst(%dma_wait3A_897 : memref<256x32xf32, #tpu.memory_space<hbm>>)
    %dma_start3A_898 = arith.constant 0 : i32
    %dma_start3A_899 = tpu.memref_slice %arg2[%multiple_of3A_33, %dma_start3A_898] : memref<1000000x32xf32, #tpu.memory_space<hbm>> -> memref<256x32xf32, #tpu.memory_space<hbm>>
    %dma_start3A_900 = arith.constant 0 : i32
    %dma_start3A_901 = tpu.memref_slice %arg2[%multiple_of3A_33, %dma_start3A_900] : memref<1000000x32xf32, #tpu.memory_space<hbm>> -> memref<256x32xf32, #tpu.memory_space<hbm>>
    tpu.enqueue_dma source(%dma_start3A_901 : memref<256x32xf32, #tpu.memory_space<hbm>>) target(%arg5 : memref<256x32xf32, #tpu.memory_space<vmem>>) target_semaphore(%arg8 : memref<!tpu.dma_semaphore, #tpu.memory_space<semaphore_mem>>)
    %dma_wait3A_902 = arith.constant 0 : i32
    %dma_wait3A_903 = tpu.memref_slice %arg2[%multiple_of3A_19, %dma_wait3A_902] : memref<1000000x32xf32, #tpu.memory_space<hbm>> -> memref<256x32xf32, #tpu.memory_space<hbm>>
    %dma_wait3A_904 = arith.constant 0 : i32
    %dma_wait3A_905 = tpu.memref_slice %arg2[%multiple_of3A_19, %dma_wait3A_904] : memref<1000000x32xf32, #tpu.memory_space<hbm>> -> memref<256x32xf32, #tpu.memory_space<hbm>>
    tpu.wait_dma2 semaphore(%arg9 : memref<!tpu.dma_semaphore, #tpu.memory_space<semaphore_mem>>) src(%dma_wait3A_905 : memref<256x32xf32, #tpu.memory_space<hbm>>) dst(%arg6 : memref<256x32xf32, #tpu.memory_space<vmem>>)
    %dma_start3A_906 = arith.constant 0 : i32
    %dma_start3A_907 = tpu.memref_slice %arg3[%multiple_of3A_19, %dma_start3A_906] : memref<1000000x32xf32, #tpu.memory_space<hbm>> -> memref<256x32xf32, #tpu.memory_space<hbm>>
    %dma_start3A_908 = arith.constant 0 : i32
    %dma_start3A_909 = tpu.memref_slice %arg3[%multiple_of3A_19, %dma_start3A_908] : memref<1000000x32xf32, #tpu.memory_space<hbm>> -> memref<256x32xf32, #tpu.memory_space<hbm>>
    tpu.enqueue_dma source(%arg6 : memref<256x32xf32, #tpu.memory_space<vmem>>) target(%dma_start3A_909 : memref<256x32xf32, #tpu.memory_space<hbm>>) target_semaphore(%arg12 : memref<!tpu.dma_semaphore, #tpu.memory_space<semaphore_mem>>)
    %dma_wait3A_910 = arith.constant 0 : i32
    %dma_wait3A_911 = tpu.memref_slice %arg3[%multiple_of3A_19, %dma_wait3A_910] : memref<1000000x32xf32, #tpu.memory_space<hbm>> -> memref<256x32xf32, #tpu.memory_space<hbm>>
    %dma_wait3A_912 = arith.constant 0 : i32
    %dma_wait3A_913 = tpu.memref_slice %arg3[%multiple_of3A_19, %dma_wait3A_912] : memref<1000000x32xf32, #tpu.memory_space<hbm>> -> memref<256x32xf32, #tpu.memory_space<hbm>>
    tpu.wait_dma2 semaphore(%arg12 : memref<!tpu.dma_semaphore, #tpu.memory_space<semaphore_mem>>) src(%arg6 : memref<256x32xf32, #tpu.memory_space<vmem>>) dst(%dma_wait3A_913 : memref<256x32xf32, #tpu.memory_space<hbm>>)
    %dma_start3A_914 = arith.constant 0 : i32
    %dma_start3A_915 = tpu.memref_slice %arg2[%multiple_of3A_40, %dma_start3A_914] : memref<1000000x32xf32, #tpu.memory_space<hbm>> -> memref<256x32xf32, #tpu.memory_space<hbm>>
    %dma_start3A_916 = arith.constant 0 : i32
    %dma_start3A_917 = tpu.memref_slice %arg2[%multiple_of3A_40, %dma_start3A_916] : memref<1000000x32xf32, #tpu.memory_space<hbm>> -> memref<256x32xf32, #tpu.memory_space<hbm>>
    tpu.enqueue_dma source(%dma_start3A_917 : memref<256x32xf32, #tpu.memory_space<hbm>>) target(%arg6 : memref<256x32xf32, #tpu.memory_space<vmem>>) target_semaphore(%arg9 : memref<!tpu.dma_semaphore, #tpu.memory_space<semaphore_mem>>)
    %dma_wait3A_918 = arith.constant 0 : i32
    %dma_wait3A_919 = tpu.memref_slice %arg2[%multiple_of3A_26, %dma_wait3A_918] : memref<1000000x32xf32, #tpu.memory_space<hbm>> -> memref<256x32xf32, #tpu.memory_space<hbm>>
    %dma_wait3A_920 = arith.constant 0 : i32
    %dma_wait3A_921 = tpu.memref_slice %arg2[%multiple_of3A_26, %dma_wait3A_920] : memref<1000000x32xf32, #tpu.memory_space<hbm>> -> memref<256x32xf32, #tpu.memory_space<hbm>>
    tpu.wait_dma2 semaphore(%arg7 : memref<!tpu.dma_semaphore, #tpu.memory_space<semaphore_mem>>) src(%dma_wait3A_921 : memref<256x32xf32, #tpu.memory_space<hbm>>) dst(%arg4 : memref<256x32xf32, #tpu.memory_space<vmem>>)
    %dma_start3A_922 = arith.constant 0 : i32
    %dma_start3A_923 = tpu.memref_slice %arg3[%multiple_of3A_26, %dma_start3A_922] : memref<1000000x32xf32, #tpu.memory_space<hbm>> -> memref<256x32xf32, #tpu.memory_space<hbm>>
    %dma_start3A_924 = arith.constant 0 : i32
    %dma_start3A_925 = tpu.memref_slice %arg3[%multiple_of3A_26, %dma_start3A_924] : memref<1000000x32xf32, #tpu.memory_space<hbm>> -> memref<256x32xf32, #tpu.memory_space<hbm>>
    tpu.enqueue_dma source(%arg4 : memref<256x32xf32, #tpu.memory_space<vmem>>) target(%dma_start3A_925 : memref<256x32xf32, #tpu.memory_space<hbm>>) target_semaphore(%arg10 : memref<!tpu.dma_semaphore, #tpu.memory_space<semaphore_mem>>)
    %dma_wait3A_926 = arith.constant 0 : i32
    %dma_wait3A_927 = tpu.memref_slice %arg3[%multiple_of3A_26, %dma_wait3A_926] : memref<1000000x32xf32, #tpu.memory_space<hbm>> -> memref<256x32xf32, #tpu.memory_space<hbm>>
    %dma_wait3A_928 = arith.constant 0 : i32
    %dma_wait3A_929 = tpu.memref_slice %arg3[%multiple_of3A_26, %dma_wait3A_928] : memref<1000000x32xf32, #tpu.memory_space<hbm>> -> memref<256x32xf32, #tpu.memory_space<hbm>>
    tpu.wait_dma2 semaphore(%arg10 : memref<!tpu.dma_semaphore, #tpu.memory_space<semaphore_mem>>) src(%arg4 : memref<256x32xf32, #tpu.memory_space<vmem>>) dst(%dma_wait3A_929 : memref<256x32xf32, #tpu.memory_space<hbm>>)
    %dma_start3A_930 = arith.constant 0 : i32
    %dma_start3A_931 = tpu.memref_slice %arg2[%multiple_of3A_47, %dma_start3A_930] : memref<1000000x32xf32, #tpu.memory_space<hbm>> -> memref<256x32xf32, #tpu.memory_space<hbm>>
    %dma_start3A_932 = arith.constant 0 : i32
    %dma_start3A_933 = tpu.memref_slice %arg2[%multiple_of3A_47, %dma_start3A_932] : memref<1000000x32xf32, #tpu.memory_space<hbm>> -> memref<256x32xf32, #tpu.memory_space<hbm>>
    tpu.enqueue_dma source(%dma_start3A_933 : memref<256x32xf32, #tpu.memory_space<hbm>>) target(%arg4 : memref<256x32xf32, #tpu.memory_space<vmem>>) target_semaphore(%arg7 : memref<!tpu.dma_semaphore, #tpu.memory_space<semaphore_mem>>)
    %dma_wait3A_934 = arith.constant 0 : i32
    %dma_wait3A_935 = tpu.memref_slice %arg2[%multiple_of3A_33, %dma_wait3A_934] : memref<1000000x32xf32, #tpu.memory_space<hbm>> -> memref<256x32xf32, #tpu.memory_space<hbm>>
    %dma_wait3A_936 = arith.constant 0 : i32
    %dma_wait3A_937 = tpu.memref_slice %arg2[%multiple_of3A_33, %dma_wait3A_936] : memref<1000000x32xf32, #tpu.memory_space<hbm>> -> memref<256x32xf32, #tpu.memory_space<hbm>>
    tpu.wait_dma2 semaphore(%arg8 : memref<!tpu.dma_semaphore, #tpu.memory_space<semaphore_mem>>) src(%dma_wait3A_937 : memref<256x32xf32, #tpu.memory_space<hbm>>) dst(%arg5 : memref<256x32xf32, #tpu.memory_space<vmem>>)
    %dma_start3A_938 = arith.constant 0 : i32
    %dma_start3A_939 = tpu.memref_slice %arg3[%multiple_of3A_33, %dma_start3A_938] : memref<1000000x32xf32, #tpu.memory_space<hbm>> -> memref<256x32xf32, #tpu.memory_space<hbm>>
    %dma_start3A_940 = arith.constant 0 : i32
    %dma_start3A_941 = tpu.memref_slice %arg3[%multiple_of3A_33, %dma_start3A_940] : memref<1000000x32xf32, #tpu.memory_space<hbm>> -> memref<256x32xf32, #tpu.memory_space<hbm>>
    tpu.enqueue_dma source(%arg5 : memref<256x32xf32, #tpu.memory_space<vmem>>) target(%dma_start3A_941 : memref<256x32xf32, #tpu.memory_space<hbm>>) target_semaphore(%arg11 : memref<!tpu.dma_semaphore, #tpu.memory_space<semaphore_mem>>)
    %dma_wait3A_942 = arith.constant 0 : i32
    %dma_wait3A_943 = tpu.memref_slice %arg3[%multiple_of3A_33, %dma_wait3A_942] : memref<1000000x32xf32, #tpu.memory_space<hbm>> -> memref<256x32xf32, #tpu.memory_space<hbm>>
    %dma_wait3A_944 = arith.constant 0 : i32
    %dma_wait3A_945 = tpu.memref_slice %arg3[%multiple_of3A_33, %dma_wait3A_944] : memref<1000000x32xf32, #tpu.memory_space<hbm>> -> memref<256x32xf32, #tpu.memory_space<hbm>>
    tpu.wait_dma2 semaphore(%arg11 : memref<!tpu.dma_semaphore, #tpu.memory_space<semaphore_mem>>) src(%arg5 : memref<256x32xf32, #tpu.memory_space<vmem>>) dst(%dma_wait3A_945 : memref<256x32xf32, #tpu.memory_space<hbm>>)
    %dma_start3A_946 = arith.constant 0 : i32
    %dma_start3A_947 = tpu.memref_slice %arg2[%multiple_of3A_54, %dma_start3A_946] : memref<1000000x32xf32, #tpu.memory_space<hbm>> -> memref<256x32xf32, #tpu.memory_space<hbm>>
    %dma_start3A_948 = arith.constant 0 : i32
    %dma_start3A_949 = tpu.memref_slice %arg2[%multiple_of3A_54, %dma_start3A_948] : memref<1000000x32xf32, #tpu.memory_space<hbm>> -> memref<256x32xf32, #tpu.memory_space<hbm>>
    tpu.enqueue_dma source(%dma_start3A_949 : memref<256x32xf32, #tpu.memory_space<hbm>>) target(%arg5 : memref<256x32xf32, #tpu.memory_space<vmem>>) target_semaphore(%arg8 : memref<!tpu.dma_semaphore, #tpu.memory_space<semaphore_mem>>)
    %dma_wait3A_950 = arith.constant 0 : i32
    %dma_wait3A_951 = tpu.memref_slice %arg2[%multiple_of3A_40, %dma_wait3A_950] : memref<1000000x32xf32, #tpu.memory_space<hbm>> -> memref<256x32xf32, #tpu.memory_space<hbm>>
    %dma_wait3A_952 = arith.constant 0 : i32
    %dma_wait3A_953 = tpu.memref_slice %arg2[%multiple_of3A_40, %dma_wait3A_952] : memref<1000000x32xf32, #tpu.memory_space<hbm>> -> memref<256x32xf32, #tpu.memory_space<hbm>>
    tpu.wait_dma2 semaphore(%arg9 : memref<!tpu.dma_semaphore, #tpu.memory_space<semaphore_mem>>) src(%dma_wait3A_953 : memref<256x32xf32, #tpu.memory_space<hbm>>) dst(%arg6 : memref<256x32xf32, #tpu.memory_space<vmem>>)
    %dma_start3A_954 = arith.constant 0 : i32
    %dma_start3A_955 = tpu.memref_slice %arg3[%multiple_of3A_40, %dma_start3A_954] : memref<1000000x32xf32, #tpu.memory_space<hbm>> -> memref<256x32xf32, #tpu.memory_space<hbm>>
    %dma_start3A_956 = arith.constant 0 : i32
    %dma_start3A_957 = tpu.memref_slice %arg3[%multiple_of3A_40, %dma_start3A_956] : memref<1000000x32xf32, #tpu.memory_space<hbm>> -> memref<256x32xf32, #tpu.memory_space<hbm>>
    tpu.enqueue_dma source(%arg6 : memref<256x32xf32, #tpu.memory_space<vmem>>) target(%dma_start3A_957 : memref<256x32xf32, #tpu.memory_space<hbm>>) target_semaphore(%arg12 : memref<!tpu.dma_semaphore, #tpu.memory_space<semaphore_mem>>)
    %dma_wait3A_958 = arith.constant 0 : i32
    %dma_wait3A_959 = tpu.memref_slice %arg3[%multiple_of3A_40, %dma_wait3A_958] : memref<1000000x32xf32, #tpu.memory_space<hbm>> -> memref<256x32xf32, #tpu.memory_space<hbm>>
    %dma_wait3A_960 = arith.constant 0 : i32
    %dma_wait3A_961 = tpu.memref_slice %arg3[%multiple_of3A_40, %dma_wait3A_960] : memref<1000000x32xf32, #tpu.memory_space<hbm>> -> memref<256x32xf32, #tpu.memory_space<hbm>>
    tpu.wait_dma2 semaphore(%arg12 : memref<!tpu.dma_semaphore, #tpu.memory_space<semaphore_mem>>) src(%arg6 : memref<256x32xf32, #tpu.memory_space<vmem>>) dst(%dma_wait3A_961 : memref<256x32xf32, #tpu.memory_space<hbm>>)
    %dma_start3A_962 = arith.constant 0 : i32
    %dma_start3A_963 = tpu.memref_slice %arg2[%multiple_of3A_61, %dma_start3A_962] : memref<1000000x32xf32, #tpu.memory_space<hbm>> -> memref<256x32xf32, #tpu.memory_space<hbm>>
    %dma_start3A_964 = arith.constant 0 : i32
    %dma_start3A_965 = tpu.memref_slice %arg2[%multiple_of3A_61, %dma_start3A_964] : memref<1000000x32xf32, #tpu.memory_space<hbm>> -> memref<256x32xf32, #tpu.memory_space<hbm>>
    tpu.enqueue_dma source(%dma_start3A_965 : memref<256x32xf32, #tpu.memory_space<hbm>>) target(%arg6 : memref<256x32xf32, #tpu.memory_space<vmem>>) target_semaphore(%arg9 : memref<!tpu.dma_semaphore, #tpu.memory_space<semaphore_mem>>)
    %dma_wait3A_966 = arith.constant 0 : i32
    %dma_wait3A_967 = tpu.memref_slice %arg2[%multiple_of3A_47, %dma_wait3A_966] : memref<1000000x32xf32, #tpu.memory_space<hbm>> -> memref<256x32xf32, #tpu.memory_space<hbm>>
    %dma_wait3A_968 = arith.constant 0 : i32
    %dma_wait3A_969 = tpu.memref_slice %arg2[%multiple_of3A_47, %dma_wait3A_968] : memref<1000000x32xf32, #tpu.memory_space<hbm>> -> memref<256x32xf32, #tpu.memory_space<hbm>>
    tpu.wait_dma2 semaphore(%arg7 : memref<!tpu.dma_semaphore, #tpu.memory_space<semaphore_mem>>) src(%dma_wait3A_969 : memref<256x32xf32, #tpu.memory_space<hbm>>) dst(%arg4 : memref<256x32xf32, #tpu.memory_space<vmem>>)
    %dma_start3A_970 = arith.constant 0 : i32
    %dma_start3A_971 = tpu.memref_slice %arg3[%multiple_of3A_47, %dma_start3A_970] : memref<1000000x32xf32, #tpu.memory_space<hbm>> -> memref<256x32xf32, #tpu.memory_space<hbm>>
    %dma_start3A_972 = arith.constant 0 : i32
    %dma_start3A_973 = tpu.memref_slice %arg3[%multiple_of3A_47, %dma_start3A_972] : memref<1000000x32xf32, #tpu.memory_space<hbm>> -> memref<256x32xf32, #tpu.memory_space<hbm>>
    tpu.enqueue_dma source(%arg4 : memref<256x32xf32, #tpu.memory_space<vmem>>) target(%dma_start3A_973 : memref<256x32xf32, #tpu.memory_space<hbm>>) target_semaphore(%arg10 : memref<!tpu.dma_semaphore, #tpu.memory_space<semaphore_mem>>)
    %dma_wait3A_974 = arith.constant 0 : i32
    %dma_wait3A_975 = tpu.memref_slice %arg3[%multiple_of3A_47, %dma_wait3A_974] : memref<1000000x32xf32, #tpu.memory_space<hbm>> -> memref<256x32xf32, #tpu.memory_space<hbm>>
    %dma_wait3A_976 = arith.constant 0 : i32
    %dma_wait3A_977 = tpu.memref_slice %arg3[%multiple_of3A_47, %dma_wait3A_976] : memref<1000000x32xf32, #tpu.memory_space<hbm>> -> memref<256x32xf32, #tpu.memory_space<hbm>>
    tpu.wait_dma2 semaphore(%arg10 : memref<!tpu.dma_semaphore, #tpu.memory_space<semaphore_mem>>) src(%arg4 : memref<256x32xf32, #tpu.memory_space<vmem>>) dst(%dma_wait3A_977 : memref<256x32xf32, #tpu.memory_space<hbm>>)
    %dma_start3A_978 = arith.constant 0 : i32
    %dma_start3A_979 = tpu.memref_slice %arg2[%multiple_of3A_68, %dma_start3A_978] : memref<1000000x32xf32, #tpu.memory_space<hbm>> -> memref<256x32xf32, #tpu.memory_space<hbm>>
    %dma_start3A_980 = arith.constant 0 : i32
    %dma_start3A_981 = tpu.memref_slice %arg2[%multiple_of3A_68, %dma_start3A_980] : memref<1000000x32xf32, #tpu.memory_space<hbm>> -> memref<256x32xf32, #tpu.memory_space<hbm>>
    tpu.enqueue_dma source(%dma_start3A_981 : memref<256x32xf32, #tpu.memory_space<hbm>>) target(%arg4 : memref<256x32xf32, #tpu.memory_space<vmem>>) target_semaphore(%arg7 : memref<!tpu.dma_semaphore, #tpu.memory_space<semaphore_mem>>)
    %dma_wait3A_982 = arith.constant 0 : i32
    %dma_wait3A_983 = tpu.memref_slice %arg2[%multiple_of3A_54, %dma_wait3A_982] : memref<1000000x32xf32, #tpu.memory_space<hbm>> -> memref<256x32xf32, #tpu.memory_space<hbm>>
    %dma_wait3A_984 = arith.constant 0 : i32
    %dma_wait3A_985 = tpu.memref_slice %arg2[%multiple_of3A_54, %dma_wait3A_984] : memref<1000000x32xf32, #tpu.memory_space<hbm>> -> memref<256x32xf32, #tpu.memory_space<hbm>>
    tpu.wait_dma2 semaphore(%arg8 : memref<!tpu.dma_semaphore, #tpu.memory_space<semaphore_mem>>) src(%dma_wait3A_985 : memref<256x32xf32, #tpu.memory_space<hbm>>) dst(%arg5 : memref<256x32xf32, #tpu.memory_space<vmem>>)
    %dma_start3A_986 = arith.constant 0 : i32
    %dma_start3A_987 = tpu.memref_slice %arg3[%multiple_of3A_54, %dma_start3A_986] : memref<1000000x32xf32, #tpu.memory_space<hbm>> -> memref<256x32xf32, #tpu.memory_space<hbm>>
    %dma_start3A_988 = arith.constant 0 : i32
    %dma_start3A_989 = tpu.memref_slice %arg3[%multiple_of3A_54, %dma_start3A_988] : memref<1000000x32xf32, #tpu.memory_space<hbm>> -> memref<256x32xf32, #tpu.memory_space<hbm>>
    tpu.enqueue_dma source(%arg5 : memref<256x32xf32, #tpu.memory_space<vmem>>) target(%dma_start3A_989 : memref<256x32xf32, #tpu.memory_space<hbm>>) target_semaphore(%arg11 : memref<!tpu.dma_semaphore, #tpu.memory_space<semaphore_mem>>)
    %dma_wait3A_990 = arith.constant 0 : i32
    %dma_wait3A_991 = tpu.memref_slice %arg3[%multiple_of3A_54, %dma_wait3A_990] : memref<1000000x32xf32, #tpu.memory_space<hbm>> -> memref<256x32xf32, #tpu.memory_space<hbm>>
    %dma_wait3A_992 = arith.constant 0 : i32
    %dma_wait3A_993 = tpu.memref_slice %arg3[%multiple_of3A_54, %dma_wait3A_992] : memref<1000000x32xf32, #tpu.memory_space<hbm>> -> memref<256x32xf32, #tpu.memory_space<hbm>>
    tpu.wait_dma2 semaphore(%arg11 : memref<!tpu.dma_semaphore, #tpu.memory_space<semaphore_mem>>) src(%arg5 : memref<256x32xf32, #tpu.memory_space<vmem>>) dst(%dma_wait3A_993 : memref<256x32xf32, #tpu.memory_space<hbm>>)
    %dma_start3A_994 = arith.constant 0 : i32
    %dma_start3A_995 = tpu.memref_slice %arg2[%multiple_of3A_75, %dma_start3A_994] : memref<1000000x32xf32, #tpu.memory_space<hbm>> -> memref<256x32xf32, #tpu.memory_space<hbm>>
    %dma_start3A_996 = arith.constant 0 : i32
    %dma_start3A_997 = tpu.memref_slice %arg2[%multiple_of3A_75, %dma_start3A_996] : memref<1000000x32xf32, #tpu.memory_space<hbm>> -> memref<256x32xf32, #tpu.memory_space<hbm>>
    tpu.enqueue_dma source(%dma_start3A_997 : memref<256x32xf32, #tpu.memory_space<hbm>>) target(%arg5 : memref<256x32xf32, #tpu.memory_space<vmem>>) target_semaphore(%arg8 : memref<!tpu.dma_semaphore, #tpu.memory_space<semaphore_mem>>)
    %dma_wait3A_998 = arith.constant 0 : i32
    %dma_wait3A_999 = tpu.memref_slice %arg2[%multiple_of3A_61, %dma_wait3A_998] : memref<1000000x32xf32, #tpu.memory_space<hbm>> -> memref<256x32xf32, #tpu.memory_space<hbm>>
    %dma_wait3A_1000 = arith.constant 0 : i32
    %dma_wait3A_1001 = tpu.memref_slice %arg2[%multiple_of3A_61, %dma_wait3A_1000] : memref<1000000x32xf32, #tpu.memory_space<hbm>> -> memref<256x32xf32, #tpu.memory_space<hbm>>
    tpu.wait_dma2 semaphore(%arg9 : memref<!tpu.dma_semaphore, #tpu.memory_space<semaphore_mem>>) src(%dma_wait3A_1001 : memref<256x32xf32, #tpu.memory_space<hbm>>) dst(%arg6 : memref<256x32xf32, #tpu.memory_space<vmem>>)
    %dma_start3A_1002 = arith.constant 0 : i32
    %dma_start3A_1003 = tpu.memref_slice %arg3[%multiple_of3A_61, %dma_start3A_1002] : memref<1000000x32xf32, #tpu.memory_space<hbm>> -> memref<256x32xf32, #tpu.memory_space<hbm>>
    %dma_start3A_1004 = arith.constant 0 : i32
    %dma_start3A_1005 = tpu.memref_slice %arg3[%multiple_of3A_61, %dma_start3A_1004] : memref<1000000x32xf32, #tpu.memory_space<hbm>> -> memref<256x32xf32, #tpu.memory_space<hbm>>
    tpu.enqueue_dma source(%arg6 : memref<256x32xf32, #tpu.memory_space<vmem>>) target(%dma_start3A_1005 : memref<256x32xf32, #tpu.memory_space<hbm>>) target_semaphore(%arg12 : memref<!tpu.dma_semaphore, #tpu.memory_space<semaphore_mem>>)
    %dma_wait3A_1006 = arith.constant 0 : i32
    %dma_wait3A_1007 = tpu.memref_slice %arg3[%multiple_of3A_61, %dma_wait3A_1006] : memref<1000000x32xf32, #tpu.memory_space<hbm>> -> memref<256x32xf32, #tpu.memory_space<hbm>>
    %dma_wait3A_1008 = arith.constant 0 : i32
    %dma_wait3A_1009 = tpu.memref_slice %arg3[%multiple_of3A_61, %dma_wait3A_1008] : memref<1000000x32xf32, #tpu.memory_space<hbm>> -> memref<256x32xf32, #tpu.memory_space<hbm>>
    tpu.wait_dma2 semaphore(%arg12 : memref<!tpu.dma_semaphore, #tpu.memory_space<semaphore_mem>>) src(%arg6 : memref<256x32xf32, #tpu.memory_space<vmem>>) dst(%dma_wait3A_1009 : memref<256x32xf32, #tpu.memory_space<hbm>>)
    %dma_start3A_1010 = arith.constant 0 : i32
    %dma_start3A_1011 = tpu.memref_slice %arg2[%multiple_of3A_82, %dma_start3A_1010] : memref<1000000x32xf32, #tpu.memory_space<hbm>> -> memref<256x32xf32, #tpu.memory_space<hbm>>
    %dma_start3A_1012 = arith.constant 0 : i32
    %dma_start3A_1013 = tpu.memref_slice %arg2[%multiple_of3A_82, %dma_start3A_1012] : memref<1000000x32xf32, #tpu.memory_space<hbm>> -> memref<256x32xf32, #tpu.memory_space<hbm>>
    tpu.enqueue_dma source(%dma_start3A_1013 : memref<256x32xf32, #tpu.memory_space<hbm>>) target(%arg6 : memref<256x32xf32, #tpu.memory_space<vmem>>) target_semaphore(%arg9 : memref<!tpu.dma_semaphore, #tpu.memory_space<semaphore_mem>>)
    %dma_wait3A_1014 = arith.constant 0 : i32
    %dma_wait3A_1015 = tpu.memref_slice %arg2[%multiple_of3A_68, %dma_wait3A_1014] : memref<1000000x32xf32, #tpu.memory_space<hbm>> -> memref<256x32xf32, #tpu.memory_space<hbm>>
    %dma_wait3A_1016 = arith.constant 0 : i32
    %dma_wait3A_1017 = tpu.memref_slice %arg2[%multiple_of3A_68, %dma_wait3A_1016] : memref<1000000x32xf32, #tpu.memory_space<hbm>> -> memref<256x32xf32, #tpu.memory_space<hbm>>
    tpu.wait_dma2 semaphore(%arg7 : memref<!tpu.dma_semaphore, #tpu.memory_space<semaphore_mem>>) src(%dma_wait3A_1017 : memref<256x32xf32, #tpu.memory_space<hbm>>) dst(%arg4 : memref<256x32xf32, #tpu.memory_space<vmem>>)
    %dma_start3A_1018 = arith.constant 0 : i32
    %dma_start3A_1019 = tpu.memref_slice %arg3[%multiple_of3A_68, %dma_start3A_1018] : memref<1000000x32xf32, #tpu.memory_space<hbm>> -> memref<256x32xf32, #tpu.memory_space<hbm>>
    %dma_start3A_1020 = arith.constant 0 : i32
    %dma_start3A_1021 = tpu.memref_slice %arg3[%multiple_of3A_68, %dma_start3A_1020] : memref<1000000x32xf32, #tpu.memory_space<hbm>> -> memref<256x32xf32, #tpu.memory_space<hbm>>
    tpu.enqueue_dma source(%arg4 : memref<256x32xf32, #tpu.memory_space<vmem>>) target(%dma_start3A_1021 : memref<256x32xf32, #tpu.memory_space<hbm>>) target_semaphore(%arg10 : memref<!tpu.dma_semaphore, #tpu.memory_space<semaphore_mem>>)
    %dma_wait3A_1022 = arith.constant 0 : i32
    %dma_wait3A_1023 = tpu.memref_slice %arg3[%multiple_of3A_68, %dma_wait3A_1022] : memref<1000000x32xf32, #tpu.memory_space<hbm>> -> memref<256x32xf32, #tpu.memory_space<hbm>>
    %dma_wait3A_1024 = arith.constant 0 : i32
    %dma_wait3A_1025 = tpu.memref_slice %arg3[%multiple_of3A_68, %dma_wait3A_1024] : memref<1000000x32xf32, #tpu.memory_space<hbm>> -> memref<256x32xf32, #tpu.memory_space<hbm>>
    tpu.wait_dma2 semaphore(%arg10 : memref<!tpu.dma_semaphore, #tpu.memory_space<semaphore_mem>>) src(%arg4 : memref<256x32xf32, #tpu.memory_space<vmem>>) dst(%dma_wait3A_1025 : memref<256x32xf32, #tpu.memory_space<hbm>>)
    %dma_start3A_1026 = arith.constant 0 : i32
    %dma_start3A_1027 = tpu.memref_slice %arg2[%multiple_of3A_89, %dma_start3A_1026] : memref<1000000x32xf32, #tpu.memory_space<hbm>> -> memref<256x32xf32, #tpu.memory_space<hbm>>
    %dma_start3A_1028 = arith.constant 0 : i32
    %dma_start3A_1029 = tpu.memref_slice %arg2[%multiple_of3A_89, %dma_start3A_1028] : memref<1000000x32xf32, #tpu.memory_space<hbm>> -> memref<256x32xf32, #tpu.memory_space<hbm>>
    tpu.enqueue_dma source(%dma_start3A_1029 : memref<256x32xf32, #tpu.memory_space<hbm>>) target(%arg4 : memref<256x32xf32, #tpu.memory_space<vmem>>) target_semaphore(%arg7 : memref<!tpu.dma_semaphore, #tpu.memory_space<semaphore_mem>>)
    %dma_wait3A_1030 = arith.constant 0 : i32
    %dma_wait3A_1031 = tpu.memref_slice %arg2[%multiple_of3A_75, %dma_wait3A_1030] : memref<1000000x32xf32, #tpu.memory_space<hbm>> -> memref<256x32xf32, #tpu.memory_space<hbm>>
    %dma_wait3A_1032 = arith.constant 0 : i32
    %dma_wait3A_1033 = tpu.memref_slice %arg2[%multiple_of3A_75, %dma_wait3A_1032] : memref<1000000x32xf32, #tpu.memory_space<hbm>> -> memref<256x32xf32, #tpu.memory_space<hbm>>
    tpu.wait_dma2 semaphore(%arg8 : memref<!tpu.dma_semaphore, #tpu.memory_space<semaphore_mem>>) src(%dma_wait3A_1033 : memref<256x32xf32, #tpu.memory_space<hbm>>) dst(%arg5 : memref<256x32xf32, #tpu.memory_space<vmem>>)
    %dma_start3A_1034 = arith.constant 0 : i32
    %dma_start3A_1035 = tpu.memref_slice %arg3[%multiple_of3A_75, %dma_start3A_1034] : memref<1000000x32xf32, #tpu.memory_space<hbm>> -> memref<256x32xf32, #tpu.memory_space<hbm>>
    %dma_start3A_1036 = arith.constant 0 : i32
    %dma_start3A_1037 = tpu.memref_slice %arg3[%multiple_of3A_75, %dma_start3A_1036] : memref<1000000x32xf32, #tpu.memory_space<hbm>> -> memref<256x32xf32, #tpu.memory_space<hbm>>
    tpu.enqueue_dma source(%arg5 : memref<256x32xf32, #tpu.memory_space<vmem>>) target(%dma_start3A_1037 : memref<256x32xf32, #tpu.memory_space<hbm>>) target_semaphore(%arg11 : memref<!tpu.dma_semaphore, #tpu.memory_space<semaphore_mem>>)
    %dma_wait3A_1038 = arith.constant 0 : i32
    %dma_wait3A_1039 = tpu.memref_slice %arg3[%multiple_of3A_75, %dma_wait3A_1038] : memref<1000000x32xf32, #tpu.memory_space<hbm>> -> memref<256x32xf32, #tpu.memory_space<hbm>>
    %dma_wait3A_1040 = arith.constant 0 : i32
    %dma_wait3A_1041 = tpu.memref_slice %arg3[%multiple_of3A_75, %dma_wait3A_1040] : memref<1000000x32xf32, #tpu.memory_space<hbm>> -> memref<256x32xf32, #tpu.memory_space<hbm>>
    tpu.wait_dma2 semaphore(%arg11 : memref<!tpu.dma_semaphore, #tpu.memory_space<semaphore_mem>>) src(%arg5 : memref<256x32xf32, #tpu.memory_space<vmem>>) dst(%dma_wait3A_1041 : memref<256x32xf32, #tpu.memory_space<hbm>>)
    %dma_start3A_1042 = arith.constant 0 : i32
    %dma_start3A_1043 = tpu.memref_slice %arg2[%multiple_of3A_96, %dma_start3A_1042] : memref<1000000x32xf32, #tpu.memory_space<hbm>> -> memref<256x32xf32, #tpu.memory_space<hbm>>
    %dma_start3A_1044 = arith.constant 0 : i32
    %dma_start3A_1045 = tpu.memref_slice %arg2[%multiple_of3A_96, %dma_start3A_1044] : memref<1000000x32xf32, #tpu.memory_space<hbm>> -> memref<256x32xf32, #tpu.memory_space<hbm>>
    tpu.enqueue_dma source(%dma_start3A_1045 : memref<256x32xf32, #tpu.memory_space<hbm>>) target(%arg5 : memref<256x32xf32, #tpu.memory_space<vmem>>) target_semaphore(%arg8 : memref<!tpu.dma_semaphore, #tpu.memory_space<semaphore_mem>>)
    %dma_wait3A_1046 = arith.constant 0 : i32
    %dma_wait3A_1047 = tpu.memref_slice %arg2[%multiple_of3A_82, %dma_wait3A_1046] : memref<1000000x32xf32, #tpu.memory_space<hbm>> -> memref<256x32xf32, #tpu.memory_space<hbm>>
    %dma_wait3A_1048 = arith.constant 0 : i32
    %dma_wait3A_1049 = tpu.memref_slice %arg2[%multiple_of3A_82, %dma_wait3A_1048] : memref<1000000x32xf32, #tpu.memory_space<hbm>> -> memref<256x32xf32, #tpu.memory_space<hbm>>
    tpu.wait_dma2 semaphore(%arg9 : memref<!tpu.dma_semaphore, #tpu.memory_space<semaphore_mem>>) src(%dma_wait3A_1049 : memref<256x32xf32, #tpu.memory_space<hbm>>) dst(%arg6 : memref<256x32xf32, #tpu.memory_space<vmem>>)
    %dma_start3A_1050 = arith.constant 0 : i32
    %dma_start3A_1051 = tpu.memref_slice %arg3[%multiple_of3A_82, %dma_start3A_1050] : memref<1000000x32xf32, #tpu.memory_space<hbm>> -> memref<256x32xf32, #tpu.memory_space<hbm>>
    %dma_start3A_1052 = arith.constant 0 : i32
    %dma_start3A_1053 = tpu.memref_slice %arg3[%multiple_of3A_82, %dma_start3A_1052] : memref<1000000x32xf32, #tpu.memory_space<hbm>> -> memref<256x32xf32, #tpu.memory_space<hbm>>
    tpu.enqueue_dma source(%arg6 : memref<256x32xf32, #tpu.memory_space<vmem>>) target(%dma_start3A_1053 : memref<256x32xf32, #tpu.memory_space<hbm>>) target_semaphore(%arg12 : memref<!tpu.dma_semaphore, #tpu.memory_space<semaphore_mem>>)
    %dma_wait3A_1054 = arith.constant 0 : i32
    %dma_wait3A_1055 = tpu.memref_slice %arg3[%multiple_of3A_82, %dma_wait3A_1054] : memref<1000000x32xf32, #tpu.memory_space<hbm>> -> memref<256x32xf32, #tpu.memory_space<hbm>>
    %dma_wait3A_1056 = arith.constant 0 : i32
    %dma_wait3A_1057 = tpu.memref_slice %arg3[%multiple_of3A_82, %dma_wait3A_1056] : memref<1000000x32xf32, #tpu.memory_space<hbm>> -> memref<256x32xf32, #tpu.memory_space<hbm>>
    tpu.wait_dma2 semaphore(%arg12 : memref<!tpu.dma_semaphore, #tpu.memory_space<semaphore_mem>>) src(%arg6 : memref<256x32xf32, #tpu.memory_space<vmem>>) dst(%dma_wait3A_1057 : memref<256x32xf32, #tpu.memory_space<hbm>>)
    %dma_start3A_1058 = arith.constant 0 : i32
    %dma_start3A_1059 = tpu.memref_slice %arg2[%multiple_of3A_103, %dma_start3A_1058] : memref<1000000x32xf32, #tpu.memory_space<hbm>> -> memref<256x32xf32, #tpu.memory_space<hbm>>
    %dma_start3A_1060 = arith.constant 0 : i32
    %dma_start3A_1061 = tpu.memref_slice %arg2[%multiple_of3A_103, %dma_start3A_1060] : memref<1000000x32xf32, #tpu.memory_space<hbm>> -> memref<256x32xf32, #tpu.memory_space<hbm>>
    tpu.enqueue_dma source(%dma_start3A_1061 : memref<256x32xf32, #tpu.memory_space<hbm>>) target(%arg6 : memref<256x32xf32, #tpu.memory_space<vmem>>) target_semaphore(%arg9 : memref<!tpu.dma_semaphore, #tpu.memory_space<semaphore_mem>>)
    %dma_wait3A_1062 = arith.constant 0 : i32
    %dma_wait3A_1063 = tpu.memref_slice %arg2[%multiple_of3A_89, %dma_wait3A_1062] : memref<1000000x32xf32, #tpu.memory_space<hbm>> -> memref<256x32xf32, #tpu.memory_space<hbm>>
    %dma_wait3A_1064 = arith.constant 0 : i32
    %dma_wait3A_1065 = tpu.memref_slice %arg2[%multiple_of3A_89, %dma_wait3A_1064] : memref<1000000x32xf32, #tpu.memory_space<hbm>> -> memref<256x32xf32, #tpu.memory_space<hbm>>
    tpu.wait_dma2 semaphore(%arg7 : memref<!tpu.dma_semaphore, #tpu.memory_space<semaphore_mem>>) src(%dma_wait3A_1065 : memref<256x32xf32, #tpu.memory_space<hbm>>) dst(%arg4 : memref<256x32xf32, #tpu.memory_space<vmem>>)
    %dma_start3A_1066 = arith.constant 0 : i32
    %dma_start3A_1067 = tpu.memref_slice %arg3[%multiple_of3A_89, %dma_start3A_1066] : memref<1000000x32xf32, #tpu.memory_space<hbm>> -> memref<256x32xf32, #tpu.memory_space<hbm>>
    %dma_start3A_1068 = arith.constant 0 : i32
    %dma_start3A_1069 = tpu.memref_slice %arg3[%multiple_of3A_89, %dma_start3A_1068] : memref<1000000x32xf32, #tpu.memory_space<hbm>> -> memref<256x32xf32, #tpu.memory_space<hbm>>
    tpu.enqueue_dma source(%arg4 : memref<256x32xf32, #tpu.memory_space<vmem>>) target(%dma_start3A_1069 : memref<256x32xf32, #tpu.memory_space<hbm>>) target_semaphore(%arg10 : memref<!tpu.dma_semaphore, #tpu.memory_space<semaphore_mem>>)
    %dma_wait3A_1070 = arith.constant 0 : i32
    %dma_wait3A_1071 = tpu.memref_slice %arg3[%multiple_of3A_89, %dma_wait3A_1070] : memref<1000000x32xf32, #tpu.memory_space<hbm>> -> memref<256x32xf32, #tpu.memory_space<hbm>>
    %dma_wait3A_1072 = arith.constant 0 : i32
    %dma_wait3A_1073 = tpu.memref_slice %arg3[%multiple_of3A_89, %dma_wait3A_1072] : memref<1000000x32xf32, #tpu.memory_space<hbm>> -> memref<256x32xf32, #tpu.memory_space<hbm>>
    tpu.wait_dma2 semaphore(%arg10 : memref<!tpu.dma_semaphore, #tpu.memory_space<semaphore_mem>>) src(%arg4 : memref<256x32xf32, #tpu.memory_space<vmem>>) dst(%dma_wait3A_1073 : memref<256x32xf32, #tpu.memory_space<hbm>>)
    %dma_start3A_1074 = arith.constant 0 : i32
    %dma_start3A_1075 = tpu.memref_slice %arg2[%multiple_of3A_110, %dma_start3A_1074] : memref<1000000x32xf32, #tpu.memory_space<hbm>> -> memref<256x32xf32, #tpu.memory_space<hbm>>
    %dma_start3A_1076 = arith.constant 0 : i32
    %dma_start3A_1077 = tpu.memref_slice %arg2[%multiple_of3A_110, %dma_start3A_1076] : memref<1000000x32xf32, #tpu.memory_space<hbm>> -> memref<256x32xf32, #tpu.memory_space<hbm>>
    tpu.enqueue_dma source(%dma_start3A_1077 : memref<256x32xf32, #tpu.memory_space<hbm>>) target(%arg4 : memref<256x32xf32, #tpu.memory_space<vmem>>) target_semaphore(%arg7 : memref<!tpu.dma_semaphore, #tpu.memory_space<semaphore_mem>>)
    %dma_wait3A_1078 = arith.constant 0 : i32
    %dma_wait3A_1079 = tpu.memref_slice %arg2[%multiple_of3A_96, %dma_wait3A_1078] : memref<1000000x32xf32, #tpu.memory_space<hbm>> -> memref<256x32xf32, #tpu.memory_space<hbm>>
    %dma_wait3A_1080 = arith.constant 0 : i32
    %dma_wait3A_1081 = tpu.memref_slice %arg2[%multiple_of3A_96, %dma_wait3A_1080] : memref<1000000x32xf32, #tpu.memory_space<hbm>> -> memref<256x32xf32, #tpu.memory_space<hbm>>
    tpu.wait_dma2 semaphore(%arg8 : memref<!tpu.dma_semaphore, #tpu.memory_space<semaphore_mem>>) src(%dma_wait3A_1081 : memref<256x32xf32, #tpu.memory_space<hbm>>) dst(%arg5 : memref<256x32xf32, #tpu.memory_space<vmem>>)
    %dma_start3A_1082 = arith.constant 0 : i32
    %dma_start3A_1083 = tpu.memref_slice %arg3[%multiple_of3A_96, %dma_start3A_1082] : memref<1000000x32xf32, #tpu.memory_space<hbm>> -> memref<256x32xf32, #tpu.memory_space<hbm>>
    %dma_start3A_1084 = arith.constant 0 : i32
    %dma_start3A_1085 = tpu.memref_slice %arg3[%multiple_of3A_96, %dma_start3A_1084] : memref<1000000x32xf32, #tpu.memory_space<hbm>> -> memref<256x32xf32, #tpu.memory_space<hbm>>
    tpu.enqueue_dma source(%arg5 : memref<256x32xf32, #tpu.memory_space<vmem>>) target(%dma_start3A_1085 : memref<256x32xf32, #tpu.memory_space<hbm>>) target_semaphore(%arg11 : memref<!tpu.dma_semaphore, #tpu.memory_space<semaphore_mem>>)
    %dma_wait3A_1086 = arith.constant 0 : i32
    %dma_wait3A_1087 = tpu.memref_slice %arg3[%multiple_of3A_96, %dma_wait3A_1086] : memref<1000000x32xf32, #tpu.memory_space<hbm>> -> memref<256x32xf32, #tpu.memory_space<hbm>>
    %dma_wait3A_1088 = arith.constant 0 : i32
    %dma_wait3A_1089 = tpu.memref_slice %arg3[%multiple_of3A_96, %dma_wait3A_1088] : memref<1000000x32xf32, #tpu.memory_space<hbm>> -> memref<256x32xf32, #tpu.memory_space<hbm>>
    tpu.wait_dma2 semaphore(%arg11 : memref<!tpu.dma_semaphore, #tpu.memory_space<semaphore_mem>>) src(%arg5 : memref<256x32xf32, #tpu.memory_space<vmem>>) dst(%dma_wait3A_1089 : memref<256x32xf32, #tpu.memory_space<hbm>>)
    %dma_start3A_1090 = arith.constant 0 : i32
    %dma_start3A_1091 = tpu.memref_slice %arg2[%multiple_of3A_117, %dma_start3A_1090] : memref<1000000x32xf32, #tpu.memory_space<hbm>> -> memref<256x32xf32, #tpu.memory_space<hbm>>
    %dma_start3A_1092 = arith.constant 0 : i32
    %dma_start3A_1093 = tpu.memref_slice %arg2[%multiple_of3A_117, %dma_start3A_1092] : memref<1000000x32xf32, #tpu.memory_space<hbm>> -> memref<256x32xf32, #tpu.memory_space<hbm>>
    tpu.enqueue_dma source(%dma_start3A_1093 : memref<256x32xf32, #tpu.memory_space<hbm>>) target(%arg5 : memref<256x32xf32, #tpu.memory_space<vmem>>) target_semaphore(%arg8 : memref<!tpu.dma_semaphore, #tpu.memory_space<semaphore_mem>>)
    %dma_wait3A_1094 = arith.constant 0 : i32
    %dma_wait3A_1095 = tpu.memref_slice %arg2[%multiple_of3A_103, %dma_wait3A_1094] : memref<1000000x32xf32, #tpu.memory_space<hbm>> -> memref<256x32xf32, #tpu.memory_space<hbm>>
    %dma_wait3A_1096 = arith.constant 0 : i32
    %dma_wait3A_1097 = tpu.memref_slice %arg2[%multiple_of3A_103, %dma_wait3A_1096] : memref<1000000x32xf32, #tpu.memory_space<hbm>> -> memref<256x32xf32, #tpu.memory_space<hbm>>
    tpu.wait_dma2 semaphore(%arg9 : memref<!tpu.dma_semaphore, #tpu.memory_space<semaphore_mem>>) src(%dma_wait3A_1097 : memref<256x32xf32, #tpu.memory_space<hbm>>) dst(%arg6 : memref<256x32xf32, #tpu.memory_space<vmem>>)
    %dma_start3A_1098 = arith.constant 0 : i32
    %dma_start3A_1099 = tpu.memref_slice %arg3[%multiple_of3A_103, %dma_start3A_1098] : memref<1000000x32xf32, #tpu.memory_space<hbm>> -> memref<256x32xf32, #tpu.memory_space<hbm>>
    %dma_start3A_1100 = arith.constant 0 : i32
    %dma_start3A_1101 = tpu.memref_slice %arg3[%multiple_of3A_103, %dma_start3A_1100] : memref<1000000x32xf32, #tpu.memory_space<hbm>> -> memref<256x32xf32, #tpu.memory_space<hbm>>
    tpu.enqueue_dma source(%arg6 : memref<256x32xf32, #tpu.memory_space<vmem>>) target(%dma_start3A_1101 : memref<256x32xf32, #tpu.memory_space<hbm>>) target_semaphore(%arg12 : memref<!tpu.dma_semaphore, #tpu.memory_space<semaphore_mem>>)
    %dma_wait3A_1102 = arith.constant 0 : i32
    %dma_wait3A_1103 = tpu.memref_slice %arg3[%multiple_of3A_103, %dma_wait3A_1102] : memref<1000000x32xf32, #tpu.memory_space<hbm>> -> memref<256x32xf32, #tpu.memory_space<hbm>>
    %dma_wait3A_1104 = arith.constant 0 : i32
    %dma_wait3A_1105 = tpu.memref_slice %arg3[%multiple_of3A_103, %dma_wait3A_1104] : memref<1000000x32xf32, #tpu.memory_space<hbm>> -> memref<256x32xf32, #tpu.memory_space<hbm>>
    tpu.wait_dma2 semaphore(%arg12 : memref<!tpu.dma_semaphore, #tpu.memory_space<semaphore_mem>>) src(%arg6 : memref<256x32xf32, #tpu.memory_space<vmem>>) dst(%dma_wait3A_1105 : memref<256x32xf32, #tpu.memory_space<hbm>>)
    %dma_start3A_1106 = arith.constant 0 : i32
    %dma_start3A_1107 = tpu.memref_slice %arg2[%multiple_of3A_124, %dma_start3A_1106] : memref<1000000x32xf32, #tpu.memory_space<hbm>> -> memref<256x32xf32, #tpu.memory_space<hbm>>
    %dma_start3A_1108 = arith.constant 0 : i32
    %dma_start3A_1109 = tpu.memref_slice %arg2[%multiple_of3A_124, %dma_start3A_1108] : memref<1000000x32xf32, #tpu.memory_space<hbm>> -> memref<256x32xf32, #tpu.memory_space<hbm>>
    tpu.enqueue_dma source(%dma_start3A_1109 : memref<256x32xf32, #tpu.memory_space<hbm>>) target(%arg6 : memref<256x32xf32, #tpu.memory_space<vmem>>) target_semaphore(%arg9 : memref<!tpu.dma_semaphore, #tpu.memory_space<semaphore_mem>>)
    %dma_wait3A_1110 = arith.constant 0 : i32
    %dma_wait3A_1111 = tpu.memref_slice %arg2[%multiple_of3A_110, %dma_wait3A_1110] : memref<1000000x32xf32, #tpu.memory_space<hbm>> -> memref<256x32xf32, #tpu.memory_space<hbm>>
    %dma_wait3A_1112 = arith.constant 0 : i32
    %dma_wait3A_1113 = tpu.memref_slice %arg2[%multiple_of3A_110, %dma_wait3A_1112] : memref<1000000x32xf32, #tpu.memory_space<hbm>> -> memref<256x32xf32, #tpu.memory_space<hbm>>
    tpu.wait_dma2 semaphore(%arg7 : memref<!tpu.dma_semaphore, #tpu.memory_space<semaphore_mem>>) src(%dma_wait3A_1113 : memref<256x32xf32, #tpu.memory_space<hbm>>) dst(%arg4 : memref<256x32xf32, #tpu.memory_space<vmem>>)
    %dma_start3A_1114 = arith.constant 0 : i32
    %dma_start3A_1115 = tpu.memref_slice %arg3[%multiple_of3A_110, %dma_start3A_1114] : memref<1000000x32xf32, #tpu.memory_space<hbm>> -> memref<256x32xf32, #tpu.memory_space<hbm>>
    %dma_start3A_1116 = arith.constant 0 : i32
    %dma_start3A_1117 = tpu.memref_slice %arg3[%multiple_of3A_110, %dma_start3A_1116] : memref<1000000x32xf32, #tpu.memory_space<hbm>> -> memref<256x32xf32, #tpu.memory_space<hbm>>
    tpu.enqueue_dma source(%arg4 : memref<256x32xf32, #tpu.memory_space<vmem>>) target(%dma_start3A_1117 : memref<256x32xf32, #tpu.memory_space<hbm>>) target_semaphore(%arg10 : memref<!tpu.dma_semaphore, #tpu.memory_space<semaphore_mem>>)
    %dma_wait3A_1118 = arith.constant 0 : i32
    %dma_wait3A_1119 = tpu.memref_slice %arg3[%multiple_of3A_110, %dma_wait3A_1118] : memref<1000000x32xf32, #tpu.memory_space<hbm>> -> memref<256x32xf32, #tpu.memory_space<hbm>>
    %dma_wait3A_1120 = arith.constant 0 : i32
    %dma_wait3A_1121 = tpu.memref_slice %arg3[%multiple_of3A_110, %dma_wait3A_1120] : memref<1000000x32xf32, #tpu.memory_space<hbm>> -> memref<256x32xf32, #tpu.memory_space<hbm>>
    tpu.wait_dma2 semaphore(%arg10 : memref<!tpu.dma_semaphore, #tpu.memory_space<semaphore_mem>>) src(%arg4 : memref<256x32xf32, #tpu.memory_space<vmem>>) dst(%dma_wait3A_1121 : memref<256x32xf32, #tpu.memory_space<hbm>>)
    %dma_start3A_1122 = arith.constant 0 : i32
    %dma_start3A_1123 = tpu.memref_slice %arg2[%multiple_of3A_131, %dma_start3A_1122] : memref<1000000x32xf32, #tpu.memory_space<hbm>> -> memref<256x32xf32, #tpu.memory_space<hbm>>
    %dma_start3A_1124 = arith.constant 0 : i32
    %dma_start3A_1125 = tpu.memref_slice %arg2[%multiple_of3A_131, %dma_start3A_1124] : memref<1000000x32xf32, #tpu.memory_space<hbm>> -> memref<256x32xf32, #tpu.memory_space<hbm>>
    tpu.enqueue_dma source(%dma_start3A_1125 : memref<256x32xf32, #tpu.memory_space<hbm>>) target(%arg4 : memref<256x32xf32, #tpu.memory_space<vmem>>) target_semaphore(%arg7 : memref<!tpu.dma_semaphore, #tpu.memory_space<semaphore_mem>>)
    %dma_wait3A_1126 = arith.constant 0 : i32
    %dma_wait3A_1127 = tpu.memref_slice %arg2[%multiple_of3A_117, %dma_wait3A_1126] : memref<1000000x32xf32, #tpu.memory_space<hbm>> -> memref<256x32xf32, #tpu.memory_space<hbm>>
    %dma_wait3A_1128 = arith.constant 0 : i32
    %dma_wait3A_1129 = tpu.memref_slice %arg2[%multiple_of3A_117, %dma_wait3A_1128] : memref<1000000x32xf32, #tpu.memory_space<hbm>> -> memref<256x32xf32, #tpu.memory_space<hbm>>
    tpu.wait_dma2 semaphore(%arg8 : memref<!tpu.dma_semaphore, #tpu.memory_space<semaphore_mem>>) src(%dma_wait3A_1129 : memref<256x32xf32, #tpu.memory_space<hbm>>) dst(%arg5 : memref<256x32xf32, #tpu.memory_space<vmem>>)
    %dma_start3A_1130 = arith.constant 0 : i32
    %dma_start3A_1131 = tpu.memref_slice %arg3[%multiple_of3A_117, %dma_start3A_1130] : memref<1000000x32xf32, #tpu.memory_space<hbm>> -> memref<256x32xf32, #tpu.memory_space<hbm>>
    %dma_start3A_1132 = arith.constant 0 : i32
    %dma_start3A_1133 = tpu.memref_slice %arg3[%multiple_of3A_117, %dma_start3A_1132] : memref<1000000x32xf32, #tpu.memory_space<hbm>> -> memref<256x32xf32, #tpu.memory_space<hbm>>
    tpu.enqueue_dma source(%arg5 : memref<256x32xf32, #tpu.memory_space<vmem>>) target(%dma_start3A_1133 : memref<256x32xf32, #tpu.memory_space<hbm>>) target_semaphore(%arg11 : memref<!tpu.dma_semaphore, #tpu.memory_space<semaphore_mem>>)
    %dma_wait3A_1134 = arith.constant 0 : i32
    %dma_wait3A_1135 = tpu.memref_slice %arg3[%multiple_of3A_117, %dma_wait3A_1134] : memref<1000000x32xf32, #tpu.memory_space<hbm>> -> memref<256x32xf32, #tpu.memory_space<hbm>>
    %dma_wait3A_1136 = arith.constant 0 : i32
    %dma_wait3A_1137 = tpu.memref_slice %arg3[%multiple_of3A_117, %dma_wait3A_1136] : memref<1000000x32xf32, #tpu.memory_space<hbm>> -> memref<256x32xf32, #tpu.memory_space<hbm>>
    tpu.wait_dma2 semaphore(%arg11 : memref<!tpu.dma_semaphore, #tpu.memory_space<semaphore_mem>>) src(%arg5 : memref<256x32xf32, #tpu.memory_space<vmem>>) dst(%dma_wait3A_1137 : memref<256x32xf32, #tpu.memory_space<hbm>>)
    %dma_start3A_1138 = arith.constant 0 : i32
    %dma_start3A_1139 = tpu.memref_slice %arg2[%multiple_of3A_138, %dma_start3A_1138] : memref<1000000x32xf32, #tpu.memory_space<hbm>> -> memref<256x32xf32, #tpu.memory_space<hbm>>
    %dma_start3A_1140 = arith.constant 0 : i32
    %dma_start3A_1141 = tpu.memref_slice %arg2[%multiple_of3A_138, %dma_start3A_1140] : memref<1000000x32xf32, #tpu.memory_space<hbm>> -> memref<256x32xf32, #tpu.memory_space<hbm>>
    tpu.enqueue_dma source(%dma_start3A_1141 : memref<256x32xf32, #tpu.memory_space<hbm>>) target(%arg5 : memref<256x32xf32, #tpu.memory_space<vmem>>) target_semaphore(%arg8 : memref<!tpu.dma_semaphore, #tpu.memory_space<semaphore_mem>>)
    %dma_wait3A_1142 = arith.constant 0 : i32
    %dma_wait3A_1143 = tpu.memref_slice %arg2[%multiple_of3A_124, %dma_wait3A_1142] : memref<1000000x32xf32, #tpu.memory_space<hbm>> -> memref<256x32xf32, #tpu.memory_space<hbm>>
    %dma_wait3A_1144 = arith.constant 0 : i32
    %dma_wait3A_1145 = tpu.memref_slice %arg2[%multiple_of3A_124, %dma_wait3A_1144] : memref<1000000x32xf32, #tpu.memory_space<hbm>> -> memref<256x32xf32, #tpu.memory_space<hbm>>
    tpu.wait_dma2 semaphore(%arg9 : memref<!tpu.dma_semaphore, #tpu.memory_space<semaphore_mem>>) src(%dma_wait3A_1145 : memref<256x32xf32, #tpu.memory_space<hbm>>) dst(%arg6 : memref<256x32xf32, #tpu.memory_space<vmem>>)
    %dma_start3A_1146 = arith.constant 0 : i32
    %dma_start3A_1147 = tpu.memref_slice %arg3[%multiple_of3A_124, %dma_start3A_1146] : memref<1000000x32xf32, #tpu.memory_space<hbm>> -> memref<256x32xf32, #tpu.memory_space<hbm>>
    %dma_start3A_1148 = arith.constant 0 : i32
    %dma_start3A_1149 = tpu.memref_slice %arg3[%multiple_of3A_124, %dma_start3A_1148] : memref<1000000x32xf32, #tpu.memory_space<hbm>> -> memref<256x32xf32, #tpu.memory_space<hbm>>
    tpu.enqueue_dma source(%arg6 : memref<256x32xf32, #tpu.memory_space<vmem>>) target(%dma_start3A_1149 : memref<256x32xf32, #tpu.memory_space<hbm>>) target_semaphore(%arg12 : memref<!tpu.dma_semaphore, #tpu.memory_space<semaphore_mem>>)
    %dma_wait3A_1150 = arith.constant 0 : i32
    %dma_wait3A_1151 = tpu.memref_slice %arg3[%multiple_of3A_124, %dma_wait3A_1150] : memref<1000000x32xf32, #tpu.memory_space<hbm>> -> memref<256x32xf32, #tpu.memory_space<hbm>>
    %dma_wait3A_1152 = arith.constant 0 : i32
    %dma_wait3A_1153 = tpu.memref_slice %arg3[%multiple_of3A_124, %dma_wait3A_1152] : memref<1000000x32xf32, #tpu.memory_space<hbm>> -> memref<256x32xf32, #tpu.memory_space<hbm>>
    tpu.wait_dma2 semaphore(%arg12 : memref<!tpu.dma_semaphore, #tpu.memory_space<semaphore_mem>>) src(%arg6 : memref<256x32xf32, #tpu.memory_space<vmem>>) dst(%dma_wait3A_1153 : memref<256x32xf32, #tpu.memory_space<hbm>>)
    %dma_start3A_1154 = arith.constant 0 : i32
    %dma_start3A_1155 = tpu.memref_slice %arg2[%multiple_of3A_145, %dma_start3A_1154] : memref<1000000x32xf32, #tpu.memory_space<hbm>> -> memref<256x32xf32, #tpu.memory_space<hbm>>
    %dma_start3A_1156 = arith.constant 0 : i32
    %dma_start3A_1157 = tpu.memref_slice %arg2[%multiple_of3A_145, %dma_start3A_1156] : memref<1000000x32xf32, #tpu.memory_space<hbm>> -> memref<256x32xf32, #tpu.memory_space<hbm>>
    tpu.enqueue_dma source(%dma_start3A_1157 : memref<256x32xf32, #tpu.memory_space<hbm>>) target(%arg6 : memref<256x32xf32, #tpu.memory_space<vmem>>) target_semaphore(%arg9 : memref<!tpu.dma_semaphore, #tpu.memory_space<semaphore_mem>>)
    %dma_wait3A_1158 = arith.constant 0 : i32
    %dma_wait3A_1159 = tpu.memref_slice %arg2[%multiple_of3A_131, %dma_wait3A_1158] : memref<1000000x32xf32, #tpu.memory_space<hbm>> -> memref<256x32xf32, #tpu.memory_space<hbm>>
    %dma_wait3A_1160 = arith.constant 0 : i32
    %dma_wait3A_1161 = tpu.memref_slice %arg2[%multiple_of3A_131, %dma_wait3A_1160] : memref<1000000x32xf32, #tpu.memory_space<hbm>> -> memref<256x32xf32, #tpu.memory_space<hbm>>
    tpu.wait_dma2 semaphore(%arg7 : memref<!tpu.dma_semaphore, #tpu.memory_space<semaphore_mem>>) src(%dma_wait3A_1161 : memref<256x32xf32, #tpu.memory_space<hbm>>) dst(%arg4 : memref<256x32xf32, #tpu.memory_space<vmem>>)
    %dma_start3A_1162 = arith.constant 0 : i32
    %dma_start3A_1163 = tpu.memref_slice %arg3[%multiple_of3A_131, %dma_start3A_1162] : memref<1000000x32xf32, #tpu.memory_space<hbm>> -> memref<256x32xf32, #tpu.memory_space<hbm>>
    %dma_start3A_1164 = arith.constant 0 : i32
    %dma_start3A_1165 = tpu.memref_slice %arg3[%multiple_of3A_131, %dma_start3A_1164] : memref<1000000x32xf32, #tpu.memory_space<hbm>> -> memref<256x32xf32, #tpu.memory_space<hbm>>
    tpu.enqueue_dma source(%arg4 : memref<256x32xf32, #tpu.memory_space<vmem>>) target(%dma_start3A_1165 : memref<256x32xf32, #tpu.memory_space<hbm>>) target_semaphore(%arg10 : memref<!tpu.dma_semaphore, #tpu.memory_space<semaphore_mem>>)
    %dma_wait3A_1166 = arith.constant 0 : i32
    %dma_wait3A_1167 = tpu.memref_slice %arg3[%multiple_of3A_131, %dma_wait3A_1166] : memref<1000000x32xf32, #tpu.memory_space<hbm>> -> memref<256x32xf32, #tpu.memory_space<hbm>>
    %dma_wait3A_1168 = arith.constant 0 : i32
    %dma_wait3A_1169 = tpu.memref_slice %arg3[%multiple_of3A_131, %dma_wait3A_1168] : memref<1000000x32xf32, #tpu.memory_space<hbm>> -> memref<256x32xf32, #tpu.memory_space<hbm>>
    tpu.wait_dma2 semaphore(%arg10 : memref<!tpu.dma_semaphore, #tpu.memory_space<semaphore_mem>>) src(%arg4 : memref<256x32xf32, #tpu.memory_space<vmem>>) dst(%dma_wait3A_1169 : memref<256x32xf32, #tpu.memory_space<hbm>>)
    %dma_start3A_1170 = arith.constant 0 : i32
    %dma_start3A_1171 = tpu.memref_slice %arg2[%multiple_of3A_152, %dma_start3A_1170] : memref<1000000x32xf32, #tpu.memory_space<hbm>> -> memref<256x32xf32, #tpu.memory_space<hbm>>
    %dma_start3A_1172 = arith.constant 0 : i32
    %dma_start3A_1173 = tpu.memref_slice %arg2[%multiple_of3A_152, %dma_start3A_1172] : memref<1000000x32xf32, #tpu.memory_space<hbm>> -> memref<256x32xf32, #tpu.memory_space<hbm>>
    tpu.enqueue_dma source(%dma_start3A_1173 : memref<256x32xf32, #tpu.memory_space<hbm>>) target(%arg4 : memref<256x32xf32, #tpu.memory_space<vmem>>) target_semaphore(%arg7 : memref<!tpu.dma_semaphore, #tpu.memory_space<semaphore_mem>>)
    %dma_wait3A_1174 = arith.constant 0 : i32
    %dma_wait3A_1175 = tpu.memref_slice %arg2[%multiple_of3A_138, %dma_wait3A_1174] : memref<1000000x32xf32, #tpu.memory_space<hbm>> -> memref<256x32xf32, #tpu.memory_space<hbm>>
    %dma_wait3A_1176 = arith.constant 0 : i32
    %dma_wait3A_1177 = tpu.memref_slice %arg2[%multiple_of3A_138, %dma_wait3A_1176] : memref<1000000x32xf32, #tpu.memory_space<hbm>> -> memref<256x32xf32, #tpu.memory_space<hbm>>
    tpu.wait_dma2 semaphore(%arg8 : memref<!tpu.dma_semaphore, #tpu.memory_space<semaphore_mem>>) src(%dma_wait3A_1177 : memref<256x32xf32, #tpu.memory_space<hbm>>) dst(%arg5 : memref<256x32xf32, #tpu.memory_space<vmem>>)
    %dma_start3A_1178 = arith.constant 0 : i32
    %dma_start3A_1179 = tpu.memref_slice %arg3[%multiple_of3A_138, %dma_start3A_1178] : memref<1000000x32xf32, #tpu.memory_space<hbm>> -> memref<256x32xf32, #tpu.memory_space<hbm>>
    %dma_start3A_1180 = arith.constant 0 : i32
    %dma_start3A_1181 = tpu.memref_slice %arg3[%multiple_of3A_138, %dma_start3A_1180] : memref<1000000x32xf32, #tpu.memory_space<hbm>> -> memref<256x32xf32, #tpu.memory_space<hbm>>
    tpu.enqueue_dma source(%arg5 : memref<256x32xf32, #tpu.memory_space<vmem>>) target(%dma_start3A_1181 : memref<256x32xf32, #tpu.memory_space<hbm>>) target_semaphore(%arg11 : memref<!tpu.dma_semaphore, #tpu.memory_space<semaphore_mem>>)
    %dma_wait3A_1182 = arith.constant 0 : i32
    %dma_wait3A_1183 = tpu.memref_slice %arg3[%multiple_of3A_138, %dma_wait3A_1182] : memref<1000000x32xf32, #tpu.memory_space<hbm>> -> memref<256x32xf32, #tpu.memory_space<hbm>>
    %dma_wait3A_1184 = arith.constant 0 : i32
    %dma_wait3A_1185 = tpu.memref_slice %arg3[%multiple_of3A_138, %dma_wait3A_1184] : memref<1000000x32xf32, #tpu.memory_space<hbm>> -> memref<256x32xf32, #tpu.memory_space<hbm>>
    tpu.wait_dma2 semaphore(%arg11 : memref<!tpu.dma_semaphore, #tpu.memory_space<semaphore_mem>>) src(%arg5 : memref<256x32xf32, #tpu.memory_space<vmem>>) dst(%dma_wait3A_1185 : memref<256x32xf32, #tpu.memory_space<hbm>>)
    %dma_start3A_1186 = arith.constant 0 : i32
    %dma_start3A_1187 = tpu.memref_slice %arg2[%multiple_of3A_159, %dma_start3A_1186] : memref<1000000x32xf32, #tpu.memory_space<hbm>> -> memref<256x32xf32, #tpu.memory_space<hbm>>
    %dma_start3A_1188 = arith.constant 0 : i32
    %dma_start3A_1189 = tpu.memref_slice %arg2[%multiple_of3A_159, %dma_start3A_1188] : memref<1000000x32xf32, #tpu.memory_space<hbm>> -> memref<256x32xf32, #tpu.memory_space<hbm>>
    tpu.enqueue_dma source(%dma_start3A_1189 : memref<256x32xf32, #tpu.memory_space<hbm>>) target(%arg5 : memref<256x32xf32, #tpu.memory_space<vmem>>) target_semaphore(%arg8 : memref<!tpu.dma_semaphore, #tpu.memory_space<semaphore_mem>>)
    %dma_wait3A_1190 = arith.constant 0 : i32
    %dma_wait3A_1191 = tpu.memref_slice %arg2[%multiple_of3A_145, %dma_wait3A_1190] : memref<1000000x32xf32, #tpu.memory_space<hbm>> -> memref<256x32xf32, #tpu.memory_space<hbm>>
    %dma_wait3A_1192 = arith.constant 0 : i32
    %dma_wait3A_1193 = tpu.memref_slice %arg2[%multiple_of3A_145, %dma_wait3A_1192] : memref<1000000x32xf32, #tpu.memory_space<hbm>> -> memref<256x32xf32, #tpu.memory_space<hbm>>
    tpu.wait_dma2 semaphore(%arg9 : memref<!tpu.dma_semaphore, #tpu.memory_space<semaphore_mem>>) src(%dma_wait3A_1193 : memref<256x32xf32, #tpu.memory_space<hbm>>) dst(%arg6 : memref<256x32xf32, #tpu.memory_space<vmem>>)
    %dma_start3A_1194 = arith.constant 0 : i32
    %dma_start3A_1195 = tpu.memref_slice %arg3[%multiple_of3A_145, %dma_start3A_1194] : memref<1000000x32xf32, #tpu.memory_space<hbm>> -> memref<256x32xf32, #tpu.memory_space<hbm>>
    %dma_start3A_1196 = arith.constant 0 : i32
    %dma_start3A_1197 = tpu.memref_slice %arg3[%multiple_of3A_145, %dma_start3A_1196] : memref<1000000x32xf32, #tpu.memory_space<hbm>> -> memref<256x32xf32, #tpu.memory_space<hbm>>
    tpu.enqueue_dma source(%arg6 : memref<256x32xf32, #tpu.memory_space<vmem>>) target(%dma_start3A_1197 : memref<256x32xf32, #tpu.memory_space<hbm>>) target_semaphore(%arg12 : memref<!tpu.dma_semaphore, #tpu.memory_space<semaphore_mem>>)
    %dma_wait3A_1198 = arith.constant 0 : i32
    %dma_wait3A_1199 = tpu.memref_slice %arg3[%multiple_of3A_145, %dma_wait3A_1198] : memref<1000000x32xf32, #tpu.memory_space<hbm>> -> memref<256x32xf32, #tpu.memory_space<hbm>>
    %dma_wait3A_1200 = arith.constant 0 : i32
    %dma_wait3A_1201 = tpu.memref_slice %arg3[%multiple_of3A_145, %dma_wait3A_1200] : memref<1000000x32xf32, #tpu.memory_space<hbm>> -> memref<256x32xf32, #tpu.memory_space<hbm>>
    tpu.wait_dma2 semaphore(%arg12 : memref<!tpu.dma_semaphore, #tpu.memory_space<semaphore_mem>>) src(%arg6 : memref<256x32xf32, #tpu.memory_space<vmem>>) dst(%dma_wait3A_1201 : memref<256x32xf32, #tpu.memory_space<hbm>>)
    %dma_start3A_1202 = arith.constant 0 : i32
    %dma_start3A_1203 = tpu.memref_slice %arg2[%multiple_of3A_166, %dma_start3A_1202] : memref<1000000x32xf32, #tpu.memory_space<hbm>> -> memref<256x32xf32, #tpu.memory_space<hbm>>
    %dma_start3A_1204 = arith.constant 0 : i32
    %dma_start3A_1205 = tpu.memref_slice %arg2[%multiple_of3A_166, %dma_start3A_1204] : memref<1000000x32xf32, #tpu.memory_space<hbm>> -> memref<256x32xf32, #tpu.memory_space<hbm>>
    tpu.enqueue_dma source(%dma_start3A_1205 : memref<256x32xf32, #tpu.memory_space<hbm>>) target(%arg6 : memref<256x32xf32, #tpu.memory_space<vmem>>) target_semaphore(%arg9 : memref<!tpu.dma_semaphore, #tpu.memory_space<semaphore_mem>>)
    %dma_wait3A_1206 = arith.constant 0 : i32
    %dma_wait3A_1207 = tpu.memref_slice %arg2[%multiple_of3A_152, %dma_wait3A_1206] : memref<1000000x32xf32, #tpu.memory_space<hbm>> -> memref<256x32xf32, #tpu.memory_space<hbm>>
    %dma_wait3A_1208 = arith.constant 0 : i32
    %dma_wait3A_1209 = tpu.memref_slice %arg2[%multiple_of3A_152, %dma_wait3A_1208] : memref<1000000x32xf32, #tpu.memory_space<hbm>> -> memref<256x32xf32, #tpu.memory_space<hbm>>
    tpu.wait_dma2 semaphore(%arg7 : memref<!tpu.dma_semaphore, #tpu.memory_space<semaphore_mem>>) src(%dma_wait3A_1209 : memref<256x32xf32, #tpu.memory_space<hbm>>) dst(%arg4 : memref<256x32xf32, #tpu.memory_space<vmem>>)
    %dma_start3A_1210 = arith.constant 0 : i32
    %dma_start3A_1211 = tpu.memref_slice %arg3[%multiple_of3A_152, %dma_start3A_1210] : memref<1000000x32xf32, #tpu.memory_space<hbm>> -> memref<256x32xf32, #tpu.memory_space<hbm>>
    %dma_start3A_1212 = arith.constant 0 : i32
    %dma_start3A_1213 = tpu.memref_slice %arg3[%multiple_of3A_152, %dma_start3A_1212] : memref<1000000x32xf32, #tpu.memory_space<hbm>> -> memref<256x32xf32, #tpu.memory_space<hbm>>
    tpu.enqueue_dma source(%arg4 : memref<256x32xf32, #tpu.memory_space<vmem>>) target(%dma_start3A_1213 : memref<256x32xf32, #tpu.memory_space<hbm>>) target_semaphore(%arg10 : memref<!tpu.dma_semaphore, #tpu.memory_space<semaphore_mem>>)
    %dma_wait3A_1214 = arith.constant 0 : i32
    %dma_wait3A_1215 = tpu.memref_slice %arg3[%multiple_of3A_152, %dma_wait3A_1214] : memref<1000000x32xf32, #tpu.memory_space<hbm>> -> memref<256x32xf32, #tpu.memory_space<hbm>>
    %dma_wait3A_1216 = arith.constant 0 : i32
    %dma_wait3A_1217 = tpu.memref_slice %arg3[%multiple_of3A_152, %dma_wait3A_1216] : memref<1000000x32xf32, #tpu.memory_space<hbm>> -> memref<256x32xf32, #tpu.memory_space<hbm>>
    tpu.wait_dma2 semaphore(%arg10 : memref<!tpu.dma_semaphore, #tpu.memory_space<semaphore_mem>>) src(%arg4 : memref<256x32xf32, #tpu.memory_space<vmem>>) dst(%dma_wait3A_1217 : memref<256x32xf32, #tpu.memory_space<hbm>>)
    %dma_start3A_1218 = arith.constant 0 : i32
    %dma_start3A_1219 = tpu.memref_slice %arg2[%multiple_of3A_173, %dma_start3A_1218] : memref<1000000x32xf32, #tpu.memory_space<hbm>> -> memref<256x32xf32, #tpu.memory_space<hbm>>
    %dma_start3A_1220 = arith.constant 0 : i32
    %dma_start3A_1221 = tpu.memref_slice %arg2[%multiple_of3A_173, %dma_start3A_1220] : memref<1000000x32xf32, #tpu.memory_space<hbm>> -> memref<256x32xf32, #tpu.memory_space<hbm>>
    tpu.enqueue_dma source(%dma_start3A_1221 : memref<256x32xf32, #tpu.memory_space<hbm>>) target(%arg4 : memref<256x32xf32, #tpu.memory_space<vmem>>) target_semaphore(%arg7 : memref<!tpu.dma_semaphore, #tpu.memory_space<semaphore_mem>>)
    %dma_wait3A_1222 = arith.constant 0 : i32
    %dma_wait3A_1223 = tpu.memref_slice %arg2[%multiple_of3A_159, %dma_wait3A_1222] : memref<1000000x32xf32, #tpu.memory_space<hbm>> -> memref<256x32xf32, #tpu.memory_space<hbm>>
    %dma_wait3A_1224 = arith.constant 0 : i32
    %dma_wait3A_1225 = tpu.memref_slice %arg2[%multiple_of3A_159, %dma_wait3A_1224] : memref<1000000x32xf32, #tpu.memory_space<hbm>> -> memref<256x32xf32, #tpu.memory_space<hbm>>
    tpu.wait_dma2 semaphore(%arg8 : memref<!tpu.dma_semaphore, #tpu.memory_space<semaphore_mem>>) src(%dma_wait3A_1225 : memref<256x32xf32, #tpu.memory_space<hbm>>) dst(%arg5 : memref<256x32xf32, #tpu.memory_space<vmem>>)
    %dma_start3A_1226 = arith.constant 0 : i32
    %dma_start3A_1227 = tpu.memref_slice %arg3[%multiple_of3A_159, %dma_start3A_1226] : memref<1000000x32xf32, #tpu.memory_space<hbm>> -> memref<256x32xf32, #tpu.memory_space<hbm>>
    %dma_start3A_1228 = arith.constant 0 : i32
    %dma_start3A_1229 = tpu.memref_slice %arg3[%multiple_of3A_159, %dma_start3A_1228] : memref<1000000x32xf32, #tpu.memory_space<hbm>> -> memref<256x32xf32, #tpu.memory_space<hbm>>
    tpu.enqueue_dma source(%arg5 : memref<256x32xf32, #tpu.memory_space<vmem>>) target(%dma_start3A_1229 : memref<256x32xf32, #tpu.memory_space<hbm>>) target_semaphore(%arg11 : memref<!tpu.dma_semaphore, #tpu.memory_space<semaphore_mem>>)
    %dma_wait3A_1230 = arith.constant 0 : i32
    %dma_wait3A_1231 = tpu.memref_slice %arg3[%multiple_of3A_159, %dma_wait3A_1230] : memref<1000000x32xf32, #tpu.memory_space<hbm>> -> memref<256x32xf32, #tpu.memory_space<hbm>>
    %dma_wait3A_1232 = arith.constant 0 : i32
    %dma_wait3A_1233 = tpu.memref_slice %arg3[%multiple_of3A_159, %dma_wait3A_1232] : memref<1000000x32xf32, #tpu.memory_space<hbm>> -> memref<256x32xf32, #tpu.memory_space<hbm>>
    tpu.wait_dma2 semaphore(%arg11 : memref<!tpu.dma_semaphore, #tpu.memory_space<semaphore_mem>>) src(%arg5 : memref<256x32xf32, #tpu.memory_space<vmem>>) dst(%dma_wait3A_1233 : memref<256x32xf32, #tpu.memory_space<hbm>>)
    %dma_start3A_1234 = arith.constant 0 : i32
    %dma_start3A_1235 = tpu.memref_slice %arg2[%multiple_of3A_180, %dma_start3A_1234] : memref<1000000x32xf32, #tpu.memory_space<hbm>> -> memref<256x32xf32, #tpu.memory_space<hbm>>
    %dma_start3A_1236 = arith.constant 0 : i32
    %dma_start3A_1237 = tpu.memref_slice %arg2[%multiple_of3A_180, %dma_start3A_1236] : memref<1000000x32xf32, #tpu.memory_space<hbm>> -> memref<256x32xf32, #tpu.memory_space<hbm>>
    tpu.enqueue_dma source(%dma_start3A_1237 : memref<256x32xf32, #tpu.memory_space<hbm>>) target(%arg5 : memref<256x32xf32, #tpu.memory_space<vmem>>) target_semaphore(%arg8 : memref<!tpu.dma_semaphore, #tpu.memory_space<semaphore_mem>>)
    %dma_wait3A_1238 = arith.constant 0 : i32
    %dma_wait3A_1239 = tpu.memref_slice %arg2[%multiple_of3A_166, %dma_wait3A_1238] : memref<1000000x32xf32, #tpu.memory_space<hbm>> -> memref<256x32xf32, #tpu.memory_space<hbm>>
    %dma_wait3A_1240 = arith.constant 0 : i32
    %dma_wait3A_1241 = tpu.memref_slice %arg2[%multiple_of3A_166, %dma_wait3A_1240] : memref<1000000x32xf32, #tpu.memory_space<hbm>> -> memref<256x32xf32, #tpu.memory_space<hbm>>
    tpu.wait_dma2 semaphore(%arg9 : memref<!tpu.dma_semaphore, #tpu.memory_space<semaphore_mem>>) src(%dma_wait3A_1241 : memref<256x32xf32, #tpu.memory_space<hbm>>) dst(%arg6 : memref<256x32xf32, #tpu.memory_space<vmem>>)
    %dma_start3A_1242 = arith.constant 0 : i32
    %dma_start3A_1243 = tpu.memref_slice %arg3[%multiple_of3A_166, %dma_start3A_1242] : memref<1000000x32xf32, #tpu.memory_space<hbm>> -> memref<256x32xf32, #tpu.memory_space<hbm>>
    %dma_start3A_1244 = arith.constant 0 : i32
    %dma_start3A_1245 = tpu.memref_slice %arg3[%multiple_of3A_166, %dma_start3A_1244] : memref<1000000x32xf32, #tpu.memory_space<hbm>> -> memref<256x32xf32, #tpu.memory_space<hbm>>
    tpu.enqueue_dma source(%arg6 : memref<256x32xf32, #tpu.memory_space<vmem>>) target(%dma_start3A_1245 : memref<256x32xf32, #tpu.memory_space<hbm>>) target_semaphore(%arg12 : memref<!tpu.dma_semaphore, #tpu.memory_space<semaphore_mem>>)
    %dma_wait3A_1246 = arith.constant 0 : i32
    %dma_wait3A_1247 = tpu.memref_slice %arg3[%multiple_of3A_166, %dma_wait3A_1246] : memref<1000000x32xf32, #tpu.memory_space<hbm>> -> memref<256x32xf32, #tpu.memory_space<hbm>>
    %dma_wait3A_1248 = arith.constant 0 : i32
    %dma_wait3A_1249 = tpu.memref_slice %arg3[%multiple_of3A_166, %dma_wait3A_1248] : memref<1000000x32xf32, #tpu.memory_space<hbm>> -> memref<256x32xf32, #tpu.memory_space<hbm>>
    tpu.wait_dma2 semaphore(%arg12 : memref<!tpu.dma_semaphore, #tpu.memory_space<semaphore_mem>>) src(%arg6 : memref<256x32xf32, #tpu.memory_space<vmem>>) dst(%dma_wait3A_1249 : memref<256x32xf32, #tpu.memory_space<hbm>>)
    %dma_start3A_1250 = arith.constant 0 : i32
    %dma_start3A_1251 = tpu.memref_slice %arg2[%multiple_of3A_187, %dma_start3A_1250] : memref<1000000x32xf32, #tpu.memory_space<hbm>> -> memref<256x32xf32, #tpu.memory_space<hbm>>
    %dma_start3A_1252 = arith.constant 0 : i32
    %dma_start3A_1253 = tpu.memref_slice %arg2[%multiple_of3A_187, %dma_start3A_1252] : memref<1000000x32xf32, #tpu.memory_space<hbm>> -> memref<256x32xf32, #tpu.memory_space<hbm>>
    tpu.enqueue_dma source(%dma_start3A_1253 : memref<256x32xf32, #tpu.memory_space<hbm>>) target(%arg6 : memref<256x32xf32, #tpu.memory_space<vmem>>) target_semaphore(%arg9 : memref<!tpu.dma_semaphore, #tpu.memory_space<semaphore_mem>>)
    %dma_wait3A_1254 = arith.constant 0 : i32
    %dma_wait3A_1255 = tpu.memref_slice %arg2[%multiple_of3A_173, %dma_wait3A_1254] : memref<1000000x32xf32, #tpu.memory_space<hbm>> -> memref<256x32xf32, #tpu.memory_space<hbm>>
    %dma_wait3A_1256 = arith.constant 0 : i32
    %dma_wait3A_1257 = tpu.memref_slice %arg2[%multiple_of3A_173, %dma_wait3A_1256] : memref<1000000x32xf32, #tpu.memory_space<hbm>> -> memref<256x32xf32, #tpu.memory_space<hbm>>
    tpu.wait_dma2 semaphore(%arg7 : memref<!tpu.dma_semaphore, #tpu.memory_space<semaphore_mem>>) src(%dma_wait3A_1257 : memref<256x32xf32, #tpu.memory_space<hbm>>) dst(%arg4 : memref<256x32xf32, #tpu.memory_space<vmem>>)
    %dma_start3A_1258 = arith.constant 0 : i32
    %dma_start3A_1259 = tpu.memref_slice %arg3[%multiple_of3A_173, %dma_start3A_1258] : memref<1000000x32xf32, #tpu.memory_space<hbm>> -> memref<256x32xf32, #tpu.memory_space<hbm>>
    %dma_start3A_1260 = arith.constant 0 : i32
    %dma_start3A_1261 = tpu.memref_slice %arg3[%multiple_of3A_173, %dma_start3A_1260] : memref<1000000x32xf32, #tpu.memory_space<hbm>> -> memref<256x32xf32, #tpu.memory_space<hbm>>
    tpu.enqueue_dma source(%arg4 : memref<256x32xf32, #tpu.memory_space<vmem>>) target(%dma_start3A_1261 : memref<256x32xf32, #tpu.memory_space<hbm>>) target_semaphore(%arg10 : memref<!tpu.dma_semaphore, #tpu.memory_space<semaphore_mem>>)
    %dma_wait3A_1262 = arith.constant 0 : i32
    %dma_wait3A_1263 = tpu.memref_slice %arg3[%multiple_of3A_173, %dma_wait3A_1262] : memref<1000000x32xf32, #tpu.memory_space<hbm>> -> memref<256x32xf32, #tpu.memory_space<hbm>>
    %dma_wait3A_1264 = arith.constant 0 : i32
    %dma_wait3A_1265 = tpu.memref_slice %arg3[%multiple_of3A_173, %dma_wait3A_1264] : memref<1000000x32xf32, #tpu.memory_space<hbm>> -> memref<256x32xf32, #tpu.memory_space<hbm>>
    tpu.wait_dma2 semaphore(%arg10 : memref<!tpu.dma_semaphore, #tpu.memory_space<semaphore_mem>>) src(%arg4 : memref<256x32xf32, #tpu.memory_space<vmem>>) dst(%dma_wait3A_1265 : memref<256x32xf32, #tpu.memory_space<hbm>>)
    %dma_start3A_1266 = arith.constant 0 : i32
    %dma_start3A_1267 = tpu.memref_slice %arg2[%multiple_of3A_194, %dma_start3A_1266] : memref<1000000x32xf32, #tpu.memory_space<hbm>> -> memref<256x32xf32, #tpu.memory_space<hbm>>
    %dma_start3A_1268 = arith.constant 0 : i32
    %dma_start3A_1269 = tpu.memref_slice %arg2[%multiple_of3A_194, %dma_start3A_1268] : memref<1000000x32xf32, #tpu.memory_space<hbm>> -> memref<256x32xf32, #tpu.memory_space<hbm>>
    tpu.enqueue_dma source(%dma_start3A_1269 : memref<256x32xf32, #tpu.memory_space<hbm>>) target(%arg4 : memref<256x32xf32, #tpu.memory_space<vmem>>) target_semaphore(%arg7 : memref<!tpu.dma_semaphore, #tpu.memory_space<semaphore_mem>>)
    %dma_wait3A_1270 = arith.constant 0 : i32
    %dma_wait3A_1271 = tpu.memref_slice %arg2[%multiple_of3A_180, %dma_wait3A_1270] : memref<1000000x32xf32, #tpu.memory_space<hbm>> -> memref<256x32xf32, #tpu.memory_space<hbm>>
    %dma_wait3A_1272 = arith.constant 0 : i32
    %dma_wait3A_1273 = tpu.memref_slice %arg2[%multiple_of3A_180, %dma_wait3A_1272] : memref<1000000x32xf32, #tpu.memory_space<hbm>> -> memref<256x32xf32, #tpu.memory_space<hbm>>
    tpu.wait_dma2 semaphore(%arg8 : memref<!tpu.dma_semaphore, #tpu.memory_space<semaphore_mem>>) src(%dma_wait3A_1273 : memref<256x32xf32, #tpu.memory_space<hbm>>) dst(%arg5 : memref<256x32xf32, #tpu.memory_space<vmem>>)
    %dma_start3A_1274 = arith.constant 0 : i32
    %dma_start3A_1275 = tpu.memref_slice %arg3[%multiple_of3A_180, %dma_start3A_1274] : memref<1000000x32xf32, #tpu.memory_space<hbm>> -> memref<256x32xf32, #tpu.memory_space<hbm>>
    %dma_start3A_1276 = arith.constant 0 : i32
    %dma_start3A_1277 = tpu.memref_slice %arg3[%multiple_of3A_180, %dma_start3A_1276] : memref<1000000x32xf32, #tpu.memory_space<hbm>> -> memref<256x32xf32, #tpu.memory_space<hbm>>
    tpu.enqueue_dma source(%arg5 : memref<256x32xf32, #tpu.memory_space<vmem>>) target(%dma_start3A_1277 : memref<256x32xf32, #tpu.memory_space<hbm>>) target_semaphore(%arg11 : memref<!tpu.dma_semaphore, #tpu.memory_space<semaphore_mem>>)
    %dma_wait3A_1278 = arith.constant 0 : i32
    %dma_wait3A_1279 = tpu.memref_slice %arg3[%multiple_of3A_180, %dma_wait3A_1278] : memref<1000000x32xf32, #tpu.memory_space<hbm>> -> memref<256x32xf32, #tpu.memory_space<hbm>>
    %dma_wait3A_1280 = arith.constant 0 : i32
    %dma_wait3A_1281 = tpu.memref_slice %arg3[%multiple_of3A_180, %dma_wait3A_1280] : memref<1000000x32xf32, #tpu.memory_space<hbm>> -> memref<256x32xf32, #tpu.memory_space<hbm>>
    tpu.wait_dma2 semaphore(%arg11 : memref<!tpu.dma_semaphore, #tpu.memory_space<semaphore_mem>>) src(%arg5 : memref<256x32xf32, #tpu.memory_space<vmem>>) dst(%dma_wait3A_1281 : memref<256x32xf32, #tpu.memory_space<hbm>>)
    %dma_start3A_1282 = arith.constant 0 : i32
    %dma_start3A_1283 = tpu.memref_slice %arg2[%multiple_of3A_201, %dma_start3A_1282] : memref<1000000x32xf32, #tpu.memory_space<hbm>> -> memref<256x32xf32, #tpu.memory_space<hbm>>
    %dma_start3A_1284 = arith.constant 0 : i32
    %dma_start3A_1285 = tpu.memref_slice %arg2[%multiple_of3A_201, %dma_start3A_1284] : memref<1000000x32xf32, #tpu.memory_space<hbm>> -> memref<256x32xf32, #tpu.memory_space<hbm>>
    tpu.enqueue_dma source(%dma_start3A_1285 : memref<256x32xf32, #tpu.memory_space<hbm>>) target(%arg5 : memref<256x32xf32, #tpu.memory_space<vmem>>) target_semaphore(%arg8 : memref<!tpu.dma_semaphore, #tpu.memory_space<semaphore_mem>>)
    %dma_wait3A_1286 = arith.constant 0 : i32
    %dma_wait3A_1287 = tpu.memref_slice %arg2[%multiple_of3A_187, %dma_wait3A_1286] : memref<1000000x32xf32, #tpu.memory_space<hbm>> -> memref<256x32xf32, #tpu.memory_space<hbm>>
    %dma_wait3A_1288 = arith.constant 0 : i32
    %dma_wait3A_1289 = tpu.memref_slice %arg2[%multiple_of3A_187, %dma_wait3A_1288] : memref<1000000x32xf32, #tpu.memory_space<hbm>> -> memref<256x32xf32, #tpu.memory_space<hbm>>
    tpu.wait_dma2 semaphore(%arg9 : memref<!tpu.dma_semaphore, #tpu.memory_space<semaphore_mem>>) src(%dma_wait3A_1289 : memref<256x32xf32, #tpu.memory_space<hbm>>) dst(%arg6 : memref<256x32xf32, #tpu.memory_space<vmem>>)
    %dma_start3A_1290 = arith.constant 0 : i32
    %dma_start3A_1291 = tpu.memref_slice %arg3[%multiple_of3A_187, %dma_start3A_1290] : memref<1000000x32xf32, #tpu.memory_space<hbm>> -> memref<256x32xf32, #tpu.memory_space<hbm>>
    %dma_start3A_1292 = arith.constant 0 : i32
    %dma_start3A_1293 = tpu.memref_slice %arg3[%multiple_of3A_187, %dma_start3A_1292] : memref<1000000x32xf32, #tpu.memory_space<hbm>> -> memref<256x32xf32, #tpu.memory_space<hbm>>
    tpu.enqueue_dma source(%arg6 : memref<256x32xf32, #tpu.memory_space<vmem>>) target(%dma_start3A_1293 : memref<256x32xf32, #tpu.memory_space<hbm>>) target_semaphore(%arg12 : memref<!tpu.dma_semaphore, #tpu.memory_space<semaphore_mem>>)
    %dma_wait3A_1294 = arith.constant 0 : i32
    %dma_wait3A_1295 = tpu.memref_slice %arg3[%multiple_of3A_187, %dma_wait3A_1294] : memref<1000000x32xf32, #tpu.memory_space<hbm>> -> memref<256x32xf32, #tpu.memory_space<hbm>>
    %dma_wait3A_1296 = arith.constant 0 : i32
    %dma_wait3A_1297 = tpu.memref_slice %arg3[%multiple_of3A_187, %dma_wait3A_1296] : memref<1000000x32xf32, #tpu.memory_space<hbm>> -> memref<256x32xf32, #tpu.memory_space<hbm>>
    tpu.wait_dma2 semaphore(%arg12 : memref<!tpu.dma_semaphore, #tpu.memory_space<semaphore_mem>>) src(%arg6 : memref<256x32xf32, #tpu.memory_space<vmem>>) dst(%dma_wait3A_1297 : memref<256x32xf32, #tpu.memory_space<hbm>>)
    %dma_start3A_1298 = arith.constant 0 : i32
    %dma_start3A_1299 = tpu.memref_slice %arg2[%multiple_of3A_208, %dma_start3A_1298] : memref<1000000x32xf32, #tpu.memory_space<hbm>> -> memref<256x32xf32, #tpu.memory_space<hbm>>
    %dma_start3A_1300 = arith.constant 0 : i32
    %dma_start3A_1301 = tpu.memref_slice %arg2[%multiple_of3A_208, %dma_start3A_1300] : memref<1000000x32xf32, #tpu.memory_space<hbm>> -> memref<256x32xf32, #tpu.memory_space<hbm>>
    tpu.enqueue_dma source(%dma_start3A_1301 : memref<256x32xf32, #tpu.memory_space<hbm>>) target(%arg6 : memref<256x32xf32, #tpu.memory_space<vmem>>) target_semaphore(%arg9 : memref<!tpu.dma_semaphore, #tpu.memory_space<semaphore_mem>>)
    %dma_wait3A_1302 = arith.constant 0 : i32
    %dma_wait3A_1303 = tpu.memref_slice %arg2[%multiple_of3A_194, %dma_wait3A_1302] : memref<1000000x32xf32, #tpu.memory_space<hbm>> -> memref<256x32xf32, #tpu.memory_space<hbm>>
    %dma_wait3A_1304 = arith.constant 0 : i32
    %dma_wait3A_1305 = tpu.memref_slice %arg2[%multiple_of3A_194, %dma_wait3A_1304] : memref<1000000x32xf32, #tpu.memory_space<hbm>> -> memref<256x32xf32, #tpu.memory_space<hbm>>
    tpu.wait_dma2 semaphore(%arg7 : memref<!tpu.dma_semaphore, #tpu.memory_space<semaphore_mem>>) src(%dma_wait3A_1305 : memref<256x32xf32, #tpu.memory_space<hbm>>) dst(%arg4 : memref<256x32xf32, #tpu.memory_space<vmem>>)
    %dma_start3A_1306 = arith.constant 0 : i32
    %dma_start3A_1307 = tpu.memref_slice %arg3[%multiple_of3A_194, %dma_start3A_1306] : memref<1000000x32xf32, #tpu.memory_space<hbm>> -> memref<256x32xf32, #tpu.memory_space<hbm>>
    %dma_start3A_1308 = arith.constant 0 : i32
    %dma_start3A_1309 = tpu.memref_slice %arg3[%multiple_of3A_194, %dma_start3A_1308] : memref<1000000x32xf32, #tpu.memory_space<hbm>> -> memref<256x32xf32, #tpu.memory_space<hbm>>
    tpu.enqueue_dma source(%arg4 : memref<256x32xf32, #tpu.memory_space<vmem>>) target(%dma_start3A_1309 : memref<256x32xf32, #tpu.memory_space<hbm>>) target_semaphore(%arg10 : memref<!tpu.dma_semaphore, #tpu.memory_space<semaphore_mem>>)
    %dma_wait3A_1310 = arith.constant 0 : i32
    %dma_wait3A_1311 = tpu.memref_slice %arg3[%multiple_of3A_194, %dma_wait3A_1310] : memref<1000000x32xf32, #tpu.memory_space<hbm>> -> memref<256x32xf32, #tpu.memory_space<hbm>>
    %dma_wait3A_1312 = arith.constant 0 : i32
    %dma_wait3A_1313 = tpu.memref_slice %arg3[%multiple_of3A_194, %dma_wait3A_1312] : memref<1000000x32xf32, #tpu.memory_space<hbm>> -> memref<256x32xf32, #tpu.memory_space<hbm>>
    tpu.wait_dma2 semaphore(%arg10 : memref<!tpu.dma_semaphore, #tpu.memory_space<semaphore_mem>>) src(%arg4 : memref<256x32xf32, #tpu.memory_space<vmem>>) dst(%dma_wait3A_1313 : memref<256x32xf32, #tpu.memory_space<hbm>>)
    %dma_start3A_1314 = arith.constant 0 : i32
    %dma_start3A_1315 = tpu.memref_slice %arg2[%multiple_of3A_215, %dma_start3A_1314] : memref<1000000x32xf32, #tpu.memory_space<hbm>> -> memref<256x32xf32, #tpu.memory_space<hbm>>
    %dma_start3A_1316 = arith.constant 0 : i32
    %dma_start3A_1317 = tpu.memref_slice %arg2[%multiple_of3A_215, %dma_start3A_1316] : memref<1000000x32xf32, #tpu.memory_space<hbm>> -> memref<256x32xf32, #tpu.memory_space<hbm>>
    tpu.enqueue_dma source(%dma_start3A_1317 : memref<256x32xf32, #tpu.memory_space<hbm>>) target(%arg4 : memref<256x32xf32, #tpu.memory_space<vmem>>) target_semaphore(%arg7 : memref<!tpu.dma_semaphore, #tpu.memory_space<semaphore_mem>>)
    %dma_wait3A_1318 = arith.constant 0 : i32
    %dma_wait3A_1319 = tpu.memref_slice %arg2[%multiple_of3A_201, %dma_wait3A_1318] : memref<1000000x32xf32, #tpu.memory_space<hbm>> -> memref<256x32xf32, #tpu.memory_space<hbm>>
    %dma_wait3A_1320 = arith.constant 0 : i32
    %dma_wait3A_1321 = tpu.memref_slice %arg2[%multiple_of3A_201, %dma_wait3A_1320] : memref<1000000x32xf32, #tpu.memory_space<hbm>> -> memref<256x32xf32, #tpu.memory_space<hbm>>
    tpu.wait_dma2 semaphore(%arg8 : memref<!tpu.dma_semaphore, #tpu.memory_space<semaphore_mem>>) src(%dma_wait3A_1321 : memref<256x32xf32, #tpu.memory_space<hbm>>) dst(%arg5 : memref<256x32xf32, #tpu.memory_space<vmem>>)
    %dma_start3A_1322 = arith.constant 0 : i32
    %dma_start3A_1323 = tpu.memref_slice %arg3[%multiple_of3A_201, %dma_start3A_1322] : memref<1000000x32xf32, #tpu.memory_space<hbm>> -> memref<256x32xf32, #tpu.memory_space<hbm>>
    %dma_start3A_1324 = arith.constant 0 : i32
    %dma_start3A_1325 = tpu.memref_slice %arg3[%multiple_of3A_201, %dma_start3A_1324] : memref<1000000x32xf32, #tpu.memory_space<hbm>> -> memref<256x32xf32, #tpu.memory_space<hbm>>
    tpu.enqueue_dma source(%arg5 : memref<256x32xf32, #tpu.memory_space<vmem>>) target(%dma_start3A_1325 : memref<256x32xf32, #tpu.memory_space<hbm>>) target_semaphore(%arg11 : memref<!tpu.dma_semaphore, #tpu.memory_space<semaphore_mem>>)
    %dma_wait3A_1326 = arith.constant 0 : i32
    %dma_wait3A_1327 = tpu.memref_slice %arg3[%multiple_of3A_201, %dma_wait3A_1326] : memref<1000000x32xf32, #tpu.memory_space<hbm>> -> memref<256x32xf32, #tpu.memory_space<hbm>>
    %dma_wait3A_1328 = arith.constant 0 : i32
    %dma_wait3A_1329 = tpu.memref_slice %arg3[%multiple_of3A_201, %dma_wait3A_1328] : memref<1000000x32xf32, #tpu.memory_space<hbm>> -> memref<256x32xf32, #tpu.memory_space<hbm>>
    tpu.wait_dma2 semaphore(%arg11 : memref<!tpu.dma_semaphore, #tpu.memory_space<semaphore_mem>>) src(%arg5 : memref<256x32xf32, #tpu.memory_space<vmem>>) dst(%dma_wait3A_1329 : memref<256x32xf32, #tpu.memory_space<hbm>>)
    %dma_start3A_1330 = arith.constant 0 : i32
    %dma_start3A_1331 = tpu.memref_slice %arg2[%multiple_of3A_222, %dma_start3A_1330] : memref<1000000x32xf32, #tpu.memory_space<hbm>> -> memref<256x32xf32, #tpu.memory_space<hbm>>
    %dma_start3A_1332 = arith.constant 0 : i32
    %dma_start3A_1333 = tpu.memref_slice %arg2[%multiple_of3A_222, %dma_start3A_1332] : memref<1000000x32xf32, #tpu.memory_space<hbm>> -> memref<256x32xf32, #tpu.memory_space<hbm>>
    tpu.enqueue_dma source(%dma_start3A_1333 : memref<256x32xf32, #tpu.memory_space<hbm>>) target(%arg5 : memref<256x32xf32, #tpu.memory_space<vmem>>) target_semaphore(%arg8 : memref<!tpu.dma_semaphore, #tpu.memory_space<semaphore_mem>>)
    %dma_wait3A_1334 = arith.constant 0 : i32
    %dma_wait3A_1335 = tpu.memref_slice %arg2[%multiple_of3A_208, %dma_wait3A_1334] : memref<1000000x32xf32, #tpu.memory_space<hbm>> -> memref<256x32xf32, #tpu.memory_space<hbm>>
    %dma_wait3A_1336 = arith.constant 0 : i32
    %dma_wait3A_1337 = tpu.memref_slice %arg2[%multiple_of3A_208, %dma_wait3A_1336] : memref<1000000x32xf32, #tpu.memory_space<hbm>> -> memref<256x32xf32, #tpu.memory_space<hbm>>
    tpu.wait_dma2 semaphore(%arg9 : memref<!tpu.dma_semaphore, #tpu.memory_space<semaphore_mem>>) src(%dma_wait3A_1337 : memref<256x32xf32, #tpu.memory_space<hbm>>) dst(%arg6 : memref<256x32xf32, #tpu.memory_space<vmem>>)
    %dma_start3A_1338 = arith.constant 0 : i32
    %dma_start3A_1339 = tpu.memref_slice %arg3[%multiple_of3A_208, %dma_start3A_1338] : memref<1000000x32xf32, #tpu.memory_space<hbm>> -> memref<256x32xf32, #tpu.memory_space<hbm>>
    %dma_start3A_1340 = arith.constant 0 : i32
    %dma_start3A_1341 = tpu.memref_slice %arg3[%multiple_of3A_208, %dma_start3A_1340] : memref<1000000x32xf32, #tpu.memory_space<hbm>> -> memref<256x32xf32, #tpu.memory_space<hbm>>
    tpu.enqueue_dma source(%arg6 : memref<256x32xf32, #tpu.memory_space<vmem>>) target(%dma_start3A_1341 : memref<256x32xf32, #tpu.memory_space<hbm>>) target_semaphore(%arg12 : memref<!tpu.dma_semaphore, #tpu.memory_space<semaphore_mem>>)
    %dma_wait3A_1342 = arith.constant 0 : i32
    %dma_wait3A_1343 = tpu.memref_slice %arg3[%multiple_of3A_208, %dma_wait3A_1342] : memref<1000000x32xf32, #tpu.memory_space<hbm>> -> memref<256x32xf32, #tpu.memory_space<hbm>>
    %dma_wait3A_1344 = arith.constant 0 : i32
    %dma_wait3A_1345 = tpu.memref_slice %arg3[%multiple_of3A_208, %dma_wait3A_1344] : memref<1000000x32xf32, #tpu.memory_space<hbm>> -> memref<256x32xf32, #tpu.memory_space<hbm>>
    tpu.wait_dma2 semaphore(%arg12 : memref<!tpu.dma_semaphore, #tpu.memory_space<semaphore_mem>>) src(%arg6 : memref<256x32xf32, #tpu.memory_space<vmem>>) dst(%dma_wait3A_1345 : memref<256x32xf32, #tpu.memory_space<hbm>>)
    %dma_start3A_1346 = arith.constant 0 : i32
    %dma_start3A_1347 = tpu.memref_slice %arg2[%multiple_of3A_229, %dma_start3A_1346] : memref<1000000x32xf32, #tpu.memory_space<hbm>> -> memref<256x32xf32, #tpu.memory_space<hbm>>
    %dma_start3A_1348 = arith.constant 0 : i32
    %dma_start3A_1349 = tpu.memref_slice %arg2[%multiple_of3A_229, %dma_start3A_1348] : memref<1000000x32xf32, #tpu.memory_space<hbm>> -> memref<256x32xf32, #tpu.memory_space<hbm>>
    tpu.enqueue_dma source(%dma_start3A_1349 : memref<256x32xf32, #tpu.memory_space<hbm>>) target(%arg6 : memref<256x32xf32, #tpu.memory_space<vmem>>) target_semaphore(%arg9 : memref<!tpu.dma_semaphore, #tpu.memory_space<semaphore_mem>>)
    %dma_wait3A_1350 = arith.constant 0 : i32
    %dma_wait3A_1351 = tpu.memref_slice %arg2[%multiple_of3A_215, %dma_wait3A_1350] : memref<1000000x32xf32, #tpu.memory_space<hbm>> -> memref<256x32xf32, #tpu.memory_space<hbm>>
    %dma_wait3A_1352 = arith.constant 0 : i32
    %dma_wait3A_1353 = tpu.memref_slice %arg2[%multiple_of3A_215, %dma_wait3A_1352] : memref<1000000x32xf32, #tpu.memory_space<hbm>> -> memref<256x32xf32, #tpu.memory_space<hbm>>
    tpu.wait_dma2 semaphore(%arg7 : memref<!tpu.dma_semaphore, #tpu.memory_space<semaphore_mem>>) src(%dma_wait3A_1353 : memref<256x32xf32, #tpu.memory_space<hbm>>) dst(%arg4 : memref<256x32xf32, #tpu.memory_space<vmem>>)
    %dma_start3A_1354 = arith.constant 0 : i32
    %dma_start3A_1355 = tpu.memref_slice %arg3[%multiple_of3A_215, %dma_start3A_1354] : memref<1000000x32xf32, #tpu.memory_space<hbm>> -> memref<256x32xf32, #tpu.memory_space<hbm>>
    %dma_start3A_1356 = arith.constant 0 : i32
    %dma_start3A_1357 = tpu.memref_slice %arg3[%multiple_of3A_215, %dma_start3A_1356] : memref<1000000x32xf32, #tpu.memory_space<hbm>> -> memref<256x32xf32, #tpu.memory_space<hbm>>
    tpu.enqueue_dma source(%arg4 : memref<256x32xf32, #tpu.memory_space<vmem>>) target(%dma_start3A_1357 : memref<256x32xf32, #tpu.memory_space<hbm>>) target_semaphore(%arg10 : memref<!tpu.dma_semaphore, #tpu.memory_space<semaphore_mem>>)
    %dma_wait3A_1358 = arith.constant 0 : i32
    %dma_wait3A_1359 = tpu.memref_slice %arg3[%multiple_of3A_215, %dma_wait3A_1358] : memref<1000000x32xf32, #tpu.memory_space<hbm>> -> memref<256x32xf32, #tpu.memory_space<hbm>>
    %dma_wait3A_1360 = arith.constant 0 : i32
    %dma_wait3A_1361 = tpu.memref_slice %arg3[%multiple_of3A_215, %dma_wait3A_1360] : memref<1000000x32xf32, #tpu.memory_space<hbm>> -> memref<256x32xf32, #tpu.memory_space<hbm>>
    tpu.wait_dma2 semaphore(%arg10 : memref<!tpu.dma_semaphore, #tpu.memory_space<semaphore_mem>>) src(%arg4 : memref<256x32xf32, #tpu.memory_space<vmem>>) dst(%dma_wait3A_1361 : memref<256x32xf32, #tpu.memory_space<hbm>>)
    %dma_start3A_1362 = arith.constant 0 : i32
    %dma_start3A_1363 = tpu.memref_slice %arg2[%multiple_of3A_236, %dma_start3A_1362] : memref<1000000x32xf32, #tpu.memory_space<hbm>> -> memref<256x32xf32, #tpu.memory_space<hbm>>
    %dma_start3A_1364 = arith.constant 0 : i32
    %dma_start3A_1365 = tpu.memref_slice %arg2[%multiple_of3A_236, %dma_start3A_1364] : memref<1000000x32xf32, #tpu.memory_space<hbm>> -> memref<256x32xf32, #tpu.memory_space<hbm>>
    tpu.enqueue_dma source(%dma_start3A_1365 : memref<256x32xf32, #tpu.memory_space<hbm>>) target(%arg4 : memref<256x32xf32, #tpu.memory_space<vmem>>) target_semaphore(%arg7 : memref<!tpu.dma_semaphore, #tpu.memory_space<semaphore_mem>>)
    %dma_wait3A_1366 = arith.constant 0 : i32
    %dma_wait3A_1367 = tpu.memref_slice %arg2[%multiple_of3A_222, %dma_wait3A_1366] : memref<1000000x32xf32, #tpu.memory_space<hbm>> -> memref<256x32xf32, #tpu.memory_space<hbm>>
    %dma_wait3A_1368 = arith.constant 0 : i32
    %dma_wait3A_1369 = tpu.memref_slice %arg2[%multiple_of3A_222, %dma_wait3A_1368] : memref<1000000x32xf32, #tpu.memory_space<hbm>> -> memref<256x32xf32, #tpu.memory_space<hbm>>
    tpu.wait_dma2 semaphore(%arg8 : memref<!tpu.dma_semaphore, #tpu.memory_space<semaphore_mem>>) src(%dma_wait3A_1369 : memref<256x32xf32, #tpu.memory_space<hbm>>) dst(%arg5 : memref<256x32xf32, #tpu.memory_space<vmem>>)
    %dma_start3A_1370 = arith.constant 0 : i32
    %dma_start3A_1371 = tpu.memref_slice %arg3[%multiple_of3A_222, %dma_start3A_1370] : memref<1000000x32xf32, #tpu.memory_space<hbm>> -> memref<256x32xf32, #tpu.memory_space<hbm>>
    %dma_start3A_1372 = arith.constant 0 : i32
    %dma_start3A_1373 = tpu.memref_slice %arg3[%multiple_of3A_222, %dma_start3A_1372] : memref<1000000x32xf32, #tpu.memory_space<hbm>> -> memref<256x32xf32, #tpu.memory_space<hbm>>
    tpu.enqueue_dma source(%arg5 : memref<256x32xf32, #tpu.memory_space<vmem>>) target(%dma_start3A_1373 : memref<256x32xf32, #tpu.memory_space<hbm>>) target_semaphore(%arg11 : memref<!tpu.dma_semaphore, #tpu.memory_space<semaphore_mem>>)
    %dma_wait3A_1374 = arith.constant 0 : i32
    %dma_wait3A_1375 = tpu.memref_slice %arg3[%multiple_of3A_222, %dma_wait3A_1374] : memref<1000000x32xf32, #tpu.memory_space<hbm>> -> memref<256x32xf32, #tpu.memory_space<hbm>>
    %dma_wait3A_1376 = arith.constant 0 : i32
    %dma_wait3A_1377 = tpu.memref_slice %arg3[%multiple_of3A_222, %dma_wait3A_1376] : memref<1000000x32xf32, #tpu.memory_space<hbm>> -> memref<256x32xf32, #tpu.memory_space<hbm>>
    tpu.wait_dma2 semaphore(%arg11 : memref<!tpu.dma_semaphore, #tpu.memory_space<semaphore_mem>>) src(%arg5 : memref<256x32xf32, #tpu.memory_space<vmem>>) dst(%dma_wait3A_1377 : memref<256x32xf32, #tpu.memory_space<hbm>>)
    %dma_start3A_1378 = arith.constant 0 : i32
    %dma_start3A_1379 = tpu.memref_slice %arg2[%multiple_of3A_243, %dma_start3A_1378] : memref<1000000x32xf32, #tpu.memory_space<hbm>> -> memref<256x32xf32, #tpu.memory_space<hbm>>
    %dma_start3A_1380 = arith.constant 0 : i32
    %dma_start3A_1381 = tpu.memref_slice %arg2[%multiple_of3A_243, %dma_start3A_1380] : memref<1000000x32xf32, #tpu.memory_space<hbm>> -> memref<256x32xf32, #tpu.memory_space<hbm>>
    tpu.enqueue_dma source(%dma_start3A_1381 : memref<256x32xf32, #tpu.memory_space<hbm>>) target(%arg5 : memref<256x32xf32, #tpu.memory_space<vmem>>) target_semaphore(%arg8 : memref<!tpu.dma_semaphore, #tpu.memory_space<semaphore_mem>>)
    %dma_wait3A_1382 = arith.constant 0 : i32
    %dma_wait3A_1383 = tpu.memref_slice %arg2[%multiple_of3A_229, %dma_wait3A_1382] : memref<1000000x32xf32, #tpu.memory_space<hbm>> -> memref<256x32xf32, #tpu.memory_space<hbm>>
    %dma_wait3A_1384 = arith.constant 0 : i32
    %dma_wait3A_1385 = tpu.memref_slice %arg2[%multiple_of3A_229, %dma_wait3A_1384] : memref<1000000x32xf32, #tpu.memory_space<hbm>> -> memref<256x32xf32, #tpu.memory_space<hbm>>
    tpu.wait_dma2 semaphore(%arg9 : memref<!tpu.dma_semaphore, #tpu.memory_space<semaphore_mem>>) src(%dma_wait3A_1385 : memref<256x32xf32, #tpu.memory_space<hbm>>) dst(%arg6 : memref<256x32xf32, #tpu.memory_space<vmem>>)
    %dma_start3A_1386 = arith.constant 0 : i32
    %dma_start3A_1387 = tpu.memref_slice %arg3[%multiple_of3A_229, %dma_start3A_1386] : memref<1000000x32xf32, #tpu.memory_space<hbm>> -> memref<256x32xf32, #tpu.memory_space<hbm>>
    %dma_start3A_1388 = arith.constant 0 : i32
    %dma_start3A_1389 = tpu.memref_slice %arg3[%multiple_of3A_229, %dma_start3A_1388] : memref<1000000x32xf32, #tpu.memory_space<hbm>> -> memref<256x32xf32, #tpu.memory_space<hbm>>
    tpu.enqueue_dma source(%arg6 : memref<256x32xf32, #tpu.memory_space<vmem>>) target(%dma_start3A_1389 : memref<256x32xf32, #tpu.memory_space<hbm>>) target_semaphore(%arg12 : memref<!tpu.dma_semaphore, #tpu.memory_space<semaphore_mem>>)
    %dma_wait3A_1390 = arith.constant 0 : i32
    %dma_wait3A_1391 = tpu.memref_slice %arg3[%multiple_of3A_229, %dma_wait3A_1390] : memref<1000000x32xf32, #tpu.memory_space<hbm>> -> memref<256x32xf32, #tpu.memory_space<hbm>>
    %dma_wait3A_1392 = arith.constant 0 : i32
    %dma_wait3A_1393 = tpu.memref_slice %arg3[%multiple_of3A_229, %dma_wait3A_1392] : memref<1000000x32xf32, #tpu.memory_space<hbm>> -> memref<256x32xf32, #tpu.memory_space<hbm>>
    tpu.wait_dma2 semaphore(%arg12 : memref<!tpu.dma_semaphore, #tpu.memory_space<semaphore_mem>>) src(%arg6 : memref<256x32xf32, #tpu.memory_space<vmem>>) dst(%dma_wait3A_1393 : memref<256x32xf32, #tpu.memory_space<hbm>>)
    %dma_start3A_1394 = arith.constant 0 : i32
    %dma_start3A_1395 = tpu.memref_slice %arg2[%multiple_of3A_250, %dma_start3A_1394] : memref<1000000x32xf32, #tpu.memory_space<hbm>> -> memref<256x32xf32, #tpu.memory_space<hbm>>
    %dma_start3A_1396 = arith.constant 0 : i32
    %dma_start3A_1397 = tpu.memref_slice %arg2[%multiple_of3A_250, %dma_start3A_1396] : memref<1000000x32xf32, #tpu.memory_space<hbm>> -> memref<256x32xf32, #tpu.memory_space<hbm>>
    tpu.enqueue_dma source(%dma_start3A_1397 : memref<256x32xf32, #tpu.memory_space<hbm>>) target(%arg6 : memref<256x32xf32, #tpu.memory_space<vmem>>) target_semaphore(%arg9 : memref<!tpu.dma_semaphore, #tpu.memory_space<semaphore_mem>>)
    %dma_wait3A_1398 = arith.constant 0 : i32
    %dma_wait3A_1399 = tpu.memref_slice %arg2[%multiple_of3A_236, %dma_wait3A_1398] : memref<1000000x32xf32, #tpu.memory_space<hbm>> -> memref<256x32xf32, #tpu.memory_space<hbm>>
    %dma_wait3A_1400 = arith.constant 0 : i32
    %dma_wait3A_1401 = tpu.memref_slice %arg2[%multiple_of3A_236, %dma_wait3A_1400] : memref<1000000x32xf32, #tpu.memory_space<hbm>> -> memref<256x32xf32, #tpu.memory_space<hbm>>
    tpu.wait_dma2 semaphore(%arg7 : memref<!tpu.dma_semaphore, #tpu.memory_space<semaphore_mem>>) src(%dma_wait3A_1401 : memref<256x32xf32, #tpu.memory_space<hbm>>) dst(%arg4 : memref<256x32xf32, #tpu.memory_space<vmem>>)
    %dma_start3A_1402 = arith.constant 0 : i32
    %dma_start3A_1403 = tpu.memref_slice %arg3[%multiple_of3A_236, %dma_start3A_1402] : memref<1000000x32xf32, #tpu.memory_space<hbm>> -> memref<256x32xf32, #tpu.memory_space<hbm>>
    %dma_start3A_1404 = arith.constant 0 : i32
    %dma_start3A_1405 = tpu.memref_slice %arg3[%multiple_of3A_236, %dma_start3A_1404] : memref<1000000x32xf32, #tpu.memory_space<hbm>> -> memref<256x32xf32, #tpu.memory_space<hbm>>
    tpu.enqueue_dma source(%arg4 : memref<256x32xf32, #tpu.memory_space<vmem>>) target(%dma_start3A_1405 : memref<256x32xf32, #tpu.memory_space<hbm>>) target_semaphore(%arg10 : memref<!tpu.dma_semaphore, #tpu.memory_space<semaphore_mem>>)
    %dma_wait3A_1406 = arith.constant 0 : i32
    %dma_wait3A_1407 = tpu.memref_slice %arg3[%multiple_of3A_236, %dma_wait3A_1406] : memref<1000000x32xf32, #tpu.memory_space<hbm>> -> memref<256x32xf32, #tpu.memory_space<hbm>>
    %dma_wait3A_1408 = arith.constant 0 : i32
    %dma_wait3A_1409 = tpu.memref_slice %arg3[%multiple_of3A_236, %dma_wait3A_1408] : memref<1000000x32xf32, #tpu.memory_space<hbm>> -> memref<256x32xf32, #tpu.memory_space<hbm>>
    tpu.wait_dma2 semaphore(%arg10 : memref<!tpu.dma_semaphore, #tpu.memory_space<semaphore_mem>>) src(%arg4 : memref<256x32xf32, #tpu.memory_space<vmem>>) dst(%dma_wait3A_1409 : memref<256x32xf32, #tpu.memory_space<hbm>>)
    %dma_start3A_1410 = arith.constant 0 : i32
    %dma_start3A_1411 = tpu.memref_slice %arg2[%multiple_of3A_257, %dma_start3A_1410] : memref<1000000x32xf32, #tpu.memory_space<hbm>> -> memref<256x32xf32, #tpu.memory_space<hbm>>
    %dma_start3A_1412 = arith.constant 0 : i32
    %dma_start3A_1413 = tpu.memref_slice %arg2[%multiple_of3A_257, %dma_start3A_1412] : memref<1000000x32xf32, #tpu.memory_space<hbm>> -> memref<256x32xf32, #tpu.memory_space<hbm>>
    tpu.enqueue_dma source(%dma_start3A_1413 : memref<256x32xf32, #tpu.memory_space<hbm>>) target(%arg4 : memref<256x32xf32, #tpu.memory_space<vmem>>) target_semaphore(%arg7 : memref<!tpu.dma_semaphore, #tpu.memory_space<semaphore_mem>>)
    %dma_wait3A_1414 = arith.constant 0 : i32
    %dma_wait3A_1415 = tpu.memref_slice %arg2[%multiple_of3A_243, %dma_wait3A_1414] : memref<1000000x32xf32, #tpu.memory_space<hbm>> -> memref<256x32xf32, #tpu.memory_space<hbm>>
    %dma_wait3A_1416 = arith.constant 0 : i32
    %dma_wait3A_1417 = tpu.memref_slice %arg2[%multiple_of3A_243, %dma_wait3A_1416] : memref<1000000x32xf32, #tpu.memory_space<hbm>> -> memref<256x32xf32, #tpu.memory_space<hbm>>
    tpu.wait_dma2 semaphore(%arg8 : memref<!tpu.dma_semaphore, #tpu.memory_space<semaphore_mem>>) src(%dma_wait3A_1417 : memref<256x32xf32, #tpu.memory_space<hbm>>) dst(%arg5 : memref<256x32xf32, #tpu.memory_space<vmem>>)
    %dma_start3A_1418 = arith.constant 0 : i32
    %dma_start3A_1419 = tpu.memref_slice %arg3[%multiple_of3A_243, %dma_start3A_1418] : memref<1000000x32xf32, #tpu.memory_space<hbm>> -> memref<256x32xf32, #tpu.memory_space<hbm>>
    %dma_start3A_1420 = arith.constant 0 : i32
    %dma_start3A_1421 = tpu.memref_slice %arg3[%multiple_of3A_243, %dma_start3A_1420] : memref<1000000x32xf32, #tpu.memory_space<hbm>> -> memref<256x32xf32, #tpu.memory_space<hbm>>
    tpu.enqueue_dma source(%arg5 : memref<256x32xf32, #tpu.memory_space<vmem>>) target(%dma_start3A_1421 : memref<256x32xf32, #tpu.memory_space<hbm>>) target_semaphore(%arg11 : memref<!tpu.dma_semaphore, #tpu.memory_space<semaphore_mem>>)
    %dma_wait3A_1422 = arith.constant 0 : i32
    %dma_wait3A_1423 = tpu.memref_slice %arg3[%multiple_of3A_243, %dma_wait3A_1422] : memref<1000000x32xf32, #tpu.memory_space<hbm>> -> memref<256x32xf32, #tpu.memory_space<hbm>>
    %dma_wait3A_1424 = arith.constant 0 : i32
    %dma_wait3A_1425 = tpu.memref_slice %arg3[%multiple_of3A_243, %dma_wait3A_1424] : memref<1000000x32xf32, #tpu.memory_space<hbm>> -> memref<256x32xf32, #tpu.memory_space<hbm>>
    tpu.wait_dma2 semaphore(%arg11 : memref<!tpu.dma_semaphore, #tpu.memory_space<semaphore_mem>>) src(%arg5 : memref<256x32xf32, #tpu.memory_space<vmem>>) dst(%dma_wait3A_1425 : memref<256x32xf32, #tpu.memory_space<hbm>>)
    %dma_start3A_1426 = arith.constant 0 : i32
    %dma_start3A_1427 = tpu.memref_slice %arg2[%multiple_of3A_264, %dma_start3A_1426] : memref<1000000x32xf32, #tpu.memory_space<hbm>> -> memref<256x32xf32, #tpu.memory_space<hbm>>
    %dma_start3A_1428 = arith.constant 0 : i32
    %dma_start3A_1429 = tpu.memref_slice %arg2[%multiple_of3A_264, %dma_start3A_1428] : memref<1000000x32xf32, #tpu.memory_space<hbm>> -> memref<256x32xf32, #tpu.memory_space<hbm>>
    tpu.enqueue_dma source(%dma_start3A_1429 : memref<256x32xf32, #tpu.memory_space<hbm>>) target(%arg5 : memref<256x32xf32, #tpu.memory_space<vmem>>) target_semaphore(%arg8 : memref<!tpu.dma_semaphore, #tpu.memory_space<semaphore_mem>>)
    %dma_wait3A_1430 = arith.constant 0 : i32
    %dma_wait3A_1431 = tpu.memref_slice %arg2[%multiple_of3A_250, %dma_wait3A_1430] : memref<1000000x32xf32, #tpu.memory_space<hbm>> -> memref<256x32xf32, #tpu.memory_space<hbm>>
    %dma_wait3A_1432 = arith.constant 0 : i32
    %dma_wait3A_1433 = tpu.memref_slice %arg2[%multiple_of3A_250, %dma_wait3A_1432] : memref<1000000x32xf32, #tpu.memory_space<hbm>> -> memref<256x32xf32, #tpu.memory_space<hbm>>
    tpu.wait_dma2 semaphore(%arg9 : memref<!tpu.dma_semaphore, #tpu.memory_space<semaphore_mem>>) src(%dma_wait3A_1433 : memref<256x32xf32, #tpu.memory_space<hbm>>) dst(%arg6 : memref<256x32xf32, #tpu.memory_space<vmem>>)
    %dma_start3A_1434 = arith.constant 0 : i32
    %dma_start3A_1435 = tpu.memref_slice %arg3[%multiple_of3A_250, %dma_start3A_1434] : memref<1000000x32xf32, #tpu.memory_space<hbm>> -> memref<256x32xf32, #tpu.memory_space<hbm>>
    %dma_start3A_1436 = arith.constant 0 : i32
    %dma_start3A_1437 = tpu.memref_slice %arg3[%multiple_of3A_250, %dma_start3A_1436] : memref<1000000x32xf32, #tpu.memory_space<hbm>> -> memref<256x32xf32, #tpu.memory_space<hbm>>
    tpu.enqueue_dma source(%arg6 : memref<256x32xf32, #tpu.memory_space<vmem>>) target(%dma_start3A_1437 : memref<256x32xf32, #tpu.memory_space<hbm>>) target_semaphore(%arg12 : memref<!tpu.dma_semaphore, #tpu.memory_space<semaphore_mem>>)
    %dma_wait3A_1438 = arith.constant 0 : i32
    %dma_wait3A_1439 = tpu.memref_slice %arg3[%multiple_of3A_250, %dma_wait3A_1438] : memref<1000000x32xf32, #tpu.memory_space<hbm>> -> memref<256x32xf32, #tpu.memory_space<hbm>>
    %dma_wait3A_1440 = arith.constant 0 : i32
    %dma_wait3A_1441 = tpu.memref_slice %arg3[%multiple_of3A_250, %dma_wait3A_1440] : memref<1000000x32xf32, #tpu.memory_space<hbm>> -> memref<256x32xf32, #tpu.memory_space<hbm>>
    tpu.wait_dma2 semaphore(%arg12 : memref<!tpu.dma_semaphore, #tpu.memory_space<semaphore_mem>>) src(%arg6 : memref<256x32xf32, #tpu.memory_space<vmem>>) dst(%dma_wait3A_1441 : memref<256x32xf32, #tpu.memory_space<hbm>>)
    %dma_start3A_1442 = arith.constant 0 : i32
    %dma_start3A_1443 = tpu.memref_slice %arg2[%multiple_of3A_271, %dma_start3A_1442] : memref<1000000x32xf32, #tpu.memory_space<hbm>> -> memref<256x32xf32, #tpu.memory_space<hbm>>
    %dma_start3A_1444 = arith.constant 0 : i32
    %dma_start3A_1445 = tpu.memref_slice %arg2[%multiple_of3A_271, %dma_start3A_1444] : memref<1000000x32xf32, #tpu.memory_space<hbm>> -> memref<256x32xf32, #tpu.memory_space<hbm>>
    tpu.enqueue_dma source(%dma_start3A_1445 : memref<256x32xf32, #tpu.memory_space<hbm>>) target(%arg6 : memref<256x32xf32, #tpu.memory_space<vmem>>) target_semaphore(%arg9 : memref<!tpu.dma_semaphore, #tpu.memory_space<semaphore_mem>>)
    %dma_wait3A_1446 = arith.constant 0 : i32
    %dma_wait3A_1447 = tpu.memref_slice %arg2[%multiple_of3A_257, %dma_wait3A_1446] : memref<1000000x32xf32, #tpu.memory_space<hbm>> -> memref<256x32xf32, #tpu.memory_space<hbm>>
    %dma_wait3A_1448 = arith.constant 0 : i32
    %dma_wait3A_1449 = tpu.memref_slice %arg2[%multiple_of3A_257, %dma_wait3A_1448] : memref<1000000x32xf32, #tpu.memory_space<hbm>> -> memref<256x32xf32, #tpu.memory_space<hbm>>
    tpu.wait_dma2 semaphore(%arg7 : memref<!tpu.dma_semaphore, #tpu.memory_space<semaphore_mem>>) src(%dma_wait3A_1449 : memref<256x32xf32, #tpu.memory_space<hbm>>) dst(%arg4 : memref<256x32xf32, #tpu.memory_space<vmem>>)
    %dma_start3A_1450 = arith.constant 0 : i32
    %dma_start3A_1451 = tpu.memref_slice %arg3[%multiple_of3A_257, %dma_start3A_1450] : memref<1000000x32xf32, #tpu.memory_space<hbm>> -> memref<256x32xf32, #tpu.memory_space<hbm>>
    %dma_start3A_1452 = arith.constant 0 : i32
    %dma_start3A_1453 = tpu.memref_slice %arg3[%multiple_of3A_257, %dma_start3A_1452] : memref<1000000x32xf32, #tpu.memory_space<hbm>> -> memref<256x32xf32, #tpu.memory_space<hbm>>
    tpu.enqueue_dma source(%arg4 : memref<256x32xf32, #tpu.memory_space<vmem>>) target(%dma_start3A_1453 : memref<256x32xf32, #tpu.memory_space<hbm>>) target_semaphore(%arg10 : memref<!tpu.dma_semaphore, #tpu.memory_space<semaphore_mem>>)
    %dma_wait3A_1454 = arith.constant 0 : i32
    %dma_wait3A_1455 = tpu.memref_slice %arg3[%multiple_of3A_257, %dma_wait3A_1454] : memref<1000000x32xf32, #tpu.memory_space<hbm>> -> memref<256x32xf32, #tpu.memory_space<hbm>>
    %dma_wait3A_1456 = arith.constant 0 : i32
    %dma_wait3A_1457 = tpu.memref_slice %arg3[%multiple_of3A_257, %dma_wait3A_1456] : memref<1000000x32xf32, #tpu.memory_space<hbm>> -> memref<256x32xf32, #tpu.memory_space<hbm>>
    tpu.wait_dma2 semaphore(%arg10 : memref<!tpu.dma_semaphore, #tpu.memory_space<semaphore_mem>>) src(%arg4 : memref<256x32xf32, #tpu.memory_space<vmem>>) dst(%dma_wait3A_1457 : memref<256x32xf32, #tpu.memory_space<hbm>>)
    %dma_start3A_1458 = arith.constant 0 : i32
    %dma_start3A_1459 = tpu.memref_slice %arg2[%multiple_of3A_278, %dma_start3A_1458] : memref<1000000x32xf32, #tpu.memory_space<hbm>> -> memref<256x32xf32, #tpu.memory_space<hbm>>
    %dma_start3A_1460 = arith.constant 0 : i32
    %dma_start3A_1461 = tpu.memref_slice %arg2[%multiple_of3A_278, %dma_start3A_1460] : memref<1000000x32xf32, #tpu.memory_space<hbm>> -> memref<256x32xf32, #tpu.memory_space<hbm>>
    tpu.enqueue_dma source(%dma_start3A_1461 : memref<256x32xf32, #tpu.memory_space<hbm>>) target(%arg4 : memref<256x32xf32, #tpu.memory_space<vmem>>) target_semaphore(%arg7 : memref<!tpu.dma_semaphore, #tpu.memory_space<semaphore_mem>>)
    %dma_wait3A_1462 = arith.constant 0 : i32
    %dma_wait3A_1463 = tpu.memref_slice %arg2[%multiple_of3A_264, %dma_wait3A_1462] : memref<1000000x32xf32, #tpu.memory_space<hbm>> -> memref<256x32xf32, #tpu.memory_space<hbm>>
    %dma_wait3A_1464 = arith.constant 0 : i32
    %dma_wait3A_1465 = tpu.memref_slice %arg2[%multiple_of3A_264, %dma_wait3A_1464] : memref<1000000x32xf32, #tpu.memory_space<hbm>> -> memref<256x32xf32, #tpu.memory_space<hbm>>
    tpu.wait_dma2 semaphore(%arg8 : memref<!tpu.dma_semaphore, #tpu.memory_space<semaphore_mem>>) src(%dma_wait3A_1465 : memref<256x32xf32, #tpu.memory_space<hbm>>) dst(%arg5 : memref<256x32xf32, #tpu.memory_space<vmem>>)
    %dma_start3A_1466 = arith.constant 0 : i32
    %dma_start3A_1467 = tpu.memref_slice %arg3[%multiple_of3A_264, %dma_start3A_1466] : memref<1000000x32xf32, #tpu.memory_space<hbm>> -> memref<256x32xf32, #tpu.memory_space<hbm>>
    %dma_start3A_1468 = arith.constant 0 : i32
    %dma_start3A_1469 = tpu.memref_slice %arg3[%multiple_of3A_264, %dma_start3A_1468] : memref<1000000x32xf32, #tpu.memory_space<hbm>> -> memref<256x32xf32, #tpu.memory_space<hbm>>
    tpu.enqueue_dma source(%arg5 : memref<256x32xf32, #tpu.memory_space<vmem>>) target(%dma_start3A_1469 : memref<256x32xf32, #tpu.memory_space<hbm>>) target_semaphore(%arg11 : memref<!tpu.dma_semaphore, #tpu.memory_space<semaphore_mem>>)
    %dma_wait3A_1470 = arith.constant 0 : i32
    %dma_wait3A_1471 = tpu.memref_slice %arg3[%multiple_of3A_264, %dma_wait3A_1470] : memref<1000000x32xf32, #tpu.memory_space<hbm>> -> memref<256x32xf32, #tpu.memory_space<hbm>>
    %dma_wait3A_1472 = arith.constant 0 : i32
    %dma_wait3A_1473 = tpu.memref_slice %arg3[%multiple_of3A_264, %dma_wait3A_1472] : memref<1000000x32xf32, #tpu.memory_space<hbm>> -> memref<256x32xf32, #tpu.memory_space<hbm>>
    tpu.wait_dma2 semaphore(%arg11 : memref<!tpu.dma_semaphore, #tpu.memory_space<semaphore_mem>>) src(%arg5 : memref<256x32xf32, #tpu.memory_space<vmem>>) dst(%dma_wait3A_1473 : memref<256x32xf32, #tpu.memory_space<hbm>>)
    %dma_start3A_1474 = arith.constant 0 : i32
    %dma_start3A_1475 = tpu.memref_slice %arg2[%multiple_of3A_285, %dma_start3A_1474] : memref<1000000x32xf32, #tpu.memory_space<hbm>> -> memref<256x32xf32, #tpu.memory_space<hbm>>
    %dma_start3A_1476 = arith.constant 0 : i32
    %dma_start3A_1477 = tpu.memref_slice %arg2[%multiple_of3A_285, %dma_start3A_1476] : memref<1000000x32xf32, #tpu.memory_space<hbm>> -> memref<256x32xf32, #tpu.memory_space<hbm>>
    tpu.enqueue_dma source(%dma_start3A_1477 : memref<256x32xf32, #tpu.memory_space<hbm>>) target(%arg5 : memref<256x32xf32, #tpu.memory_space<vmem>>) target_semaphore(%arg8 : memref<!tpu.dma_semaphore, #tpu.memory_space<semaphore_mem>>)
    %dma_wait3A_1478 = arith.constant 0 : i32
    %dma_wait3A_1479 = tpu.memref_slice %arg2[%multiple_of3A_271, %dma_wait3A_1478] : memref<1000000x32xf32, #tpu.memory_space<hbm>> -> memref<256x32xf32, #tpu.memory_space<hbm>>
    %dma_wait3A_1480 = arith.constant 0 : i32
    %dma_wait3A_1481 = tpu.memref_slice %arg2[%multiple_of3A_271, %dma_wait3A_1480] : memref<1000000x32xf32, #tpu.memory_space<hbm>> -> memref<256x32xf32, #tpu.memory_space<hbm>>
    tpu.wait_dma2 semaphore(%arg9 : memref<!tpu.dma_semaphore, #tpu.memory_space<semaphore_mem>>) src(%dma_wait3A_1481 : memref<256x32xf32, #tpu.memory_space<hbm>>) dst(%arg6 : memref<256x32xf32, #tpu.memory_space<vmem>>)
    %dma_start3A_1482 = arith.constant 0 : i32
    %dma_start3A_1483 = tpu.memref_slice %arg3[%multiple_of3A_271, %dma_start3A_1482] : memref<1000000x32xf32, #tpu.memory_space<hbm>> -> memref<256x32xf32, #tpu.memory_space<hbm>>
    %dma_start3A_1484 = arith.constant 0 : i32
    %dma_start3A_1485 = tpu.memref_slice %arg3[%multiple_of3A_271, %dma_start3A_1484] : memref<1000000x32xf32, #tpu.memory_space<hbm>> -> memref<256x32xf32, #tpu.memory_space<hbm>>
    tpu.enqueue_dma source(%arg6 : memref<256x32xf32, #tpu.memory_space<vmem>>) target(%dma_start3A_1485 : memref<256x32xf32, #tpu.memory_space<hbm>>) target_semaphore(%arg12 : memref<!tpu.dma_semaphore, #tpu.memory_space<semaphore_mem>>)
    %dma_wait3A_1486 = arith.constant 0 : i32
    %dma_wait3A_1487 = tpu.memref_slice %arg3[%multiple_of3A_271, %dma_wait3A_1486] : memref<1000000x32xf32, #tpu.memory_space<hbm>> -> memref<256x32xf32, #tpu.memory_space<hbm>>
    %dma_wait3A_1488 = arith.constant 0 : i32
    %dma_wait3A_1489 = tpu.memref_slice %arg3[%multiple_of3A_271, %dma_wait3A_1488] : memref<1000000x32xf32, #tpu.memory_space<hbm>> -> memref<256x32xf32, #tpu.memory_space<hbm>>
    tpu.wait_dma2 semaphore(%arg12 : memref<!tpu.dma_semaphore, #tpu.memory_space<semaphore_mem>>) src(%arg6 : memref<256x32xf32, #tpu.memory_space<vmem>>) dst(%dma_wait3A_1489 : memref<256x32xf32, #tpu.memory_space<hbm>>)
    %dma_start3A_1490 = arith.constant 0 : i32
    %dma_start3A_1491 = tpu.memref_slice %arg2[%multiple_of3A_292, %dma_start3A_1490] : memref<1000000x32xf32, #tpu.memory_space<hbm>> -> memref<256x32xf32, #tpu.memory_space<hbm>>
    %dma_start3A_1492 = arith.constant 0 : i32
    %dma_start3A_1493 = tpu.memref_slice %arg2[%multiple_of3A_292, %dma_start3A_1492] : memref<1000000x32xf32, #tpu.memory_space<hbm>> -> memref<256x32xf32, #tpu.memory_space<hbm>>
    tpu.enqueue_dma source(%dma_start3A_1493 : memref<256x32xf32, #tpu.memory_space<hbm>>) target(%arg6 : memref<256x32xf32, #tpu.memory_space<vmem>>) target_semaphore(%arg9 : memref<!tpu.dma_semaphore, #tpu.memory_space<semaphore_mem>>)
    %dma_wait3A_1494 = arith.constant 0 : i32
    %dma_wait3A_1495 = tpu.memref_slice %arg2[%multiple_of3A_278, %dma_wait3A_1494] : memref<1000000x32xf32, #tpu.memory_space<hbm>> -> memref<256x32xf32, #tpu.memory_space<hbm>>
    %dma_wait3A_1496 = arith.constant 0 : i32
    %dma_wait3A_1497 = tpu.memref_slice %arg2[%multiple_of3A_278, %dma_wait3A_1496] : memref<1000000x32xf32, #tpu.memory_space<hbm>> -> memref<256x32xf32, #tpu.memory_space<hbm>>
    tpu.wait_dma2 semaphore(%arg7 : memref<!tpu.dma_semaphore, #tpu.memory_space<semaphore_mem>>) src(%dma_wait3A_1497 : memref<256x32xf32, #tpu.memory_space<hbm>>) dst(%arg4 : memref<256x32xf32, #tpu.memory_space<vmem>>)
    %dma_start3A_1498 = arith.constant 0 : i32
    %dma_start3A_1499 = tpu.memref_slice %arg3[%multiple_of3A_278, %dma_start3A_1498] : memref<1000000x32xf32, #tpu.memory_space<hbm>> -> memref<256x32xf32, #tpu.memory_space<hbm>>
    %dma_start3A_1500 = arith.constant 0 : i32
    %dma_start3A_1501 = tpu.memref_slice %arg3[%multiple_of3A_278, %dma_start3A_1500] : memref<1000000x32xf32, #tpu.memory_space<hbm>> -> memref<256x32xf32, #tpu.memory_space<hbm>>
    tpu.enqueue_dma source(%arg4 : memref<256x32xf32, #tpu.memory_space<vmem>>) target(%dma_start3A_1501 : memref<256x32xf32, #tpu.memory_space<hbm>>) target_semaphore(%arg10 : memref<!tpu.dma_semaphore, #tpu.memory_space<semaphore_mem>>)
    %dma_wait3A_1502 = arith.constant 0 : i32
    %dma_wait3A_1503 = tpu.memref_slice %arg3[%multiple_of3A_278, %dma_wait3A_1502] : memref<1000000x32xf32, #tpu.memory_space<hbm>> -> memref<256x32xf32, #tpu.memory_space<hbm>>
    %dma_wait3A_1504 = arith.constant 0 : i32
    %dma_wait3A_1505 = tpu.memref_slice %arg3[%multiple_of3A_278, %dma_wait3A_1504] : memref<1000000x32xf32, #tpu.memory_space<hbm>> -> memref<256x32xf32, #tpu.memory_space<hbm>>
    tpu.wait_dma2 semaphore(%arg10 : memref<!tpu.dma_semaphore, #tpu.memory_space<semaphore_mem>>) src(%arg4 : memref<256x32xf32, #tpu.memory_space<vmem>>) dst(%dma_wait3A_1505 : memref<256x32xf32, #tpu.memory_space<hbm>>)
    %dma_start3A_1506 = arith.constant 0 : i32
    %dma_start3A_1507 = tpu.memref_slice %arg2[%multiple_of3A_299, %dma_start3A_1506] : memref<1000000x32xf32, #tpu.memory_space<hbm>> -> memref<256x32xf32, #tpu.memory_space<hbm>>
    %dma_start3A_1508 = arith.constant 0 : i32
    %dma_start3A_1509 = tpu.memref_slice %arg2[%multiple_of3A_299, %dma_start3A_1508] : memref<1000000x32xf32, #tpu.memory_space<hbm>> -> memref<256x32xf32, #tpu.memory_space<hbm>>
    tpu.enqueue_dma source(%dma_start3A_1509 : memref<256x32xf32, #tpu.memory_space<hbm>>) target(%arg4 : memref<256x32xf32, #tpu.memory_space<vmem>>) target_semaphore(%arg7 : memref<!tpu.dma_semaphore, #tpu.memory_space<semaphore_mem>>)
    %dma_wait3A_1510 = arith.constant 0 : i32
    %dma_wait3A_1511 = tpu.memref_slice %arg2[%multiple_of3A_285, %dma_wait3A_1510] : memref<1000000x32xf32, #tpu.memory_space<hbm>> -> memref<256x32xf32, #tpu.memory_space<hbm>>
    %dma_wait3A_1512 = arith.constant 0 : i32
    %dma_wait3A_1513 = tpu.memref_slice %arg2[%multiple_of3A_285, %dma_wait3A_1512] : memref<1000000x32xf32, #tpu.memory_space<hbm>> -> memref<256x32xf32, #tpu.memory_space<hbm>>
    tpu.wait_dma2 semaphore(%arg8 : memref<!tpu.dma_semaphore, #tpu.memory_space<semaphore_mem>>) src(%dma_wait3A_1513 : memref<256x32xf32, #tpu.memory_space<hbm>>) dst(%arg5 : memref<256x32xf32, #tpu.memory_space<vmem>>)
    %dma_start3A_1514 = arith.constant 0 : i32
    %dma_start3A_1515 = tpu.memref_slice %arg3[%multiple_of3A_285, %dma_start3A_1514] : memref<1000000x32xf32, #tpu.memory_space<hbm>> -> memref<256x32xf32, #tpu.memory_space<hbm>>
    %dma_start3A_1516 = arith.constant 0 : i32
    %dma_start3A_1517 = tpu.memref_slice %arg3[%multiple_of3A_285, %dma_start3A_1516] : memref<1000000x32xf32, #tpu.memory_space<hbm>> -> memref<256x32xf32, #tpu.memory_space<hbm>>
    tpu.enqueue_dma source(%arg5 : memref<256x32xf32, #tpu.memory_space<vmem>>) target(%dma_start3A_1517 : memref<256x32xf32, #tpu.memory_space<hbm>>) target_semaphore(%arg11 : memref<!tpu.dma_semaphore, #tpu.memory_space<semaphore_mem>>)
    %dma_wait3A_1518 = arith.constant 0 : i32
    %dma_wait3A_1519 = tpu.memref_slice %arg3[%multiple_of3A_285, %dma_wait3A_1518] : memref<1000000x32xf32, #tpu.memory_space<hbm>> -> memref<256x32xf32, #tpu.memory_space<hbm>>
    %dma_wait3A_1520 = arith.constant 0 : i32
    %dma_wait3A_1521 = tpu.memref_slice %arg3[%multiple_of3A_285, %dma_wait3A_1520] : memref<1000000x32xf32, #tpu.memory_space<hbm>> -> memref<256x32xf32, #tpu.memory_space<hbm>>
    tpu.wait_dma2 semaphore(%arg11 : memref<!tpu.dma_semaphore, #tpu.memory_space<semaphore_mem>>) src(%arg5 : memref<256x32xf32, #tpu.memory_space<vmem>>) dst(%dma_wait3A_1521 : memref<256x32xf32, #tpu.memory_space<hbm>>)
    %dma_start3A_1522 = arith.constant 0 : i32
    %dma_start3A_1523 = tpu.memref_slice %arg2[%multiple_of3A_306, %dma_start3A_1522] : memref<1000000x32xf32, #tpu.memory_space<hbm>> -> memref<256x32xf32, #tpu.memory_space<hbm>>
    %dma_start3A_1524 = arith.constant 0 : i32
    %dma_start3A_1525 = tpu.memref_slice %arg2[%multiple_of3A_306, %dma_start3A_1524] : memref<1000000x32xf32, #tpu.memory_space<hbm>> -> memref<256x32xf32, #tpu.memory_space<hbm>>
    tpu.enqueue_dma source(%dma_start3A_1525 : memref<256x32xf32, #tpu.memory_space<hbm>>) target(%arg5 : memref<256x32xf32, #tpu.memory_space<vmem>>) target_semaphore(%arg8 : memref<!tpu.dma_semaphore, #tpu.memory_space<semaphore_mem>>)
    %dma_wait3A_1526 = arith.constant 0 : i32
    %dma_wait3A_1527 = tpu.memref_slice %arg2[%multiple_of3A_292, %dma_wait3A_1526] : memref<1000000x32xf32, #tpu.memory_space<hbm>> -> memref<256x32xf32, #tpu.memory_space<hbm>>
    %dma_wait3A_1528 = arith.constant 0 : i32
    %dma_wait3A_1529 = tpu.memref_slice %arg2[%multiple_of3A_292, %dma_wait3A_1528] : memref<1000000x32xf32, #tpu.memory_space<hbm>> -> memref<256x32xf32, #tpu.memory_space<hbm>>
    tpu.wait_dma2 semaphore(%arg9 : memref<!tpu.dma_semaphore, #tpu.memory_space<semaphore_mem>>) src(%dma_wait3A_1529 : memref<256x32xf32, #tpu.memory_space<hbm>>) dst(%arg6 : memref<256x32xf32, #tpu.memory_space<vmem>>)
    %dma_start3A_1530 = arith.constant 0 : i32
    %dma_start3A_1531 = tpu.memref_slice %arg3[%multiple_of3A_292, %dma_start3A_1530] : memref<1000000x32xf32, #tpu.memory_space<hbm>> -> memref<256x32xf32, #tpu.memory_space<hbm>>
    %dma_start3A_1532 = arith.constant 0 : i32
    %dma_start3A_1533 = tpu.memref_slice %arg3[%multiple_of3A_292, %dma_start3A_1532] : memref<1000000x32xf32, #tpu.memory_space<hbm>> -> memref<256x32xf32, #tpu.memory_space<hbm>>
    tpu.enqueue_dma source(%arg6 : memref<256x32xf32, #tpu.memory_space<vmem>>) target(%dma_start3A_1533 : memref<256x32xf32, #tpu.memory_space<hbm>>) target_semaphore(%arg12 : memref<!tpu.dma_semaphore, #tpu.memory_space<semaphore_mem>>)
    %dma_wait3A_1534 = arith.constant 0 : i32
    %dma_wait3A_1535 = tpu.memref_slice %arg3[%multiple_of3A_292, %dma_wait3A_1534] : memref<1000000x32xf32, #tpu.memory_space<hbm>> -> memref<256x32xf32, #tpu.memory_space<hbm>>
    %dma_wait3A_1536 = arith.constant 0 : i32
    %dma_wait3A_1537 = tpu.memref_slice %arg3[%multiple_of3A_292, %dma_wait3A_1536] : memref<1000000x32xf32, #tpu.memory_space<hbm>> -> memref<256x32xf32, #tpu.memory_space<hbm>>
    tpu.wait_dma2 semaphore(%arg12 : memref<!tpu.dma_semaphore, #tpu.memory_space<semaphore_mem>>) src(%arg6 : memref<256x32xf32, #tpu.memory_space<vmem>>) dst(%dma_wait3A_1537 : memref<256x32xf32, #tpu.memory_space<hbm>>)
    %dma_start3A_1538 = arith.constant 0 : i32
    %dma_start3A_1539 = tpu.memref_slice %arg2[%multiple_of3A_313, %dma_start3A_1538] : memref<1000000x32xf32, #tpu.memory_space<hbm>> -> memref<256x32xf32, #tpu.memory_space<hbm>>
    %dma_start3A_1540 = arith.constant 0 : i32
    %dma_start3A_1541 = tpu.memref_slice %arg2[%multiple_of3A_313, %dma_start3A_1540] : memref<1000000x32xf32, #tpu.memory_space<hbm>> -> memref<256x32xf32, #tpu.memory_space<hbm>>
    tpu.enqueue_dma source(%dma_start3A_1541 : memref<256x32xf32, #tpu.memory_space<hbm>>) target(%arg6 : memref<256x32xf32, #tpu.memory_space<vmem>>) target_semaphore(%arg9 : memref<!tpu.dma_semaphore, #tpu.memory_space<semaphore_mem>>)
    %dma_wait3A_1542 = arith.constant 0 : i32
    %dma_wait3A_1543 = tpu.memref_slice %arg2[%multiple_of3A_299, %dma_wait3A_1542] : memref<1000000x32xf32, #tpu.memory_space<hbm>> -> memref<256x32xf32, #tpu.memory_space<hbm>>
    %dma_wait3A_1544 = arith.constant 0 : i32
    %dma_wait3A_1545 = tpu.memref_slice %arg2[%multiple_of3A_299, %dma_wait3A_1544] : memref<1000000x32xf32, #tpu.memory_space<hbm>> -> memref<256x32xf32, #tpu.memory_space<hbm>>
    tpu.wait_dma2 semaphore(%arg7 : memref<!tpu.dma_semaphore, #tpu.memory_space<semaphore_mem>>) src(%dma_wait3A_1545 : memref<256x32xf32, #tpu.memory_space<hbm>>) dst(%arg4 : memref<256x32xf32, #tpu.memory_space<vmem>>)
    %dma_start3A_1546 = arith.constant 0 : i32
    %dma_start3A_1547 = tpu.memref_slice %arg3[%multiple_of3A_299, %dma_start3A_1546] : memref<1000000x32xf32, #tpu.memory_space<hbm>> -> memref<256x32xf32, #tpu.memory_space<hbm>>
    %dma_start3A_1548 = arith.constant 0 : i32
    %dma_start3A_1549 = tpu.memref_slice %arg3[%multiple_of3A_299, %dma_start3A_1548] : memref<1000000x32xf32, #tpu.memory_space<hbm>> -> memref<256x32xf32, #tpu.memory_space<hbm>>
    tpu.enqueue_dma source(%arg4 : memref<256x32xf32, #tpu.memory_space<vmem>>) target(%dma_start3A_1549 : memref<256x32xf32, #tpu.memory_space<hbm>>) target_semaphore(%arg10 : memref<!tpu.dma_semaphore, #tpu.memory_space<semaphore_mem>>)
    %dma_wait3A_1550 = arith.constant 0 : i32
    %dma_wait3A_1551 = tpu.memref_slice %arg3[%multiple_of3A_299, %dma_wait3A_1550] : memref<1000000x32xf32, #tpu.memory_space<hbm>> -> memref<256x32xf32, #tpu.memory_space<hbm>>
    %dma_wait3A_1552 = arith.constant 0 : i32
    %dma_wait3A_1553 = tpu.memref_slice %arg3[%multiple_of3A_299, %dma_wait3A_1552] : memref<1000000x32xf32, #tpu.memory_space<hbm>> -> memref<256x32xf32, #tpu.memory_space<hbm>>
    tpu.wait_dma2 semaphore(%arg10 : memref<!tpu.dma_semaphore, #tpu.memory_space<semaphore_mem>>) src(%arg4 : memref<256x32xf32, #tpu.memory_space<vmem>>) dst(%dma_wait3A_1553 : memref<256x32xf32, #tpu.memory_space<hbm>>)
    %dma_start3A_1554 = arith.constant 0 : i32
    %dma_start3A_1555 = tpu.memref_slice %arg2[%multiple_of3A_320, %dma_start3A_1554] : memref<1000000x32xf32, #tpu.memory_space<hbm>> -> memref<256x32xf32, #tpu.memory_space<hbm>>
    %dma_start3A_1556 = arith.constant 0 : i32
    %dma_start3A_1557 = tpu.memref_slice %arg2[%multiple_of3A_320, %dma_start3A_1556] : memref<1000000x32xf32, #tpu.memory_space<hbm>> -> memref<256x32xf32, #tpu.memory_space<hbm>>
    tpu.enqueue_dma source(%dma_start3A_1557 : memref<256x32xf32, #tpu.memory_space<hbm>>) target(%arg4 : memref<256x32xf32, #tpu.memory_space<vmem>>) target_semaphore(%arg7 : memref<!tpu.dma_semaphore, #tpu.memory_space<semaphore_mem>>)
    %dma_wait3A_1558 = arith.constant 0 : i32
    %dma_wait3A_1559 = tpu.memref_slice %arg2[%multiple_of3A_306, %dma_wait3A_1558] : memref<1000000x32xf32, #tpu.memory_space<hbm>> -> memref<256x32xf32, #tpu.memory_space<hbm>>
    %dma_wait3A_1560 = arith.constant 0 : i32
    %dma_wait3A_1561 = tpu.memref_slice %arg2[%multiple_of3A_306, %dma_wait3A_1560] : memref<1000000x32xf32, #tpu.memory_space<hbm>> -> memref<256x32xf32, #tpu.memory_space<hbm>>
    tpu.wait_dma2 semaphore(%arg8 : memref<!tpu.dma_semaphore, #tpu.memory_space<semaphore_mem>>) src(%dma_wait3A_1561 : memref<256x32xf32, #tpu.memory_space<hbm>>) dst(%arg5 : memref<256x32xf32, #tpu.memory_space<vmem>>)
    %dma_start3A_1562 = arith.constant 0 : i32
    %dma_start3A_1563 = tpu.memref_slice %arg3[%multiple_of3A_306, %dma_start3A_1562] : memref<1000000x32xf32, #tpu.memory_space<hbm>> -> memref<256x32xf32, #tpu.memory_space<hbm>>
    %dma_start3A_1564 = arith.constant 0 : i32
    %dma_start3A_1565 = tpu.memref_slice %arg3[%multiple_of3A_306, %dma_start3A_1564] : memref<1000000x32xf32, #tpu.memory_space<hbm>> -> memref<256x32xf32, #tpu.memory_space<hbm>>
    tpu.enqueue_dma source(%arg5 : memref<256x32xf32, #tpu.memory_space<vmem>>) target(%dma_start3A_1565 : memref<256x32xf32, #tpu.memory_space<hbm>>) target_semaphore(%arg11 : memref<!tpu.dma_semaphore, #tpu.memory_space<semaphore_mem>>)
    %dma_wait3A_1566 = arith.constant 0 : i32
    %dma_wait3A_1567 = tpu.memref_slice %arg3[%multiple_of3A_306, %dma_wait3A_1566] : memref<1000000x32xf32, #tpu.memory_space<hbm>> -> memref<256x32xf32, #tpu.memory_space<hbm>>
    %dma_wait3A_1568 = arith.constant 0 : i32
    %dma_wait3A_1569 = tpu.memref_slice %arg3[%multiple_of3A_306, %dma_wait3A_1568] : memref<1000000x32xf32, #tpu.memory_space<hbm>> -> memref<256x32xf32, #tpu.memory_space<hbm>>
    tpu.wait_dma2 semaphore(%arg11 : memref<!tpu.dma_semaphore, #tpu.memory_space<semaphore_mem>>) src(%arg5 : memref<256x32xf32, #tpu.memory_space<vmem>>) dst(%dma_wait3A_1569 : memref<256x32xf32, #tpu.memory_space<hbm>>)
    %dma_start3A_1570 = arith.constant 0 : i32
    %dma_start3A_1571 = tpu.memref_slice %arg2[%multiple_of3A_327, %dma_start3A_1570] : memref<1000000x32xf32, #tpu.memory_space<hbm>> -> memref<256x32xf32, #tpu.memory_space<hbm>>
    %dma_start3A_1572 = arith.constant 0 : i32
    %dma_start3A_1573 = tpu.memref_slice %arg2[%multiple_of3A_327, %dma_start3A_1572] : memref<1000000x32xf32, #tpu.memory_space<hbm>> -> memref<256x32xf32, #tpu.memory_space<hbm>>
    tpu.enqueue_dma source(%dma_start3A_1573 : memref<256x32xf32, #tpu.memory_space<hbm>>) target(%arg5 : memref<256x32xf32, #tpu.memory_space<vmem>>) target_semaphore(%arg8 : memref<!tpu.dma_semaphore, #tpu.memory_space<semaphore_mem>>)
    %dma_wait3A_1574 = arith.constant 0 : i32
    %dma_wait3A_1575 = tpu.memref_slice %arg2[%multiple_of3A_313, %dma_wait3A_1574] : memref<1000000x32xf32, #tpu.memory_space<hbm>> -> memref<256x32xf32, #tpu.memory_space<hbm>>
    %dma_wait3A_1576 = arith.constant 0 : i32
    %dma_wait3A_1577 = tpu.memref_slice %arg2[%multiple_of3A_313, %dma_wait3A_1576] : memref<1000000x32xf32, #tpu.memory_space<hbm>> -> memref<256x32xf32, #tpu.memory_space<hbm>>
    tpu.wait_dma2 semaphore(%arg9 : memref<!tpu.dma_semaphore, #tpu.memory_space<semaphore_mem>>) src(%dma_wait3A_1577 : memref<256x32xf32, #tpu.memory_space<hbm>>) dst(%arg6 : memref<256x32xf32, #tpu.memory_space<vmem>>)
    %dma_start3A_1578 = arith.constant 0 : i32
    %dma_start3A_1579 = tpu.memref_slice %arg3[%multiple_of3A_313, %dma_start3A_1578] : memref<1000000x32xf32, #tpu.memory_space<hbm>> -> memref<256x32xf32, #tpu.memory_space<hbm>>
    %dma_start3A_1580 = arith.constant 0 : i32
    %dma_start3A_1581 = tpu.memref_slice %arg3[%multiple_of3A_313, %dma_start3A_1580] : memref<1000000x32xf32, #tpu.memory_space<hbm>> -> memref<256x32xf32, #tpu.memory_space<hbm>>
    tpu.enqueue_dma source(%arg6 : memref<256x32xf32, #tpu.memory_space<vmem>>) target(%dma_start3A_1581 : memref<256x32xf32, #tpu.memory_space<hbm>>) target_semaphore(%arg12 : memref<!tpu.dma_semaphore, #tpu.memory_space<semaphore_mem>>)
    %dma_wait3A_1582 = arith.constant 0 : i32
    %dma_wait3A_1583 = tpu.memref_slice %arg3[%multiple_of3A_313, %dma_wait3A_1582] : memref<1000000x32xf32, #tpu.memory_space<hbm>> -> memref<256x32xf32, #tpu.memory_space<hbm>>
    %dma_wait3A_1584 = arith.constant 0 : i32
    %dma_wait3A_1585 = tpu.memref_slice %arg3[%multiple_of3A_313, %dma_wait3A_1584] : memref<1000000x32xf32, #tpu.memory_space<hbm>> -> memref<256x32xf32, #tpu.memory_space<hbm>>
    tpu.wait_dma2 semaphore(%arg12 : memref<!tpu.dma_semaphore, #tpu.memory_space<semaphore_mem>>) src(%arg6 : memref<256x32xf32, #tpu.memory_space<vmem>>) dst(%dma_wait3A_1585 : memref<256x32xf32, #tpu.memory_space<hbm>>)
    %dma_start3A_1586 = arith.constant 0 : i32
    %dma_start3A_1587 = tpu.memref_slice %arg2[%multiple_of3A_334, %dma_start3A_1586] : memref<1000000x32xf32, #tpu.memory_space<hbm>> -> memref<256x32xf32, #tpu.memory_space<hbm>>
    %dma_start3A_1588 = arith.constant 0 : i32
    %dma_start3A_1589 = tpu.memref_slice %arg2[%multiple_of3A_334, %dma_start3A_1588] : memref<1000000x32xf32, #tpu.memory_space<hbm>> -> memref<256x32xf32, #tpu.memory_space<hbm>>
    tpu.enqueue_dma source(%dma_start3A_1589 : memref<256x32xf32, #tpu.memory_space<hbm>>) target(%arg6 : memref<256x32xf32, #tpu.memory_space<vmem>>) target_semaphore(%arg9 : memref<!tpu.dma_semaphore, #tpu.memory_space<semaphore_mem>>)
    %dma_wait3A_1590 = arith.constant 0 : i32
    %dma_wait3A_1591 = tpu.memref_slice %arg2[%multiple_of3A_320, %dma_wait3A_1590] : memref<1000000x32xf32, #tpu.memory_space<hbm>> -> memref<256x32xf32, #tpu.memory_space<hbm>>
    %dma_wait3A_1592 = arith.constant 0 : i32
    %dma_wait3A_1593 = tpu.memref_slice %arg2[%multiple_of3A_320, %dma_wait3A_1592] : memref<1000000x32xf32, #tpu.memory_space<hbm>> -> memref<256x32xf32, #tpu.memory_space<hbm>>
    tpu.wait_dma2 semaphore(%arg7 : memref<!tpu.dma_semaphore, #tpu.memory_space<semaphore_mem>>) src(%dma_wait3A_1593 : memref<256x32xf32, #tpu.memory_space<hbm>>) dst(%arg4 : memref<256x32xf32, #tpu.memory_space<vmem>>)
    %dma_start3A_1594 = arith.constant 0 : i32
    %dma_start3A_1595 = tpu.memref_slice %arg3[%multiple_of3A_320, %dma_start3A_1594] : memref<1000000x32xf32, #tpu.memory_space<hbm>> -> memref<256x32xf32, #tpu.memory_space<hbm>>
    %dma_start3A_1596 = arith.constant 0 : i32
    %dma_start3A_1597 = tpu.memref_slice %arg3[%multiple_of3A_320, %dma_start3A_1596] : memref<1000000x32xf32, #tpu.memory_space<hbm>> -> memref<256x32xf32, #tpu.memory_space<hbm>>
    tpu.enqueue_dma source(%arg4 : memref<256x32xf32, #tpu.memory_space<vmem>>) target(%dma_start3A_1597 : memref<256x32xf32, #tpu.memory_space<hbm>>) target_semaphore(%arg10 : memref<!tpu.dma_semaphore, #tpu.memory_space<semaphore_mem>>)
    %dma_wait3A_1598 = arith.constant 0 : i32
    %dma_wait3A_1599 = tpu.memref_slice %arg3[%multiple_of3A_320, %dma_wait3A_1598] : memref<1000000x32xf32, #tpu.memory_space<hbm>> -> memref<256x32xf32, #tpu.memory_space<hbm>>
    %dma_wait3A_1600 = arith.constant 0 : i32
    %dma_wait3A_1601 = tpu.memref_slice %arg3[%multiple_of3A_320, %dma_wait3A_1600] : memref<1000000x32xf32, #tpu.memory_space<hbm>> -> memref<256x32xf32, #tpu.memory_space<hbm>>
    tpu.wait_dma2 semaphore(%arg10 : memref<!tpu.dma_semaphore, #tpu.memory_space<semaphore_mem>>) src(%arg4 : memref<256x32xf32, #tpu.memory_space<vmem>>) dst(%dma_wait3A_1601 : memref<256x32xf32, #tpu.memory_space<hbm>>)
    %dma_start3A_1602 = arith.constant 0 : i32
    %dma_start3A_1603 = tpu.memref_slice %arg2[%multiple_of3A_341, %dma_start3A_1602] : memref<1000000x32xf32, #tpu.memory_space<hbm>> -> memref<256x32xf32, #tpu.memory_space<hbm>>
    %dma_start3A_1604 = arith.constant 0 : i32
    %dma_start3A_1605 = tpu.memref_slice %arg2[%multiple_of3A_341, %dma_start3A_1604] : memref<1000000x32xf32, #tpu.memory_space<hbm>> -> memref<256x32xf32, #tpu.memory_space<hbm>>
    tpu.enqueue_dma source(%dma_start3A_1605 : memref<256x32xf32, #tpu.memory_space<hbm>>) target(%arg4 : memref<256x32xf32, #tpu.memory_space<vmem>>) target_semaphore(%arg7 : memref<!tpu.dma_semaphore, #tpu.memory_space<semaphore_mem>>)
    %dma_wait3A_1606 = arith.constant 0 : i32
    %dma_wait3A_1607 = tpu.memref_slice %arg2[%multiple_of3A_327, %dma_wait3A_1606] : memref<1000000x32xf32, #tpu.memory_space<hbm>> -> memref<256x32xf32, #tpu.memory_space<hbm>>
    %dma_wait3A_1608 = arith.constant 0 : i32
    %dma_wait3A_1609 = tpu.memref_slice %arg2[%multiple_of3A_327, %dma_wait3A_1608] : memref<1000000x32xf32, #tpu.memory_space<hbm>> -> memref<256x32xf32, #tpu.memory_space<hbm>>
    tpu.wait_dma2 semaphore(%arg8 : memref<!tpu.dma_semaphore, #tpu.memory_space<semaphore_mem>>) src(%dma_wait3A_1609 : memref<256x32xf32, #tpu.memory_space<hbm>>) dst(%arg5 : memref<256x32xf32, #tpu.memory_space<vmem>>)
    %dma_start3A_1610 = arith.constant 0 : i32
    %dma_start3A_1611 = tpu.memref_slice %arg3[%multiple_of3A_327, %dma_start3A_1610] : memref<1000000x32xf32, #tpu.memory_space<hbm>> -> memref<256x32xf32, #tpu.memory_space<hbm>>
    %dma_start3A_1612 = arith.constant 0 : i32
    %dma_start3A_1613 = tpu.memref_slice %arg3[%multiple_of3A_327, %dma_start3A_1612] : memref<1000000x32xf32, #tpu.memory_space<hbm>> -> memref<256x32xf32, #tpu.memory_space<hbm>>
    tpu.enqueue_dma source(%arg5 : memref<256x32xf32, #tpu.memory_space<vmem>>) target(%dma_start3A_1613 : memref<256x32xf32, #tpu.memory_space<hbm>>) target_semaphore(%arg11 : memref<!tpu.dma_semaphore, #tpu.memory_space<semaphore_mem>>)
    %dma_wait3A_1614 = arith.constant 0 : i32
    %dma_wait3A_1615 = tpu.memref_slice %arg3[%multiple_of3A_327, %dma_wait3A_1614] : memref<1000000x32xf32, #tpu.memory_space<hbm>> -> memref<256x32xf32, #tpu.memory_space<hbm>>
    %dma_wait3A_1616 = arith.constant 0 : i32
    %dma_wait3A_1617 = tpu.memref_slice %arg3[%multiple_of3A_327, %dma_wait3A_1616] : memref<1000000x32xf32, #tpu.memory_space<hbm>> -> memref<256x32xf32, #tpu.memory_space<hbm>>
    tpu.wait_dma2 semaphore(%arg11 : memref<!tpu.dma_semaphore, #tpu.memory_space<semaphore_mem>>) src(%arg5 : memref<256x32xf32, #tpu.memory_space<vmem>>) dst(%dma_wait3A_1617 : memref<256x32xf32, #tpu.memory_space<hbm>>)
    %dma_start3A_1618 = arith.constant 0 : i32
    %dma_start3A_1619 = tpu.memref_slice %arg2[%multiple_of3A_348, %dma_start3A_1618] : memref<1000000x32xf32, #tpu.memory_space<hbm>> -> memref<256x32xf32, #tpu.memory_space<hbm>>
    %dma_start3A_1620 = arith.constant 0 : i32
    %dma_start3A_1621 = tpu.memref_slice %arg2[%multiple_of3A_348, %dma_start3A_1620] : memref<1000000x32xf32, #tpu.memory_space<hbm>> -> memref<256x32xf32, #tpu.memory_space<hbm>>
    tpu.enqueue_dma source(%dma_start3A_1621 : memref<256x32xf32, #tpu.memory_space<hbm>>) target(%arg5 : memref<256x32xf32, #tpu.memory_space<vmem>>) target_semaphore(%arg8 : memref<!tpu.dma_semaphore, #tpu.memory_space<semaphore_mem>>)
    %dma_wait3A_1622 = arith.constant 0 : i32
    %dma_wait3A_1623 = tpu.memref_slice %arg2[%multiple_of3A_334, %dma_wait3A_1622] : memref<1000000x32xf32, #tpu.memory_space<hbm>> -> memref<256x32xf32, #tpu.memory_space<hbm>>
    %dma_wait3A_1624 = arith.constant 0 : i32
    %dma_wait3A_1625 = tpu.memref_slice %arg2[%multiple_of3A_334, %dma_wait3A_1624] : memref<1000000x32xf32, #tpu.memory_space<hbm>> -> memref<256x32xf32, #tpu.memory_space<hbm>>
    tpu.wait_dma2 semaphore(%arg9 : memref<!tpu.dma_semaphore, #tpu.memory_space<semaphore_mem>>) src(%dma_wait3A_1625 : memref<256x32xf32, #tpu.memory_space<hbm>>) dst(%arg6 : memref<256x32xf32, #tpu.memory_space<vmem>>)
    %dma_start3A_1626 = arith.constant 0 : i32
    %dma_start3A_1627 = tpu.memref_slice %arg3[%multiple_of3A_334, %dma_start3A_1626] : memref<1000000x32xf32, #tpu.memory_space<hbm>> -> memref<256x32xf32, #tpu.memory_space<hbm>>
    %dma_start3A_1628 = arith.constant 0 : i32
    %dma_start3A_1629 = tpu.memref_slice %arg3[%multiple_of3A_334, %dma_start3A_1628] : memref<1000000x32xf32, #tpu.memory_space<hbm>> -> memref<256x32xf32, #tpu.memory_space<hbm>>
    tpu.enqueue_dma source(%arg6 : memref<256x32xf32, #tpu.memory_space<vmem>>) target(%dma_start3A_1629 : memref<256x32xf32, #tpu.memory_space<hbm>>) target_semaphore(%arg12 : memref<!tpu.dma_semaphore, #tpu.memory_space<semaphore_mem>>)
    %dma_wait3A_1630 = arith.constant 0 : i32
    %dma_wait3A_1631 = tpu.memref_slice %arg3[%multiple_of3A_334, %dma_wait3A_1630] : memref<1000000x32xf32, #tpu.memory_space<hbm>> -> memref<256x32xf32, #tpu.memory_space<hbm>>
    %dma_wait3A_1632 = arith.constant 0 : i32
    %dma_wait3A_1633 = tpu.memref_slice %arg3[%multiple_of3A_334, %dma_wait3A_1632] : memref<1000000x32xf32, #tpu.memory_space<hbm>> -> memref<256x32xf32, #tpu.memory_space<hbm>>
    tpu.wait_dma2 semaphore(%arg12 : memref<!tpu.dma_semaphore, #tpu.memory_space<semaphore_mem>>) src(%arg6 : memref<256x32xf32, #tpu.memory_space<vmem>>) dst(%dma_wait3A_1633 : memref<256x32xf32, #tpu.memory_space<hbm>>)
    %dma_start3A_1634 = arith.constant 0 : i32
    %dma_start3A_1635 = tpu.memref_slice %arg2[%multiple_of3A_355, %dma_start3A_1634] : memref<1000000x32xf32, #tpu.memory_space<hbm>> -> memref<256x32xf32, #tpu.memory_space<hbm>>
    %dma_start3A_1636 = arith.constant 0 : i32
    %dma_start3A_1637 = tpu.memref_slice %arg2[%multiple_of3A_355, %dma_start3A_1636] : memref<1000000x32xf32, #tpu.memory_space<hbm>> -> memref<256x32xf32, #tpu.memory_space<hbm>>
    tpu.enqueue_dma source(%dma_start3A_1637 : memref<256x32xf32, #tpu.memory_space<hbm>>) target(%arg6 : memref<256x32xf32, #tpu.memory_space<vmem>>) target_semaphore(%arg9 : memref<!tpu.dma_semaphore, #tpu.memory_space<semaphore_mem>>)
    %dma_wait3A_1638 = arith.constant 0 : i32
    %dma_wait3A_1639 = tpu.memref_slice %arg2[%multiple_of3A_341, %dma_wait3A_1638] : memref<1000000x32xf32, #tpu.memory_space<hbm>> -> memref<256x32xf32, #tpu.memory_space<hbm>>
    %dma_wait3A_1640 = arith.constant 0 : i32
    %dma_wait3A_1641 = tpu.memref_slice %arg2[%multiple_of3A_341, %dma_wait3A_1640] : memref<1000000x32xf32, #tpu.memory_space<hbm>> -> memref<256x32xf32, #tpu.memory_space<hbm>>
    tpu.wait_dma2 semaphore(%arg7 : memref<!tpu.dma_semaphore, #tpu.memory_space<semaphore_mem>>) src(%dma_wait3A_1641 : memref<256x32xf32, #tpu.memory_space<hbm>>) dst(%arg4 : memref<256x32xf32, #tpu.memory_space<vmem>>)
    %dma_start3A_1642 = arith.constant 0 : i32
    %dma_start3A_1643 = tpu.memref_slice %arg3[%multiple_of3A_341, %dma_start3A_1642] : memref<1000000x32xf32, #tpu.memory_space<hbm>> -> memref<256x32xf32, #tpu.memory_space<hbm>>
    %dma_start3A_1644 = arith.constant 0 : i32
    %dma_start3A_1645 = tpu.memref_slice %arg3[%multiple_of3A_341, %dma_start3A_1644] : memref<1000000x32xf32, #tpu.memory_space<hbm>> -> memref<256x32xf32, #tpu.memory_space<hbm>>
    tpu.enqueue_dma source(%arg4 : memref<256x32xf32, #tpu.memory_space<vmem>>) target(%dma_start3A_1645 : memref<256x32xf32, #tpu.memory_space<hbm>>) target_semaphore(%arg10 : memref<!tpu.dma_semaphore, #tpu.memory_space<semaphore_mem>>)
    %dma_wait3A_1646 = arith.constant 0 : i32
    %dma_wait3A_1647 = tpu.memref_slice %arg3[%multiple_of3A_341, %dma_wait3A_1646] : memref<1000000x32xf32, #tpu.memory_space<hbm>> -> memref<256x32xf32, #tpu.memory_space<hbm>>
    %dma_wait3A_1648 = arith.constant 0 : i32
    %dma_wait3A_1649 = tpu.memref_slice %arg3[%multiple_of3A_341, %dma_wait3A_1648] : memref<1000000x32xf32, #tpu.memory_space<hbm>> -> memref<256x32xf32, #tpu.memory_space<hbm>>
    tpu.wait_dma2 semaphore(%arg10 : memref<!tpu.dma_semaphore, #tpu.memory_space<semaphore_mem>>) src(%arg4 : memref<256x32xf32, #tpu.memory_space<vmem>>) dst(%dma_wait3A_1649 : memref<256x32xf32, #tpu.memory_space<hbm>>)
    %dma_start3A_1650 = arith.constant 0 : i32
    %dma_start3A_1651 = tpu.memref_slice %arg2[%multiple_of3A_362, %dma_start3A_1650] : memref<1000000x32xf32, #tpu.memory_space<hbm>> -> memref<256x32xf32, #tpu.memory_space<hbm>>
    %dma_start3A_1652 = arith.constant 0 : i32
    %dma_start3A_1653 = tpu.memref_slice %arg2[%multiple_of3A_362, %dma_start3A_1652] : memref<1000000x32xf32, #tpu.memory_space<hbm>> -> memref<256x32xf32, #tpu.memory_space<hbm>>
    tpu.enqueue_dma source(%dma_start3A_1653 : memref<256x32xf32, #tpu.memory_space<hbm>>) target(%arg4 : memref<256x32xf32, #tpu.memory_space<vmem>>) target_semaphore(%arg7 : memref<!tpu.dma_semaphore, #tpu.memory_space<semaphore_mem>>)
    %dma_wait3A_1654 = arith.constant 0 : i32
    %dma_wait3A_1655 = tpu.memref_slice %arg2[%multiple_of3A_348, %dma_wait3A_1654] : memref<1000000x32xf32, #tpu.memory_space<hbm>> -> memref<256x32xf32, #tpu.memory_space<hbm>>
    %dma_wait3A_1656 = arith.constant 0 : i32
    %dma_wait3A_1657 = tpu.memref_slice %arg2[%multiple_of3A_348, %dma_wait3A_1656] : memref<1000000x32xf32, #tpu.memory_space<hbm>> -> memref<256x32xf32, #tpu.memory_space<hbm>>
    tpu.wait_dma2 semaphore(%arg8 : memref<!tpu.dma_semaphore, #tpu.memory_space<semaphore_mem>>) src(%dma_wait3A_1657 : memref<256x32xf32, #tpu.memory_space<hbm>>) dst(%arg5 : memref<256x32xf32, #tpu.memory_space<vmem>>)
    %dma_start3A_1658 = arith.constant 0 : i32
    %dma_start3A_1659 = tpu.memref_slice %arg3[%multiple_of3A_348, %dma_start3A_1658] : memref<1000000x32xf32, #tpu.memory_space<hbm>> -> memref<256x32xf32, #tpu.memory_space<hbm>>
    %dma_start3A_1660 = arith.constant 0 : i32
    %dma_start3A_1661 = tpu.memref_slice %arg3[%multiple_of3A_348, %dma_start3A_1660] : memref<1000000x32xf32, #tpu.memory_space<hbm>> -> memref<256x32xf32, #tpu.memory_space<hbm>>
    tpu.enqueue_dma source(%arg5 : memref<256x32xf32, #tpu.memory_space<vmem>>) target(%dma_start3A_1661 : memref<256x32xf32, #tpu.memory_space<hbm>>) target_semaphore(%arg11 : memref<!tpu.dma_semaphore, #tpu.memory_space<semaphore_mem>>)
    %dma_wait3A_1662 = arith.constant 0 : i32
    %dma_wait3A_1663 = tpu.memref_slice %arg3[%multiple_of3A_348, %dma_wait3A_1662] : memref<1000000x32xf32, #tpu.memory_space<hbm>> -> memref<256x32xf32, #tpu.memory_space<hbm>>
    %dma_wait3A_1664 = arith.constant 0 : i32
    %dma_wait3A_1665 = tpu.memref_slice %arg3[%multiple_of3A_348, %dma_wait3A_1664] : memref<1000000x32xf32, #tpu.memory_space<hbm>> -> memref<256x32xf32, #tpu.memory_space<hbm>>
    tpu.wait_dma2 semaphore(%arg11 : memref<!tpu.dma_semaphore, #tpu.memory_space<semaphore_mem>>) src(%arg5 : memref<256x32xf32, #tpu.memory_space<vmem>>) dst(%dma_wait3A_1665 : memref<256x32xf32, #tpu.memory_space<hbm>>)
    %dma_start3A_1666 = arith.constant 0 : i32
    %dma_start3A_1667 = tpu.memref_slice %arg2[%multiple_of3A_369, %dma_start3A_1666] : memref<1000000x32xf32, #tpu.memory_space<hbm>> -> memref<256x32xf32, #tpu.memory_space<hbm>>
    %dma_start3A_1668 = arith.constant 0 : i32
    %dma_start3A_1669 = tpu.memref_slice %arg2[%multiple_of3A_369, %dma_start3A_1668] : memref<1000000x32xf32, #tpu.memory_space<hbm>> -> memref<256x32xf32, #tpu.memory_space<hbm>>
    tpu.enqueue_dma source(%dma_start3A_1669 : memref<256x32xf32, #tpu.memory_space<hbm>>) target(%arg5 : memref<256x32xf32, #tpu.memory_space<vmem>>) target_semaphore(%arg8 : memref<!tpu.dma_semaphore, #tpu.memory_space<semaphore_mem>>)
    %dma_wait3A_1670 = arith.constant 0 : i32
    %dma_wait3A_1671 = tpu.memref_slice %arg2[%multiple_of3A_355, %dma_wait3A_1670] : memref<1000000x32xf32, #tpu.memory_space<hbm>> -> memref<256x32xf32, #tpu.memory_space<hbm>>
    %dma_wait3A_1672 = arith.constant 0 : i32
    %dma_wait3A_1673 = tpu.memref_slice %arg2[%multiple_of3A_355, %dma_wait3A_1672] : memref<1000000x32xf32, #tpu.memory_space<hbm>> -> memref<256x32xf32, #tpu.memory_space<hbm>>
    tpu.wait_dma2 semaphore(%arg9 : memref<!tpu.dma_semaphore, #tpu.memory_space<semaphore_mem>>) src(%dma_wait3A_1673 : memref<256x32xf32, #tpu.memory_space<hbm>>) dst(%arg6 : memref<256x32xf32, #tpu.memory_space<vmem>>)
    %dma_start3A_1674 = arith.constant 0 : i32
    %dma_start3A_1675 = tpu.memref_slice %arg3[%multiple_of3A_355, %dma_start3A_1674] : memref<1000000x32xf32, #tpu.memory_space<hbm>> -> memref<256x32xf32, #tpu.memory_space<hbm>>
    %dma_start3A_1676 = arith.constant 0 : i32
    %dma_start3A_1677 = tpu.memref_slice %arg3[%multiple_of3A_355, %dma_start3A_1676] : memref<1000000x32xf32, #tpu.memory_space<hbm>> -> memref<256x32xf32, #tpu.memory_space<hbm>>
    tpu.enqueue_dma source(%arg6 : memref<256x32xf32, #tpu.memory_space<vmem>>) target(%dma_start3A_1677 : memref<256x32xf32, #tpu.memory_space<hbm>>) target_semaphore(%arg12 : memref<!tpu.dma_semaphore, #tpu.memory_space<semaphore_mem>>)
    %dma_wait3A_1678 = arith.constant 0 : i32
    %dma_wait3A_1679 = tpu.memref_slice %arg3[%multiple_of3A_355, %dma_wait3A_1678] : memref<1000000x32xf32, #tpu.memory_space<hbm>> -> memref<256x32xf32, #tpu.memory_space<hbm>>
    %dma_wait3A_1680 = arith.constant 0 : i32
    %dma_wait3A_1681 = tpu.memref_slice %arg3[%multiple_of3A_355, %dma_wait3A_1680] : memref<1000000x32xf32, #tpu.memory_space<hbm>> -> memref<256x32xf32, #tpu.memory_space<hbm>>
    tpu.wait_dma2 semaphore(%arg12 : memref<!tpu.dma_semaphore, #tpu.memory_space<semaphore_mem>>) src(%arg6 : memref<256x32xf32, #tpu.memory_space<vmem>>) dst(%dma_wait3A_1681 : memref<256x32xf32, #tpu.memory_space<hbm>>)
    %dma_start3A_1682 = arith.constant 0 : i32
    %dma_start3A_1683 = tpu.memref_slice %arg2[%multiple_of3A_376, %dma_start3A_1682] : memref<1000000x32xf32, #tpu.memory_space<hbm>> -> memref<256x32xf32, #tpu.memory_space<hbm>>
    %dma_start3A_1684 = arith.constant 0 : i32
    %dma_start3A_1685 = tpu.memref_slice %arg2[%multiple_of3A_376, %dma_start3A_1684] : memref<1000000x32xf32, #tpu.memory_space<hbm>> -> memref<256x32xf32, #tpu.memory_space<hbm>>
    tpu.enqueue_dma source(%dma_start3A_1685 : memref<256x32xf32, #tpu.memory_space<hbm>>) target(%arg6 : memref<256x32xf32, #tpu.memory_space<vmem>>) target_semaphore(%arg9 : memref<!tpu.dma_semaphore, #tpu.memory_space<semaphore_mem>>)
    %dma_wait3A_1686 = arith.constant 0 : i32
    %dma_wait3A_1687 = tpu.memref_slice %arg2[%multiple_of3A_362, %dma_wait3A_1686] : memref<1000000x32xf32, #tpu.memory_space<hbm>> -> memref<256x32xf32, #tpu.memory_space<hbm>>
    %dma_wait3A_1688 = arith.constant 0 : i32
    %dma_wait3A_1689 = tpu.memref_slice %arg2[%multiple_of3A_362, %dma_wait3A_1688] : memref<1000000x32xf32, #tpu.memory_space<hbm>> -> memref<256x32xf32, #tpu.memory_space<hbm>>
    tpu.wait_dma2 semaphore(%arg7 : memref<!tpu.dma_semaphore, #tpu.memory_space<semaphore_mem>>) src(%dma_wait3A_1689 : memref<256x32xf32, #tpu.memory_space<hbm>>) dst(%arg4 : memref<256x32xf32, #tpu.memory_space<vmem>>)
    %dma_start3A_1690 = arith.constant 0 : i32
    %dma_start3A_1691 = tpu.memref_slice %arg3[%multiple_of3A_362, %dma_start3A_1690] : memref<1000000x32xf32, #tpu.memory_space<hbm>> -> memref<256x32xf32, #tpu.memory_space<hbm>>
    %dma_start3A_1692 = arith.constant 0 : i32
    %dma_start3A_1693 = tpu.memref_slice %arg3[%multiple_of3A_362, %dma_start3A_1692] : memref<1000000x32xf32, #tpu.memory_space<hbm>> -> memref<256x32xf32, #tpu.memory_space<hbm>>
    tpu.enqueue_dma source(%arg4 : memref<256x32xf32, #tpu.memory_space<vmem>>) target(%dma_start3A_1693 : memref<256x32xf32, #tpu.memory_space<hbm>>) target_semaphore(%arg10 : memref<!tpu.dma_semaphore, #tpu.memory_space<semaphore_mem>>)
    %dma_wait3A_1694 = arith.constant 0 : i32
    %dma_wait3A_1695 = tpu.memref_slice %arg3[%multiple_of3A_362, %dma_wait3A_1694] : memref<1000000x32xf32, #tpu.memory_space<hbm>> -> memref<256x32xf32, #tpu.memory_space<hbm>>
    %dma_wait3A_1696 = arith.constant 0 : i32
    %dma_wait3A_1697 = tpu.memref_slice %arg3[%multiple_of3A_362, %dma_wait3A_1696] : memref<1000000x32xf32, #tpu.memory_space<hbm>> -> memref<256x32xf32, #tpu.memory_space<hbm>>
    tpu.wait_dma2 semaphore(%arg10 : memref<!tpu.dma_semaphore, #tpu.memory_space<semaphore_mem>>) src(%arg4 : memref<256x32xf32, #tpu.memory_space<vmem>>) dst(%dma_wait3A_1697 : memref<256x32xf32, #tpu.memory_space<hbm>>)
    %dma_start3A_1698 = arith.constant 0 : i32
    %dma_start3A_1699 = tpu.memref_slice %arg2[%multiple_of3A_383, %dma_start3A_1698] : memref<1000000x32xf32, #tpu.memory_space<hbm>> -> memref<256x32xf32, #tpu.memory_space<hbm>>
    %dma_start3A_1700 = arith.constant 0 : i32
    %dma_start3A_1701 = tpu.memref_slice %arg2[%multiple_of3A_383, %dma_start3A_1700] : memref<1000000x32xf32, #tpu.memory_space<hbm>> -> memref<256x32xf32, #tpu.memory_space<hbm>>
    tpu.enqueue_dma source(%dma_start3A_1701 : memref<256x32xf32, #tpu.memory_space<hbm>>) target(%arg4 : memref<256x32xf32, #tpu.memory_space<vmem>>) target_semaphore(%arg7 : memref<!tpu.dma_semaphore, #tpu.memory_space<semaphore_mem>>)
    %dma_wait3A_1702 = arith.constant 0 : i32
    %dma_wait3A_1703 = tpu.memref_slice %arg2[%multiple_of3A_369, %dma_wait3A_1702] : memref<1000000x32xf32, #tpu.memory_space<hbm>> -> memref<256x32xf32, #tpu.memory_space<hbm>>
    %dma_wait3A_1704 = arith.constant 0 : i32
    %dma_wait3A_1705 = tpu.memref_slice %arg2[%multiple_of3A_369, %dma_wait3A_1704] : memref<1000000x32xf32, #tpu.memory_space<hbm>> -> memref<256x32xf32, #tpu.memory_space<hbm>>
    tpu.wait_dma2 semaphore(%arg8 : memref<!tpu.dma_semaphore, #tpu.memory_space<semaphore_mem>>) src(%dma_wait3A_1705 : memref<256x32xf32, #tpu.memory_space<hbm>>) dst(%arg5 : memref<256x32xf32, #tpu.memory_space<vmem>>)
    %dma_start3A_1706 = arith.constant 0 : i32
    %dma_start3A_1707 = tpu.memref_slice %arg3[%multiple_of3A_369, %dma_start3A_1706] : memref<1000000x32xf32, #tpu.memory_space<hbm>> -> memref<256x32xf32, #tpu.memory_space<hbm>>
    %dma_start3A_1708 = arith.constant 0 : i32
    %dma_start3A_1709 = tpu.memref_slice %arg3[%multiple_of3A_369, %dma_start3A_1708] : memref<1000000x32xf32, #tpu.memory_space<hbm>> -> memref<256x32xf32, #tpu.memory_space<hbm>>
    tpu.enqueue_dma source(%arg5 : memref<256x32xf32, #tpu.memory_space<vmem>>) target(%dma_start3A_1709 : memref<256x32xf32, #tpu.memory_space<hbm>>) target_semaphore(%arg11 : memref<!tpu.dma_semaphore, #tpu.memory_space<semaphore_mem>>)
    %dma_wait3A_1710 = arith.constant 0 : i32
    %dma_wait3A_1711 = tpu.memref_slice %arg3[%multiple_of3A_369, %dma_wait3A_1710] : memref<1000000x32xf32, #tpu.memory_space<hbm>> -> memref<256x32xf32, #tpu.memory_space<hbm>>
    %dma_wait3A_1712 = arith.constant 0 : i32
    %dma_wait3A_1713 = tpu.memref_slice %arg3[%multiple_of3A_369, %dma_wait3A_1712] : memref<1000000x32xf32, #tpu.memory_space<hbm>> -> memref<256x32xf32, #tpu.memory_space<hbm>>
    tpu.wait_dma2 semaphore(%arg11 : memref<!tpu.dma_semaphore, #tpu.memory_space<semaphore_mem>>) src(%arg5 : memref<256x32xf32, #tpu.memory_space<vmem>>) dst(%dma_wait3A_1713 : memref<256x32xf32, #tpu.memory_space<hbm>>)
    %dma_start3A_1714 = arith.constant 0 : i32
    %dma_start3A_1715 = tpu.memref_slice %arg2[%multiple_of3A_390, %dma_start3A_1714] : memref<1000000x32xf32, #tpu.memory_space<hbm>> -> memref<256x32xf32, #tpu.memory_space<hbm>>
    %dma_start3A_1716 = arith.constant 0 : i32
    %dma_start3A_1717 = tpu.memref_slice %arg2[%multiple_of3A_390, %dma_start3A_1716] : memref<1000000x32xf32, #tpu.memory_space<hbm>> -> memref<256x32xf32, #tpu.memory_space<hbm>>
    tpu.enqueue_dma source(%dma_start3A_1717 : memref<256x32xf32, #tpu.memory_space<hbm>>) target(%arg5 : memref<256x32xf32, #tpu.memory_space<vmem>>) target_semaphore(%arg8 : memref<!tpu.dma_semaphore, #tpu.memory_space<semaphore_mem>>)
    %dma_wait3A_1718 = arith.constant 0 : i32
    %dma_wait3A_1719 = tpu.memref_slice %arg2[%multiple_of3A_376, %dma_wait3A_1718] : memref<1000000x32xf32, #tpu.memory_space<hbm>> -> memref<256x32xf32, #tpu.memory_space<hbm>>
    %dma_wait3A_1720 = arith.constant 0 : i32
    %dma_wait3A_1721 = tpu.memref_slice %arg2[%multiple_of3A_376, %dma_wait3A_1720] : memref<1000000x32xf32, #tpu.memory_space<hbm>> -> memref<256x32xf32, #tpu.memory_space<hbm>>
    tpu.wait_dma2 semaphore(%arg9 : memref<!tpu.dma_semaphore, #tpu.memory_space<semaphore_mem>>) src(%dma_wait3A_1721 : memref<256x32xf32, #tpu.memory_space<hbm>>) dst(%arg6 : memref<256x32xf32, #tpu.memory_space<vmem>>)
    %dma_start3A_1722 = arith.constant 0 : i32
    %dma_start3A_1723 = tpu.memref_slice %arg3[%multiple_of3A_376, %dma_start3A_1722] : memref<1000000x32xf32, #tpu.memory_space<hbm>> -> memref<256x32xf32, #tpu.memory_space<hbm>>
    %dma_start3A_1724 = arith.constant 0 : i32
    %dma_start3A_1725 = tpu.memref_slice %arg3[%multiple_of3A_376, %dma_start3A_1724] : memref<1000000x32xf32, #tpu.memory_space<hbm>> -> memref<256x32xf32, #tpu.memory_space<hbm>>
    tpu.enqueue_dma source(%arg6 : memref<256x32xf32, #tpu.memory_space<vmem>>) target(%dma_start3A_1725 : memref<256x32xf32, #tpu.memory_space<hbm>>) target_semaphore(%arg12 : memref<!tpu.dma_semaphore, #tpu.memory_space<semaphore_mem>>)
    %dma_wait3A_1726 = arith.constant 0 : i32
    %dma_wait3A_1727 = tpu.memref_slice %arg3[%multiple_of3A_376, %dma_wait3A_1726] : memref<1000000x32xf32, #tpu.memory_space<hbm>> -> memref<256x32xf32, #tpu.memory_space<hbm>>
    %dma_wait3A_1728 = arith.constant 0 : i32
    %dma_wait3A_1729 = tpu.memref_slice %arg3[%multiple_of3A_376, %dma_wait3A_1728] : memref<1000000x32xf32, #tpu.memory_space<hbm>> -> memref<256x32xf32, #tpu.memory_space<hbm>>
    tpu.wait_dma2 semaphore(%arg12 : memref<!tpu.dma_semaphore, #tpu.memory_space<semaphore_mem>>) src(%arg6 : memref<256x32xf32, #tpu.memory_space<vmem>>) dst(%dma_wait3A_1729 : memref<256x32xf32, #tpu.memory_space<hbm>>)
    %dma_start3A_1730 = arith.constant 0 : i32
    %dma_start3A_1731 = tpu.memref_slice %arg2[%multiple_of3A_397, %dma_start3A_1730] : memref<1000000x32xf32, #tpu.memory_space<hbm>> -> memref<256x32xf32, #tpu.memory_space<hbm>>
    %dma_start3A_1732 = arith.constant 0 : i32
    %dma_start3A_1733 = tpu.memref_slice %arg2[%multiple_of3A_397, %dma_start3A_1732] : memref<1000000x32xf32, #tpu.memory_space<hbm>> -> memref<256x32xf32, #tpu.memory_space<hbm>>
    tpu.enqueue_dma source(%dma_start3A_1733 : memref<256x32xf32, #tpu.memory_space<hbm>>) target(%arg6 : memref<256x32xf32, #tpu.memory_space<vmem>>) target_semaphore(%arg9 : memref<!tpu.dma_semaphore, #tpu.memory_space<semaphore_mem>>)
    %dma_wait3A_1734 = arith.constant 0 : i32
    %dma_wait3A_1735 = tpu.memref_slice %arg2[%multiple_of3A_383, %dma_wait3A_1734] : memref<1000000x32xf32, #tpu.memory_space<hbm>> -> memref<256x32xf32, #tpu.memory_space<hbm>>
    %dma_wait3A_1736 = arith.constant 0 : i32
    %dma_wait3A_1737 = tpu.memref_slice %arg2[%multiple_of3A_383, %dma_wait3A_1736] : memref<1000000x32xf32, #tpu.memory_space<hbm>> -> memref<256x32xf32, #tpu.memory_space<hbm>>
    tpu.wait_dma2 semaphore(%arg7 : memref<!tpu.dma_semaphore, #tpu.memory_space<semaphore_mem>>) src(%dma_wait3A_1737 : memref<256x32xf32, #tpu.memory_space<hbm>>) dst(%arg4 : memref<256x32xf32, #tpu.memory_space<vmem>>)
    %dma_start3A_1738 = arith.constant 0 : i32
    %dma_start3A_1739 = tpu.memref_slice %arg3[%multiple_of3A_383, %dma_start3A_1738] : memref<1000000x32xf32, #tpu.memory_space<hbm>> -> memref<256x32xf32, #tpu.memory_space<hbm>>
    %dma_start3A_1740 = arith.constant 0 : i32
    %dma_start3A_1741 = tpu.memref_slice %arg3[%multiple_of3A_383, %dma_start3A_1740] : memref<1000000x32xf32, #tpu.memory_space<hbm>> -> memref<256x32xf32, #tpu.memory_space<hbm>>
    tpu.enqueue_dma source(%arg4 : memref<256x32xf32, #tpu.memory_space<vmem>>) target(%dma_start3A_1741 : memref<256x32xf32, #tpu.memory_space<hbm>>) target_semaphore(%arg10 : memref<!tpu.dma_semaphore, #tpu.memory_space<semaphore_mem>>)
    %dma_wait3A_1742 = arith.constant 0 : i32
    %dma_wait3A_1743 = tpu.memref_slice %arg3[%multiple_of3A_383, %dma_wait3A_1742] : memref<1000000x32xf32, #tpu.memory_space<hbm>> -> memref<256x32xf32, #tpu.memory_space<hbm>>
    %dma_wait3A_1744 = arith.constant 0 : i32
    %dma_wait3A_1745 = tpu.memref_slice %arg3[%multiple_of3A_383, %dma_wait3A_1744] : memref<1000000x32xf32, #tpu.memory_space<hbm>> -> memref<256x32xf32, #tpu.memory_space<hbm>>
    tpu.wait_dma2 semaphore(%arg10 : memref<!tpu.dma_semaphore, #tpu.memory_space<semaphore_mem>>) src(%arg4 : memref<256x32xf32, #tpu.memory_space<vmem>>) dst(%dma_wait3A_1745 : memref<256x32xf32, #tpu.memory_space<hbm>>)
    %dma_start3A_1746 = arith.constant 0 : i32
    %dma_start3A_1747 = tpu.memref_slice %arg2[%multiple_of3A_404, %dma_start3A_1746] : memref<1000000x32xf32, #tpu.memory_space<hbm>> -> memref<256x32xf32, #tpu.memory_space<hbm>>
    %dma_start3A_1748 = arith.constant 0 : i32
    %dma_start3A_1749 = tpu.memref_slice %arg2[%multiple_of3A_404, %dma_start3A_1748] : memref<1000000x32xf32, #tpu.memory_space<hbm>> -> memref<256x32xf32, #tpu.memory_space<hbm>>
    tpu.enqueue_dma source(%dma_start3A_1749 : memref<256x32xf32, #tpu.memory_space<hbm>>) target(%arg4 : memref<256x32xf32, #tpu.memory_space<vmem>>) target_semaphore(%arg7 : memref<!tpu.dma_semaphore, #tpu.memory_space<semaphore_mem>>)
    %dma_wait3A_1750 = arith.constant 0 : i32
    %dma_wait3A_1751 = tpu.memref_slice %arg2[%multiple_of3A_390, %dma_wait3A_1750] : memref<1000000x32xf32, #tpu.memory_space<hbm>> -> memref<256x32xf32, #tpu.memory_space<hbm>>
    %dma_wait3A_1752 = arith.constant 0 : i32
    %dma_wait3A_1753 = tpu.memref_slice %arg2[%multiple_of3A_390, %dma_wait3A_1752] : memref<1000000x32xf32, #tpu.memory_space<hbm>> -> memref<256x32xf32, #tpu.memory_space<hbm>>
    tpu.wait_dma2 semaphore(%arg8 : memref<!tpu.dma_semaphore, #tpu.memory_space<semaphore_mem>>) src(%dma_wait3A_1753 : memref<256x32xf32, #tpu.memory_space<hbm>>) dst(%arg5 : memref<256x32xf32, #tpu.memory_space<vmem>>)
    %dma_start3A_1754 = arith.constant 0 : i32
    %dma_start3A_1755 = tpu.memref_slice %arg3[%multiple_of3A_390, %dma_start3A_1754] : memref<1000000x32xf32, #tpu.memory_space<hbm>> -> memref<256x32xf32, #tpu.memory_space<hbm>>
    %dma_start3A_1756 = arith.constant 0 : i32
    %dma_start3A_1757 = tpu.memref_slice %arg3[%multiple_of3A_390, %dma_start3A_1756] : memref<1000000x32xf32, #tpu.memory_space<hbm>> -> memref<256x32xf32, #tpu.memory_space<hbm>>
    tpu.enqueue_dma source(%arg5 : memref<256x32xf32, #tpu.memory_space<vmem>>) target(%dma_start3A_1757 : memref<256x32xf32, #tpu.memory_space<hbm>>) target_semaphore(%arg11 : memref<!tpu.dma_semaphore, #tpu.memory_space<semaphore_mem>>)
    %dma_wait3A_1758 = arith.constant 0 : i32
    %dma_wait3A_1759 = tpu.memref_slice %arg3[%multiple_of3A_390, %dma_wait3A_1758] : memref<1000000x32xf32, #tpu.memory_space<hbm>> -> memref<256x32xf32, #tpu.memory_space<hbm>>
    %dma_wait3A_1760 = arith.constant 0 : i32
    %dma_wait3A_1761 = tpu.memref_slice %arg3[%multiple_of3A_390, %dma_wait3A_1760] : memref<1000000x32xf32, #tpu.memory_space<hbm>> -> memref<256x32xf32, #tpu.memory_space<hbm>>
    tpu.wait_dma2 semaphore(%arg11 : memref<!tpu.dma_semaphore, #tpu.memory_space<semaphore_mem>>) src(%arg5 : memref<256x32xf32, #tpu.memory_space<vmem>>) dst(%dma_wait3A_1761 : memref<256x32xf32, #tpu.memory_space<hbm>>)
    %dma_start3A_1762 = arith.constant 0 : i32
    %dma_start3A_1763 = tpu.memref_slice %arg2[%multiple_of3A_411, %dma_start3A_1762] : memref<1000000x32xf32, #tpu.memory_space<hbm>> -> memref<256x32xf32, #tpu.memory_space<hbm>>
    %dma_start3A_1764 = arith.constant 0 : i32
    %dma_start3A_1765 = tpu.memref_slice %arg2[%multiple_of3A_411, %dma_start3A_1764] : memref<1000000x32xf32, #tpu.memory_space<hbm>> -> memref<256x32xf32, #tpu.memory_space<hbm>>
    tpu.enqueue_dma source(%dma_start3A_1765 : memref<256x32xf32, #tpu.memory_space<hbm>>) target(%arg5 : memref<256x32xf32, #tpu.memory_space<vmem>>) target_semaphore(%arg8 : memref<!tpu.dma_semaphore, #tpu.memory_space<semaphore_mem>>)
    %dma_wait3A_1766 = arith.constant 0 : i32
    %dma_wait3A_1767 = tpu.memref_slice %arg2[%multiple_of3A_397, %dma_wait3A_1766] : memref<1000000x32xf32, #tpu.memory_space<hbm>> -> memref<256x32xf32, #tpu.memory_space<hbm>>
    %dma_wait3A_1768 = arith.constant 0 : i32
    %dma_wait3A_1769 = tpu.memref_slice %arg2[%multiple_of3A_397, %dma_wait3A_1768] : memref<1000000x32xf32, #tpu.memory_space<hbm>> -> memref<256x32xf32, #tpu.memory_space<hbm>>
    tpu.wait_dma2 semaphore(%arg9 : memref<!tpu.dma_semaphore, #tpu.memory_space<semaphore_mem>>) src(%dma_wait3A_1769 : memref<256x32xf32, #tpu.memory_space<hbm>>) dst(%arg6 : memref<256x32xf32, #tpu.memory_space<vmem>>)
    %dma_start3A_1770 = arith.constant 0 : i32
    %dma_start3A_1771 = tpu.memref_slice %arg3[%multiple_of3A_397, %dma_start3A_1770] : memref<1000000x32xf32, #tpu.memory_space<hbm>> -> memref<256x32xf32, #tpu.memory_space<hbm>>
    %dma_start3A_1772 = arith.constant 0 : i32
    %dma_start3A_1773 = tpu.memref_slice %arg3[%multiple_of3A_397, %dma_start3A_1772] : memref<1000000x32xf32, #tpu.memory_space<hbm>> -> memref<256x32xf32, #tpu.memory_space<hbm>>
    tpu.enqueue_dma source(%arg6 : memref<256x32xf32, #tpu.memory_space<vmem>>) target(%dma_start3A_1773 : memref<256x32xf32, #tpu.memory_space<hbm>>) target_semaphore(%arg12 : memref<!tpu.dma_semaphore, #tpu.memory_space<semaphore_mem>>)
    %dma_wait3A_1774 = arith.constant 0 : i32
    %dma_wait3A_1775 = tpu.memref_slice %arg3[%multiple_of3A_397, %dma_wait3A_1774] : memref<1000000x32xf32, #tpu.memory_space<hbm>> -> memref<256x32xf32, #tpu.memory_space<hbm>>
    %dma_wait3A_1776 = arith.constant 0 : i32
    %dma_wait3A_1777 = tpu.memref_slice %arg3[%multiple_of3A_397, %dma_wait3A_1776] : memref<1000000x32xf32, #tpu.memory_space<hbm>> -> memref<256x32xf32, #tpu.memory_space<hbm>>
    tpu.wait_dma2 semaphore(%arg12 : memref<!tpu.dma_semaphore, #tpu.memory_space<semaphore_mem>>) src(%arg6 : memref<256x32xf32, #tpu.memory_space<vmem>>) dst(%dma_wait3A_1777 : memref<256x32xf32, #tpu.memory_space<hbm>>)
    %dma_start3A_1778 = arith.constant 0 : i32
    %dma_start3A_1779 = tpu.memref_slice %arg2[%multiple_of3A_418, %dma_start3A_1778] : memref<1000000x32xf32, #tpu.memory_space<hbm>> -> memref<256x32xf32, #tpu.memory_space<hbm>>
    %dma_start3A_1780 = arith.constant 0 : i32
    %dma_start3A_1781 = tpu.memref_slice %arg2[%multiple_of3A_418, %dma_start3A_1780] : memref<1000000x32xf32, #tpu.memory_space<hbm>> -> memref<256x32xf32, #tpu.memory_space<hbm>>
    tpu.enqueue_dma source(%dma_start3A_1781 : memref<256x32xf32, #tpu.memory_space<hbm>>) target(%arg6 : memref<256x32xf32, #tpu.memory_space<vmem>>) target_semaphore(%arg9 : memref<!tpu.dma_semaphore, #tpu.memory_space<semaphore_mem>>)
    %dma_wait3A_1782 = arith.constant 0 : i32
    %dma_wait3A_1783 = tpu.memref_slice %arg2[%multiple_of3A_404, %dma_wait3A_1782] : memref<1000000x32xf32, #tpu.memory_space<hbm>> -> memref<256x32xf32, #tpu.memory_space<hbm>>
    %dma_wait3A_1784 = arith.constant 0 : i32
    %dma_wait3A_1785 = tpu.memref_slice %arg2[%multiple_of3A_404, %dma_wait3A_1784] : memref<1000000x32xf32, #tpu.memory_space<hbm>> -> memref<256x32xf32, #tpu.memory_space<hbm>>
    tpu.wait_dma2 semaphore(%arg7 : memref<!tpu.dma_semaphore, #tpu.memory_space<semaphore_mem>>) src(%dma_wait3A_1785 : memref<256x32xf32, #tpu.memory_space<hbm>>) dst(%arg4 : memref<256x32xf32, #tpu.memory_space<vmem>>)
    %dma_start3A_1786 = arith.constant 0 : i32
    %dma_start3A_1787 = tpu.memref_slice %arg3[%multiple_of3A_404, %dma_start3A_1786] : memref<1000000x32xf32, #tpu.memory_space<hbm>> -> memref<256x32xf32, #tpu.memory_space<hbm>>
    %dma_start3A_1788 = arith.constant 0 : i32
    %dma_start3A_1789 = tpu.memref_slice %arg3[%multiple_of3A_404, %dma_start3A_1788] : memref<1000000x32xf32, #tpu.memory_space<hbm>> -> memref<256x32xf32, #tpu.memory_space<hbm>>
    tpu.enqueue_dma source(%arg4 : memref<256x32xf32, #tpu.memory_space<vmem>>) target(%dma_start3A_1789 : memref<256x32xf32, #tpu.memory_space<hbm>>) target_semaphore(%arg10 : memref<!tpu.dma_semaphore, #tpu.memory_space<semaphore_mem>>)
    %dma_wait3A_1790 = arith.constant 0 : i32
    %dma_wait3A_1791 = tpu.memref_slice %arg3[%multiple_of3A_404, %dma_wait3A_1790] : memref<1000000x32xf32, #tpu.memory_space<hbm>> -> memref<256x32xf32, #tpu.memory_space<hbm>>
    %dma_wait3A_1792 = arith.constant 0 : i32
    %dma_wait3A_1793 = tpu.memref_slice %arg3[%multiple_of3A_404, %dma_wait3A_1792] : memref<1000000x32xf32, #tpu.memory_space<hbm>> -> memref<256x32xf32, #tpu.memory_space<hbm>>
    tpu.wait_dma2 semaphore(%arg10 : memref<!tpu.dma_semaphore, #tpu.memory_space<semaphore_mem>>) src(%arg4 : memref<256x32xf32, #tpu.memory_space<vmem>>) dst(%dma_wait3A_1793 : memref<256x32xf32, #tpu.memory_space<hbm>>)
    %dma_start3A_1794 = arith.constant 0 : i32
    %dma_start3A_1795 = tpu.memref_slice %arg2[%multiple_of3A_425, %dma_start3A_1794] : memref<1000000x32xf32, #tpu.memory_space<hbm>> -> memref<256x32xf32, #tpu.memory_space<hbm>>
    %dma_start3A_1796 = arith.constant 0 : i32
    %dma_start3A_1797 = tpu.memref_slice %arg2[%multiple_of3A_425, %dma_start3A_1796] : memref<1000000x32xf32, #tpu.memory_space<hbm>> -> memref<256x32xf32, #tpu.memory_space<hbm>>
    tpu.enqueue_dma source(%dma_start3A_1797 : memref<256x32xf32, #tpu.memory_space<hbm>>) target(%arg4 : memref<256x32xf32, #tpu.memory_space<vmem>>) target_semaphore(%arg7 : memref<!tpu.dma_semaphore, #tpu.memory_space<semaphore_mem>>)
    %dma_wait3A_1798 = arith.constant 0 : i32
    %dma_wait3A_1799 = tpu.memref_slice %arg2[%multiple_of3A_411, %dma_wait3A_1798] : memref<1000000x32xf32, #tpu.memory_space<hbm>> -> memref<256x32xf32, #tpu.memory_space<hbm>>
    %dma_wait3A_1800 = arith.constant 0 : i32
    %dma_wait3A_1801 = tpu.memref_slice %arg2[%multiple_of3A_411, %dma_wait3A_1800] : memref<1000000x32xf32, #tpu.memory_space<hbm>> -> memref<256x32xf32, #tpu.memory_space<hbm>>
    tpu.wait_dma2 semaphore(%arg8 : memref<!tpu.dma_semaphore, #tpu.memory_space<semaphore_mem>>) src(%dma_wait3A_1801 : memref<256x32xf32, #tpu.memory_space<hbm>>) dst(%arg5 : memref<256x32xf32, #tpu.memory_space<vmem>>)
    %dma_start3A_1802 = arith.constant 0 : i32
    %dma_start3A_1803 = tpu.memref_slice %arg3[%multiple_of3A_411, %dma_start3A_1802] : memref<1000000x32xf32, #tpu.memory_space<hbm>> -> memref<256x32xf32, #tpu.memory_space<hbm>>
    %dma_start3A_1804 = arith.constant 0 : i32
    %dma_start3A_1805 = tpu.memref_slice %arg3[%multiple_of3A_411, %dma_start3A_1804] : memref<1000000x32xf32, #tpu.memory_space<hbm>> -> memref<256x32xf32, #tpu.memory_space<hbm>>
    tpu.enqueue_dma source(%arg5 : memref<256x32xf32, #tpu.memory_space<vmem>>) target(%dma_start3A_1805 : memref<256x32xf32, #tpu.memory_space<hbm>>) target_semaphore(%arg11 : memref<!tpu.dma_semaphore, #tpu.memory_space<semaphore_mem>>)
    %dma_wait3A_1806 = arith.constant 0 : i32
    %dma_wait3A_1807 = tpu.memref_slice %arg3[%multiple_of3A_411, %dma_wait3A_1806] : memref<1000000x32xf32, #tpu.memory_space<hbm>> -> memref<256x32xf32, #tpu.memory_space<hbm>>
    %dma_wait3A_1808 = arith.constant 0 : i32
    %dma_wait3A_1809 = tpu.memref_slice %arg3[%multiple_of3A_411, %dma_wait3A_1808] : memref<1000000x32xf32, #tpu.memory_space<hbm>> -> memref<256x32xf32, #tpu.memory_space<hbm>>
    tpu.wait_dma2 semaphore(%arg11 : memref<!tpu.dma_semaphore, #tpu.memory_space<semaphore_mem>>) src(%arg5 : memref<256x32xf32, #tpu.memory_space<vmem>>) dst(%dma_wait3A_1809 : memref<256x32xf32, #tpu.memory_space<hbm>>)
    %dma_start3A_1810 = arith.constant 0 : i32
    %dma_start3A_1811 = tpu.memref_slice %arg2[%multiple_of3A_432, %dma_start3A_1810] : memref<1000000x32xf32, #tpu.memory_space<hbm>> -> memref<256x32xf32, #tpu.memory_space<hbm>>
    %dma_start3A_1812 = arith.constant 0 : i32
    %dma_start3A_1813 = tpu.memref_slice %arg2[%multiple_of3A_432, %dma_start3A_1812] : memref<1000000x32xf32, #tpu.memory_space<hbm>> -> memref<256x32xf32, #tpu.memory_space<hbm>>
    tpu.enqueue_dma source(%dma_start3A_1813 : memref<256x32xf32, #tpu.memory_space<hbm>>) target(%arg5 : memref<256x32xf32, #tpu.memory_space<vmem>>) target_semaphore(%arg8 : memref<!tpu.dma_semaphore, #tpu.memory_space<semaphore_mem>>)
    %dma_wait3A_1814 = arith.constant 0 : i32
    %dma_wait3A_1815 = tpu.memref_slice %arg2[%multiple_of3A_418, %dma_wait3A_1814] : memref<1000000x32xf32, #tpu.memory_space<hbm>> -> memref<256x32xf32, #tpu.memory_space<hbm>>
    %dma_wait3A_1816 = arith.constant 0 : i32
    %dma_wait3A_1817 = tpu.memref_slice %arg2[%multiple_of3A_418, %dma_wait3A_1816] : memref<1000000x32xf32, #tpu.memory_space<hbm>> -> memref<256x32xf32, #tpu.memory_space<hbm>>
    tpu.wait_dma2 semaphore(%arg9 : memref<!tpu.dma_semaphore, #tpu.memory_space<semaphore_mem>>) src(%dma_wait3A_1817 : memref<256x32xf32, #tpu.memory_space<hbm>>) dst(%arg6 : memref<256x32xf32, #tpu.memory_space<vmem>>)
    %dma_start3A_1818 = arith.constant 0 : i32
    %dma_start3A_1819 = tpu.memref_slice %arg3[%multiple_of3A_418, %dma_start3A_1818] : memref<1000000x32xf32, #tpu.memory_space<hbm>> -> memref<256x32xf32, #tpu.memory_space<hbm>>
    %dma_start3A_1820 = arith.constant 0 : i32
    %dma_start3A_1821 = tpu.memref_slice %arg3[%multiple_of3A_418, %dma_start3A_1820] : memref<1000000x32xf32, #tpu.memory_space<hbm>> -> memref<256x32xf32, #tpu.memory_space<hbm>>
    tpu.enqueue_dma source(%arg6 : memref<256x32xf32, #tpu.memory_space<vmem>>) target(%dma_start3A_1821 : memref<256x32xf32, #tpu.memory_space<hbm>>) target_semaphore(%arg12 : memref<!tpu.dma_semaphore, #tpu.memory_space<semaphore_mem>>)
    %dma_wait3A_1822 = arith.constant 0 : i32
    %dma_wait3A_1823 = tpu.memref_slice %arg3[%multiple_of3A_418, %dma_wait3A_1822] : memref<1000000x32xf32, #tpu.memory_space<hbm>> -> memref<256x32xf32, #tpu.memory_space<hbm>>
    %dma_wait3A_1824 = arith.constant 0 : i32
    %dma_wait3A_1825 = tpu.memref_slice %arg3[%multiple_of3A_418, %dma_wait3A_1824] : memref<1000000x32xf32, #tpu.memory_space<hbm>> -> memref<256x32xf32, #tpu.memory_space<hbm>>
    tpu.wait_dma2 semaphore(%arg12 : memref<!tpu.dma_semaphore, #tpu.memory_space<semaphore_mem>>) src(%arg6 : memref<256x32xf32, #tpu.memory_space<vmem>>) dst(%dma_wait3A_1825 : memref<256x32xf32, #tpu.memory_space<hbm>>)
    %dma_start3A_1826 = arith.constant 0 : i32
    %dma_start3A_1827 = tpu.memref_slice %arg2[%multiple_of3A_439, %dma_start3A_1826] : memref<1000000x32xf32, #tpu.memory_space<hbm>> -> memref<256x32xf32, #tpu.memory_space<hbm>>
    %dma_start3A_1828 = arith.constant 0 : i32
    %dma_start3A_1829 = tpu.memref_slice %arg2[%multiple_of3A_439, %dma_start3A_1828] : memref<1000000x32xf32, #tpu.memory_space<hbm>> -> memref<256x32xf32, #tpu.memory_space<hbm>>
    tpu.enqueue_dma source(%dma_start3A_1829 : memref<256x32xf32, #tpu.memory_space<hbm>>) target(%arg6 : memref<256x32xf32, #tpu.memory_space<vmem>>) target_semaphore(%arg9 : memref<!tpu.dma_semaphore, #tpu.memory_space<semaphore_mem>>)
    %dma_wait3A_1830 = arith.constant 0 : i32
    %dma_wait3A_1831 = tpu.memref_slice %arg2[%multiple_of3A_425, %dma_wait3A_1830] : memref<1000000x32xf32, #tpu.memory_space<hbm>> -> memref<256x32xf32, #tpu.memory_space<hbm>>
    %dma_wait3A_1832 = arith.constant 0 : i32
    %dma_wait3A_1833 = tpu.memref_slice %arg2[%multiple_of3A_425, %dma_wait3A_1832] : memref<1000000x32xf32, #tpu.memory_space<hbm>> -> memref<256x32xf32, #tpu.memory_space<hbm>>
    tpu.wait_dma2 semaphore(%arg7 : memref<!tpu.dma_semaphore, #tpu.memory_space<semaphore_mem>>) src(%dma_wait3A_1833 : memref<256x32xf32, #tpu.memory_space<hbm>>) dst(%arg4 : memref<256x32xf32, #tpu.memory_space<vmem>>)
    %dma_start3A_1834 = arith.constant 0 : i32
    %dma_start3A_1835 = tpu.memref_slice %arg3[%multiple_of3A_425, %dma_start3A_1834] : memref<1000000x32xf32, #tpu.memory_space<hbm>> -> memref<256x32xf32, #tpu.memory_space<hbm>>
    %dma_start3A_1836 = arith.constant 0 : i32
    %dma_start3A_1837 = tpu.memref_slice %arg3[%multiple_of3A_425, %dma_start3A_1836] : memref<1000000x32xf32, #tpu.memory_space<hbm>> -> memref<256x32xf32, #tpu.memory_space<hbm>>
    tpu.enqueue_dma source(%arg4 : memref<256x32xf32, #tpu.memory_space<vmem>>) target(%dma_start3A_1837 : memref<256x32xf32, #tpu.memory_space<hbm>>) target_semaphore(%arg10 : memref<!tpu.dma_semaphore, #tpu.memory_space<semaphore_mem>>)
    %dma_wait3A_1838 = arith.constant 0 : i32
    %dma_wait3A_1839 = tpu.memref_slice %arg3[%multiple_of3A_425, %dma_wait3A_1838] : memref<1000000x32xf32, #tpu.memory_space<hbm>> -> memref<256x32xf32, #tpu.memory_space<hbm>>
    %dma_wait3A_1840 = arith.constant 0 : i32
    %dma_wait3A_1841 = tpu.memref_slice %arg3[%multiple_of3A_425, %dma_wait3A_1840] : memref<1000000x32xf32, #tpu.memory_space<hbm>> -> memref<256x32xf32, #tpu.memory_space<hbm>>
    tpu.wait_dma2 semaphore(%arg10 : memref<!tpu.dma_semaphore, #tpu.memory_space<semaphore_mem>>) src(%arg4 : memref<256x32xf32, #tpu.memory_space<vmem>>) dst(%dma_wait3A_1841 : memref<256x32xf32, #tpu.memory_space<hbm>>)
    %dma_start3A_1842 = arith.constant 0 : i32
    %dma_start3A_1843 = tpu.memref_slice %arg2[%multiple_of3A_446, %dma_start3A_1842] : memref<1000000x32xf32, #tpu.memory_space<hbm>> -> memref<256x32xf32, #tpu.memory_space<hbm>>
    %dma_start3A_1844 = arith.constant 0 : i32
    %dma_start3A_1845 = tpu.memref_slice %arg2[%multiple_of3A_446, %dma_start3A_1844] : memref<1000000x32xf32, #tpu.memory_space<hbm>> -> memref<256x32xf32, #tpu.memory_space<hbm>>
    tpu.enqueue_dma source(%dma_start3A_1845 : memref<256x32xf32, #tpu.memory_space<hbm>>) target(%arg4 : memref<256x32xf32, #tpu.memory_space<vmem>>) target_semaphore(%arg7 : memref<!tpu.dma_semaphore, #tpu.memory_space<semaphore_mem>>)
    %dma_wait3A_1846 = arith.constant 0 : i32
    %dma_wait3A_1847 = tpu.memref_slice %arg2[%multiple_of3A_432, %dma_wait3A_1846] : memref<1000000x32xf32, #tpu.memory_space<hbm>> -> memref<256x32xf32, #tpu.memory_space<hbm>>
    %dma_wait3A_1848 = arith.constant 0 : i32
    %dma_wait3A_1849 = tpu.memref_slice %arg2[%multiple_of3A_432, %dma_wait3A_1848] : memref<1000000x32xf32, #tpu.memory_space<hbm>> -> memref<256x32xf32, #tpu.memory_space<hbm>>
    tpu.wait_dma2 semaphore(%arg8 : memref<!tpu.dma_semaphore, #tpu.memory_space<semaphore_mem>>) src(%dma_wait3A_1849 : memref<256x32xf32, #tpu.memory_space<hbm>>) dst(%arg5 : memref<256x32xf32, #tpu.memory_space<vmem>>)
    %dma_start3A_1850 = arith.constant 0 : i32
    %dma_start3A_1851 = tpu.memref_slice %arg3[%multiple_of3A_432, %dma_start3A_1850] : memref<1000000x32xf32, #tpu.memory_space<hbm>> -> memref<256x32xf32, #tpu.memory_space<hbm>>
    %dma_start3A_1852 = arith.constant 0 : i32
    %dma_start3A_1853 = tpu.memref_slice %arg3[%multiple_of3A_432, %dma_start3A_1852] : memref<1000000x32xf32, #tpu.memory_space<hbm>> -> memref<256x32xf32, #tpu.memory_space<hbm>>
    tpu.enqueue_dma source(%arg5 : memref<256x32xf32, #tpu.memory_space<vmem>>) target(%dma_start3A_1853 : memref<256x32xf32, #tpu.memory_space<hbm>>) target_semaphore(%arg11 : memref<!tpu.dma_semaphore, #tpu.memory_space<semaphore_mem>>)
    %dma_wait3A_1854 = arith.constant 0 : i32
    %dma_wait3A_1855 = tpu.memref_slice %arg3[%multiple_of3A_432, %dma_wait3A_1854] : memref<1000000x32xf32, #tpu.memory_space<hbm>> -> memref<256x32xf32, #tpu.memory_space<hbm>>
    %dma_wait3A_1856 = arith.constant 0 : i32
    %dma_wait3A_1857 = tpu.memref_slice %arg3[%multiple_of3A_432, %dma_wait3A_1856] : memref<1000000x32xf32, #tpu.memory_space<hbm>> -> memref<256x32xf32, #tpu.memory_space<hbm>>
    tpu.wait_dma2 semaphore(%arg11 : memref<!tpu.dma_semaphore, #tpu.memory_space<semaphore_mem>>) src(%arg5 : memref<256x32xf32, #tpu.memory_space<vmem>>) dst(%dma_wait3A_1857 : memref<256x32xf32, #tpu.memory_space<hbm>>)
    %dma_start3A_1858 = arith.constant 0 : i32
    %dma_start3A_1859 = tpu.memref_slice %arg2[%multiple_of3A_453, %dma_start3A_1858] : memref<1000000x32xf32, #tpu.memory_space<hbm>> -> memref<256x32xf32, #tpu.memory_space<hbm>>
    %dma_start3A_1860 = arith.constant 0 : i32
    %dma_start3A_1861 = tpu.memref_slice %arg2[%multiple_of3A_453, %dma_start3A_1860] : memref<1000000x32xf32, #tpu.memory_space<hbm>> -> memref<256x32xf32, #tpu.memory_space<hbm>>
    tpu.enqueue_dma source(%dma_start3A_1861 : memref<256x32xf32, #tpu.memory_space<hbm>>) target(%arg5 : memref<256x32xf32, #tpu.memory_space<vmem>>) target_semaphore(%arg8 : memref<!tpu.dma_semaphore, #tpu.memory_space<semaphore_mem>>)
    %dma_wait3A_1862 = arith.constant 0 : i32
    %dma_wait3A_1863 = tpu.memref_slice %arg2[%multiple_of3A_439, %dma_wait3A_1862] : memref<1000000x32xf32, #tpu.memory_space<hbm>> -> memref<256x32xf32, #tpu.memory_space<hbm>>
    %dma_wait3A_1864 = arith.constant 0 : i32
    %dma_wait3A_1865 = tpu.memref_slice %arg2[%multiple_of3A_439, %dma_wait3A_1864] : memref<1000000x32xf32, #tpu.memory_space<hbm>> -> memref<256x32xf32, #tpu.memory_space<hbm>>
    tpu.wait_dma2 semaphore(%arg9 : memref<!tpu.dma_semaphore, #tpu.memory_space<semaphore_mem>>) src(%dma_wait3A_1865 : memref<256x32xf32, #tpu.memory_space<hbm>>) dst(%arg6 : memref<256x32xf32, #tpu.memory_space<vmem>>)
    %dma_start3A_1866 = arith.constant 0 : i32
    %dma_start3A_1867 = tpu.memref_slice %arg3[%multiple_of3A_439, %dma_start3A_1866] : memref<1000000x32xf32, #tpu.memory_space<hbm>> -> memref<256x32xf32, #tpu.memory_space<hbm>>
    %dma_start3A_1868 = arith.constant 0 : i32
    %dma_start3A_1869 = tpu.memref_slice %arg3[%multiple_of3A_439, %dma_start3A_1868] : memref<1000000x32xf32, #tpu.memory_space<hbm>> -> memref<256x32xf32, #tpu.memory_space<hbm>>
    tpu.enqueue_dma source(%arg6 : memref<256x32xf32, #tpu.memory_space<vmem>>) target(%dma_start3A_1869 : memref<256x32xf32, #tpu.memory_space<hbm>>) target_semaphore(%arg12 : memref<!tpu.dma_semaphore, #tpu.memory_space<semaphore_mem>>)
    %dma_wait3A_1870 = arith.constant 0 : i32
    %dma_wait3A_1871 = tpu.memref_slice %arg3[%multiple_of3A_439, %dma_wait3A_1870] : memref<1000000x32xf32, #tpu.memory_space<hbm>> -> memref<256x32xf32, #tpu.memory_space<hbm>>
    %dma_wait3A_1872 = arith.constant 0 : i32
    %dma_wait3A_1873 = tpu.memref_slice %arg3[%multiple_of3A_439, %dma_wait3A_1872] : memref<1000000x32xf32, #tpu.memory_space<hbm>> -> memref<256x32xf32, #tpu.memory_space<hbm>>
    tpu.wait_dma2 semaphore(%arg12 : memref<!tpu.dma_semaphore, #tpu.memory_space<semaphore_mem>>) src(%arg6 : memref<256x32xf32, #tpu.memory_space<vmem>>) dst(%dma_wait3A_1873 : memref<256x32xf32, #tpu.memory_space<hbm>>)
    %dma_start3A_1874 = arith.constant 0 : i32
    %dma_start3A_1875 = tpu.memref_slice %arg2[%multiple_of3A_460, %dma_start3A_1874] : memref<1000000x32xf32, #tpu.memory_space<hbm>> -> memref<256x32xf32, #tpu.memory_space<hbm>>
    %dma_start3A_1876 = arith.constant 0 : i32
    %dma_start3A_1877 = tpu.memref_slice %arg2[%multiple_of3A_460, %dma_start3A_1876] : memref<1000000x32xf32, #tpu.memory_space<hbm>> -> memref<256x32xf32, #tpu.memory_space<hbm>>
    tpu.enqueue_dma source(%dma_start3A_1877 : memref<256x32xf32, #tpu.memory_space<hbm>>) target(%arg6 : memref<256x32xf32, #tpu.memory_space<vmem>>) target_semaphore(%arg9 : memref<!tpu.dma_semaphore, #tpu.memory_space<semaphore_mem>>)
    %dma_wait3A_1878 = arith.constant 0 : i32
    %dma_wait3A_1879 = tpu.memref_slice %arg2[%multiple_of3A_446, %dma_wait3A_1878] : memref<1000000x32xf32, #tpu.memory_space<hbm>> -> memref<256x32xf32, #tpu.memory_space<hbm>>
    %dma_wait3A_1880 = arith.constant 0 : i32
    %dma_wait3A_1881 = tpu.memref_slice %arg2[%multiple_of3A_446, %dma_wait3A_1880] : memref<1000000x32xf32, #tpu.memory_space<hbm>> -> memref<256x32xf32, #tpu.memory_space<hbm>>
    tpu.wait_dma2 semaphore(%arg7 : memref<!tpu.dma_semaphore, #tpu.memory_space<semaphore_mem>>) src(%dma_wait3A_1881 : memref<256x32xf32, #tpu.memory_space<hbm>>) dst(%arg4 : memref<256x32xf32, #tpu.memory_space<vmem>>)
    %dma_start3A_1882 = arith.constant 0 : i32
    %dma_start3A_1883 = tpu.memref_slice %arg3[%multiple_of3A_446, %dma_start3A_1882] : memref<1000000x32xf32, #tpu.memory_space<hbm>> -> memref<256x32xf32, #tpu.memory_space<hbm>>
    %dma_start3A_1884 = arith.constant 0 : i32
    %dma_start3A_1885 = tpu.memref_slice %arg3[%multiple_of3A_446, %dma_start3A_1884] : memref<1000000x32xf32, #tpu.memory_space<hbm>> -> memref<256x32xf32, #tpu.memory_space<hbm>>
    tpu.enqueue_dma source(%arg4 : memref<256x32xf32, #tpu.memory_space<vmem>>) target(%dma_start3A_1885 : memref<256x32xf32, #tpu.memory_space<hbm>>) target_semaphore(%arg10 : memref<!tpu.dma_semaphore, #tpu.memory_space<semaphore_mem>>)
    %dma_wait3A_1886 = arith.constant 0 : i32
    %dma_wait3A_1887 = tpu.memref_slice %arg3[%multiple_of3A_446, %dma_wait3A_1886] : memref<1000000x32xf32, #tpu.memory_space<hbm>> -> memref<256x32xf32, #tpu.memory_space<hbm>>
    %dma_wait3A_1888 = arith.constant 0 : i32
    %dma_wait3A_1889 = tpu.memref_slice %arg3[%multiple_of3A_446, %dma_wait3A_1888] : memref<1000000x32xf32, #tpu.memory_space<hbm>> -> memref<256x32xf32, #tpu.memory_space<hbm>>
    tpu.wait_dma2 semaphore(%arg10 : memref<!tpu.dma_semaphore, #tpu.memory_space<semaphore_mem>>) src(%arg4 : memref<256x32xf32, #tpu.memory_space<vmem>>) dst(%dma_wait3A_1889 : memref<256x32xf32, #tpu.memory_space<hbm>>)
    %dma_start3A_1890 = arith.constant 0 : i32
    %dma_start3A_1891 = tpu.memref_slice %arg2[%multiple_of3A_467, %dma_start3A_1890] : memref<1000000x32xf32, #tpu.memory_space<hbm>> -> memref<256x32xf32, #tpu.memory_space<hbm>>
    %dma_start3A_1892 = arith.constant 0 : i32
    %dma_start3A_1893 = tpu.memref_slice %arg2[%multiple_of3A_467, %dma_start3A_1892] : memref<1000000x32xf32, #tpu.memory_space<hbm>> -> memref<256x32xf32, #tpu.memory_space<hbm>>
    tpu.enqueue_dma source(%dma_start3A_1893 : memref<256x32xf32, #tpu.memory_space<hbm>>) target(%arg4 : memref<256x32xf32, #tpu.memory_space<vmem>>) target_semaphore(%arg7 : memref<!tpu.dma_semaphore, #tpu.memory_space<semaphore_mem>>)
    %dma_wait3A_1894 = arith.constant 0 : i32
    %dma_wait3A_1895 = tpu.memref_slice %arg2[%multiple_of3A_453, %dma_wait3A_1894] : memref<1000000x32xf32, #tpu.memory_space<hbm>> -> memref<256x32xf32, #tpu.memory_space<hbm>>
    %dma_wait3A_1896 = arith.constant 0 : i32
    %dma_wait3A_1897 = tpu.memref_slice %arg2[%multiple_of3A_453, %dma_wait3A_1896] : memref<1000000x32xf32, #tpu.memory_space<hbm>> -> memref<256x32xf32, #tpu.memory_space<hbm>>
    tpu.wait_dma2 semaphore(%arg8 : memref<!tpu.dma_semaphore, #tpu.memory_space<semaphore_mem>>) src(%dma_wait3A_1897 : memref<256x32xf32, #tpu.memory_space<hbm>>) dst(%arg5 : memref<256x32xf32, #tpu.memory_space<vmem>>)
    %dma_start3A_1898 = arith.constant 0 : i32
    %dma_start3A_1899 = tpu.memref_slice %arg3[%multiple_of3A_453, %dma_start3A_1898] : memref<1000000x32xf32, #tpu.memory_space<hbm>> -> memref<256x32xf32, #tpu.memory_space<hbm>>
    %dma_start3A_1900 = arith.constant 0 : i32
    %dma_start3A_1901 = tpu.memref_slice %arg3[%multiple_of3A_453, %dma_start3A_1900] : memref<1000000x32xf32, #tpu.memory_space<hbm>> -> memref<256x32xf32, #tpu.memory_space<hbm>>
    tpu.enqueue_dma source(%arg5 : memref<256x32xf32, #tpu.memory_space<vmem>>) target(%dma_start3A_1901 : memref<256x32xf32, #tpu.memory_space<hbm>>) target_semaphore(%arg11 : memref<!tpu.dma_semaphore, #tpu.memory_space<semaphore_mem>>)
    %dma_wait3A_1902 = arith.constant 0 : i32
    %dma_wait3A_1903 = tpu.memref_slice %arg3[%multiple_of3A_453, %dma_wait3A_1902] : memref<1000000x32xf32, #tpu.memory_space<hbm>> -> memref<256x32xf32, #tpu.memory_space<hbm>>
    %dma_wait3A_1904 = arith.constant 0 : i32
    %dma_wait3A_1905 = tpu.memref_slice %arg3[%multiple_of3A_453, %dma_wait3A_1904] : memref<1000000x32xf32, #tpu.memory_space<hbm>> -> memref<256x32xf32, #tpu.memory_space<hbm>>
    tpu.wait_dma2 semaphore(%arg11 : memref<!tpu.dma_semaphore, #tpu.memory_space<semaphore_mem>>) src(%arg5 : memref<256x32xf32, #tpu.memory_space<vmem>>) dst(%dma_wait3A_1905 : memref<256x32xf32, #tpu.memory_space<hbm>>)
    %dma_start3A_1906 = arith.constant 0 : i32
    %dma_start3A_1907 = tpu.memref_slice %arg2[%multiple_of3A_474, %dma_start3A_1906] : memref<1000000x32xf32, #tpu.memory_space<hbm>> -> memref<256x32xf32, #tpu.memory_space<hbm>>
    %dma_start3A_1908 = arith.constant 0 : i32
    %dma_start3A_1909 = tpu.memref_slice %arg2[%multiple_of3A_474, %dma_start3A_1908] : memref<1000000x32xf32, #tpu.memory_space<hbm>> -> memref<256x32xf32, #tpu.memory_space<hbm>>
    tpu.enqueue_dma source(%dma_start3A_1909 : memref<256x32xf32, #tpu.memory_space<hbm>>) target(%arg5 : memref<256x32xf32, #tpu.memory_space<vmem>>) target_semaphore(%arg8 : memref<!tpu.dma_semaphore, #tpu.memory_space<semaphore_mem>>)
    %dma_wait3A_1910 = arith.constant 0 : i32
    %dma_wait3A_1911 = tpu.memref_slice %arg2[%multiple_of3A_460, %dma_wait3A_1910] : memref<1000000x32xf32, #tpu.memory_space<hbm>> -> memref<256x32xf32, #tpu.memory_space<hbm>>
    %dma_wait3A_1912 = arith.constant 0 : i32
    %dma_wait3A_1913 = tpu.memref_slice %arg2[%multiple_of3A_460, %dma_wait3A_1912] : memref<1000000x32xf32, #tpu.memory_space<hbm>> -> memref<256x32xf32, #tpu.memory_space<hbm>>
    tpu.wait_dma2 semaphore(%arg9 : memref<!tpu.dma_semaphore, #tpu.memory_space<semaphore_mem>>) src(%dma_wait3A_1913 : memref<256x32xf32, #tpu.memory_space<hbm>>) dst(%arg6 : memref<256x32xf32, #tpu.memory_space<vmem>>)
    %dma_start3A_1914 = arith.constant 0 : i32
    %dma_start3A_1915 = tpu.memref_slice %arg3[%multiple_of3A_460, %dma_start3A_1914] : memref<1000000x32xf32, #tpu.memory_space<hbm>> -> memref<256x32xf32, #tpu.memory_space<hbm>>
    %dma_start3A_1916 = arith.constant 0 : i32
    %dma_start3A_1917 = tpu.memref_slice %arg3[%multiple_of3A_460, %dma_start3A_1916] : memref<1000000x32xf32, #tpu.memory_space<hbm>> -> memref<256x32xf32, #tpu.memory_space<hbm>>
    tpu.enqueue_dma source(%arg6 : memref<256x32xf32, #tpu.memory_space<vmem>>) target(%dma_start3A_1917 : memref<256x32xf32, #tpu.memory_space<hbm>>) target_semaphore(%arg12 : memref<!tpu.dma_semaphore, #tpu.memory_space<semaphore_mem>>)
    %dma_wait3A_1918 = arith.constant 0 : i32
    %dma_wait3A_1919 = tpu.memref_slice %arg3[%multiple_of3A_460, %dma_wait3A_1918] : memref<1000000x32xf32, #tpu.memory_space<hbm>> -> memref<256x32xf32, #tpu.memory_space<hbm>>
    %dma_wait3A_1920 = arith.constant 0 : i32
    %dma_wait3A_1921 = tpu.memref_slice %arg3[%multiple_of3A_460, %dma_wait3A_1920] : memref<1000000x32xf32, #tpu.memory_space<hbm>> -> memref<256x32xf32, #tpu.memory_space<hbm>>
    tpu.wait_dma2 semaphore(%arg12 : memref<!tpu.dma_semaphore, #tpu.memory_space<semaphore_mem>>) src(%arg6 : memref<256x32xf32, #tpu.memory_space<vmem>>) dst(%dma_wait3A_1921 : memref<256x32xf32, #tpu.memory_space<hbm>>)
    %dma_start3A_1922 = arith.constant 0 : i32
    %dma_start3A_1923 = tpu.memref_slice %arg2[%multiple_of3A_481, %dma_start3A_1922] : memref<1000000x32xf32, #tpu.memory_space<hbm>> -> memref<256x32xf32, #tpu.memory_space<hbm>>
    %dma_start3A_1924 = arith.constant 0 : i32
    %dma_start3A_1925 = tpu.memref_slice %arg2[%multiple_of3A_481, %dma_start3A_1924] : memref<1000000x32xf32, #tpu.memory_space<hbm>> -> memref<256x32xf32, #tpu.memory_space<hbm>>
    tpu.enqueue_dma source(%dma_start3A_1925 : memref<256x32xf32, #tpu.memory_space<hbm>>) target(%arg6 : memref<256x32xf32, #tpu.memory_space<vmem>>) target_semaphore(%arg9 : memref<!tpu.dma_semaphore, #tpu.memory_space<semaphore_mem>>)
    %dma_wait3A_1926 = arith.constant 0 : i32
    %dma_wait3A_1927 = tpu.memref_slice %arg2[%multiple_of3A_467, %dma_wait3A_1926] : memref<1000000x32xf32, #tpu.memory_space<hbm>> -> memref<256x32xf32, #tpu.memory_space<hbm>>
    %dma_wait3A_1928 = arith.constant 0 : i32
    %dma_wait3A_1929 = tpu.memref_slice %arg2[%multiple_of3A_467, %dma_wait3A_1928] : memref<1000000x32xf32, #tpu.memory_space<hbm>> -> memref<256x32xf32, #tpu.memory_space<hbm>>
    tpu.wait_dma2 semaphore(%arg7 : memref<!tpu.dma_semaphore, #tpu.memory_space<semaphore_mem>>) src(%dma_wait3A_1929 : memref<256x32xf32, #tpu.memory_space<hbm>>) dst(%arg4 : memref<256x32xf32, #tpu.memory_space<vmem>>)
    %dma_start3A_1930 = arith.constant 0 : i32
    %dma_start3A_1931 = tpu.memref_slice %arg3[%multiple_of3A_467, %dma_start3A_1930] : memref<1000000x32xf32, #tpu.memory_space<hbm>> -> memref<256x32xf32, #tpu.memory_space<hbm>>
    %dma_start3A_1932 = arith.constant 0 : i32
    %dma_start3A_1933 = tpu.memref_slice %arg3[%multiple_of3A_467, %dma_start3A_1932] : memref<1000000x32xf32, #tpu.memory_space<hbm>> -> memref<256x32xf32, #tpu.memory_space<hbm>>
    tpu.enqueue_dma source(%arg4 : memref<256x32xf32, #tpu.memory_space<vmem>>) target(%dma_start3A_1933 : memref<256x32xf32, #tpu.memory_space<hbm>>) target_semaphore(%arg10 : memref<!tpu.dma_semaphore, #tpu.memory_space<semaphore_mem>>)
    %dma_wait3A_1934 = arith.constant 0 : i32
    %dma_wait3A_1935 = tpu.memref_slice %arg3[%multiple_of3A_467, %dma_wait3A_1934] : memref<1000000x32xf32, #tpu.memory_space<hbm>> -> memref<256x32xf32, #tpu.memory_space<hbm>>
    %dma_wait3A_1936 = arith.constant 0 : i32
    %dma_wait3A_1937 = tpu.memref_slice %arg3[%multiple_of3A_467, %dma_wait3A_1936] : memref<1000000x32xf32, #tpu.memory_space<hbm>> -> memref<256x32xf32, #tpu.memory_space<hbm>>
    tpu.wait_dma2 semaphore(%arg10 : memref<!tpu.dma_semaphore, #tpu.memory_space<semaphore_mem>>) src(%arg4 : memref<256x32xf32, #tpu.memory_space<vmem>>) dst(%dma_wait3A_1937 : memref<256x32xf32, #tpu.memory_space<hbm>>)
    %dma_start3A_1938 = arith.constant 0 : i32
    %dma_start3A_1939 = tpu.memref_slice %arg2[%multiple_of3A_488, %dma_start3A_1938] : memref<1000000x32xf32, #tpu.memory_space<hbm>> -> memref<256x32xf32, #tpu.memory_space<hbm>>
    %dma_start3A_1940 = arith.constant 0 : i32
    %dma_start3A_1941 = tpu.memref_slice %arg2[%multiple_of3A_488, %dma_start3A_1940] : memref<1000000x32xf32, #tpu.memory_space<hbm>> -> memref<256x32xf32, #tpu.memory_space<hbm>>
    tpu.enqueue_dma source(%dma_start3A_1941 : memref<256x32xf32, #tpu.memory_space<hbm>>) target(%arg4 : memref<256x32xf32, #tpu.memory_space<vmem>>) target_semaphore(%arg7 : memref<!tpu.dma_semaphore, #tpu.memory_space<semaphore_mem>>)
    %dma_wait3A_1942 = arith.constant 0 : i32
    %dma_wait3A_1943 = tpu.memref_slice %arg2[%multiple_of3A_474, %dma_wait3A_1942] : memref<1000000x32xf32, #tpu.memory_space<hbm>> -> memref<256x32xf32, #tpu.memory_space<hbm>>
    %dma_wait3A_1944 = arith.constant 0 : i32
    %dma_wait3A_1945 = tpu.memref_slice %arg2[%multiple_of3A_474, %dma_wait3A_1944] : memref<1000000x32xf32, #tpu.memory_space<hbm>> -> memref<256x32xf32, #tpu.memory_space<hbm>>
    tpu.wait_dma2 semaphore(%arg8 : memref<!tpu.dma_semaphore, #tpu.memory_space<semaphore_mem>>) src(%dma_wait3A_1945 : memref<256x32xf32, #tpu.memory_space<hbm>>) dst(%arg5 : memref<256x32xf32, #tpu.memory_space<vmem>>)
    %dma_start3A_1946 = arith.constant 0 : i32
    %dma_start3A_1947 = tpu.memref_slice %arg3[%multiple_of3A_474, %dma_start3A_1946] : memref<1000000x32xf32, #tpu.memory_space<hbm>> -> memref<256x32xf32, #tpu.memory_space<hbm>>
    %dma_start3A_1948 = arith.constant 0 : i32
    %dma_start3A_1949 = tpu.memref_slice %arg3[%multiple_of3A_474, %dma_start3A_1948] : memref<1000000x32xf32, #tpu.memory_space<hbm>> -> memref<256x32xf32, #tpu.memory_space<hbm>>
    tpu.enqueue_dma source(%arg5 : memref<256x32xf32, #tpu.memory_space<vmem>>) target(%dma_start3A_1949 : memref<256x32xf32, #tpu.memory_space<hbm>>) target_semaphore(%arg11 : memref<!tpu.dma_semaphore, #tpu.memory_space<semaphore_mem>>)
    %dma_wait3A_1950 = arith.constant 0 : i32
    %dma_wait3A_1951 = tpu.memref_slice %arg3[%multiple_of3A_474, %dma_wait3A_1950] : memref<1000000x32xf32, #tpu.memory_space<hbm>> -> memref<256x32xf32, #tpu.memory_space<hbm>>
    %dma_wait3A_1952 = arith.constant 0 : i32
    %dma_wait3A_1953 = tpu.memref_slice %arg3[%multiple_of3A_474, %dma_wait3A_1952] : memref<1000000x32xf32, #tpu.memory_space<hbm>> -> memref<256x32xf32, #tpu.memory_space<hbm>>
    tpu.wait_dma2 semaphore(%arg11 : memref<!tpu.dma_semaphore, #tpu.memory_space<semaphore_mem>>) src(%arg5 : memref<256x32xf32, #tpu.memory_space<vmem>>) dst(%dma_wait3A_1953 : memref<256x32xf32, #tpu.memory_space<hbm>>)
    %dma_start3A_1954 = arith.constant 0 : i32
    %dma_start3A_1955 = tpu.memref_slice %arg2[%multiple_of3A_495, %dma_start3A_1954] : memref<1000000x32xf32, #tpu.memory_space<hbm>> -> memref<256x32xf32, #tpu.memory_space<hbm>>
    %dma_start3A_1956 = arith.constant 0 : i32
    %dma_start3A_1957 = tpu.memref_slice %arg2[%multiple_of3A_495, %dma_start3A_1956] : memref<1000000x32xf32, #tpu.memory_space<hbm>> -> memref<256x32xf32, #tpu.memory_space<hbm>>
    tpu.enqueue_dma source(%dma_start3A_1957 : memref<256x32xf32, #tpu.memory_space<hbm>>) target(%arg5 : memref<256x32xf32, #tpu.memory_space<vmem>>) target_semaphore(%arg8 : memref<!tpu.dma_semaphore, #tpu.memory_space<semaphore_mem>>)
    %dma_wait3A_1958 = arith.constant 0 : i32
    %dma_wait3A_1959 = tpu.memref_slice %arg2[%multiple_of3A_481, %dma_wait3A_1958] : memref<1000000x32xf32, #tpu.memory_space<hbm>> -> memref<256x32xf32, #tpu.memory_space<hbm>>
    %dma_wait3A_1960 = arith.constant 0 : i32
    %dma_wait3A_1961 = tpu.memref_slice %arg2[%multiple_of3A_481, %dma_wait3A_1960] : memref<1000000x32xf32, #tpu.memory_space<hbm>> -> memref<256x32xf32, #tpu.memory_space<hbm>>
    tpu.wait_dma2 semaphore(%arg9 : memref<!tpu.dma_semaphore, #tpu.memory_space<semaphore_mem>>) src(%dma_wait3A_1961 : memref<256x32xf32, #tpu.memory_space<hbm>>) dst(%arg6 : memref<256x32xf32, #tpu.memory_space<vmem>>)
    %dma_start3A_1962 = arith.constant 0 : i32
    %dma_start3A_1963 = tpu.memref_slice %arg3[%multiple_of3A_481, %dma_start3A_1962] : memref<1000000x32xf32, #tpu.memory_space<hbm>> -> memref<256x32xf32, #tpu.memory_space<hbm>>
    %dma_start3A_1964 = arith.constant 0 : i32
    %dma_start3A_1965 = tpu.memref_slice %arg3[%multiple_of3A_481, %dma_start3A_1964] : memref<1000000x32xf32, #tpu.memory_space<hbm>> -> memref<256x32xf32, #tpu.memory_space<hbm>>
    tpu.enqueue_dma source(%arg6 : memref<256x32xf32, #tpu.memory_space<vmem>>) target(%dma_start3A_1965 : memref<256x32xf32, #tpu.memory_space<hbm>>) target_semaphore(%arg12 : memref<!tpu.dma_semaphore, #tpu.memory_space<semaphore_mem>>)
    %dma_wait3A_1966 = arith.constant 0 : i32
    %dma_wait3A_1967 = tpu.memref_slice %arg3[%multiple_of3A_481, %dma_wait3A_1966] : memref<1000000x32xf32, #tpu.memory_space<hbm>> -> memref<256x32xf32, #tpu.memory_space<hbm>>
    %dma_wait3A_1968 = arith.constant 0 : i32
    %dma_wait3A_1969 = tpu.memref_slice %arg3[%multiple_of3A_481, %dma_wait3A_1968] : memref<1000000x32xf32, #tpu.memory_space<hbm>> -> memref<256x32xf32, #tpu.memory_space<hbm>>
    tpu.wait_dma2 semaphore(%arg12 : memref<!tpu.dma_semaphore, #tpu.memory_space<semaphore_mem>>) src(%arg6 : memref<256x32xf32, #tpu.memory_space<vmem>>) dst(%dma_wait3A_1969 : memref<256x32xf32, #tpu.memory_space<hbm>>)
    %dma_start3A_1970 = arith.constant 0 : i32
    %dma_start3A_1971 = tpu.memref_slice %arg2[%multiple_of3A_502, %dma_start3A_1970] : memref<1000000x32xf32, #tpu.memory_space<hbm>> -> memref<256x32xf32, #tpu.memory_space<hbm>>
    %dma_start3A_1972 = arith.constant 0 : i32
    %dma_start3A_1973 = tpu.memref_slice %arg2[%multiple_of3A_502, %dma_start3A_1972] : memref<1000000x32xf32, #tpu.memory_space<hbm>> -> memref<256x32xf32, #tpu.memory_space<hbm>>
    tpu.enqueue_dma source(%dma_start3A_1973 : memref<256x32xf32, #tpu.memory_space<hbm>>) target(%arg6 : memref<256x32xf32, #tpu.memory_space<vmem>>) target_semaphore(%arg9 : memref<!tpu.dma_semaphore, #tpu.memory_space<semaphore_mem>>)
    %dma_wait3A_1974 = arith.constant 0 : i32
    %dma_wait3A_1975 = tpu.memref_slice %arg2[%multiple_of3A_488, %dma_wait3A_1974] : memref<1000000x32xf32, #tpu.memory_space<hbm>> -> memref<256x32xf32, #tpu.memory_space<hbm>>
    %dma_wait3A_1976 = arith.constant 0 : i32
    %dma_wait3A_1977 = tpu.memref_slice %arg2[%multiple_of3A_488, %dma_wait3A_1976] : memref<1000000x32xf32, #tpu.memory_space<hbm>> -> memref<256x32xf32, #tpu.memory_space<hbm>>
    tpu.wait_dma2 semaphore(%arg7 : memref<!tpu.dma_semaphore, #tpu.memory_space<semaphore_mem>>) src(%dma_wait3A_1977 : memref<256x32xf32, #tpu.memory_space<hbm>>) dst(%arg4 : memref<256x32xf32, #tpu.memory_space<vmem>>)
    %dma_start3A_1978 = arith.constant 0 : i32
    %dma_start3A_1979 = tpu.memref_slice %arg3[%multiple_of3A_488, %dma_start3A_1978] : memref<1000000x32xf32, #tpu.memory_space<hbm>> -> memref<256x32xf32, #tpu.memory_space<hbm>>
    %dma_start3A_1980 = arith.constant 0 : i32
    %dma_start3A_1981 = tpu.memref_slice %arg3[%multiple_of3A_488, %dma_start3A_1980] : memref<1000000x32xf32, #tpu.memory_space<hbm>> -> memref<256x32xf32, #tpu.memory_space<hbm>>
    tpu.enqueue_dma source(%arg4 : memref<256x32xf32, #tpu.memory_space<vmem>>) target(%dma_start3A_1981 : memref<256x32xf32, #tpu.memory_space<hbm>>) target_semaphore(%arg10 : memref<!tpu.dma_semaphore, #tpu.memory_space<semaphore_mem>>)
    %dma_wait3A_1982 = arith.constant 0 : i32
    %dma_wait3A_1983 = tpu.memref_slice %arg3[%multiple_of3A_488, %dma_wait3A_1982] : memref<1000000x32xf32, #tpu.memory_space<hbm>> -> memref<256x32xf32, #tpu.memory_space<hbm>>
    %dma_wait3A_1984 = arith.constant 0 : i32
    %dma_wait3A_1985 = tpu.memref_slice %arg3[%multiple_of3A_488, %dma_wait3A_1984] : memref<1000000x32xf32, #tpu.memory_space<hbm>> -> memref<256x32xf32, #tpu.memory_space<hbm>>
    tpu.wait_dma2 semaphore(%arg10 : memref<!tpu.dma_semaphore, #tpu.memory_space<semaphore_mem>>) src(%arg4 : memref<256x32xf32, #tpu.memory_space<vmem>>) dst(%dma_wait3A_1985 : memref<256x32xf32, #tpu.memory_space<hbm>>)
    %dma_start3A_1986 = arith.constant 0 : i32
    %dma_start3A_1987 = tpu.memref_slice %arg2[%multiple_of3A_509, %dma_start3A_1986] : memref<1000000x32xf32, #tpu.memory_space<hbm>> -> memref<256x32xf32, #tpu.memory_space<hbm>>
    %dma_start3A_1988 = arith.constant 0 : i32
    %dma_start3A_1989 = tpu.memref_slice %arg2[%multiple_of3A_509, %dma_start3A_1988] : memref<1000000x32xf32, #tpu.memory_space<hbm>> -> memref<256x32xf32, #tpu.memory_space<hbm>>
    tpu.enqueue_dma source(%dma_start3A_1989 : memref<256x32xf32, #tpu.memory_space<hbm>>) target(%arg4 : memref<256x32xf32, #tpu.memory_space<vmem>>) target_semaphore(%arg7 : memref<!tpu.dma_semaphore, #tpu.memory_space<semaphore_mem>>)
    %dma_wait3A_1990 = arith.constant 0 : i32
    %dma_wait3A_1991 = tpu.memref_slice %arg2[%multiple_of3A_495, %dma_wait3A_1990] : memref<1000000x32xf32, #tpu.memory_space<hbm>> -> memref<256x32xf32, #tpu.memory_space<hbm>>
    %dma_wait3A_1992 = arith.constant 0 : i32
    %dma_wait3A_1993 = tpu.memref_slice %arg2[%multiple_of3A_495, %dma_wait3A_1992] : memref<1000000x32xf32, #tpu.memory_space<hbm>> -> memref<256x32xf32, #tpu.memory_space<hbm>>
    tpu.wait_dma2 semaphore(%arg8 : memref<!tpu.dma_semaphore, #tpu.memory_space<semaphore_mem>>) src(%dma_wait3A_1993 : memref<256x32xf32, #tpu.memory_space<hbm>>) dst(%arg5 : memref<256x32xf32, #tpu.memory_space<vmem>>)
    %dma_start3A_1994 = arith.constant 0 : i32
    %dma_start3A_1995 = tpu.memref_slice %arg3[%multiple_of3A_495, %dma_start3A_1994] : memref<1000000x32xf32, #tpu.memory_space<hbm>> -> memref<256x32xf32, #tpu.memory_space<hbm>>
    %dma_start3A_1996 = arith.constant 0 : i32
    %dma_start3A_1997 = tpu.memref_slice %arg3[%multiple_of3A_495, %dma_start3A_1996] : memref<1000000x32xf32, #tpu.memory_space<hbm>> -> memref<256x32xf32, #tpu.memory_space<hbm>>
    tpu.enqueue_dma source(%arg5 : memref<256x32xf32, #tpu.memory_space<vmem>>) target(%dma_start3A_1997 : memref<256x32xf32, #tpu.memory_space<hbm>>) target_semaphore(%arg11 : memref<!tpu.dma_semaphore, #tpu.memory_space<semaphore_mem>>)
    %dma_wait3A_1998 = arith.constant 0 : i32
    %dma_wait3A_1999 = tpu.memref_slice %arg3[%multiple_of3A_495, %dma_wait3A_1998] : memref<1000000x32xf32, #tpu.memory_space<hbm>> -> memref<256x32xf32, #tpu.memory_space<hbm>>
    %dma_wait3A_2000 = arith.constant 0 : i32
    %dma_wait3A_2001 = tpu.memref_slice %arg3[%multiple_of3A_495, %dma_wait3A_2000] : memref<1000000x32xf32, #tpu.memory_space<hbm>> -> memref<256x32xf32, #tpu.memory_space<hbm>>
    tpu.wait_dma2 semaphore(%arg11 : memref<!tpu.dma_semaphore, #tpu.memory_space<semaphore_mem>>) src(%arg5 : memref<256x32xf32, #tpu.memory_space<vmem>>) dst(%dma_wait3A_2001 : memref<256x32xf32, #tpu.memory_space<hbm>>)
    %dma_start3A_2002 = arith.constant 0 : i32
    %dma_start3A_2003 = tpu.memref_slice %arg2[%multiple_of3A_516, %dma_start3A_2002] : memref<1000000x32xf32, #tpu.memory_space<hbm>> -> memref<256x32xf32, #tpu.memory_space<hbm>>
    %dma_start3A_2004 = arith.constant 0 : i32
    %dma_start3A_2005 = tpu.memref_slice %arg2[%multiple_of3A_516, %dma_start3A_2004] : memref<1000000x32xf32, #tpu.memory_space<hbm>> -> memref<256x32xf32, #tpu.memory_space<hbm>>
    tpu.enqueue_dma source(%dma_start3A_2005 : memref<256x32xf32, #tpu.memory_space<hbm>>) target(%arg5 : memref<256x32xf32, #tpu.memory_space<vmem>>) target_semaphore(%arg8 : memref<!tpu.dma_semaphore, #tpu.memory_space<semaphore_mem>>)
    %dma_wait3A_2006 = arith.constant 0 : i32
    %dma_wait3A_2007 = tpu.memref_slice %arg2[%multiple_of3A_502, %dma_wait3A_2006] : memref<1000000x32xf32, #tpu.memory_space<hbm>> -> memref<256x32xf32, #tpu.memory_space<hbm>>
    %dma_wait3A_2008 = arith.constant 0 : i32
    %dma_wait3A_2009 = tpu.memref_slice %arg2[%multiple_of3A_502, %dma_wait3A_2008] : memref<1000000x32xf32, #tpu.memory_space<hbm>> -> memref<256x32xf32, #tpu.memory_space<hbm>>
    tpu.wait_dma2 semaphore(%arg9 : memref<!tpu.dma_semaphore, #tpu.memory_space<semaphore_mem>>) src(%dma_wait3A_2009 : memref<256x32xf32, #tpu.memory_space<hbm>>) dst(%arg6 : memref<256x32xf32, #tpu.memory_space<vmem>>)
    %dma_start3A_2010 = arith.constant 0 : i32
    %dma_start3A_2011 = tpu.memref_slice %arg3[%multiple_of3A_502, %dma_start3A_2010] : memref<1000000x32xf32, #tpu.memory_space<hbm>> -> memref<256x32xf32, #tpu.memory_space<hbm>>
    %dma_start3A_2012 = arith.constant 0 : i32
    %dma_start3A_2013 = tpu.memref_slice %arg3[%multiple_of3A_502, %dma_start3A_2012] : memref<1000000x32xf32, #tpu.memory_space<hbm>> -> memref<256x32xf32, #tpu.memory_space<hbm>>
    tpu.enqueue_dma source(%arg6 : memref<256x32xf32, #tpu.memory_space<vmem>>) target(%dma_start3A_2013 : memref<256x32xf32, #tpu.memory_space<hbm>>) target_semaphore(%arg12 : memref<!tpu.dma_semaphore, #tpu.memory_space<semaphore_mem>>)
    %dma_wait3A_2014 = arith.constant 0 : i32
    %dma_wait3A_2015 = tpu.memref_slice %arg3[%multiple_of3A_502, %dma_wait3A_2014] : memref<1000000x32xf32, #tpu.memory_space<hbm>> -> memref<256x32xf32, #tpu.memory_space<hbm>>
    %dma_wait3A_2016 = arith.constant 0 : i32
    %dma_wait3A_2017 = tpu.memref_slice %arg3[%multiple_of3A_502, %dma_wait3A_2016] : memref<1000000x32xf32, #tpu.memory_space<hbm>> -> memref<256x32xf32, #tpu.memory_space<hbm>>
    tpu.wait_dma2 semaphore(%arg12 : memref<!tpu.dma_semaphore, #tpu.memory_space<semaphore_mem>>) src(%arg6 : memref<256x32xf32, #tpu.memory_space<vmem>>) dst(%dma_wait3A_2017 : memref<256x32xf32, #tpu.memory_space<hbm>>)
    %dma_start3A_2018 = arith.constant 0 : i32
    %dma_start3A_2019 = tpu.memref_slice %arg2[%multiple_of3A_523, %dma_start3A_2018] : memref<1000000x32xf32, #tpu.memory_space<hbm>> -> memref<256x32xf32, #tpu.memory_space<hbm>>
    %dma_start3A_2020 = arith.constant 0 : i32
    %dma_start3A_2021 = tpu.memref_slice %arg2[%multiple_of3A_523, %dma_start3A_2020] : memref<1000000x32xf32, #tpu.memory_space<hbm>> -> memref<256x32xf32, #tpu.memory_space<hbm>>
    tpu.enqueue_dma source(%dma_start3A_2021 : memref<256x32xf32, #tpu.memory_space<hbm>>) target(%arg6 : memref<256x32xf32, #tpu.memory_space<vmem>>) target_semaphore(%arg9 : memref<!tpu.dma_semaphore, #tpu.memory_space<semaphore_mem>>)
    %dma_wait3A_2022 = arith.constant 0 : i32
    %dma_wait3A_2023 = tpu.memref_slice %arg2[%multiple_of3A_509, %dma_wait3A_2022] : memref<1000000x32xf32, #tpu.memory_space<hbm>> -> memref<256x32xf32, #tpu.memory_space<hbm>>
    %dma_wait3A_2024 = arith.constant 0 : i32
    %dma_wait3A_2025 = tpu.memref_slice %arg2[%multiple_of3A_509, %dma_wait3A_2024] : memref<1000000x32xf32, #tpu.memory_space<hbm>> -> memref<256x32xf32, #tpu.memory_space<hbm>>
    tpu.wait_dma2 semaphore(%arg7 : memref<!tpu.dma_semaphore, #tpu.memory_space<semaphore_mem>>) src(%dma_wait3A_2025 : memref<256x32xf32, #tpu.memory_space<hbm>>) dst(%arg4 : memref<256x32xf32, #tpu.memory_space<vmem>>)
    %dma_start3A_2026 = arith.constant 0 : i32
    %dma_start3A_2027 = tpu.memref_slice %arg3[%multiple_of3A_509, %dma_start3A_2026] : memref<1000000x32xf32, #tpu.memory_space<hbm>> -> memref<256x32xf32, #tpu.memory_space<hbm>>
    %dma_start3A_2028 = arith.constant 0 : i32
    %dma_start3A_2029 = tpu.memref_slice %arg3[%multiple_of3A_509, %dma_start3A_2028] : memref<1000000x32xf32, #tpu.memory_space<hbm>> -> memref<256x32xf32, #tpu.memory_space<hbm>>
    tpu.enqueue_dma source(%arg4 : memref<256x32xf32, #tpu.memory_space<vmem>>) target(%dma_start3A_2029 : memref<256x32xf32, #tpu.memory_space<hbm>>) target_semaphore(%arg10 : memref<!tpu.dma_semaphore, #tpu.memory_space<semaphore_mem>>)
    %dma_wait3A_2030 = arith.constant 0 : i32
    %dma_wait3A_2031 = tpu.memref_slice %arg3[%multiple_of3A_509, %dma_wait3A_2030] : memref<1000000x32xf32, #tpu.memory_space<hbm>> -> memref<256x32xf32, #tpu.memory_space<hbm>>
    %dma_wait3A_2032 = arith.constant 0 : i32
    %dma_wait3A_2033 = tpu.memref_slice %arg3[%multiple_of3A_509, %dma_wait3A_2032] : memref<1000000x32xf32, #tpu.memory_space<hbm>> -> memref<256x32xf32, #tpu.memory_space<hbm>>
    tpu.wait_dma2 semaphore(%arg10 : memref<!tpu.dma_semaphore, #tpu.memory_space<semaphore_mem>>) src(%arg4 : memref<256x32xf32, #tpu.memory_space<vmem>>) dst(%dma_wait3A_2033 : memref<256x32xf32, #tpu.memory_space<hbm>>)
    %dma_start3A_2034 = arith.constant 0 : i32
    %dma_start3A_2035 = tpu.memref_slice %arg2[%multiple_of3A_530, %dma_start3A_2034] : memref<1000000x32xf32, #tpu.memory_space<hbm>> -> memref<256x32xf32, #tpu.memory_space<hbm>>
    %dma_start3A_2036 = arith.constant 0 : i32
    %dma_start3A_2037 = tpu.memref_slice %arg2[%multiple_of3A_530, %dma_start3A_2036] : memref<1000000x32xf32, #tpu.memory_space<hbm>> -> memref<256x32xf32, #tpu.memory_space<hbm>>
    tpu.enqueue_dma source(%dma_start3A_2037 : memref<256x32xf32, #tpu.memory_space<hbm>>) target(%arg4 : memref<256x32xf32, #tpu.memory_space<vmem>>) target_semaphore(%arg7 : memref<!tpu.dma_semaphore, #tpu.memory_space<semaphore_mem>>)
    %dma_wait3A_2038 = arith.constant 0 : i32
    %dma_wait3A_2039 = tpu.memref_slice %arg2[%multiple_of3A_516, %dma_wait3A_2038] : memref<1000000x32xf32, #tpu.memory_space<hbm>> -> memref<256x32xf32, #tpu.memory_space<hbm>>
    %dma_wait3A_2040 = arith.constant 0 : i32
    %dma_wait3A_2041 = tpu.memref_slice %arg2[%multiple_of3A_516, %dma_wait3A_2040] : memref<1000000x32xf32, #tpu.memory_space<hbm>> -> memref<256x32xf32, #tpu.memory_space<hbm>>
    tpu.wait_dma2 semaphore(%arg8 : memref<!tpu.dma_semaphore, #tpu.memory_space<semaphore_mem>>) src(%dma_wait3A_2041 : memref<256x32xf32, #tpu.memory_space<hbm>>) dst(%arg5 : memref<256x32xf32, #tpu.memory_space<vmem>>)
    %dma_start3A_2042 = arith.constant 0 : i32
    %dma_start3A_2043 = tpu.memref_slice %arg3[%multiple_of3A_516, %dma_start3A_2042] : memref<1000000x32xf32, #tpu.memory_space<hbm>> -> memref<256x32xf32, #tpu.memory_space<hbm>>
    %dma_start3A_2044 = arith.constant 0 : i32
    %dma_start3A_2045 = tpu.memref_slice %arg3[%multiple_of3A_516, %dma_start3A_2044] : memref<1000000x32xf32, #tpu.memory_space<hbm>> -> memref<256x32xf32, #tpu.memory_space<hbm>>
    tpu.enqueue_dma source(%arg5 : memref<256x32xf32, #tpu.memory_space<vmem>>) target(%dma_start3A_2045 : memref<256x32xf32, #tpu.memory_space<hbm>>) target_semaphore(%arg11 : memref<!tpu.dma_semaphore, #tpu.memory_space<semaphore_mem>>)
    %dma_wait3A_2046 = arith.constant 0 : i32
    %dma_wait3A_2047 = tpu.memref_slice %arg3[%multiple_of3A_516, %dma_wait3A_2046] : memref<1000000x32xf32, #tpu.memory_space<hbm>> -> memref<256x32xf32, #tpu.memory_space<hbm>>
    %dma_wait3A_2048 = arith.constant 0 : i32
    %dma_wait3A_2049 = tpu.memref_slice %arg3[%multiple_of3A_516, %dma_wait3A_2048] : memref<1000000x32xf32, #tpu.memory_space<hbm>> -> memref<256x32xf32, #tpu.memory_space<hbm>>
    tpu.wait_dma2 semaphore(%arg11 : memref<!tpu.dma_semaphore, #tpu.memory_space<semaphore_mem>>) src(%arg5 : memref<256x32xf32, #tpu.memory_space<vmem>>) dst(%dma_wait3A_2049 : memref<256x32xf32, #tpu.memory_space<hbm>>)
    %dma_start3A_2050 = arith.constant 0 : i32
    %dma_start3A_2051 = tpu.memref_slice %arg2[%multiple_of3A_537, %dma_start3A_2050] : memref<1000000x32xf32, #tpu.memory_space<hbm>> -> memref<256x32xf32, #tpu.memory_space<hbm>>
    %dma_start3A_2052 = arith.constant 0 : i32
    %dma_start3A_2053 = tpu.memref_slice %arg2[%multiple_of3A_537, %dma_start3A_2052] : memref<1000000x32xf32, #tpu.memory_space<hbm>> -> memref<256x32xf32, #tpu.memory_space<hbm>>
    tpu.enqueue_dma source(%dma_start3A_2053 : memref<256x32xf32, #tpu.memory_space<hbm>>) target(%arg5 : memref<256x32xf32, #tpu.memory_space<vmem>>) target_semaphore(%arg8 : memref<!tpu.dma_semaphore, #tpu.memory_space<semaphore_mem>>)
    %dma_wait3A_2054 = arith.constant 0 : i32
    %dma_wait3A_2055 = tpu.memref_slice %arg2[%multiple_of3A_523, %dma_wait3A_2054] : memref<1000000x32xf32, #tpu.memory_space<hbm>> -> memref<256x32xf32, #tpu.memory_space<hbm>>
    %dma_wait3A_2056 = arith.constant 0 : i32
    %dma_wait3A_2057 = tpu.memref_slice %arg2[%multiple_of3A_523, %dma_wait3A_2056] : memref<1000000x32xf32, #tpu.memory_space<hbm>> -> memref<256x32xf32, #tpu.memory_space<hbm>>
    tpu.wait_dma2 semaphore(%arg9 : memref<!tpu.dma_semaphore, #tpu.memory_space<semaphore_mem>>) src(%dma_wait3A_2057 : memref<256x32xf32, #tpu.memory_space<hbm>>) dst(%arg6 : memref<256x32xf32, #tpu.memory_space<vmem>>)
    %dma_start3A_2058 = arith.constant 0 : i32
    %dma_start3A_2059 = tpu.memref_slice %arg3[%multiple_of3A_523, %dma_start3A_2058] : memref<1000000x32xf32, #tpu.memory_space<hbm>> -> memref<256x32xf32, #tpu.memory_space<hbm>>
    %dma_start3A_2060 = arith.constant 0 : i32
    %dma_start3A_2061 = tpu.memref_slice %arg3[%multiple_of3A_523, %dma_start3A_2060] : memref<1000000x32xf32, #tpu.memory_space<hbm>> -> memref<256x32xf32, #tpu.memory_space<hbm>>
    tpu.enqueue_dma source(%arg6 : memref<256x32xf32, #tpu.memory_space<vmem>>) target(%dma_start3A_2061 : memref<256x32xf32, #tpu.memory_space<hbm>>) target_semaphore(%arg12 : memref<!tpu.dma_semaphore, #tpu.memory_space<semaphore_mem>>)
    %dma_wait3A_2062 = arith.constant 0 : i32
    %dma_wait3A_2063 = tpu.memref_slice %arg3[%multiple_of3A_523, %dma_wait3A_2062] : memref<1000000x32xf32, #tpu.memory_space<hbm>> -> memref<256x32xf32, #tpu.memory_space<hbm>>
    %dma_wait3A_2064 = arith.constant 0 : i32
    %dma_wait3A_2065 = tpu.memref_slice %arg3[%multiple_of3A_523, %dma_wait3A_2064] : memref<1000000x32xf32, #tpu.memory_space<hbm>> -> memref<256x32xf32, #tpu.memory_space<hbm>>
    tpu.wait_dma2 semaphore(%arg12 : memref<!tpu.dma_semaphore, #tpu.memory_space<semaphore_mem>>) src(%arg6 : memref<256x32xf32, #tpu.memory_space<vmem>>) dst(%dma_wait3A_2065 : memref<256x32xf32, #tpu.memory_space<hbm>>)
    %dma_start3A_2066 = arith.constant 0 : i32
    %dma_start3A_2067 = tpu.memref_slice %arg2[%multiple_of3A_544, %dma_start3A_2066] : memref<1000000x32xf32, #tpu.memory_space<hbm>> -> memref<256x32xf32, #tpu.memory_space<hbm>>
    %dma_start3A_2068 = arith.constant 0 : i32
    %dma_start3A_2069 = tpu.memref_slice %arg2[%multiple_of3A_544, %dma_start3A_2068] : memref<1000000x32xf32, #tpu.memory_space<hbm>> -> memref<256x32xf32, #tpu.memory_space<hbm>>
    tpu.enqueue_dma source(%dma_start3A_2069 : memref<256x32xf32, #tpu.memory_space<hbm>>) target(%arg6 : memref<256x32xf32, #tpu.memory_space<vmem>>) target_semaphore(%arg9 : memref<!tpu.dma_semaphore, #tpu.memory_space<semaphore_mem>>)
    %dma_wait3A_2070 = arith.constant 0 : i32
    %dma_wait3A_2071 = tpu.memref_slice %arg2[%multiple_of3A_530, %dma_wait3A_2070] : memref<1000000x32xf32, #tpu.memory_space<hbm>> -> memref<256x32xf32, #tpu.memory_space<hbm>>
    %dma_wait3A_2072 = arith.constant 0 : i32
    %dma_wait3A_2073 = tpu.memref_slice %arg2[%multiple_of3A_530, %dma_wait3A_2072] : memref<1000000x32xf32, #tpu.memory_space<hbm>> -> memref<256x32xf32, #tpu.memory_space<hbm>>
    tpu.wait_dma2 semaphore(%arg7 : memref<!tpu.dma_semaphore, #tpu.memory_space<semaphore_mem>>) src(%dma_wait3A_2073 : memref<256x32xf32, #tpu.memory_space<hbm>>) dst(%arg4 : memref<256x32xf32, #tpu.memory_space<vmem>>)
    %dma_start3A_2074 = arith.constant 0 : i32
    %dma_start3A_2075 = tpu.memref_slice %arg3[%multiple_of3A_530, %dma_start3A_2074] : memref<1000000x32xf32, #tpu.memory_space<hbm>> -> memref<256x32xf32, #tpu.memory_space<hbm>>
    %dma_start3A_2076 = arith.constant 0 : i32
    %dma_start3A_2077 = tpu.memref_slice %arg3[%multiple_of3A_530, %dma_start3A_2076] : memref<1000000x32xf32, #tpu.memory_space<hbm>> -> memref<256x32xf32, #tpu.memory_space<hbm>>
    tpu.enqueue_dma source(%arg4 : memref<256x32xf32, #tpu.memory_space<vmem>>) target(%dma_start3A_2077 : memref<256x32xf32, #tpu.memory_space<hbm>>) target_semaphore(%arg10 : memref<!tpu.dma_semaphore, #tpu.memory_space<semaphore_mem>>)
    %dma_wait3A_2078 = arith.constant 0 : i32
    %dma_wait3A_2079 = tpu.memref_slice %arg3[%multiple_of3A_530, %dma_wait3A_2078] : memref<1000000x32xf32, #tpu.memory_space<hbm>> -> memref<256x32xf32, #tpu.memory_space<hbm>>
    %dma_wait3A_2080 = arith.constant 0 : i32
    %dma_wait3A_2081 = tpu.memref_slice %arg3[%multiple_of3A_530, %dma_wait3A_2080] : memref<1000000x32xf32, #tpu.memory_space<hbm>> -> memref<256x32xf32, #tpu.memory_space<hbm>>
    tpu.wait_dma2 semaphore(%arg10 : memref<!tpu.dma_semaphore, #tpu.memory_space<semaphore_mem>>) src(%arg4 : memref<256x32xf32, #tpu.memory_space<vmem>>) dst(%dma_wait3A_2081 : memref<256x32xf32, #tpu.memory_space<hbm>>)
    %dma_start3A_2082 = arith.constant 0 : i32
    %dma_start3A_2083 = tpu.memref_slice %arg2[%multiple_of3A_551, %dma_start3A_2082] : memref<1000000x32xf32, #tpu.memory_space<hbm>> -> memref<256x32xf32, #tpu.memory_space<hbm>>
    %dma_start3A_2084 = arith.constant 0 : i32
    %dma_start3A_2085 = tpu.memref_slice %arg2[%multiple_of3A_551, %dma_start3A_2084] : memref<1000000x32xf32, #tpu.memory_space<hbm>> -> memref<256x32xf32, #tpu.memory_space<hbm>>
    tpu.enqueue_dma source(%dma_start3A_2085 : memref<256x32xf32, #tpu.memory_space<hbm>>) target(%arg4 : memref<256x32xf32, #tpu.memory_space<vmem>>) target_semaphore(%arg7 : memref<!tpu.dma_semaphore, #tpu.memory_space<semaphore_mem>>)
    %dma_wait3A_2086 = arith.constant 0 : i32
    %dma_wait3A_2087 = tpu.memref_slice %arg2[%multiple_of3A_537, %dma_wait3A_2086] : memref<1000000x32xf32, #tpu.memory_space<hbm>> -> memref<256x32xf32, #tpu.memory_space<hbm>>
    %dma_wait3A_2088 = arith.constant 0 : i32
    %dma_wait3A_2089 = tpu.memref_slice %arg2[%multiple_of3A_537, %dma_wait3A_2088] : memref<1000000x32xf32, #tpu.memory_space<hbm>> -> memref<256x32xf32, #tpu.memory_space<hbm>>
    tpu.wait_dma2 semaphore(%arg8 : memref<!tpu.dma_semaphore, #tpu.memory_space<semaphore_mem>>) src(%dma_wait3A_2089 : memref<256x32xf32, #tpu.memory_space<hbm>>) dst(%arg5 : memref<256x32xf32, #tpu.memory_space<vmem>>)
    %dma_start3A_2090 = arith.constant 0 : i32
    %dma_start3A_2091 = tpu.memref_slice %arg3[%multiple_of3A_537, %dma_start3A_2090] : memref<1000000x32xf32, #tpu.memory_space<hbm>> -> memref<256x32xf32, #tpu.memory_space<hbm>>
    %dma_start3A_2092 = arith.constant 0 : i32
    %dma_start3A_2093 = tpu.memref_slice %arg3[%multiple_of3A_537, %dma_start3A_2092] : memref<1000000x32xf32, #tpu.memory_space<hbm>> -> memref<256x32xf32, #tpu.memory_space<hbm>>
    tpu.enqueue_dma source(%arg5 : memref<256x32xf32, #tpu.memory_space<vmem>>) target(%dma_start3A_2093 : memref<256x32xf32, #tpu.memory_space<hbm>>) target_semaphore(%arg11 : memref<!tpu.dma_semaphore, #tpu.memory_space<semaphore_mem>>)
    %dma_wait3A_2094 = arith.constant 0 : i32
    %dma_wait3A_2095 = tpu.memref_slice %arg3[%multiple_of3A_537, %dma_wait3A_2094] : memref<1000000x32xf32, #tpu.memory_space<hbm>> -> memref<256x32xf32, #tpu.memory_space<hbm>>
    %dma_wait3A_2096 = arith.constant 0 : i32
    %dma_wait3A_2097 = tpu.memref_slice %arg3[%multiple_of3A_537, %dma_wait3A_2096] : memref<1000000x32xf32, #tpu.memory_space<hbm>> -> memref<256x32xf32, #tpu.memory_space<hbm>>
    tpu.wait_dma2 semaphore(%arg11 : memref<!tpu.dma_semaphore, #tpu.memory_space<semaphore_mem>>) src(%arg5 : memref<256x32xf32, #tpu.memory_space<vmem>>) dst(%dma_wait3A_2097 : memref<256x32xf32, #tpu.memory_space<hbm>>)
    %dma_start3A_2098 = arith.constant 0 : i32
    %dma_start3A_2099 = tpu.memref_slice %arg2[%multiple_of3A_558, %dma_start3A_2098] : memref<1000000x32xf32, #tpu.memory_space<hbm>> -> memref<256x32xf32, #tpu.memory_space<hbm>>
    %dma_start3A_2100 = arith.constant 0 : i32
    %dma_start3A_2101 = tpu.memref_slice %arg2[%multiple_of3A_558, %dma_start3A_2100] : memref<1000000x32xf32, #tpu.memory_space<hbm>> -> memref<256x32xf32, #tpu.memory_space<hbm>>
    tpu.enqueue_dma source(%dma_start3A_2101 : memref<256x32xf32, #tpu.memory_space<hbm>>) target(%arg5 : memref<256x32xf32, #tpu.memory_space<vmem>>) target_semaphore(%arg8 : memref<!tpu.dma_semaphore, #tpu.memory_space<semaphore_mem>>)
    %dma_wait3A_2102 = arith.constant 0 : i32
    %dma_wait3A_2103 = tpu.memref_slice %arg2[%multiple_of3A_544, %dma_wait3A_2102] : memref<1000000x32xf32, #tpu.memory_space<hbm>> -> memref<256x32xf32, #tpu.memory_space<hbm>>
    %dma_wait3A_2104 = arith.constant 0 : i32
    %dma_wait3A_2105 = tpu.memref_slice %arg2[%multiple_of3A_544, %dma_wait3A_2104] : memref<1000000x32xf32, #tpu.memory_space<hbm>> -> memref<256x32xf32, #tpu.memory_space<hbm>>
    tpu.wait_dma2 semaphore(%arg9 : memref<!tpu.dma_semaphore, #tpu.memory_space<semaphore_mem>>) src(%dma_wait3A_2105 : memref<256x32xf32, #tpu.memory_space<hbm>>) dst(%arg6 : memref<256x32xf32, #tpu.memory_space<vmem>>)
    %dma_start3A_2106 = arith.constant 0 : i32
    %dma_start3A_2107 = tpu.memref_slice %arg3[%multiple_of3A_544, %dma_start3A_2106] : memref<1000000x32xf32, #tpu.memory_space<hbm>> -> memref<256x32xf32, #tpu.memory_space<hbm>>
    %dma_start3A_2108 = arith.constant 0 : i32
    %dma_start3A_2109 = tpu.memref_slice %arg3[%multiple_of3A_544, %dma_start3A_2108] : memref<1000000x32xf32, #tpu.memory_space<hbm>> -> memref<256x32xf32, #tpu.memory_space<hbm>>
    tpu.enqueue_dma source(%arg6 : memref<256x32xf32, #tpu.memory_space<vmem>>) target(%dma_start3A_2109 : memref<256x32xf32, #tpu.memory_space<hbm>>) target_semaphore(%arg12 : memref<!tpu.dma_semaphore, #tpu.memory_space<semaphore_mem>>)
    %dma_wait3A_2110 = arith.constant 0 : i32
    %dma_wait3A_2111 = tpu.memref_slice %arg3[%multiple_of3A_544, %dma_wait3A_2110] : memref<1000000x32xf32, #tpu.memory_space<hbm>> -> memref<256x32xf32, #tpu.memory_space<hbm>>
    %dma_wait3A_2112 = arith.constant 0 : i32
    %dma_wait3A_2113 = tpu.memref_slice %arg3[%multiple_of3A_544, %dma_wait3A_2112] : memref<1000000x32xf32, #tpu.memory_space<hbm>> -> memref<256x32xf32, #tpu.memory_space<hbm>>
    tpu.wait_dma2 semaphore(%arg12 : memref<!tpu.dma_semaphore, #tpu.memory_space<semaphore_mem>>) src(%arg6 : memref<256x32xf32, #tpu.memory_space<vmem>>) dst(%dma_wait3A_2113 : memref<256x32xf32, #tpu.memory_space<hbm>>)
    %dma_start3A_2114 = arith.constant 0 : i32
    %dma_start3A_2115 = tpu.memref_slice %arg2[%multiple_of3A_565, %dma_start3A_2114] : memref<1000000x32xf32, #tpu.memory_space<hbm>> -> memref<256x32xf32, #tpu.memory_space<hbm>>
    %dma_start3A_2116 = arith.constant 0 : i32
    %dma_start3A_2117 = tpu.memref_slice %arg2[%multiple_of3A_565, %dma_start3A_2116] : memref<1000000x32xf32, #tpu.memory_space<hbm>> -> memref<256x32xf32, #tpu.memory_space<hbm>>
    tpu.enqueue_dma source(%dma_start3A_2117 : memref<256x32xf32, #tpu.memory_space<hbm>>) target(%arg6 : memref<256x32xf32, #tpu.memory_space<vmem>>) target_semaphore(%arg9 : memref<!tpu.dma_semaphore, #tpu.memory_space<semaphore_mem>>)
    %dma_wait3A_2118 = arith.constant 0 : i32
    %dma_wait3A_2119 = tpu.memref_slice %arg2[%multiple_of3A_551, %dma_wait3A_2118] : memref<1000000x32xf32, #tpu.memory_space<hbm>> -> memref<256x32xf32, #tpu.memory_space<hbm>>
    %dma_wait3A_2120 = arith.constant 0 : i32
    %dma_wait3A_2121 = tpu.memref_slice %arg2[%multiple_of3A_551, %dma_wait3A_2120] : memref<1000000x32xf32, #tpu.memory_space<hbm>> -> memref<256x32xf32, #tpu.memory_space<hbm>>
    tpu.wait_dma2 semaphore(%arg7 : memref<!tpu.dma_semaphore, #tpu.memory_space<semaphore_mem>>) src(%dma_wait3A_2121 : memref<256x32xf32, #tpu.memory_space<hbm>>) dst(%arg4 : memref<256x32xf32, #tpu.memory_space<vmem>>)
    %dma_start3A_2122 = arith.constant 0 : i32
    %dma_start3A_2123 = tpu.memref_slice %arg3[%multiple_of3A_551, %dma_start3A_2122] : memref<1000000x32xf32, #tpu.memory_space<hbm>> -> memref<256x32xf32, #tpu.memory_space<hbm>>
    %dma_start3A_2124 = arith.constant 0 : i32
    %dma_start3A_2125 = tpu.memref_slice %arg3[%multiple_of3A_551, %dma_start3A_2124] : memref<1000000x32xf32, #tpu.memory_space<hbm>> -> memref<256x32xf32, #tpu.memory_space<hbm>>
    tpu.enqueue_dma source(%arg4 : memref<256x32xf32, #tpu.memory_space<vmem>>) target(%dma_start3A_2125 : memref<256x32xf32, #tpu.memory_space<hbm>>) target_semaphore(%arg10 : memref<!tpu.dma_semaphore, #tpu.memory_space<semaphore_mem>>)
    %dma_wait3A_2126 = arith.constant 0 : i32
    %dma_wait3A_2127 = tpu.memref_slice %arg3[%multiple_of3A_551, %dma_wait3A_2126] : memref<1000000x32xf32, #tpu.memory_space<hbm>> -> memref<256x32xf32, #tpu.memory_space<hbm>>
    %dma_wait3A_2128 = arith.constant 0 : i32
    %dma_wait3A_2129 = tpu.memref_slice %arg3[%multiple_of3A_551, %dma_wait3A_2128] : memref<1000000x32xf32, #tpu.memory_space<hbm>> -> memref<256x32xf32, #tpu.memory_space<hbm>>
    tpu.wait_dma2 semaphore(%arg10 : memref<!tpu.dma_semaphore, #tpu.memory_space<semaphore_mem>>) src(%arg4 : memref<256x32xf32, #tpu.memory_space<vmem>>) dst(%dma_wait3A_2129 : memref<256x32xf32, #tpu.memory_space<hbm>>)
    %dma_start3A_2130 = arith.constant 0 : i32
    %dma_start3A_2131 = tpu.memref_slice %arg2[%multiple_of3A_572, %dma_start3A_2130] : memref<1000000x32xf32, #tpu.memory_space<hbm>> -> memref<256x32xf32, #tpu.memory_space<hbm>>
    %dma_start3A_2132 = arith.constant 0 : i32
    %dma_start3A_2133 = tpu.memref_slice %arg2[%multiple_of3A_572, %dma_start3A_2132] : memref<1000000x32xf32, #tpu.memory_space<hbm>> -> memref<256x32xf32, #tpu.memory_space<hbm>>
    tpu.enqueue_dma source(%dma_start3A_2133 : memref<256x32xf32, #tpu.memory_space<hbm>>) target(%arg4 : memref<256x32xf32, #tpu.memory_space<vmem>>) target_semaphore(%arg7 : memref<!tpu.dma_semaphore, #tpu.memory_space<semaphore_mem>>)
    %dma_wait3A_2134 = arith.constant 0 : i32
    %dma_wait3A_2135 = tpu.memref_slice %arg2[%multiple_of3A_558, %dma_wait3A_2134] : memref<1000000x32xf32, #tpu.memory_space<hbm>> -> memref<256x32xf32, #tpu.memory_space<hbm>>
    %dma_wait3A_2136 = arith.constant 0 : i32
    %dma_wait3A_2137 = tpu.memref_slice %arg2[%multiple_of3A_558, %dma_wait3A_2136] : memref<1000000x32xf32, #tpu.memory_space<hbm>> -> memref<256x32xf32, #tpu.memory_space<hbm>>
    tpu.wait_dma2 semaphore(%arg8 : memref<!tpu.dma_semaphore, #tpu.memory_space<semaphore_mem>>) src(%dma_wait3A_2137 : memref<256x32xf32, #tpu.memory_space<hbm>>) dst(%arg5 : memref<256x32xf32, #tpu.memory_space<vmem>>)
    %dma_start3A_2138 = arith.constant 0 : i32
    %dma_start3A_2139 = tpu.memref_slice %arg3[%multiple_of3A_558, %dma_start3A_2138] : memref<1000000x32xf32, #tpu.memory_space<hbm>> -> memref<256x32xf32, #tpu.memory_space<hbm>>
    %dma_start3A_2140 = arith.constant 0 : i32
    %dma_start3A_2141 = tpu.memref_slice %arg3[%multiple_of3A_558, %dma_start3A_2140] : memref<1000000x32xf32, #tpu.memory_space<hbm>> -> memref<256x32xf32, #tpu.memory_space<hbm>>
    tpu.enqueue_dma source(%arg5 : memref<256x32xf32, #tpu.memory_space<vmem>>) target(%dma_start3A_2141 : memref<256x32xf32, #tpu.memory_space<hbm>>) target_semaphore(%arg11 : memref<!tpu.dma_semaphore, #tpu.memory_space<semaphore_mem>>)
    %dma_wait3A_2142 = arith.constant 0 : i32
    %dma_wait3A_2143 = tpu.memref_slice %arg3[%multiple_of3A_558, %dma_wait3A_2142] : memref<1000000x32xf32, #tpu.memory_space<hbm>> -> memref<256x32xf32, #tpu.memory_space<hbm>>
    %dma_wait3A_2144 = arith.constant 0 : i32
    %dma_wait3A_2145 = tpu.memref_slice %arg3[%multiple_of3A_558, %dma_wait3A_2144] : memref<1000000x32xf32, #tpu.memory_space<hbm>> -> memref<256x32xf32, #tpu.memory_space<hbm>>
    tpu.wait_dma2 semaphore(%arg11 : memref<!tpu.dma_semaphore, #tpu.memory_space<semaphore_mem>>) src(%arg5 : memref<256x32xf32, #tpu.memory_space<vmem>>) dst(%dma_wait3A_2145 : memref<256x32xf32, #tpu.memory_space<hbm>>)
    %dma_start3A_2146 = arith.constant 0 : i32
    %dma_start3A_2147 = tpu.memref_slice %arg2[%multiple_of3A_579, %dma_start3A_2146] : memref<1000000x32xf32, #tpu.memory_space<hbm>> -> memref<256x32xf32, #tpu.memory_space<hbm>>
    %dma_start3A_2148 = arith.constant 0 : i32
    %dma_start3A_2149 = tpu.memref_slice %arg2[%multiple_of3A_579, %dma_start3A_2148] : memref<1000000x32xf32, #tpu.memory_space<hbm>> -> memref<256x32xf32, #tpu.memory_space<hbm>>
    tpu.enqueue_dma source(%dma_start3A_2149 : memref<256x32xf32, #tpu.memory_space<hbm>>) target(%arg5 : memref<256x32xf32, #tpu.memory_space<vmem>>) target_semaphore(%arg8 : memref<!tpu.dma_semaphore, #tpu.memory_space<semaphore_mem>>)
    %dma_wait3A_2150 = arith.constant 0 : i32
    %dma_wait3A_2151 = tpu.memref_slice %arg2[%multiple_of3A_565, %dma_wait3A_2150] : memref<1000000x32xf32, #tpu.memory_space<hbm>> -> memref<256x32xf32, #tpu.memory_space<hbm>>
    %dma_wait3A_2152 = arith.constant 0 : i32
    %dma_wait3A_2153 = tpu.memref_slice %arg2[%multiple_of3A_565, %dma_wait3A_2152] : memref<1000000x32xf32, #tpu.memory_space<hbm>> -> memref<256x32xf32, #tpu.memory_space<hbm>>
    tpu.wait_dma2 semaphore(%arg9 : memref<!tpu.dma_semaphore, #tpu.memory_space<semaphore_mem>>) src(%dma_wait3A_2153 : memref<256x32xf32, #tpu.memory_space<hbm>>) dst(%arg6 : memref<256x32xf32, #tpu.memory_space<vmem>>)
    %dma_start3A_2154 = arith.constant 0 : i32
    %dma_start3A_2155 = tpu.memref_slice %arg3[%multiple_of3A_565, %dma_start3A_2154] : memref<1000000x32xf32, #tpu.memory_space<hbm>> -> memref<256x32xf32, #tpu.memory_space<hbm>>
    %dma_start3A_2156 = arith.constant 0 : i32
    %dma_start3A_2157 = tpu.memref_slice %arg3[%multiple_of3A_565, %dma_start3A_2156] : memref<1000000x32xf32, #tpu.memory_space<hbm>> -> memref<256x32xf32, #tpu.memory_space<hbm>>
    tpu.enqueue_dma source(%arg6 : memref<256x32xf32, #tpu.memory_space<vmem>>) target(%dma_start3A_2157 : memref<256x32xf32, #tpu.memory_space<hbm>>) target_semaphore(%arg12 : memref<!tpu.dma_semaphore, #tpu.memory_space<semaphore_mem>>)
    %dma_wait3A_2158 = arith.constant 0 : i32
    %dma_wait3A_2159 = tpu.memref_slice %arg3[%multiple_of3A_565, %dma_wait3A_2158] : memref<1000000x32xf32, #tpu.memory_space<hbm>> -> memref<256x32xf32, #tpu.memory_space<hbm>>
    %dma_wait3A_2160 = arith.constant 0 : i32
    %dma_wait3A_2161 = tpu.memref_slice %arg3[%multiple_of3A_565, %dma_wait3A_2160] : memref<1000000x32xf32, #tpu.memory_space<hbm>> -> memref<256x32xf32, #tpu.memory_space<hbm>>
    tpu.wait_dma2 semaphore(%arg12 : memref<!tpu.dma_semaphore, #tpu.memory_space<semaphore_mem>>) src(%arg6 : memref<256x32xf32, #tpu.memory_space<vmem>>) dst(%dma_wait3A_2161 : memref<256x32xf32, #tpu.memory_space<hbm>>)
    %dma_start3A_2162 = arith.constant 0 : i32
    %dma_start3A_2163 = tpu.memref_slice %arg2[%multiple_of3A_586, %dma_start3A_2162] : memref<1000000x32xf32, #tpu.memory_space<hbm>> -> memref<256x32xf32, #tpu.memory_space<hbm>>
    %dma_start3A_2164 = arith.constant 0 : i32
    %dma_start3A_2165 = tpu.memref_slice %arg2[%multiple_of3A_586, %dma_start3A_2164] : memref<1000000x32xf32, #tpu.memory_space<hbm>> -> memref<256x32xf32, #tpu.memory_space<hbm>>
    tpu.enqueue_dma source(%dma_start3A_2165 : memref<256x32xf32, #tpu.memory_space<hbm>>) target(%arg6 : memref<256x32xf32, #tpu.memory_space<vmem>>) target_semaphore(%arg9 : memref<!tpu.dma_semaphore, #tpu.memory_space<semaphore_mem>>)
    %dma_wait3A_2166 = arith.constant 0 : i32
    %dma_wait3A_2167 = tpu.memref_slice %arg2[%multiple_of3A_572, %dma_wait3A_2166] : memref<1000000x32xf32, #tpu.memory_space<hbm>> -> memref<256x32xf32, #tpu.memory_space<hbm>>
    %dma_wait3A_2168 = arith.constant 0 : i32
    %dma_wait3A_2169 = tpu.memref_slice %arg2[%multiple_of3A_572, %dma_wait3A_2168] : memref<1000000x32xf32, #tpu.memory_space<hbm>> -> memref<256x32xf32, #tpu.memory_space<hbm>>
    tpu.wait_dma2 semaphore(%arg7 : memref<!tpu.dma_semaphore, #tpu.memory_space<semaphore_mem>>) src(%dma_wait3A_2169 : memref<256x32xf32, #tpu.memory_space<hbm>>) dst(%arg4 : memref<256x32xf32, #tpu.memory_space<vmem>>)
    %dma_start3A_2170 = arith.constant 0 : i32
    %dma_start3A_2171 = tpu.memref_slice %arg3[%multiple_of3A_572, %dma_start3A_2170] : memref<1000000x32xf32, #tpu.memory_space<hbm>> -> memref<256x32xf32, #tpu.memory_space<hbm>>
    %dma_start3A_2172 = arith.constant 0 : i32
    %dma_start3A_2173 = tpu.memref_slice %arg3[%multiple_of3A_572, %dma_start3A_2172] : memref<1000000x32xf32, #tpu.memory_space<hbm>> -> memref<256x32xf32, #tpu.memory_space<hbm>>
    tpu.enqueue_dma source(%arg4 : memref<256x32xf32, #tpu.memory_space<vmem>>) target(%dma_start3A_2173 : memref<256x32xf32, #tpu.memory_space<hbm>>) target_semaphore(%arg10 : memref<!tpu.dma_semaphore, #tpu.memory_space<semaphore_mem>>)
    %dma_wait3A_2174 = arith.constant 0 : i32
    %dma_wait3A_2175 = tpu.memref_slice %arg3[%multiple_of3A_572, %dma_wait3A_2174] : memref<1000000x32xf32, #tpu.memory_space<hbm>> -> memref<256x32xf32, #tpu.memory_space<hbm>>
    %dma_wait3A_2176 = arith.constant 0 : i32
    %dma_wait3A_2177 = tpu.memref_slice %arg3[%multiple_of3A_572, %dma_wait3A_2176] : memref<1000000x32xf32, #tpu.memory_space<hbm>> -> memref<256x32xf32, #tpu.memory_space<hbm>>
    tpu.wait_dma2 semaphore(%arg10 : memref<!tpu.dma_semaphore, #tpu.memory_space<semaphore_mem>>) src(%arg4 : memref<256x32xf32, #tpu.memory_space<vmem>>) dst(%dma_wait3A_2177 : memref<256x32xf32, #tpu.memory_space<hbm>>)
    %dma_start3A_2178 = arith.constant 0 : i32
    %dma_start3A_2179 = tpu.memref_slice %arg2[%multiple_of3A_593, %dma_start3A_2178] : memref<1000000x32xf32, #tpu.memory_space<hbm>> -> memref<256x32xf32, #tpu.memory_space<hbm>>
    %dma_start3A_2180 = arith.constant 0 : i32
    %dma_start3A_2181 = tpu.memref_slice %arg2[%multiple_of3A_593, %dma_start3A_2180] : memref<1000000x32xf32, #tpu.memory_space<hbm>> -> memref<256x32xf32, #tpu.memory_space<hbm>>
    tpu.enqueue_dma source(%dma_start3A_2181 : memref<256x32xf32, #tpu.memory_space<hbm>>) target(%arg4 : memref<256x32xf32, #tpu.memory_space<vmem>>) target_semaphore(%arg7 : memref<!tpu.dma_semaphore, #tpu.memory_space<semaphore_mem>>)
    %dma_wait3A_2182 = arith.constant 0 : i32
    %dma_wait3A_2183 = tpu.memref_slice %arg2[%multiple_of3A_579, %dma_wait3A_2182] : memref<1000000x32xf32, #tpu.memory_space<hbm>> -> memref<256x32xf32, #tpu.memory_space<hbm>>
    %dma_wait3A_2184 = arith.constant 0 : i32
    %dma_wait3A_2185 = tpu.memref_slice %arg2[%multiple_of3A_579, %dma_wait3A_2184] : memref<1000000x32xf32, #tpu.memory_space<hbm>> -> memref<256x32xf32, #tpu.memory_space<hbm>>
    tpu.wait_dma2 semaphore(%arg8 : memref<!tpu.dma_semaphore, #tpu.memory_space<semaphore_mem>>) src(%dma_wait3A_2185 : memref<256x32xf32, #tpu.memory_space<hbm>>) dst(%arg5 : memref<256x32xf32, #tpu.memory_space<vmem>>)
    %dma_start3A_2186 = arith.constant 0 : i32
    %dma_start3A_2187 = tpu.memref_slice %arg3[%multiple_of3A_579, %dma_start3A_2186] : memref<1000000x32xf32, #tpu.memory_space<hbm>> -> memref<256x32xf32, #tpu.memory_space<hbm>>
    %dma_start3A_2188 = arith.constant 0 : i32
    %dma_start3A_2189 = tpu.memref_slice %arg3[%multiple_of3A_579, %dma_start3A_2188] : memref<1000000x32xf32, #tpu.memory_space<hbm>> -> memref<256x32xf32, #tpu.memory_space<hbm>>
    tpu.enqueue_dma source(%arg5 : memref<256x32xf32, #tpu.memory_space<vmem>>) target(%dma_start3A_2189 : memref<256x32xf32, #tpu.memory_space<hbm>>) target_semaphore(%arg11 : memref<!tpu.dma_semaphore, #tpu.memory_space<semaphore_mem>>)
    %dma_wait3A_2190 = arith.constant 0 : i32
    %dma_wait3A_2191 = tpu.memref_slice %arg3[%multiple_of3A_579, %dma_wait3A_2190] : memref<1000000x32xf32, #tpu.memory_space<hbm>> -> memref<256x32xf32, #tpu.memory_space<hbm>>
    %dma_wait3A_2192 = arith.constant 0 : i32
    %dma_wait3A_2193 = tpu.memref_slice %arg3[%multiple_of3A_579, %dma_wait3A_2192] : memref<1000000x32xf32, #tpu.memory_space<hbm>> -> memref<256x32xf32, #tpu.memory_space<hbm>>
    tpu.wait_dma2 semaphore(%arg11 : memref<!tpu.dma_semaphore, #tpu.memory_space<semaphore_mem>>) src(%arg5 : memref<256x32xf32, #tpu.memory_space<vmem>>) dst(%dma_wait3A_2193 : memref<256x32xf32, #tpu.memory_space<hbm>>)
    %dma_start3A_2194 = arith.constant 0 : i32
    %dma_start3A_2195 = tpu.memref_slice %arg2[%multiple_of3A_600, %dma_start3A_2194] : memref<1000000x32xf32, #tpu.memory_space<hbm>> -> memref<256x32xf32, #tpu.memory_space<hbm>>
    %dma_start3A_2196 = arith.constant 0 : i32
    %dma_start3A_2197 = tpu.memref_slice %arg2[%multiple_of3A_600, %dma_start3A_2196] : memref<1000000x32xf32, #tpu.memory_space<hbm>> -> memref<256x32xf32, #tpu.memory_space<hbm>>
    tpu.enqueue_dma source(%dma_start3A_2197 : memref<256x32xf32, #tpu.memory_space<hbm>>) target(%arg5 : memref<256x32xf32, #tpu.memory_space<vmem>>) target_semaphore(%arg8 : memref<!tpu.dma_semaphore, #tpu.memory_space<semaphore_mem>>)
    %dma_wait3A_2198 = arith.constant 0 : i32
    %dma_wait3A_2199 = tpu.memref_slice %arg2[%multiple_of3A_586, %dma_wait3A_2198] : memref<1000000x32xf32, #tpu.memory_space<hbm>> -> memref<256x32xf32, #tpu.memory_space<hbm>>
    %dma_wait3A_2200 = arith.constant 0 : i32
    %dma_wait3A_2201 = tpu.memref_slice %arg2[%multiple_of3A_586, %dma_wait3A_2200] : memref<1000000x32xf32, #tpu.memory_space<hbm>> -> memref<256x32xf32, #tpu.memory_space<hbm>>
    tpu.wait_dma2 semaphore(%arg9 : memref<!tpu.dma_semaphore, #tpu.memory_space<semaphore_mem>>) src(%dma_wait3A_2201 : memref<256x32xf32, #tpu.memory_space<hbm>>) dst(%arg6 : memref<256x32xf32, #tpu.memory_space<vmem>>)
    %dma_start3A_2202 = arith.constant 0 : i32
    %dma_start3A_2203 = tpu.memref_slice %arg3[%multiple_of3A_586, %dma_start3A_2202] : memref<1000000x32xf32, #tpu.memory_space<hbm>> -> memref<256x32xf32, #tpu.memory_space<hbm>>
    %dma_start3A_2204 = arith.constant 0 : i32
    %dma_start3A_2205 = tpu.memref_slice %arg3[%multiple_of3A_586, %dma_start3A_2204] : memref<1000000x32xf32, #tpu.memory_space<hbm>> -> memref<256x32xf32, #tpu.memory_space<hbm>>
    tpu.enqueue_dma source(%arg6 : memref<256x32xf32, #tpu.memory_space<vmem>>) target(%dma_start3A_2205 : memref<256x32xf32, #tpu.memory_space<hbm>>) target_semaphore(%arg12 : memref<!tpu.dma_semaphore, #tpu.memory_space<semaphore_mem>>)
    %dma_wait3A_2206 = arith.constant 0 : i32
    %dma_wait3A_2207 = tpu.memref_slice %arg3[%multiple_of3A_586, %dma_wait3A_2206] : memref<1000000x32xf32, #tpu.memory_space<hbm>> -> memref<256x32xf32, #tpu.memory_space<hbm>>
    %dma_wait3A_2208 = arith.constant 0 : i32
    %dma_wait3A_2209 = tpu.memref_slice %arg3[%multiple_of3A_586, %dma_wait3A_2208] : memref<1000000x32xf32, #tpu.memory_space<hbm>> -> memref<256x32xf32, #tpu.memory_space<hbm>>
    tpu.wait_dma2 semaphore(%arg12 : memref<!tpu.dma_semaphore, #tpu.memory_space<semaphore_mem>>) src(%arg6 : memref<256x32xf32, #tpu.memory_space<vmem>>) dst(%dma_wait3A_2209 : memref<256x32xf32, #tpu.memory_space<hbm>>)
    %dma_start3A_2210 = arith.constant 0 : i32
    %dma_start3A_2211 = tpu.memref_slice %arg2[%multiple_of3A_607, %dma_start3A_2210] : memref<1000000x32xf32, #tpu.memory_space<hbm>> -> memref<256x32xf32, #tpu.memory_space<hbm>>
    %dma_start3A_2212 = arith.constant 0 : i32
    %dma_start3A_2213 = tpu.memref_slice %arg2[%multiple_of3A_607, %dma_start3A_2212] : memref<1000000x32xf32, #tpu.memory_space<hbm>> -> memref<256x32xf32, #tpu.memory_space<hbm>>
    tpu.enqueue_dma source(%dma_start3A_2213 : memref<256x32xf32, #tpu.memory_space<hbm>>) target(%arg6 : memref<256x32xf32, #tpu.memory_space<vmem>>) target_semaphore(%arg9 : memref<!tpu.dma_semaphore, #tpu.memory_space<semaphore_mem>>)
    %dma_wait3A_2214 = arith.constant 0 : i32
    %dma_wait3A_2215 = tpu.memref_slice %arg2[%multiple_of3A_593, %dma_wait3A_2214] : memref<1000000x32xf32, #tpu.memory_space<hbm>> -> memref<256x32xf32, #tpu.memory_space<hbm>>
    %dma_wait3A_2216 = arith.constant 0 : i32
    %dma_wait3A_2217 = tpu.memref_slice %arg2[%multiple_of3A_593, %dma_wait3A_2216] : memref<1000000x32xf32, #tpu.memory_space<hbm>> -> memref<256x32xf32, #tpu.memory_space<hbm>>
    tpu.wait_dma2 semaphore(%arg7 : memref<!tpu.dma_semaphore, #tpu.memory_space<semaphore_mem>>) src(%dma_wait3A_2217 : memref<256x32xf32, #tpu.memory_space<hbm>>) dst(%arg4 : memref<256x32xf32, #tpu.memory_space<vmem>>)
    %dma_start3A_2218 = arith.constant 0 : i32
    %dma_start3A_2219 = tpu.memref_slice %arg3[%multiple_of3A_593, %dma_start3A_2218] : memref<1000000x32xf32, #tpu.memory_space<hbm>> -> memref<256x32xf32, #tpu.memory_space<hbm>>
    %dma_start3A_2220 = arith.constant 0 : i32
    %dma_start3A_2221 = tpu.memref_slice %arg3[%multiple_of3A_593, %dma_start3A_2220] : memref<1000000x32xf32, #tpu.memory_space<hbm>> -> memref<256x32xf32, #tpu.memory_space<hbm>>
    tpu.enqueue_dma source(%arg4 : memref<256x32xf32, #tpu.memory_space<vmem>>) target(%dma_start3A_2221 : memref<256x32xf32, #tpu.memory_space<hbm>>) target_semaphore(%arg10 : memref<!tpu.dma_semaphore, #tpu.memory_space<semaphore_mem>>)
    %dma_wait3A_2222 = arith.constant 0 : i32
    %dma_wait3A_2223 = tpu.memref_slice %arg3[%multiple_of3A_593, %dma_wait3A_2222] : memref<1000000x32xf32, #tpu.memory_space<hbm>> -> memref<256x32xf32, #tpu.memory_space<hbm>>
    %dma_wait3A_2224 = arith.constant 0 : i32
    %dma_wait3A_2225 = tpu.memref_slice %arg3[%multiple_of3A_593, %dma_wait3A_2224] : memref<1000000x32xf32, #tpu.memory_space<hbm>> -> memref<256x32xf32, #tpu.memory_space<hbm>>
    tpu.wait_dma2 semaphore(%arg10 : memref<!tpu.dma_semaphore, #tpu.memory_space<semaphore_mem>>) src(%arg4 : memref<256x32xf32, #tpu.memory_space<vmem>>) dst(%dma_wait3A_2225 : memref<256x32xf32, #tpu.memory_space<hbm>>)
    %dma_start3A_2226 = arith.constant 0 : i32
    %dma_start3A_2227 = tpu.memref_slice %arg2[%multiple_of3A_614, %dma_start3A_2226] : memref<1000000x32xf32, #tpu.memory_space<hbm>> -> memref<256x32xf32, #tpu.memory_space<hbm>>
    %dma_start3A_2228 = arith.constant 0 : i32
    %dma_start3A_2229 = tpu.memref_slice %arg2[%multiple_of3A_614, %dma_start3A_2228] : memref<1000000x32xf32, #tpu.memory_space<hbm>> -> memref<256x32xf32, #tpu.memory_space<hbm>>
    tpu.enqueue_dma source(%dma_start3A_2229 : memref<256x32xf32, #tpu.memory_space<hbm>>) target(%arg4 : memref<256x32xf32, #tpu.memory_space<vmem>>) target_semaphore(%arg7 : memref<!tpu.dma_semaphore, #tpu.memory_space<semaphore_mem>>)
    %dma_wait3A_2230 = arith.constant 0 : i32
    %dma_wait3A_2231 = tpu.memref_slice %arg2[%multiple_of3A_600, %dma_wait3A_2230] : memref<1000000x32xf32, #tpu.memory_space<hbm>> -> memref<256x32xf32, #tpu.memory_space<hbm>>
    %dma_wait3A_2232 = arith.constant 0 : i32
    %dma_wait3A_2233 = tpu.memref_slice %arg2[%multiple_of3A_600, %dma_wait3A_2232] : memref<1000000x32xf32, #tpu.memory_space<hbm>> -> memref<256x32xf32, #tpu.memory_space<hbm>>
    tpu.wait_dma2 semaphore(%arg8 : memref<!tpu.dma_semaphore, #tpu.memory_space<semaphore_mem>>) src(%dma_wait3A_2233 : memref<256x32xf32, #tpu.memory_space<hbm>>) dst(%arg5 : memref<256x32xf32, #tpu.memory_space<vmem>>)
    %dma_start3A_2234 = arith.constant 0 : i32
    %dma_start3A_2235 = tpu.memref_slice %arg3[%multiple_of3A_600, %dma_start3A_2234] : memref<1000000x32xf32, #tpu.memory_space<hbm>> -> memref<256x32xf32, #tpu.memory_space<hbm>>
    %dma_start3A_2236 = arith.constant 0 : i32
    %dma_start3A_2237 = tpu.memref_slice %arg3[%multiple_of3A_600, %dma_start3A_2236] : memref<1000000x32xf32, #tpu.memory_space<hbm>> -> memref<256x32xf32, #tpu.memory_space<hbm>>
    tpu.enqueue_dma source(%arg5 : memref<256x32xf32, #tpu.memory_space<vmem>>) target(%dma_start3A_2237 : memref<256x32xf32, #tpu.memory_space<hbm>>) target_semaphore(%arg11 : memref<!tpu.dma_semaphore, #tpu.memory_space<semaphore_mem>>)
    %dma_wait3A_2238 = arith.constant 0 : i32
    %dma_wait3A_2239 = tpu.memref_slice %arg3[%multiple_of3A_600, %dma_wait3A_2238] : memref<1000000x32xf32, #tpu.memory_space<hbm>> -> memref<256x32xf32, #tpu.memory_space<hbm>>
    %dma_wait3A_2240 = arith.constant 0 : i32
    %dma_wait3A_2241 = tpu.memref_slice %arg3[%multiple_of3A_600, %dma_wait3A_2240] : memref<1000000x32xf32, #tpu.memory_space<hbm>> -> memref<256x32xf32, #tpu.memory_space<hbm>>
    tpu.wait_dma2 semaphore(%arg11 : memref<!tpu.dma_semaphore, #tpu.memory_space<semaphore_mem>>) src(%arg5 : memref<256x32xf32, #tpu.memory_space<vmem>>) dst(%dma_wait3A_2241 : memref<256x32xf32, #tpu.memory_space<hbm>>)
    %dma_start3A_2242 = arith.constant 0 : i32
    %dma_start3A_2243 = tpu.memref_slice %arg2[%multiple_of3A_621, %dma_start3A_2242] : memref<1000000x32xf32, #tpu.memory_space<hbm>> -> memref<256x32xf32, #tpu.memory_space<hbm>>
    %dma_start3A_2244 = arith.constant 0 : i32
    %dma_start3A_2245 = tpu.memref_slice %arg2[%multiple_of3A_621, %dma_start3A_2244] : memref<1000000x32xf32, #tpu.memory_space<hbm>> -> memref<256x32xf32, #tpu.memory_space<hbm>>
    tpu.enqueue_dma source(%dma_start3A_2245 : memref<256x32xf32, #tpu.memory_space<hbm>>) target(%arg5 : memref<256x32xf32, #tpu.memory_space<vmem>>) target_semaphore(%arg8 : memref<!tpu.dma_semaphore, #tpu.memory_space<semaphore_mem>>)
    %dma_wait3A_2246 = arith.constant 0 : i32
    %dma_wait3A_2247 = tpu.memref_slice %arg2[%multiple_of3A_607, %dma_wait3A_2246] : memref<1000000x32xf32, #tpu.memory_space<hbm>> -> memref<256x32xf32, #tpu.memory_space<hbm>>
    %dma_wait3A_2248 = arith.constant 0 : i32
    %dma_wait3A_2249 = tpu.memref_slice %arg2[%multiple_of3A_607, %dma_wait3A_2248] : memref<1000000x32xf32, #tpu.memory_space<hbm>> -> memref<256x32xf32, #tpu.memory_space<hbm>>
    tpu.wait_dma2 semaphore(%arg9 : memref<!tpu.dma_semaphore, #tpu.memory_space<semaphore_mem>>) src(%dma_wait3A_2249 : memref<256x32xf32, #tpu.memory_space<hbm>>) dst(%arg6 : memref<256x32xf32, #tpu.memory_space<vmem>>)
    %dma_start3A_2250 = arith.constant 0 : i32
    %dma_start3A_2251 = tpu.memref_slice %arg3[%multiple_of3A_607, %dma_start3A_2250] : memref<1000000x32xf32, #tpu.memory_space<hbm>> -> memref<256x32xf32, #tpu.memory_space<hbm>>
    %dma_start3A_2252 = arith.constant 0 : i32
    %dma_start3A_2253 = tpu.memref_slice %arg3[%multiple_of3A_607, %dma_start3A_2252] : memref<1000000x32xf32, #tpu.memory_space<hbm>> -> memref<256x32xf32, #tpu.memory_space<hbm>>
    tpu.enqueue_dma source(%arg6 : memref<256x32xf32, #tpu.memory_space<vmem>>) target(%dma_start3A_2253 : memref<256x32xf32, #tpu.memory_space<hbm>>) target_semaphore(%arg12 : memref<!tpu.dma_semaphore, #tpu.memory_space<semaphore_mem>>)
    %dma_wait3A_2254 = arith.constant 0 : i32
    %dma_wait3A_2255 = tpu.memref_slice %arg3[%multiple_of3A_607, %dma_wait3A_2254] : memref<1000000x32xf32, #tpu.memory_space<hbm>> -> memref<256x32xf32, #tpu.memory_space<hbm>>
    %dma_wait3A_2256 = arith.constant 0 : i32
    %dma_wait3A_2257 = tpu.memref_slice %arg3[%multiple_of3A_607, %dma_wait3A_2256] : memref<1000000x32xf32, #tpu.memory_space<hbm>> -> memref<256x32xf32, #tpu.memory_space<hbm>>
    tpu.wait_dma2 semaphore(%arg12 : memref<!tpu.dma_semaphore, #tpu.memory_space<semaphore_mem>>) src(%arg6 : memref<256x32xf32, #tpu.memory_space<vmem>>) dst(%dma_wait3A_2257 : memref<256x32xf32, #tpu.memory_space<hbm>>)
    %dma_start3A_2258 = arith.constant 0 : i32
    %dma_start3A_2259 = tpu.memref_slice %arg2[%multiple_of3A_628, %dma_start3A_2258] : memref<1000000x32xf32, #tpu.memory_space<hbm>> -> memref<256x32xf32, #tpu.memory_space<hbm>>
    %dma_start3A_2260 = arith.constant 0 : i32
    %dma_start3A_2261 = tpu.memref_slice %arg2[%multiple_of3A_628, %dma_start3A_2260] : memref<1000000x32xf32, #tpu.memory_space<hbm>> -> memref<256x32xf32, #tpu.memory_space<hbm>>
    tpu.enqueue_dma source(%dma_start3A_2261 : memref<256x32xf32, #tpu.memory_space<hbm>>) target(%arg6 : memref<256x32xf32, #tpu.memory_space<vmem>>) target_semaphore(%arg9 : memref<!tpu.dma_semaphore, #tpu.memory_space<semaphore_mem>>)
    %dma_wait3A_2262 = arith.constant 0 : i32
    %dma_wait3A_2263 = tpu.memref_slice %arg2[%multiple_of3A_614, %dma_wait3A_2262] : memref<1000000x32xf32, #tpu.memory_space<hbm>> -> memref<256x32xf32, #tpu.memory_space<hbm>>
    %dma_wait3A_2264 = arith.constant 0 : i32
    %dma_wait3A_2265 = tpu.memref_slice %arg2[%multiple_of3A_614, %dma_wait3A_2264] : memref<1000000x32xf32, #tpu.memory_space<hbm>> -> memref<256x32xf32, #tpu.memory_space<hbm>>
    tpu.wait_dma2 semaphore(%arg7 : memref<!tpu.dma_semaphore, #tpu.memory_space<semaphore_mem>>) src(%dma_wait3A_2265 : memref<256x32xf32, #tpu.memory_space<hbm>>) dst(%arg4 : memref<256x32xf32, #tpu.memory_space<vmem>>)
    %dma_start3A_2266 = arith.constant 0 : i32
    %dma_start3A_2267 = tpu.memref_slice %arg3[%multiple_of3A_614, %dma_start3A_2266] : memref<1000000x32xf32, #tpu.memory_space<hbm>> -> memref<256x32xf32, #tpu.memory_space<hbm>>
    %dma_start3A_2268 = arith.constant 0 : i32
    %dma_start3A_2269 = tpu.memref_slice %arg3[%multiple_of3A_614, %dma_start3A_2268] : memref<1000000x32xf32, #tpu.memory_space<hbm>> -> memref<256x32xf32, #tpu.memory_space<hbm>>
    tpu.enqueue_dma source(%arg4 : memref<256x32xf32, #tpu.memory_space<vmem>>) target(%dma_start3A_2269 : memref<256x32xf32, #tpu.memory_space<hbm>>) target_semaphore(%arg10 : memref<!tpu.dma_semaphore, #tpu.memory_space<semaphore_mem>>)
    %dma_wait3A_2270 = arith.constant 0 : i32
    %dma_wait3A_2271 = tpu.memref_slice %arg3[%multiple_of3A_614, %dma_wait3A_2270] : memref<1000000x32xf32, #tpu.memory_space<hbm>> -> memref<256x32xf32, #tpu.memory_space<hbm>>
    %dma_wait3A_2272 = arith.constant 0 : i32
    %dma_wait3A_2273 = tpu.memref_slice %arg3[%multiple_of3A_614, %dma_wait3A_2272] : memref<1000000x32xf32, #tpu.memory_space<hbm>> -> memref<256x32xf32, #tpu.memory_space<hbm>>
    tpu.wait_dma2 semaphore(%arg10 : memref<!tpu.dma_semaphore, #tpu.memory_space<semaphore_mem>>) src(%arg4 : memref<256x32xf32, #tpu.memory_space<vmem>>) dst(%dma_wait3A_2273 : memref<256x32xf32, #tpu.memory_space<hbm>>)
    %dma_start3A_2274 = arith.constant 0 : i32
    %dma_start3A_2275 = tpu.memref_slice %arg2[%multiple_of3A_635, %dma_start3A_2274] : memref<1000000x32xf32, #tpu.memory_space<hbm>> -> memref<256x32xf32, #tpu.memory_space<hbm>>
    %dma_start3A_2276 = arith.constant 0 : i32
    %dma_start3A_2277 = tpu.memref_slice %arg2[%multiple_of3A_635, %dma_start3A_2276] : memref<1000000x32xf32, #tpu.memory_space<hbm>> -> memref<256x32xf32, #tpu.memory_space<hbm>>
    tpu.enqueue_dma source(%dma_start3A_2277 : memref<256x32xf32, #tpu.memory_space<hbm>>) target(%arg4 : memref<256x32xf32, #tpu.memory_space<vmem>>) target_semaphore(%arg7 : memref<!tpu.dma_semaphore, #tpu.memory_space<semaphore_mem>>)
    %dma_wait3A_2278 = arith.constant 0 : i32
    %dma_wait3A_2279 = tpu.memref_slice %arg2[%multiple_of3A_621, %dma_wait3A_2278] : memref<1000000x32xf32, #tpu.memory_space<hbm>> -> memref<256x32xf32, #tpu.memory_space<hbm>>
    %dma_wait3A_2280 = arith.constant 0 : i32
    %dma_wait3A_2281 = tpu.memref_slice %arg2[%multiple_of3A_621, %dma_wait3A_2280] : memref<1000000x32xf32, #tpu.memory_space<hbm>> -> memref<256x32xf32, #tpu.memory_space<hbm>>
    tpu.wait_dma2 semaphore(%arg8 : memref<!tpu.dma_semaphore, #tpu.memory_space<semaphore_mem>>) src(%dma_wait3A_2281 : memref<256x32xf32, #tpu.memory_space<hbm>>) dst(%arg5 : memref<256x32xf32, #tpu.memory_space<vmem>>)
    %dma_start3A_2282 = arith.constant 0 : i32
    %dma_start3A_2283 = tpu.memref_slice %arg3[%multiple_of3A_621, %dma_start3A_2282] : memref<1000000x32xf32, #tpu.memory_space<hbm>> -> memref<256x32xf32, #tpu.memory_space<hbm>>
    %dma_start3A_2284 = arith.constant 0 : i32
    %dma_start3A_2285 = tpu.memref_slice %arg3[%multiple_of3A_621, %dma_start3A_2284] : memref<1000000x32xf32, #tpu.memory_space<hbm>> -> memref<256x32xf32, #tpu.memory_space<hbm>>
    tpu.enqueue_dma source(%arg5 : memref<256x32xf32, #tpu.memory_space<vmem>>) target(%dma_start3A_2285 : memref<256x32xf32, #tpu.memory_space<hbm>>) target_semaphore(%arg11 : memref<!tpu.dma_semaphore, #tpu.memory_space<semaphore_mem>>)
    %dma_wait3A_2286 = arith.constant 0 : i32
    %dma_wait3A_2287 = tpu.memref_slice %arg3[%multiple_of3A_621, %dma_wait3A_2286] : memref<1000000x32xf32, #tpu.memory_space<hbm>> -> memref<256x32xf32, #tpu.memory_space<hbm>>
    %dma_wait3A_2288 = arith.constant 0 : i32
    %dma_wait3A_2289 = tpu.memref_slice %arg3[%multiple_of3A_621, %dma_wait3A_2288] : memref<1000000x32xf32, #tpu.memory_space<hbm>> -> memref<256x32xf32, #tpu.memory_space<hbm>>
    tpu.wait_dma2 semaphore(%arg11 : memref<!tpu.dma_semaphore, #tpu.memory_space<semaphore_mem>>) src(%arg5 : memref<256x32xf32, #tpu.memory_space<vmem>>) dst(%dma_wait3A_2289 : memref<256x32xf32, #tpu.memory_space<hbm>>)
    %dma_start3A_2290 = arith.constant 0 : i32
    %dma_start3A_2291 = tpu.memref_slice %arg2[%multiple_of3A_642, %dma_start3A_2290] : memref<1000000x32xf32, #tpu.memory_space<hbm>> -> memref<256x32xf32, #tpu.memory_space<hbm>>
    %dma_start3A_2292 = arith.constant 0 : i32
    %dma_start3A_2293 = tpu.memref_slice %arg2[%multiple_of3A_642, %dma_start3A_2292] : memref<1000000x32xf32, #tpu.memory_space<hbm>> -> memref<256x32xf32, #tpu.memory_space<hbm>>
    tpu.enqueue_dma source(%dma_start3A_2293 : memref<256x32xf32, #tpu.memory_space<hbm>>) target(%arg5 : memref<256x32xf32, #tpu.memory_space<vmem>>) target_semaphore(%arg8 : memref<!tpu.dma_semaphore, #tpu.memory_space<semaphore_mem>>)
    %dma_wait3A_2294 = arith.constant 0 : i32
    %dma_wait3A_2295 = tpu.memref_slice %arg2[%multiple_of3A_628, %dma_wait3A_2294] : memref<1000000x32xf32, #tpu.memory_space<hbm>> -> memref<256x32xf32, #tpu.memory_space<hbm>>
    %dma_wait3A_2296 = arith.constant 0 : i32
    %dma_wait3A_2297 = tpu.memref_slice %arg2[%multiple_of3A_628, %dma_wait3A_2296] : memref<1000000x32xf32, #tpu.memory_space<hbm>> -> memref<256x32xf32, #tpu.memory_space<hbm>>
    tpu.wait_dma2 semaphore(%arg9 : memref<!tpu.dma_semaphore, #tpu.memory_space<semaphore_mem>>) src(%dma_wait3A_2297 : memref<256x32xf32, #tpu.memory_space<hbm>>) dst(%arg6 : memref<256x32xf32, #tpu.memory_space<vmem>>)
    %dma_start3A_2298 = arith.constant 0 : i32
    %dma_start3A_2299 = tpu.memref_slice %arg3[%multiple_of3A_628, %dma_start3A_2298] : memref<1000000x32xf32, #tpu.memory_space<hbm>> -> memref<256x32xf32, #tpu.memory_space<hbm>>
    %dma_start3A_2300 = arith.constant 0 : i32
    %dma_start3A_2301 = tpu.memref_slice %arg3[%multiple_of3A_628, %dma_start3A_2300] : memref<1000000x32xf32, #tpu.memory_space<hbm>> -> memref<256x32xf32, #tpu.memory_space<hbm>>
    tpu.enqueue_dma source(%arg6 : memref<256x32xf32, #tpu.memory_space<vmem>>) target(%dma_start3A_2301 : memref<256x32xf32, #tpu.memory_space<hbm>>) target_semaphore(%arg12 : memref<!tpu.dma_semaphore, #tpu.memory_space<semaphore_mem>>)
    %dma_wait3A_2302 = arith.constant 0 : i32
    %dma_wait3A_2303 = tpu.memref_slice %arg3[%multiple_of3A_628, %dma_wait3A_2302] : memref<1000000x32xf32, #tpu.memory_space<hbm>> -> memref<256x32xf32, #tpu.memory_space<hbm>>
    %dma_wait3A_2304 = arith.constant 0 : i32
    %dma_wait3A_2305 = tpu.memref_slice %arg3[%multiple_of3A_628, %dma_wait3A_2304] : memref<1000000x32xf32, #tpu.memory_space<hbm>> -> memref<256x32xf32, #tpu.memory_space<hbm>>
    tpu.wait_dma2 semaphore(%arg12 : memref<!tpu.dma_semaphore, #tpu.memory_space<semaphore_mem>>) src(%arg6 : memref<256x32xf32, #tpu.memory_space<vmem>>) dst(%dma_wait3A_2305 : memref<256x32xf32, #tpu.memory_space<hbm>>)
    %dma_start3A_2306 = arith.constant 0 : i32
    %dma_start3A_2307 = tpu.memref_slice %arg2[%multiple_of3A_649, %dma_start3A_2306] : memref<1000000x32xf32, #tpu.memory_space<hbm>> -> memref<256x32xf32, #tpu.memory_space<hbm>>
    %dma_start3A_2308 = arith.constant 0 : i32
    %dma_start3A_2309 = tpu.memref_slice %arg2[%multiple_of3A_649, %dma_start3A_2308] : memref<1000000x32xf32, #tpu.memory_space<hbm>> -> memref<256x32xf32, #tpu.memory_space<hbm>>
    tpu.enqueue_dma source(%dma_start3A_2309 : memref<256x32xf32, #tpu.memory_space<hbm>>) target(%arg6 : memref<256x32xf32, #tpu.memory_space<vmem>>) target_semaphore(%arg9 : memref<!tpu.dma_semaphore, #tpu.memory_space<semaphore_mem>>)
    %dma_wait3A_2310 = arith.constant 0 : i32
    %dma_wait3A_2311 = tpu.memref_slice %arg2[%multiple_of3A_635, %dma_wait3A_2310] : memref<1000000x32xf32, #tpu.memory_space<hbm>> -> memref<256x32xf32, #tpu.memory_space<hbm>>
    %dma_wait3A_2312 = arith.constant 0 : i32
    %dma_wait3A_2313 = tpu.memref_slice %arg2[%multiple_of3A_635, %dma_wait3A_2312] : memref<1000000x32xf32, #tpu.memory_space<hbm>> -> memref<256x32xf32, #tpu.memory_space<hbm>>
    tpu.wait_dma2 semaphore(%arg7 : memref<!tpu.dma_semaphore, #tpu.memory_space<semaphore_mem>>) src(%dma_wait3A_2313 : memref<256x32xf32, #tpu.memory_space<hbm>>) dst(%arg4 : memref<256x32xf32, #tpu.memory_space<vmem>>)
    %dma_start3A_2314 = arith.constant 0 : i32
    %dma_start3A_2315 = tpu.memref_slice %arg3[%multiple_of3A_635, %dma_start3A_2314] : memref<1000000x32xf32, #tpu.memory_space<hbm>> -> memref<256x32xf32, #tpu.memory_space<hbm>>
    %dma_start3A_2316 = arith.constant 0 : i32
    %dma_start3A_2317 = tpu.memref_slice %arg3[%multiple_of3A_635, %dma_start3A_2316] : memref<1000000x32xf32, #tpu.memory_space<hbm>> -> memref<256x32xf32, #tpu.memory_space<hbm>>
    tpu.enqueue_dma source(%arg4 : memref<256x32xf32, #tpu.memory_space<vmem>>) target(%dma_start3A_2317 : memref<256x32xf32, #tpu.memory_space<hbm>>) target_semaphore(%arg10 : memref<!tpu.dma_semaphore, #tpu.memory_space<semaphore_mem>>)
    %dma_wait3A_2318 = arith.constant 0 : i32
    %dma_wait3A_2319 = tpu.memref_slice %arg3[%multiple_of3A_635, %dma_wait3A_2318] : memref<1000000x32xf32, #tpu.memory_space<hbm>> -> memref<256x32xf32, #tpu.memory_space<hbm>>
    %dma_wait3A_2320 = arith.constant 0 : i32
    %dma_wait3A_2321 = tpu.memref_slice %arg3[%multiple_of3A_635, %dma_wait3A_2320] : memref<1000000x32xf32, #tpu.memory_space<hbm>> -> memref<256x32xf32, #tpu.memory_space<hbm>>
    tpu.wait_dma2 semaphore(%arg10 : memref<!tpu.dma_semaphore, #tpu.memory_space<semaphore_mem>>) src(%arg4 : memref<256x32xf32, #tpu.memory_space<vmem>>) dst(%dma_wait3A_2321 : memref<256x32xf32, #tpu.memory_space<hbm>>)
    %dma_start3A_2322 = arith.constant 0 : i32
    %dma_start3A_2323 = tpu.memref_slice %arg2[%multiple_of3A_656, %dma_start3A_2322] : memref<1000000x32xf32, #tpu.memory_space<hbm>> -> memref<256x32xf32, #tpu.memory_space<hbm>>
    %dma_start3A_2324 = arith.constant 0 : i32
    %dma_start3A_2325 = tpu.memref_slice %arg2[%multiple_of3A_656, %dma_start3A_2324] : memref<1000000x32xf32, #tpu.memory_space<hbm>> -> memref<256x32xf32, #tpu.memory_space<hbm>>
    tpu.enqueue_dma source(%dma_start3A_2325 : memref<256x32xf32, #tpu.memory_space<hbm>>) target(%arg4 : memref<256x32xf32, #tpu.memory_space<vmem>>) target_semaphore(%arg7 : memref<!tpu.dma_semaphore, #tpu.memory_space<semaphore_mem>>)
    %dma_wait3A_2326 = arith.constant 0 : i32
    %dma_wait3A_2327 = tpu.memref_slice %arg2[%multiple_of3A_642, %dma_wait3A_2326] : memref<1000000x32xf32, #tpu.memory_space<hbm>> -> memref<256x32xf32, #tpu.memory_space<hbm>>
    %dma_wait3A_2328 = arith.constant 0 : i32
    %dma_wait3A_2329 = tpu.memref_slice %arg2[%multiple_of3A_642, %dma_wait3A_2328] : memref<1000000x32xf32, #tpu.memory_space<hbm>> -> memref<256x32xf32, #tpu.memory_space<hbm>>
    tpu.wait_dma2 semaphore(%arg8 : memref<!tpu.dma_semaphore, #tpu.memory_space<semaphore_mem>>) src(%dma_wait3A_2329 : memref<256x32xf32, #tpu.memory_space<hbm>>) dst(%arg5 : memref<256x32xf32, #tpu.memory_space<vmem>>)
    %dma_start3A_2330 = arith.constant 0 : i32
    %dma_start3A_2331 = tpu.memref_slice %arg3[%multiple_of3A_642, %dma_start3A_2330] : memref<1000000x32xf32, #tpu.memory_space<hbm>> -> memref<256x32xf32, #tpu.memory_space<hbm>>
    %dma_start3A_2332 = arith.constant 0 : i32
    %dma_start3A_2333 = tpu.memref_slice %arg3[%multiple_of3A_642, %dma_start3A_2332] : memref<1000000x32xf32, #tpu.memory_space<hbm>> -> memref<256x32xf32, #tpu.memory_space<hbm>>
    tpu.enqueue_dma source(%arg5 : memref<256x32xf32, #tpu.memory_space<vmem>>) target(%dma_start3A_2333 : memref<256x32xf32, #tpu.memory_space<hbm>>) target_semaphore(%arg11 : memref<!tpu.dma_semaphore, #tpu.memory_space<semaphore_mem>>)
    %dma_wait3A_2334 = arith.constant 0 : i32
    %dma_wait3A_2335 = tpu.memref_slice %arg3[%multiple_of3A_642, %dma_wait3A_2334] : memref<1000000x32xf32, #tpu.memory_space<hbm>> -> memref<256x32xf32, #tpu.memory_space<hbm>>
    %dma_wait3A_2336 = arith.constant 0 : i32
    %dma_wait3A_2337 = tpu.memref_slice %arg3[%multiple_of3A_642, %dma_wait3A_2336] : memref<1000000x32xf32, #tpu.memory_space<hbm>> -> memref<256x32xf32, #tpu.memory_space<hbm>>
    tpu.wait_dma2 semaphore(%arg11 : memref<!tpu.dma_semaphore, #tpu.memory_space<semaphore_mem>>) src(%arg5 : memref<256x32xf32, #tpu.memory_space<vmem>>) dst(%dma_wait3A_2337 : memref<256x32xf32, #tpu.memory_space<hbm>>)
    %dma_start3A_2338 = arith.constant 0 : i32
    %dma_start3A_2339 = tpu.memref_slice %arg2[%multiple_of3A_663, %dma_start3A_2338] : memref<1000000x32xf32, #tpu.memory_space<hbm>> -> memref<256x32xf32, #tpu.memory_space<hbm>>
    %dma_start3A_2340 = arith.constant 0 : i32
    %dma_start3A_2341 = tpu.memref_slice %arg2[%multiple_of3A_663, %dma_start3A_2340] : memref<1000000x32xf32, #tpu.memory_space<hbm>> -> memref<256x32xf32, #tpu.memory_space<hbm>>
    tpu.enqueue_dma source(%dma_start3A_2341 : memref<256x32xf32, #tpu.memory_space<hbm>>) target(%arg5 : memref<256x32xf32, #tpu.memory_space<vmem>>) target_semaphore(%arg8 : memref<!tpu.dma_semaphore, #tpu.memory_space<semaphore_mem>>)
    %dma_wait3A_2342 = arith.constant 0 : i32
    %dma_wait3A_2343 = tpu.memref_slice %arg2[%multiple_of3A_649, %dma_wait3A_2342] : memref<1000000x32xf32, #tpu.memory_space<hbm>> -> memref<256x32xf32, #tpu.memory_space<hbm>>
    %dma_wait3A_2344 = arith.constant 0 : i32
    %dma_wait3A_2345 = tpu.memref_slice %arg2[%multiple_of3A_649, %dma_wait3A_2344] : memref<1000000x32xf32, #tpu.memory_space<hbm>> -> memref<256x32xf32, #tpu.memory_space<hbm>>
    tpu.wait_dma2 semaphore(%arg9 : memref<!tpu.dma_semaphore, #tpu.memory_space<semaphore_mem>>) src(%dma_wait3A_2345 : memref<256x32xf32, #tpu.memory_space<hbm>>) dst(%arg6 : memref<256x32xf32, #tpu.memory_space<vmem>>)
    %dma_start3A_2346 = arith.constant 0 : i32
    %dma_start3A_2347 = tpu.memref_slice %arg3[%multiple_of3A_649, %dma_start3A_2346] : memref<1000000x32xf32, #tpu.memory_space<hbm>> -> memref<256x32xf32, #tpu.memory_space<hbm>>
    %dma_start3A_2348 = arith.constant 0 : i32
    %dma_start3A_2349 = tpu.memref_slice %arg3[%multiple_of3A_649, %dma_start3A_2348] : memref<1000000x32xf32, #tpu.memory_space<hbm>> -> memref<256x32xf32, #tpu.memory_space<hbm>>
    tpu.enqueue_dma source(%arg6 : memref<256x32xf32, #tpu.memory_space<vmem>>) target(%dma_start3A_2349 : memref<256x32xf32, #tpu.memory_space<hbm>>) target_semaphore(%arg12 : memref<!tpu.dma_semaphore, #tpu.memory_space<semaphore_mem>>)
    %dma_wait3A_2350 = arith.constant 0 : i32
    %dma_wait3A_2351 = tpu.memref_slice %arg3[%multiple_of3A_649, %dma_wait3A_2350] : memref<1000000x32xf32, #tpu.memory_space<hbm>> -> memref<256x32xf32, #tpu.memory_space<hbm>>
    %dma_wait3A_2352 = arith.constant 0 : i32
    %dma_wait3A_2353 = tpu.memref_slice %arg3[%multiple_of3A_649, %dma_wait3A_2352] : memref<1000000x32xf32, #tpu.memory_space<hbm>> -> memref<256x32xf32, #tpu.memory_space<hbm>>
    tpu.wait_dma2 semaphore(%arg12 : memref<!tpu.dma_semaphore, #tpu.memory_space<semaphore_mem>>) src(%arg6 : memref<256x32xf32, #tpu.memory_space<vmem>>) dst(%dma_wait3A_2353 : memref<256x32xf32, #tpu.memory_space<hbm>>)
    %dma_start3A_2354 = arith.constant 0 : i32
    %dma_start3A_2355 = tpu.memref_slice %arg2[%multiple_of3A_670, %dma_start3A_2354] : memref<1000000x32xf32, #tpu.memory_space<hbm>> -> memref<256x32xf32, #tpu.memory_space<hbm>>
    %dma_start3A_2356 = arith.constant 0 : i32
    %dma_start3A_2357 = tpu.memref_slice %arg2[%multiple_of3A_670, %dma_start3A_2356] : memref<1000000x32xf32, #tpu.memory_space<hbm>> -> memref<256x32xf32, #tpu.memory_space<hbm>>
    tpu.enqueue_dma source(%dma_start3A_2357 : memref<256x32xf32, #tpu.memory_space<hbm>>) target(%arg6 : memref<256x32xf32, #tpu.memory_space<vmem>>) target_semaphore(%arg9 : memref<!tpu.dma_semaphore, #tpu.memory_space<semaphore_mem>>)
    %dma_wait3A_2358 = arith.constant 0 : i32
    %dma_wait3A_2359 = tpu.memref_slice %arg2[%multiple_of3A_656, %dma_wait3A_2358] : memref<1000000x32xf32, #tpu.memory_space<hbm>> -> memref<256x32xf32, #tpu.memory_space<hbm>>
    %dma_wait3A_2360 = arith.constant 0 : i32
    %dma_wait3A_2361 = tpu.memref_slice %arg2[%multiple_of3A_656, %dma_wait3A_2360] : memref<1000000x32xf32, #tpu.memory_space<hbm>> -> memref<256x32xf32, #tpu.memory_space<hbm>>
    tpu.wait_dma2 semaphore(%arg7 : memref<!tpu.dma_semaphore, #tpu.memory_space<semaphore_mem>>) src(%dma_wait3A_2361 : memref<256x32xf32, #tpu.memory_space<hbm>>) dst(%arg4 : memref<256x32xf32, #tpu.memory_space<vmem>>)
    %dma_start3A_2362 = arith.constant 0 : i32
    %dma_start3A_2363 = tpu.memref_slice %arg3[%multiple_of3A_656, %dma_start3A_2362] : memref<1000000x32xf32, #tpu.memory_space<hbm>> -> memref<256x32xf32, #tpu.memory_space<hbm>>
    %dma_start3A_2364 = arith.constant 0 : i32
    %dma_start3A_2365 = tpu.memref_slice %arg3[%multiple_of3A_656, %dma_start3A_2364] : memref<1000000x32xf32, #tpu.memory_space<hbm>> -> memref<256x32xf32, #tpu.memory_space<hbm>>
    tpu.enqueue_dma source(%arg4 : memref<256x32xf32, #tpu.memory_space<vmem>>) target(%dma_start3A_2365 : memref<256x32xf32, #tpu.memory_space<hbm>>) target_semaphore(%arg10 : memref<!tpu.dma_semaphore, #tpu.memory_space<semaphore_mem>>)
    %dma_wait3A_2366 = arith.constant 0 : i32
    %dma_wait3A_2367 = tpu.memref_slice %arg3[%multiple_of3A_656, %dma_wait3A_2366] : memref<1000000x32xf32, #tpu.memory_space<hbm>> -> memref<256x32xf32, #tpu.memory_space<hbm>>
    %dma_wait3A_2368 = arith.constant 0 : i32
    %dma_wait3A_2369 = tpu.memref_slice %arg3[%multiple_of3A_656, %dma_wait3A_2368] : memref<1000000x32xf32, #tpu.memory_space<hbm>> -> memref<256x32xf32, #tpu.memory_space<hbm>>
    tpu.wait_dma2 semaphore(%arg10 : memref<!tpu.dma_semaphore, #tpu.memory_space<semaphore_mem>>) src(%arg4 : memref<256x32xf32, #tpu.memory_space<vmem>>) dst(%dma_wait3A_2369 : memref<256x32xf32, #tpu.memory_space<hbm>>)
    %dma_start3A_2370 = arith.constant 0 : i32
    %dma_start3A_2371 = tpu.memref_slice %arg2[%multiple_of3A_677, %dma_start3A_2370] : memref<1000000x32xf32, #tpu.memory_space<hbm>> -> memref<256x32xf32, #tpu.memory_space<hbm>>
    %dma_start3A_2372 = arith.constant 0 : i32
    %dma_start3A_2373 = tpu.memref_slice %arg2[%multiple_of3A_677, %dma_start3A_2372] : memref<1000000x32xf32, #tpu.memory_space<hbm>> -> memref<256x32xf32, #tpu.memory_space<hbm>>
    tpu.enqueue_dma source(%dma_start3A_2373 : memref<256x32xf32, #tpu.memory_space<hbm>>) target(%arg4 : memref<256x32xf32, #tpu.memory_space<vmem>>) target_semaphore(%arg7 : memref<!tpu.dma_semaphore, #tpu.memory_space<semaphore_mem>>)
    %dma_wait3A_2374 = arith.constant 0 : i32
    %dma_wait3A_2375 = tpu.memref_slice %arg2[%multiple_of3A_663, %dma_wait3A_2374] : memref<1000000x32xf32, #tpu.memory_space<hbm>> -> memref<256x32xf32, #tpu.memory_space<hbm>>
    %dma_wait3A_2376 = arith.constant 0 : i32
    %dma_wait3A_2377 = tpu.memref_slice %arg2[%multiple_of3A_663, %dma_wait3A_2376] : memref<1000000x32xf32, #tpu.memory_space<hbm>> -> memref<256x32xf32, #tpu.memory_space<hbm>>
    tpu.wait_dma2 semaphore(%arg8 : memref<!tpu.dma_semaphore, #tpu.memory_space<semaphore_mem>>) src(%dma_wait3A_2377 : memref<256x32xf32, #tpu.memory_space<hbm>>) dst(%arg5 : memref<256x32xf32, #tpu.memory_space<vmem>>)
    %dma_start3A_2378 = arith.constant 0 : i32
    %dma_start3A_2379 = tpu.memref_slice %arg3[%multiple_of3A_663, %dma_start3A_2378] : memref<1000000x32xf32, #tpu.memory_space<hbm>> -> memref<256x32xf32, #tpu.memory_space<hbm>>
    %dma_start3A_2380 = arith.constant 0 : i32
    %dma_start3A_2381 = tpu.memref_slice %arg3[%multiple_of3A_663, %dma_start3A_2380] : memref<1000000x32xf32, #tpu.memory_space<hbm>> -> memref<256x32xf32, #tpu.memory_space<hbm>>
    tpu.enqueue_dma source(%arg5 : memref<256x32xf32, #tpu.memory_space<vmem>>) target(%dma_start3A_2381 : memref<256x32xf32, #tpu.memory_space<hbm>>) target_semaphore(%arg11 : memref<!tpu.dma_semaphore, #tpu.memory_space<semaphore_mem>>)
    %dma_wait3A_2382 = arith.constant 0 : i32
    %dma_wait3A_2383 = tpu.memref_slice %arg3[%multiple_of3A_663, %dma_wait3A_2382] : memref<1000000x32xf32, #tpu.memory_space<hbm>> -> memref<256x32xf32, #tpu.memory_space<hbm>>
    %dma_wait3A_2384 = arith.constant 0 : i32
    %dma_wait3A_2385 = tpu.memref_slice %arg3[%multiple_of3A_663, %dma_wait3A_2384] : memref<1000000x32xf32, #tpu.memory_space<hbm>> -> memref<256x32xf32, #tpu.memory_space<hbm>>
    tpu.wait_dma2 semaphore(%arg11 : memref<!tpu.dma_semaphore, #tpu.memory_space<semaphore_mem>>) src(%arg5 : memref<256x32xf32, #tpu.memory_space<vmem>>) dst(%dma_wait3A_2385 : memref<256x32xf32, #tpu.memory_space<hbm>>)
    %dma_start3A_2386 = arith.constant 0 : i32
    %dma_start3A_2387 = tpu.memref_slice %arg2[%multiple_of3A_684, %dma_start3A_2386] : memref<1000000x32xf32, #tpu.memory_space<hbm>> -> memref<256x32xf32, #tpu.memory_space<hbm>>
    %dma_start3A_2388 = arith.constant 0 : i32
    %dma_start3A_2389 = tpu.memref_slice %arg2[%multiple_of3A_684, %dma_start3A_2388] : memref<1000000x32xf32, #tpu.memory_space<hbm>> -> memref<256x32xf32, #tpu.memory_space<hbm>>
    tpu.enqueue_dma source(%dma_start3A_2389 : memref<256x32xf32, #tpu.memory_space<hbm>>) target(%arg5 : memref<256x32xf32, #tpu.memory_space<vmem>>) target_semaphore(%arg8 : memref<!tpu.dma_semaphore, #tpu.memory_space<semaphore_mem>>)
    %dma_wait3A_2390 = arith.constant 0 : i32
    %dma_wait3A_2391 = tpu.memref_slice %arg2[%multiple_of3A_670, %dma_wait3A_2390] : memref<1000000x32xf32, #tpu.memory_space<hbm>> -> memref<256x32xf32, #tpu.memory_space<hbm>>
    %dma_wait3A_2392 = arith.constant 0 : i32
    %dma_wait3A_2393 = tpu.memref_slice %arg2[%multiple_of3A_670, %dma_wait3A_2392] : memref<1000000x32xf32, #tpu.memory_space<hbm>> -> memref<256x32xf32, #tpu.memory_space<hbm>>
    tpu.wait_dma2 semaphore(%arg9 : memref<!tpu.dma_semaphore, #tpu.memory_space<semaphore_mem>>) src(%dma_wait3A_2393 : memref<256x32xf32, #tpu.memory_space<hbm>>) dst(%arg6 : memref<256x32xf32, #tpu.memory_space<vmem>>)
    %dma_start3A_2394 = arith.constant 0 : i32
    %dma_start3A_2395 = tpu.memref_slice %arg3[%multiple_of3A_670, %dma_start3A_2394] : memref<1000000x32xf32, #tpu.memory_space<hbm>> -> memref<256x32xf32, #tpu.memory_space<hbm>>
    %dma_start3A_2396 = arith.constant 0 : i32
    %dma_start3A_2397 = tpu.memref_slice %arg3[%multiple_of3A_670, %dma_start3A_2396] : memref<1000000x32xf32, #tpu.memory_space<hbm>> -> memref<256x32xf32, #tpu.memory_space<hbm>>
    tpu.enqueue_dma source(%arg6 : memref<256x32xf32, #tpu.memory_space<vmem>>) target(%dma_start3A_2397 : memref<256x32xf32, #tpu.memory_space<hbm>>) target_semaphore(%arg12 : memref<!tpu.dma_semaphore, #tpu.memory_space<semaphore_mem>>)
    %dma_wait3A_2398 = arith.constant 0 : i32
    %dma_wait3A_2399 = tpu.memref_slice %arg3[%multiple_of3A_670, %dma_wait3A_2398] : memref<1000000x32xf32, #tpu.memory_space<hbm>> -> memref<256x32xf32, #tpu.memory_space<hbm>>
    %dma_wait3A_2400 = arith.constant 0 : i32
    %dma_wait3A_2401 = tpu.memref_slice %arg3[%multiple_of3A_670, %dma_wait3A_2400] : memref<1000000x32xf32, #tpu.memory_space<hbm>> -> memref<256x32xf32, #tpu.memory_space<hbm>>
    tpu.wait_dma2 semaphore(%arg12 : memref<!tpu.dma_semaphore, #tpu.memory_space<semaphore_mem>>) src(%arg6 : memref<256x32xf32, #tpu.memory_space<vmem>>) dst(%dma_wait3A_2401 : memref<256x32xf32, #tpu.memory_space<hbm>>)
    %dma_start3A_2402 = arith.constant 0 : i32
    %dma_start3A_2403 = tpu.memref_slice %arg2[%multiple_of3A_691, %dma_start3A_2402] : memref<1000000x32xf32, #tpu.memory_space<hbm>> -> memref<256x32xf32, #tpu.memory_space<hbm>>
    %dma_start3A_2404 = arith.constant 0 : i32
    %dma_start3A_2405 = tpu.memref_slice %arg2[%multiple_of3A_691, %dma_start3A_2404] : memref<1000000x32xf32, #tpu.memory_space<hbm>> -> memref<256x32xf32, #tpu.memory_space<hbm>>
    tpu.enqueue_dma source(%dma_start3A_2405 : memref<256x32xf32, #tpu.memory_space<hbm>>) target(%arg6 : memref<256x32xf32, #tpu.memory_space<vmem>>) target_semaphore(%arg9 : memref<!tpu.dma_semaphore, #tpu.memory_space<semaphore_mem>>)
    %dma_wait3A_2406 = arith.constant 0 : i32
    %dma_wait3A_2407 = tpu.memref_slice %arg2[%multiple_of3A_677, %dma_wait3A_2406] : memref<1000000x32xf32, #tpu.memory_space<hbm>> -> memref<256x32xf32, #tpu.memory_space<hbm>>
    %dma_wait3A_2408 = arith.constant 0 : i32
    %dma_wait3A_2409 = tpu.memref_slice %arg2[%multiple_of3A_677, %dma_wait3A_2408] : memref<1000000x32xf32, #tpu.memory_space<hbm>> -> memref<256x32xf32, #tpu.memory_space<hbm>>
    tpu.wait_dma2 semaphore(%arg7 : memref<!tpu.dma_semaphore, #tpu.memory_space<semaphore_mem>>) src(%dma_wait3A_2409 : memref<256x32xf32, #tpu.memory_space<hbm>>) dst(%arg4 : memref<256x32xf32, #tpu.memory_space<vmem>>)
    %dma_start3A_2410 = arith.constant 0 : i32
    %dma_start3A_2411 = tpu.memref_slice %arg3[%multiple_of3A_677, %dma_start3A_2410] : memref<1000000x32xf32, #tpu.memory_space<hbm>> -> memref<256x32xf32, #tpu.memory_space<hbm>>
    %dma_start3A_2412 = arith.constant 0 : i32
    %dma_start3A_2413 = tpu.memref_slice %arg3[%multiple_of3A_677, %dma_start3A_2412] : memref<1000000x32xf32, #tpu.memory_space<hbm>> -> memref<256x32xf32, #tpu.memory_space<hbm>>
    tpu.enqueue_dma source(%arg4 : memref<256x32xf32, #tpu.memory_space<vmem>>) target(%dma_start3A_2413 : memref<256x32xf32, #tpu.memory_space<hbm>>) target_semaphore(%arg10 : memref<!tpu.dma_semaphore, #tpu.memory_space<semaphore_mem>>)
    %dma_wait3A_2414 = arith.constant 0 : i32
    %dma_wait3A_2415 = tpu.memref_slice %arg3[%multiple_of3A_677, %dma_wait3A_2414] : memref<1000000x32xf32, #tpu.memory_space<hbm>> -> memref<256x32xf32, #tpu.memory_space<hbm>>
    %dma_wait3A_2416 = arith.constant 0 : i32
    %dma_wait3A_2417 = tpu.memref_slice %arg3[%multiple_of3A_677, %dma_wait3A_2416] : memref<1000000x32xf32, #tpu.memory_space<hbm>> -> memref<256x32xf32, #tpu.memory_space<hbm>>
    tpu.wait_dma2 semaphore(%arg10 : memref<!tpu.dma_semaphore, #tpu.memory_space<semaphore_mem>>) src(%arg4 : memref<256x32xf32, #tpu.memory_space<vmem>>) dst(%dma_wait3A_2417 : memref<256x32xf32, #tpu.memory_space<hbm>>)
    %dma_start3A_2418 = arith.constant 0 : i32
    %dma_start3A_2419 = tpu.memref_slice %arg2[%multiple_of3A_698, %dma_start3A_2418] : memref<1000000x32xf32, #tpu.memory_space<hbm>> -> memref<256x32xf32, #tpu.memory_space<hbm>>
    %dma_start3A_2420 = arith.constant 0 : i32
    %dma_start3A_2421 = tpu.memref_slice %arg2[%multiple_of3A_698, %dma_start3A_2420] : memref<1000000x32xf32, #tpu.memory_space<hbm>> -> memref<256x32xf32, #tpu.memory_space<hbm>>
    tpu.enqueue_dma source(%dma_start3A_2421 : memref<256x32xf32, #tpu.memory_space<hbm>>) target(%arg4 : memref<256x32xf32, #tpu.memory_space<vmem>>) target_semaphore(%arg7 : memref<!tpu.dma_semaphore, #tpu.memory_space<semaphore_mem>>)
    %dma_wait3A_2422 = arith.constant 0 : i32
    %dma_wait3A_2423 = tpu.memref_slice %arg2[%multiple_of3A_684, %dma_wait3A_2422] : memref<1000000x32xf32, #tpu.memory_space<hbm>> -> memref<256x32xf32, #tpu.memory_space<hbm>>
    %dma_wait3A_2424 = arith.constant 0 : i32
    %dma_wait3A_2425 = tpu.memref_slice %arg2[%multiple_of3A_684, %dma_wait3A_2424] : memref<1000000x32xf32, #tpu.memory_space<hbm>> -> memref<256x32xf32, #tpu.memory_space<hbm>>
    tpu.wait_dma2 semaphore(%arg8 : memref<!tpu.dma_semaphore, #tpu.memory_space<semaphore_mem>>) src(%dma_wait3A_2425 : memref<256x32xf32, #tpu.memory_space<hbm>>) dst(%arg5 : memref<256x32xf32, #tpu.memory_space<vmem>>)
    %dma_start3A_2426 = arith.constant 0 : i32
    %dma_start3A_2427 = tpu.memref_slice %arg3[%multiple_of3A_684, %dma_start3A_2426] : memref<1000000x32xf32, #tpu.memory_space<hbm>> -> memref<256x32xf32, #tpu.memory_space<hbm>>
    %dma_start3A_2428 = arith.constant 0 : i32
    %dma_start3A_2429 = tpu.memref_slice %arg3[%multiple_of3A_684, %dma_start3A_2428] : memref<1000000x32xf32, #tpu.memory_space<hbm>> -> memref<256x32xf32, #tpu.memory_space<hbm>>
    tpu.enqueue_dma source(%arg5 : memref<256x32xf32, #tpu.memory_space<vmem>>) target(%dma_start3A_2429 : memref<256x32xf32, #tpu.memory_space<hbm>>) target_semaphore(%arg11 : memref<!tpu.dma_semaphore, #tpu.memory_space<semaphore_mem>>)
    %dma_wait3A_2430 = arith.constant 0 : i32
    %dma_wait3A_2431 = tpu.memref_slice %arg3[%multiple_of3A_684, %dma_wait3A_2430] : memref<1000000x32xf32, #tpu.memory_space<hbm>> -> memref<256x32xf32, #tpu.memory_space<hbm>>
    %dma_wait3A_2432 = arith.constant 0 : i32
    %dma_wait3A_2433 = tpu.memref_slice %arg3[%multiple_of3A_684, %dma_wait3A_2432] : memref<1000000x32xf32, #tpu.memory_space<hbm>> -> memref<256x32xf32, #tpu.memory_space<hbm>>
    tpu.wait_dma2 semaphore(%arg11 : memref<!tpu.dma_semaphore, #tpu.memory_space<semaphore_mem>>) src(%arg5 : memref<256x32xf32, #tpu.memory_space<vmem>>) dst(%dma_wait3A_2433 : memref<256x32xf32, #tpu.memory_space<hbm>>)
    %dma_start3A_2434 = arith.constant 0 : i32
    %dma_start3A_2435 = tpu.memref_slice %arg2[%multiple_of3A_705, %dma_start3A_2434] : memref<1000000x32xf32, #tpu.memory_space<hbm>> -> memref<256x32xf32, #tpu.memory_space<hbm>>
    %dma_start3A_2436 = arith.constant 0 : i32
    %dma_start3A_2437 = tpu.memref_slice %arg2[%multiple_of3A_705, %dma_start3A_2436] : memref<1000000x32xf32, #tpu.memory_space<hbm>> -> memref<256x32xf32, #tpu.memory_space<hbm>>
    tpu.enqueue_dma source(%dma_start3A_2437 : memref<256x32xf32, #tpu.memory_space<hbm>>) target(%arg5 : memref<256x32xf32, #tpu.memory_space<vmem>>) target_semaphore(%arg8 : memref<!tpu.dma_semaphore, #tpu.memory_space<semaphore_mem>>)
    %dma_wait3A_2438 = arith.constant 0 : i32
    %dma_wait3A_2439 = tpu.memref_slice %arg2[%multiple_of3A_691, %dma_wait3A_2438] : memref<1000000x32xf32, #tpu.memory_space<hbm>> -> memref<256x32xf32, #tpu.memory_space<hbm>>
    %dma_wait3A_2440 = arith.constant 0 : i32
    %dma_wait3A_2441 = tpu.memref_slice %arg2[%multiple_of3A_691, %dma_wait3A_2440] : memref<1000000x32xf32, #tpu.memory_space<hbm>> -> memref<256x32xf32, #tpu.memory_space<hbm>>
    tpu.wait_dma2 semaphore(%arg9 : memref<!tpu.dma_semaphore, #tpu.memory_space<semaphore_mem>>) src(%dma_wait3A_2441 : memref<256x32xf32, #tpu.memory_space<hbm>>) dst(%arg6 : memref<256x32xf32, #tpu.memory_space<vmem>>)
    %dma_start3A_2442 = arith.constant 0 : i32
    %dma_start3A_2443 = tpu.memref_slice %arg3[%multiple_of3A_691, %dma_start3A_2442] : memref<1000000x32xf32, #tpu.memory_space<hbm>> -> memref<256x32xf32, #tpu.memory_space<hbm>>
    %dma_start3A_2444 = arith.constant 0 : i32
    %dma_start3A_2445 = tpu.memref_slice %arg3[%multiple_of3A_691, %dma_start3A_2444] : memref<1000000x32xf32, #tpu.memory_space<hbm>> -> memref<256x32xf32, #tpu.memory_space<hbm>>
    tpu.enqueue_dma source(%arg6 : memref<256x32xf32, #tpu.memory_space<vmem>>) target(%dma_start3A_2445 : memref<256x32xf32, #tpu.memory_space<hbm>>) target_semaphore(%arg12 : memref<!tpu.dma_semaphore, #tpu.memory_space<semaphore_mem>>)
    %dma_wait3A_2446 = arith.constant 0 : i32
    %dma_wait3A_2447 = tpu.memref_slice %arg3[%multiple_of3A_691, %dma_wait3A_2446] : memref<1000000x32xf32, #tpu.memory_space<hbm>> -> memref<256x32xf32, #tpu.memory_space<hbm>>
    %dma_wait3A_2448 = arith.constant 0 : i32
    %dma_wait3A_2449 = tpu.memref_slice %arg3[%multiple_of3A_691, %dma_wait3A_2448] : memref<1000000x32xf32, #tpu.memory_space<hbm>> -> memref<256x32xf32, #tpu.memory_space<hbm>>
    tpu.wait_dma2 semaphore(%arg12 : memref<!tpu.dma_semaphore, #tpu.memory_space<semaphore_mem>>) src(%arg6 : memref<256x32xf32, #tpu.memory_space<vmem>>) dst(%dma_wait3A_2449 : memref<256x32xf32, #tpu.memory_space<hbm>>)
    %dma_start3A_2450 = arith.constant 0 : i32
    %dma_start3A_2451 = tpu.memref_slice %arg2[%multiple_of3A_712, %dma_start3A_2450] : memref<1000000x32xf32, #tpu.memory_space<hbm>> -> memref<256x32xf32, #tpu.memory_space<hbm>>
    %dma_start3A_2452 = arith.constant 0 : i32
    %dma_start3A_2453 = tpu.memref_slice %arg2[%multiple_of3A_712, %dma_start3A_2452] : memref<1000000x32xf32, #tpu.memory_space<hbm>> -> memref<256x32xf32, #tpu.memory_space<hbm>>
    tpu.enqueue_dma source(%dma_start3A_2453 : memref<256x32xf32, #tpu.memory_space<hbm>>) target(%arg6 : memref<256x32xf32, #tpu.memory_space<vmem>>) target_semaphore(%arg9 : memref<!tpu.dma_semaphore, #tpu.memory_space<semaphore_mem>>)
    %dma_wait3A_2454 = arith.constant 0 : i32
    %dma_wait3A_2455 = tpu.memref_slice %arg2[%multiple_of3A_698, %dma_wait3A_2454] : memref<1000000x32xf32, #tpu.memory_space<hbm>> -> memref<256x32xf32, #tpu.memory_space<hbm>>
    %dma_wait3A_2456 = arith.constant 0 : i32
    %dma_wait3A_2457 = tpu.memref_slice %arg2[%multiple_of3A_698, %dma_wait3A_2456] : memref<1000000x32xf32, #tpu.memory_space<hbm>> -> memref<256x32xf32, #tpu.memory_space<hbm>>
    tpu.wait_dma2 semaphore(%arg7 : memref<!tpu.dma_semaphore, #tpu.memory_space<semaphore_mem>>) src(%dma_wait3A_2457 : memref<256x32xf32, #tpu.memory_space<hbm>>) dst(%arg4 : memref<256x32xf32, #tpu.memory_space<vmem>>)
    %dma_start3A_2458 = arith.constant 0 : i32
    %dma_start3A_2459 = tpu.memref_slice %arg3[%multiple_of3A_698, %dma_start3A_2458] : memref<1000000x32xf32, #tpu.memory_space<hbm>> -> memref<256x32xf32, #tpu.memory_space<hbm>>
    %dma_start3A_2460 = arith.constant 0 : i32
    %dma_start3A_2461 = tpu.memref_slice %arg3[%multiple_of3A_698, %dma_start3A_2460] : memref<1000000x32xf32, #tpu.memory_space<hbm>> -> memref<256x32xf32, #tpu.memory_space<hbm>>
    tpu.enqueue_dma source(%arg4 : memref<256x32xf32, #tpu.memory_space<vmem>>) target(%dma_start3A_2461 : memref<256x32xf32, #tpu.memory_space<hbm>>) target_semaphore(%arg10 : memref<!tpu.dma_semaphore, #tpu.memory_space<semaphore_mem>>)
    %dma_wait3A_2462 = arith.constant 0 : i32
    %dma_wait3A_2463 = tpu.memref_slice %arg3[%multiple_of3A_698, %dma_wait3A_2462] : memref<1000000x32xf32, #tpu.memory_space<hbm>> -> memref<256x32xf32, #tpu.memory_space<hbm>>
    %dma_wait3A_2464 = arith.constant 0 : i32
    %dma_wait3A_2465 = tpu.memref_slice %arg3[%multiple_of3A_698, %dma_wait3A_2464] : memref<1000000x32xf32, #tpu.memory_space<hbm>> -> memref<256x32xf32, #tpu.memory_space<hbm>>
    tpu.wait_dma2 semaphore(%arg10 : memref<!tpu.dma_semaphore, #tpu.memory_space<semaphore_mem>>) src(%arg4 : memref<256x32xf32, #tpu.memory_space<vmem>>) dst(%dma_wait3A_2465 : memref<256x32xf32, #tpu.memory_space<hbm>>)
    %dma_start3A_2466 = arith.constant 0 : i32
    %dma_start3A_2467 = tpu.memref_slice %arg2[%multiple_of3A_719, %dma_start3A_2466] : memref<1000000x32xf32, #tpu.memory_space<hbm>> -> memref<256x32xf32, #tpu.memory_space<hbm>>
    %dma_start3A_2468 = arith.constant 0 : i32
    %dma_start3A_2469 = tpu.memref_slice %arg2[%multiple_of3A_719, %dma_start3A_2468] : memref<1000000x32xf32, #tpu.memory_space<hbm>> -> memref<256x32xf32, #tpu.memory_space<hbm>>
    tpu.enqueue_dma source(%dma_start3A_2469 : memref<256x32xf32, #tpu.memory_space<hbm>>) target(%arg4 : memref<256x32xf32, #tpu.memory_space<vmem>>) target_semaphore(%arg7 : memref<!tpu.dma_semaphore, #tpu.memory_space<semaphore_mem>>)
    %dma_wait3A_2470 = arith.constant 0 : i32
    %dma_wait3A_2471 = tpu.memref_slice %arg2[%multiple_of3A_705, %dma_wait3A_2470] : memref<1000000x32xf32, #tpu.memory_space<hbm>> -> memref<256x32xf32, #tpu.memory_space<hbm>>
    %dma_wait3A_2472 = arith.constant 0 : i32
    %dma_wait3A_2473 = tpu.memref_slice %arg2[%multiple_of3A_705, %dma_wait3A_2472] : memref<1000000x32xf32, #tpu.memory_space<hbm>> -> memref<256x32xf32, #tpu.memory_space<hbm>>
    tpu.wait_dma2 semaphore(%arg8 : memref<!tpu.dma_semaphore, #tpu.memory_space<semaphore_mem>>) src(%dma_wait3A_2473 : memref<256x32xf32, #tpu.memory_space<hbm>>) dst(%arg5 : memref<256x32xf32, #tpu.memory_space<vmem>>)
    %dma_start3A_2474 = arith.constant 0 : i32
    %dma_start3A_2475 = tpu.memref_slice %arg3[%multiple_of3A_705, %dma_start3A_2474] : memref<1000000x32xf32, #tpu.memory_space<hbm>> -> memref<256x32xf32, #tpu.memory_space<hbm>>
    %dma_start3A_2476 = arith.constant 0 : i32
    %dma_start3A_2477 = tpu.memref_slice %arg3[%multiple_of3A_705, %dma_start3A_2476] : memref<1000000x32xf32, #tpu.memory_space<hbm>> -> memref<256x32xf32, #tpu.memory_space<hbm>>
    tpu.enqueue_dma source(%arg5 : memref<256x32xf32, #tpu.memory_space<vmem>>) target(%dma_start3A_2477 : memref<256x32xf32, #tpu.memory_space<hbm>>) target_semaphore(%arg11 : memref<!tpu.dma_semaphore, #tpu.memory_space<semaphore_mem>>)
    %dma_wait3A_2478 = arith.constant 0 : i32
    %dma_wait3A_2479 = tpu.memref_slice %arg3[%multiple_of3A_705, %dma_wait3A_2478] : memref<1000000x32xf32, #tpu.memory_space<hbm>> -> memref<256x32xf32, #tpu.memory_space<hbm>>
    %dma_wait3A_2480 = arith.constant 0 : i32
    %dma_wait3A_2481 = tpu.memref_slice %arg3[%multiple_of3A_705, %dma_wait3A_2480] : memref<1000000x32xf32, #tpu.memory_space<hbm>> -> memref<256x32xf32, #tpu.memory_space<hbm>>
    tpu.wait_dma2 semaphore(%arg11 : memref<!tpu.dma_semaphore, #tpu.memory_space<semaphore_mem>>) src(%arg5 : memref<256x32xf32, #tpu.memory_space<vmem>>) dst(%dma_wait3A_2481 : memref<256x32xf32, #tpu.memory_space<hbm>>)
    %dma_start3A_2482 = arith.constant 0 : i32
    %dma_start3A_2483 = tpu.memref_slice %arg2[%multiple_of3A_726, %dma_start3A_2482] : memref<1000000x32xf32, #tpu.memory_space<hbm>> -> memref<256x32xf32, #tpu.memory_space<hbm>>
    %dma_start3A_2484 = arith.constant 0 : i32
    %dma_start3A_2485 = tpu.memref_slice %arg2[%multiple_of3A_726, %dma_start3A_2484] : memref<1000000x32xf32, #tpu.memory_space<hbm>> -> memref<256x32xf32, #tpu.memory_space<hbm>>
    tpu.enqueue_dma source(%dma_start3A_2485 : memref<256x32xf32, #tpu.memory_space<hbm>>) target(%arg5 : memref<256x32xf32, #tpu.memory_space<vmem>>) target_semaphore(%arg8 : memref<!tpu.dma_semaphore, #tpu.memory_space<semaphore_mem>>)
    %dma_wait3A_2486 = arith.constant 0 : i32
    %dma_wait3A_2487 = tpu.memref_slice %arg2[%multiple_of3A_712, %dma_wait3A_2486] : memref<1000000x32xf32, #tpu.memory_space<hbm>> -> memref<256x32xf32, #tpu.memory_space<hbm>>
    %dma_wait3A_2488 = arith.constant 0 : i32
    %dma_wait3A_2489 = tpu.memref_slice %arg2[%multiple_of3A_712, %dma_wait3A_2488] : memref<1000000x32xf32, #tpu.memory_space<hbm>> -> memref<256x32xf32, #tpu.memory_space<hbm>>
    tpu.wait_dma2 semaphore(%arg9 : memref<!tpu.dma_semaphore, #tpu.memory_space<semaphore_mem>>) src(%dma_wait3A_2489 : memref<256x32xf32, #tpu.memory_space<hbm>>) dst(%arg6 : memref<256x32xf32, #tpu.memory_space<vmem>>)
    %dma_start3A_2490 = arith.constant 0 : i32
    %dma_start3A_2491 = tpu.memref_slice %arg3[%multiple_of3A_712, %dma_start3A_2490] : memref<1000000x32xf32, #tpu.memory_space<hbm>> -> memref<256x32xf32, #tpu.memory_space<hbm>>
    %dma_start3A_2492 = arith.constant 0 : i32
    %dma_start3A_2493 = tpu.memref_slice %arg3[%multiple_of3A_712, %dma_start3A_2492] : memref<1000000x32xf32, #tpu.memory_space<hbm>> -> memref<256x32xf32, #tpu.memory_space<hbm>>
    tpu.enqueue_dma source(%arg6 : memref<256x32xf32, #tpu.memory_space<vmem>>) target(%dma_start3A_2493 : memref<256x32xf32, #tpu.memory_space<hbm>>) target_semaphore(%arg12 : memref<!tpu.dma_semaphore, #tpu.memory_space<semaphore_mem>>)
    %dma_wait3A_2494 = arith.constant 0 : i32
    %dma_wait3A_2495 = tpu.memref_slice %arg3[%multiple_of3A_712, %dma_wait3A_2494] : memref<1000000x32xf32, #tpu.memory_space<hbm>> -> memref<256x32xf32, #tpu.memory_space<hbm>>
    %dma_wait3A_2496 = arith.constant 0 : i32
    %dma_wait3A_2497 = tpu.memref_slice %arg3[%multiple_of3A_712, %dma_wait3A_2496] : memref<1000000x32xf32, #tpu.memory_space<hbm>> -> memref<256x32xf32, #tpu.memory_space<hbm>>
    tpu.wait_dma2 semaphore(%arg12 : memref<!tpu.dma_semaphore, #tpu.memory_space<semaphore_mem>>) src(%arg6 : memref<256x32xf32, #tpu.memory_space<vmem>>) dst(%dma_wait3A_2497 : memref<256x32xf32, #tpu.memory_space<hbm>>)
    %dma_start3A_2498 = arith.constant 0 : i32
    %dma_start3A_2499 = tpu.memref_slice %arg2[%multiple_of3A_733, %dma_start3A_2498] : memref<1000000x32xf32, #tpu.memory_space<hbm>> -> memref<256x32xf32, #tpu.memory_space<hbm>>
    %dma_start3A_2500 = arith.constant 0 : i32
    %dma_start3A_2501 = tpu.memref_slice %arg2[%multiple_of3A_733, %dma_start3A_2500] : memref<1000000x32xf32, #tpu.memory_space<hbm>> -> memref<256x32xf32, #tpu.memory_space<hbm>>
    tpu.enqueue_dma source(%dma_start3A_2501 : memref<256x32xf32, #tpu.memory_space<hbm>>) target(%arg6 : memref<256x32xf32, #tpu.memory_space<vmem>>) target_semaphore(%arg9 : memref<!tpu.dma_semaphore, #tpu.memory_space<semaphore_mem>>)
    %dma_wait3A_2502 = arith.constant 0 : i32
    %dma_wait3A_2503 = tpu.memref_slice %arg2[%multiple_of3A_719, %dma_wait3A_2502] : memref<1000000x32xf32, #tpu.memory_space<hbm>> -> memref<256x32xf32, #tpu.memory_space<hbm>>
    %dma_wait3A_2504 = arith.constant 0 : i32
    %dma_wait3A_2505 = tpu.memref_slice %arg2[%multiple_of3A_719, %dma_wait3A_2504] : memref<1000000x32xf32, #tpu.memory_space<hbm>> -> memref<256x32xf32, #tpu.memory_space<hbm>>
    tpu.wait_dma2 semaphore(%arg7 : memref<!tpu.dma_semaphore, #tpu.memory_space<semaphore_mem>>) src(%dma_wait3A_2505 : memref<256x32xf32, #tpu.memory_space<hbm>>) dst(%arg4 : memref<256x32xf32, #tpu.memory_space<vmem>>)
    %dma_start3A_2506 = arith.constant 0 : i32
    %dma_start3A_2507 = tpu.memref_slice %arg3[%multiple_of3A_719, %dma_start3A_2506] : memref<1000000x32xf32, #tpu.memory_space<hbm>> -> memref<256x32xf32, #tpu.memory_space<hbm>>
    %dma_start3A_2508 = arith.constant 0 : i32
    %dma_start3A_2509 = tpu.memref_slice %arg3[%multiple_of3A_719, %dma_start3A_2508] : memref<1000000x32xf32, #tpu.memory_space<hbm>> -> memref<256x32xf32, #tpu.memory_space<hbm>>
    tpu.enqueue_dma source(%arg4 : memref<256x32xf32, #tpu.memory_space<vmem>>) target(%dma_start3A_2509 : memref<256x32xf32, #tpu.memory_space<hbm>>) target_semaphore(%arg10 : memref<!tpu.dma_semaphore, #tpu.memory_space<semaphore_mem>>)
    %dma_wait3A_2510 = arith.constant 0 : i32
    %dma_wait3A_2511 = tpu.memref_slice %arg3[%multiple_of3A_719, %dma_wait3A_2510] : memref<1000000x32xf32, #tpu.memory_space<hbm>> -> memref<256x32xf32, #tpu.memory_space<hbm>>
    %dma_wait3A_2512 = arith.constant 0 : i32
    %dma_wait3A_2513 = tpu.memref_slice %arg3[%multiple_of3A_719, %dma_wait3A_2512] : memref<1000000x32xf32, #tpu.memory_space<hbm>> -> memref<256x32xf32, #tpu.memory_space<hbm>>
    tpu.wait_dma2 semaphore(%arg10 : memref<!tpu.dma_semaphore, #tpu.memory_space<semaphore_mem>>) src(%arg4 : memref<256x32xf32, #tpu.memory_space<vmem>>) dst(%dma_wait3A_2513 : memref<256x32xf32, #tpu.memory_space<hbm>>)
    %dma_start3A_2514 = arith.constant 0 : i32
    %dma_start3A_2515 = tpu.memref_slice %arg2[%multiple_of3A_740, %dma_start3A_2514] : memref<1000000x32xf32, #tpu.memory_space<hbm>> -> memref<256x32xf32, #tpu.memory_space<hbm>>
    %dma_start3A_2516 = arith.constant 0 : i32
    %dma_start3A_2517 = tpu.memref_slice %arg2[%multiple_of3A_740, %dma_start3A_2516] : memref<1000000x32xf32, #tpu.memory_space<hbm>> -> memref<256x32xf32, #tpu.memory_space<hbm>>
    tpu.enqueue_dma source(%dma_start3A_2517 : memref<256x32xf32, #tpu.memory_space<hbm>>) target(%arg4 : memref<256x32xf32, #tpu.memory_space<vmem>>) target_semaphore(%arg7 : memref<!tpu.dma_semaphore, #tpu.memory_space<semaphore_mem>>)
    %dma_wait3A_2518 = arith.constant 0 : i32
    %dma_wait3A_2519 = tpu.memref_slice %arg2[%multiple_of3A_726, %dma_wait3A_2518] : memref<1000000x32xf32, #tpu.memory_space<hbm>> -> memref<256x32xf32, #tpu.memory_space<hbm>>
    %dma_wait3A_2520 = arith.constant 0 : i32
    %dma_wait3A_2521 = tpu.memref_slice %arg2[%multiple_of3A_726, %dma_wait3A_2520] : memref<1000000x32xf32, #tpu.memory_space<hbm>> -> memref<256x32xf32, #tpu.memory_space<hbm>>
    tpu.wait_dma2 semaphore(%arg8 : memref<!tpu.dma_semaphore, #tpu.memory_space<semaphore_mem>>) src(%dma_wait3A_2521 : memref<256x32xf32, #tpu.memory_space<hbm>>) dst(%arg5 : memref<256x32xf32, #tpu.memory_space<vmem>>)
    %dma_start3A_2522 = arith.constant 0 : i32
    %dma_start3A_2523 = tpu.memref_slice %arg3[%multiple_of3A_726, %dma_start3A_2522] : memref<1000000x32xf32, #tpu.memory_space<hbm>> -> memref<256x32xf32, #tpu.memory_space<hbm>>
    %dma_start3A_2524 = arith.constant 0 : i32
    %dma_start3A_2525 = tpu.memref_slice %arg3[%multiple_of3A_726, %dma_start3A_2524] : memref<1000000x32xf32, #tpu.memory_space<hbm>> -> memref<256x32xf32, #tpu.memory_space<hbm>>
    tpu.enqueue_dma source(%arg5 : memref<256x32xf32, #tpu.memory_space<vmem>>) target(%dma_start3A_2525 : memref<256x32xf32, #tpu.memory_space<hbm>>) target_semaphore(%arg11 : memref<!tpu.dma_semaphore, #tpu.memory_space<semaphore_mem>>)
    %dma_wait3A_2526 = arith.constant 0 : i32
    %dma_wait3A_2527 = tpu.memref_slice %arg3[%multiple_of3A_726, %dma_wait3A_2526] : memref<1000000x32xf32, #tpu.memory_space<hbm>> -> memref<256x32xf32, #tpu.memory_space<hbm>>
    %dma_wait3A_2528 = arith.constant 0 : i32
    %dma_wait3A_2529 = tpu.memref_slice %arg3[%multiple_of3A_726, %dma_wait3A_2528] : memref<1000000x32xf32, #tpu.memory_space<hbm>> -> memref<256x32xf32, #tpu.memory_space<hbm>>
    tpu.wait_dma2 semaphore(%arg11 : memref<!tpu.dma_semaphore, #tpu.memory_space<semaphore_mem>>) src(%arg5 : memref<256x32xf32, #tpu.memory_space<vmem>>) dst(%dma_wait3A_2529 : memref<256x32xf32, #tpu.memory_space<hbm>>)
    %dma_start3A_2530 = arith.constant 0 : i32
    %dma_start3A_2531 = tpu.memref_slice %arg2[%multiple_of3A_747, %dma_start3A_2530] : memref<1000000x32xf32, #tpu.memory_space<hbm>> -> memref<256x32xf32, #tpu.memory_space<hbm>>
    %dma_start3A_2532 = arith.constant 0 : i32
    %dma_start3A_2533 = tpu.memref_slice %arg2[%multiple_of3A_747, %dma_start3A_2532] : memref<1000000x32xf32, #tpu.memory_space<hbm>> -> memref<256x32xf32, #tpu.memory_space<hbm>>
    tpu.enqueue_dma source(%dma_start3A_2533 : memref<256x32xf32, #tpu.memory_space<hbm>>) target(%arg5 : memref<256x32xf32, #tpu.memory_space<vmem>>) target_semaphore(%arg8 : memref<!tpu.dma_semaphore, #tpu.memory_space<semaphore_mem>>)
    %dma_wait3A_2534 = arith.constant 0 : i32
    %dma_wait3A_2535 = tpu.memref_slice %arg2[%multiple_of3A_733, %dma_wait3A_2534] : memref<1000000x32xf32, #tpu.memory_space<hbm>> -> memref<256x32xf32, #tpu.memory_space<hbm>>
    %dma_wait3A_2536 = arith.constant 0 : i32
    %dma_wait3A_2537 = tpu.memref_slice %arg2[%multiple_of3A_733, %dma_wait3A_2536] : memref<1000000x32xf32, #tpu.memory_space<hbm>> -> memref<256x32xf32, #tpu.memory_space<hbm>>
    tpu.wait_dma2 semaphore(%arg9 : memref<!tpu.dma_semaphore, #tpu.memory_space<semaphore_mem>>) src(%dma_wait3A_2537 : memref<256x32xf32, #tpu.memory_space<hbm>>) dst(%arg6 : memref<256x32xf32, #tpu.memory_space<vmem>>)
    %dma_start3A_2538 = arith.constant 0 : i32
    %dma_start3A_2539 = tpu.memref_slice %arg3[%multiple_of3A_733, %dma_start3A_2538] : memref<1000000x32xf32, #tpu.memory_space<hbm>> -> memref<256x32xf32, #tpu.memory_space<hbm>>
    %dma_start3A_2540 = arith.constant 0 : i32
    %dma_start3A_2541 = tpu.memref_slice %arg3[%multiple_of3A_733, %dma_start3A_2540] : memref<1000000x32xf32, #tpu.memory_space<hbm>> -> memref<256x32xf32, #tpu.memory_space<hbm>>
    tpu.enqueue_dma source(%arg6 : memref<256x32xf32, #tpu.memory_space<vmem>>) target(%dma_start3A_2541 : memref<256x32xf32, #tpu.memory_space<hbm>>) target_semaphore(%arg12 : memref<!tpu.dma_semaphore, #tpu.memory_space<semaphore_mem>>)
    %dma_wait3A_2542 = arith.constant 0 : i32
    %dma_wait3A_2543 = tpu.memref_slice %arg3[%multiple_of3A_733, %dma_wait3A_2542] : memref<1000000x32xf32, #tpu.memory_space<hbm>> -> memref<256x32xf32, #tpu.memory_space<hbm>>
    %dma_wait3A_2544 = arith.constant 0 : i32
    %dma_wait3A_2545 = tpu.memref_slice %arg3[%multiple_of3A_733, %dma_wait3A_2544] : memref<1000000x32xf32, #tpu.memory_space<hbm>> -> memref<256x32xf32, #tpu.memory_space<hbm>>
    tpu.wait_dma2 semaphore(%arg12 : memref<!tpu.dma_semaphore, #tpu.memory_space<semaphore_mem>>) src(%arg6 : memref<256x32xf32, #tpu.memory_space<vmem>>) dst(%dma_wait3A_2545 : memref<256x32xf32, #tpu.memory_space<hbm>>)
    %dma_start3A_2546 = arith.constant 0 : i32
    %dma_start3A_2547 = tpu.memref_slice %arg2[%multiple_of3A_754, %dma_start3A_2546] : memref<1000000x32xf32, #tpu.memory_space<hbm>> -> memref<256x32xf32, #tpu.memory_space<hbm>>
    %dma_start3A_2548 = arith.constant 0 : i32
    %dma_start3A_2549 = tpu.memref_slice %arg2[%multiple_of3A_754, %dma_start3A_2548] : memref<1000000x32xf32, #tpu.memory_space<hbm>> -> memref<256x32xf32, #tpu.memory_space<hbm>>
    tpu.enqueue_dma source(%dma_start3A_2549 : memref<256x32xf32, #tpu.memory_space<hbm>>) target(%arg6 : memref<256x32xf32, #tpu.memory_space<vmem>>) target_semaphore(%arg9 : memref<!tpu.dma_semaphore, #tpu.memory_space<semaphore_mem>>)
    %dma_wait3A_2550 = arith.constant 0 : i32
    %dma_wait3A_2551 = tpu.memref_slice %arg2[%multiple_of3A_740, %dma_wait3A_2550] : memref<1000000x32xf32, #tpu.memory_space<hbm>> -> memref<256x32xf32, #tpu.memory_space<hbm>>
    %dma_wait3A_2552 = arith.constant 0 : i32
    %dma_wait3A_2553 = tpu.memref_slice %arg2[%multiple_of3A_740, %dma_wait3A_2552] : memref<1000000x32xf32, #tpu.memory_space<hbm>> -> memref<256x32xf32, #tpu.memory_space<hbm>>
    tpu.wait_dma2 semaphore(%arg7 : memref<!tpu.dma_semaphore, #tpu.memory_space<semaphore_mem>>) src(%dma_wait3A_2553 : memref<256x32xf32, #tpu.memory_space<hbm>>) dst(%arg4 : memref<256x32xf32, #tpu.memory_space<vmem>>)
    %dma_start3A_2554 = arith.constant 0 : i32
    %dma_start3A_2555 = tpu.memref_slice %arg3[%multiple_of3A_740, %dma_start3A_2554] : memref<1000000x32xf32, #tpu.memory_space<hbm>> -> memref<256x32xf32, #tpu.memory_space<hbm>>
    %dma_start3A_2556 = arith.constant 0 : i32
    %dma_start3A_2557 = tpu.memref_slice %arg3[%multiple_of3A_740, %dma_start3A_2556] : memref<1000000x32xf32, #tpu.memory_space<hbm>> -> memref<256x32xf32, #tpu.memory_space<hbm>>
    tpu.enqueue_dma source(%arg4 : memref<256x32xf32, #tpu.memory_space<vmem>>) target(%dma_start3A_2557 : memref<256x32xf32, #tpu.memory_space<hbm>>) target_semaphore(%arg10 : memref<!tpu.dma_semaphore, #tpu.memory_space<semaphore_mem>>)
    %dma_wait3A_2558 = arith.constant 0 : i32
    %dma_wait3A_2559 = tpu.memref_slice %arg3[%multiple_of3A_740, %dma_wait3A_2558] : memref<1000000x32xf32, #tpu.memory_space<hbm>> -> memref<256x32xf32, #tpu.memory_space<hbm>>
    %dma_wait3A_2560 = arith.constant 0 : i32
    %dma_wait3A_2561 = tpu.memref_slice %arg3[%multiple_of3A_740, %dma_wait3A_2560] : memref<1000000x32xf32, #tpu.memory_space<hbm>> -> memref<256x32xf32, #tpu.memory_space<hbm>>
    tpu.wait_dma2 semaphore(%arg10 : memref<!tpu.dma_semaphore, #tpu.memory_space<semaphore_mem>>) src(%arg4 : memref<256x32xf32, #tpu.memory_space<vmem>>) dst(%dma_wait3A_2561 : memref<256x32xf32, #tpu.memory_space<hbm>>)
    %dma_start3A_2562 = arith.constant 0 : i32
    %dma_start3A_2563 = tpu.memref_slice %arg2[%multiple_of3A_761, %dma_start3A_2562] : memref<1000000x32xf32, #tpu.memory_space<hbm>> -> memref<256x32xf32, #tpu.memory_space<hbm>>
    %dma_start3A_2564 = arith.constant 0 : i32
    %dma_start3A_2565 = tpu.memref_slice %arg2[%multiple_of3A_761, %dma_start3A_2564] : memref<1000000x32xf32, #tpu.memory_space<hbm>> -> memref<256x32xf32, #tpu.memory_space<hbm>>
    tpu.enqueue_dma source(%dma_start3A_2565 : memref<256x32xf32, #tpu.memory_space<hbm>>) target(%arg4 : memref<256x32xf32, #tpu.memory_space<vmem>>) target_semaphore(%arg7 : memref<!tpu.dma_semaphore, #tpu.memory_space<semaphore_mem>>)
    %dma_wait3A_2566 = arith.constant 0 : i32
    %dma_wait3A_2567 = tpu.memref_slice %arg2[%multiple_of3A_747, %dma_wait3A_2566] : memref<1000000x32xf32, #tpu.memory_space<hbm>> -> memref<256x32xf32, #tpu.memory_space<hbm>>
    %dma_wait3A_2568 = arith.constant 0 : i32
    %dma_wait3A_2569 = tpu.memref_slice %arg2[%multiple_of3A_747, %dma_wait3A_2568] : memref<1000000x32xf32, #tpu.memory_space<hbm>> -> memref<256x32xf32, #tpu.memory_space<hbm>>
    tpu.wait_dma2 semaphore(%arg8 : memref<!tpu.dma_semaphore, #tpu.memory_space<semaphore_mem>>) src(%dma_wait3A_2569 : memref<256x32xf32, #tpu.memory_space<hbm>>) dst(%arg5 : memref<256x32xf32, #tpu.memory_space<vmem>>)
    %dma_start3A_2570 = arith.constant 0 : i32
    %dma_start3A_2571 = tpu.memref_slice %arg3[%multiple_of3A_747, %dma_start3A_2570] : memref<1000000x32xf32, #tpu.memory_space<hbm>> -> memref<256x32xf32, #tpu.memory_space<hbm>>
    %dma_start3A_2572 = arith.constant 0 : i32
    %dma_start3A_2573 = tpu.memref_slice %arg3[%multiple_of3A_747, %dma_start3A_2572] : memref<1000000x32xf32, #tpu.memory_space<hbm>> -> memref<256x32xf32, #tpu.memory_space<hbm>>
    tpu.enqueue_dma source(%arg5 : memref<256x32xf32, #tpu.memory_space<vmem>>) target(%dma_start3A_2573 : memref<256x32xf32, #tpu.memory_space<hbm>>) target_semaphore(%arg11 : memref<!tpu.dma_semaphore, #tpu.memory_space<semaphore_mem>>)
    %dma_wait3A_2574 = arith.constant 0 : i32
    %dma_wait3A_2575 = tpu.memref_slice %arg3[%multiple_of3A_747, %dma_wait3A_2574] : memref<1000000x32xf32, #tpu.memory_space<hbm>> -> memref<256x32xf32, #tpu.memory_space<hbm>>
    %dma_wait3A_2576 = arith.constant 0 : i32
    %dma_wait3A_2577 = tpu.memref_slice %arg3[%multiple_of3A_747, %dma_wait3A_2576] : memref<1000000x32xf32, #tpu.memory_space<hbm>> -> memref<256x32xf32, #tpu.memory_space<hbm>>
    tpu.wait_dma2 semaphore(%arg11 : memref<!tpu.dma_semaphore, #tpu.memory_space<semaphore_mem>>) src(%arg5 : memref<256x32xf32, #tpu.memory_space<vmem>>) dst(%dma_wait3A_2577 : memref<256x32xf32, #tpu.memory_space<hbm>>)
    %dma_start3A_2578 = arith.constant 0 : i32
    %dma_start3A_2579 = tpu.memref_slice %arg2[%multiple_of3A_768, %dma_start3A_2578] : memref<1000000x32xf32, #tpu.memory_space<hbm>> -> memref<256x32xf32, #tpu.memory_space<hbm>>
    %dma_start3A_2580 = arith.constant 0 : i32
    %dma_start3A_2581 = tpu.memref_slice %arg2[%multiple_of3A_768, %dma_start3A_2580] : memref<1000000x32xf32, #tpu.memory_space<hbm>> -> memref<256x32xf32, #tpu.memory_space<hbm>>
    tpu.enqueue_dma source(%dma_start3A_2581 : memref<256x32xf32, #tpu.memory_space<hbm>>) target(%arg5 : memref<256x32xf32, #tpu.memory_space<vmem>>) target_semaphore(%arg8 : memref<!tpu.dma_semaphore, #tpu.memory_space<semaphore_mem>>)
    %dma_wait3A_2582 = arith.constant 0 : i32
    %dma_wait3A_2583 = tpu.memref_slice %arg2[%multiple_of3A_754, %dma_wait3A_2582] : memref<1000000x32xf32, #tpu.memory_space<hbm>> -> memref<256x32xf32, #tpu.memory_space<hbm>>
    %dma_wait3A_2584 = arith.constant 0 : i32
    %dma_wait3A_2585 = tpu.memref_slice %arg2[%multiple_of3A_754, %dma_wait3A_2584] : memref<1000000x32xf32, #tpu.memory_space<hbm>> -> memref<256x32xf32, #tpu.memory_space<hbm>>
    tpu.wait_dma2 semaphore(%arg9 : memref<!tpu.dma_semaphore, #tpu.memory_space<semaphore_mem>>) src(%dma_wait3A_2585 : memref<256x32xf32, #tpu.memory_space<hbm>>) dst(%arg6 : memref<256x32xf32, #tpu.memory_space<vmem>>)
    %dma_start3A_2586 = arith.constant 0 : i32
    %dma_start3A_2587 = tpu.memref_slice %arg3[%multiple_of3A_754, %dma_start3A_2586] : memref<1000000x32xf32, #tpu.memory_space<hbm>> -> memref<256x32xf32, #tpu.memory_space<hbm>>
    %dma_start3A_2588 = arith.constant 0 : i32
    %dma_start3A_2589 = tpu.memref_slice %arg3[%multiple_of3A_754, %dma_start3A_2588] : memref<1000000x32xf32, #tpu.memory_space<hbm>> -> memref<256x32xf32, #tpu.memory_space<hbm>>
    tpu.enqueue_dma source(%arg6 : memref<256x32xf32, #tpu.memory_space<vmem>>) target(%dma_start3A_2589 : memref<256x32xf32, #tpu.memory_space<hbm>>) target_semaphore(%arg12 : memref<!tpu.dma_semaphore, #tpu.memory_space<semaphore_mem>>)
    %dma_wait3A_2590 = arith.constant 0 : i32
    %dma_wait3A_2591 = tpu.memref_slice %arg3[%multiple_of3A_754, %dma_wait3A_2590] : memref<1000000x32xf32, #tpu.memory_space<hbm>> -> memref<256x32xf32, #tpu.memory_space<hbm>>
    %dma_wait3A_2592 = arith.constant 0 : i32
    %dma_wait3A_2593 = tpu.memref_slice %arg3[%multiple_of3A_754, %dma_wait3A_2592] : memref<1000000x32xf32, #tpu.memory_space<hbm>> -> memref<256x32xf32, #tpu.memory_space<hbm>>
    tpu.wait_dma2 semaphore(%arg12 : memref<!tpu.dma_semaphore, #tpu.memory_space<semaphore_mem>>) src(%arg6 : memref<256x32xf32, #tpu.memory_space<vmem>>) dst(%dma_wait3A_2593 : memref<256x32xf32, #tpu.memory_space<hbm>>)
    %dma_start3A_2594 = arith.constant 0 : i32
    %dma_start3A_2595 = tpu.memref_slice %arg2[%multiple_of3A_775, %dma_start3A_2594] : memref<1000000x32xf32, #tpu.memory_space<hbm>> -> memref<256x32xf32, #tpu.memory_space<hbm>>
    %dma_start3A_2596 = arith.constant 0 : i32
    %dma_start3A_2597 = tpu.memref_slice %arg2[%multiple_of3A_775, %dma_start3A_2596] : memref<1000000x32xf32, #tpu.memory_space<hbm>> -> memref<256x32xf32, #tpu.memory_space<hbm>>
    tpu.enqueue_dma source(%dma_start3A_2597 : memref<256x32xf32, #tpu.memory_space<hbm>>) target(%arg6 : memref<256x32xf32, #tpu.memory_space<vmem>>) target_semaphore(%arg9 : memref<!tpu.dma_semaphore, #tpu.memory_space<semaphore_mem>>)
    %dma_wait3A_2598 = arith.constant 0 : i32
    %dma_wait3A_2599 = tpu.memref_slice %arg2[%multiple_of3A_761, %dma_wait3A_2598] : memref<1000000x32xf32, #tpu.memory_space<hbm>> -> memref<256x32xf32, #tpu.memory_space<hbm>>
    %dma_wait3A_2600 = arith.constant 0 : i32
    %dma_wait3A_2601 = tpu.memref_slice %arg2[%multiple_of3A_761, %dma_wait3A_2600] : memref<1000000x32xf32, #tpu.memory_space<hbm>> -> memref<256x32xf32, #tpu.memory_space<hbm>>
    tpu.wait_dma2 semaphore(%arg7 : memref<!tpu.dma_semaphore, #tpu.memory_space<semaphore_mem>>) src(%dma_wait3A_2601 : memref<256x32xf32, #tpu.memory_space<hbm>>) dst(%arg4 : memref<256x32xf32, #tpu.memory_space<vmem>>)
    %dma_start3A_2602 = arith.constant 0 : i32
    %dma_start3A_2603 = tpu.memref_slice %arg3[%multiple_of3A_761, %dma_start3A_2602] : memref<1000000x32xf32, #tpu.memory_space<hbm>> -> memref<256x32xf32, #tpu.memory_space<hbm>>
    %dma_start3A_2604 = arith.constant 0 : i32
    %dma_start3A_2605 = tpu.memref_slice %arg3[%multiple_of3A_761, %dma_start3A_2604] : memref<1000000x32xf32, #tpu.memory_space<hbm>> -> memref<256x32xf32, #tpu.memory_space<hbm>>
    tpu.enqueue_dma source(%arg4 : memref<256x32xf32, #tpu.memory_space<vmem>>) target(%dma_start3A_2605 : memref<256x32xf32, #tpu.memory_space<hbm>>) target_semaphore(%arg10 : memref<!tpu.dma_semaphore, #tpu.memory_space<semaphore_mem>>)
    %dma_wait3A_2606 = arith.constant 0 : i32
    %dma_wait3A_2607 = tpu.memref_slice %arg3[%multiple_of3A_761, %dma_wait3A_2606] : memref<1000000x32xf32, #tpu.memory_space<hbm>> -> memref<256x32xf32, #tpu.memory_space<hbm>>
    %dma_wait3A_2608 = arith.constant 0 : i32
    %dma_wait3A_2609 = tpu.memref_slice %arg3[%multiple_of3A_761, %dma_wait3A_2608] : memref<1000000x32xf32, #tpu.memory_space<hbm>> -> memref<256x32xf32, #tpu.memory_space<hbm>>
    tpu.wait_dma2 semaphore(%arg10 : memref<!tpu.dma_semaphore, #tpu.memory_space<semaphore_mem>>) src(%arg4 : memref<256x32xf32, #tpu.memory_space<vmem>>) dst(%dma_wait3A_2609 : memref<256x32xf32, #tpu.memory_space<hbm>>)
    %dma_start3A_2610 = arith.constant 0 : i32
    %dma_start3A_2611 = tpu.memref_slice %arg2[%multiple_of3A_782, %dma_start3A_2610] : memref<1000000x32xf32, #tpu.memory_space<hbm>> -> memref<256x32xf32, #tpu.memory_space<hbm>>
    %dma_start3A_2612 = arith.constant 0 : i32
    %dma_start3A_2613 = tpu.memref_slice %arg2[%multiple_of3A_782, %dma_start3A_2612] : memref<1000000x32xf32, #tpu.memory_space<hbm>> -> memref<256x32xf32, #tpu.memory_space<hbm>>
    tpu.enqueue_dma source(%dma_start3A_2613 : memref<256x32xf32, #tpu.memory_space<hbm>>) target(%arg4 : memref<256x32xf32, #tpu.memory_space<vmem>>) target_semaphore(%arg7 : memref<!tpu.dma_semaphore, #tpu.memory_space<semaphore_mem>>)
    %dma_wait3A_2614 = arith.constant 0 : i32
    %dma_wait3A_2615 = tpu.memref_slice %arg2[%multiple_of3A_768, %dma_wait3A_2614] : memref<1000000x32xf32, #tpu.memory_space<hbm>> -> memref<256x32xf32, #tpu.memory_space<hbm>>
    %dma_wait3A_2616 = arith.constant 0 : i32
    %dma_wait3A_2617 = tpu.memref_slice %arg2[%multiple_of3A_768, %dma_wait3A_2616] : memref<1000000x32xf32, #tpu.memory_space<hbm>> -> memref<256x32xf32, #tpu.memory_space<hbm>>
    tpu.wait_dma2 semaphore(%arg8 : memref<!tpu.dma_semaphore, #tpu.memory_space<semaphore_mem>>) src(%dma_wait3A_2617 : memref<256x32xf32, #tpu.memory_space<hbm>>) dst(%arg5 : memref<256x32xf32, #tpu.memory_space<vmem>>)
    %dma_start3A_2618 = arith.constant 0 : i32
    %dma_start3A_2619 = tpu.memref_slice %arg3[%multiple_of3A_768, %dma_start3A_2618] : memref<1000000x32xf32, #tpu.memory_space<hbm>> -> memref<256x32xf32, #tpu.memory_space<hbm>>
    %dma_start3A_2620 = arith.constant 0 : i32
    %dma_start3A_2621 = tpu.memref_slice %arg3[%multiple_of3A_768, %dma_start3A_2620] : memref<1000000x32xf32, #tpu.memory_space<hbm>> -> memref<256x32xf32, #tpu.memory_space<hbm>>
    tpu.enqueue_dma source(%arg5 : memref<256x32xf32, #tpu.memory_space<vmem>>) target(%dma_start3A_2621 : memref<256x32xf32, #tpu.memory_space<hbm>>) target_semaphore(%arg11 : memref<!tpu.dma_semaphore, #tpu.memory_space<semaphore_mem>>)
    %dma_wait3A_2622 = arith.constant 0 : i32
    %dma_wait3A_2623 = tpu.memref_slice %arg3[%multiple_of3A_768, %dma_wait3A_2622] : memref<1000000x32xf32, #tpu.memory_space<hbm>> -> memref<256x32xf32, #tpu.memory_space<hbm>>
    %dma_wait3A_2624 = arith.constant 0 : i32
    %dma_wait3A_2625 = tpu.memref_slice %arg3[%multiple_of3A_768, %dma_wait3A_2624] : memref<1000000x32xf32, #tpu.memory_space<hbm>> -> memref<256x32xf32, #tpu.memory_space<hbm>>
    tpu.wait_dma2 semaphore(%arg11 : memref<!tpu.dma_semaphore, #tpu.memory_space<semaphore_mem>>) src(%arg5 : memref<256x32xf32, #tpu.memory_space<vmem>>) dst(%dma_wait3A_2625 : memref<256x32xf32, #tpu.memory_space<hbm>>)
    %dma_start3A_2626 = arith.constant 0 : i32
    %dma_start3A_2627 = tpu.memref_slice %arg2[%multiple_of3A_789, %dma_start3A_2626] : memref<1000000x32xf32, #tpu.memory_space<hbm>> -> memref<256x32xf32, #tpu.memory_space<hbm>>
    %dma_start3A_2628 = arith.constant 0 : i32
    %dma_start3A_2629 = tpu.memref_slice %arg2[%multiple_of3A_789, %dma_start3A_2628] : memref<1000000x32xf32, #tpu.memory_space<hbm>> -> memref<256x32xf32, #tpu.memory_space<hbm>>
    tpu.enqueue_dma source(%dma_start3A_2629 : memref<256x32xf32, #tpu.memory_space<hbm>>) target(%arg5 : memref<256x32xf32, #tpu.memory_space<vmem>>) target_semaphore(%arg8 : memref<!tpu.dma_semaphore, #tpu.memory_space<semaphore_mem>>)
    %dma_wait3A_2630 = arith.constant 0 : i32
    %dma_wait3A_2631 = tpu.memref_slice %arg2[%multiple_of3A_775, %dma_wait3A_2630] : memref<1000000x32xf32, #tpu.memory_space<hbm>> -> memref<256x32xf32, #tpu.memory_space<hbm>>
    %dma_wait3A_2632 = arith.constant 0 : i32
    %dma_wait3A_2633 = tpu.memref_slice %arg2[%multiple_of3A_775, %dma_wait3A_2632] : memref<1000000x32xf32, #tpu.memory_space<hbm>> -> memref<256x32xf32, #tpu.memory_space<hbm>>
    tpu.wait_dma2 semaphore(%arg9 : memref<!tpu.dma_semaphore, #tpu.memory_space<semaphore_mem>>) src(%dma_wait3A_2633 : memref<256x32xf32, #tpu.memory_space<hbm>>) dst(%arg6 : memref<256x32xf32, #tpu.memory_space<vmem>>)
    %dma_start3A_2634 = arith.constant 0 : i32
    %dma_start3A_2635 = tpu.memref_slice %arg3[%multiple_of3A_775, %dma_start3A_2634] : memref<1000000x32xf32, #tpu.memory_space<hbm>> -> memref<256x32xf32, #tpu.memory_space<hbm>>
    %dma_start3A_2636 = arith.constant 0 : i32
    %dma_start3A_2637 = tpu.memref_slice %arg3[%multiple_of3A_775, %dma_start3A_2636] : memref<1000000x32xf32, #tpu.memory_space<hbm>> -> memref<256x32xf32, #tpu.memory_space<hbm>>
    tpu.enqueue_dma source(%arg6 : memref<256x32xf32, #tpu.memory_space<vmem>>) target(%dma_start3A_2637 : memref<256x32xf32, #tpu.memory_space<hbm>>) target_semaphore(%arg12 : memref<!tpu.dma_semaphore, #tpu.memory_space<semaphore_mem>>)
    %dma_wait3A_2638 = arith.constant 0 : i32
    %dma_wait3A_2639 = tpu.memref_slice %arg3[%multiple_of3A_775, %dma_wait3A_2638] : memref<1000000x32xf32, #tpu.memory_space<hbm>> -> memref<256x32xf32, #tpu.memory_space<hbm>>
    %dma_wait3A_2640 = arith.constant 0 : i32
    %dma_wait3A_2641 = tpu.memref_slice %arg3[%multiple_of3A_775, %dma_wait3A_2640] : memref<1000000x32xf32, #tpu.memory_space<hbm>> -> memref<256x32xf32, #tpu.memory_space<hbm>>
    tpu.wait_dma2 semaphore(%arg12 : memref<!tpu.dma_semaphore, #tpu.memory_space<semaphore_mem>>) src(%arg6 : memref<256x32xf32, #tpu.memory_space<vmem>>) dst(%dma_wait3A_2641 : memref<256x32xf32, #tpu.memory_space<hbm>>)
    %dma_start3A_2642 = arith.constant 0 : i32
    %dma_start3A_2643 = tpu.memref_slice %arg2[%multiple_of3A_796, %dma_start3A_2642] : memref<1000000x32xf32, #tpu.memory_space<hbm>> -> memref<256x32xf32, #tpu.memory_space<hbm>>
    %dma_start3A_2644 = arith.constant 0 : i32
    %dma_start3A_2645 = tpu.memref_slice %arg2[%multiple_of3A_796, %dma_start3A_2644] : memref<1000000x32xf32, #tpu.memory_space<hbm>> -> memref<256x32xf32, #tpu.memory_space<hbm>>
    tpu.enqueue_dma source(%dma_start3A_2645 : memref<256x32xf32, #tpu.memory_space<hbm>>) target(%arg6 : memref<256x32xf32, #tpu.memory_space<vmem>>) target_semaphore(%arg9 : memref<!tpu.dma_semaphore, #tpu.memory_space<semaphore_mem>>)
    %dma_wait3A_2646 = arith.constant 0 : i32
    %dma_wait3A_2647 = tpu.memref_slice %arg2[%multiple_of3A_782, %dma_wait3A_2646] : memref<1000000x32xf32, #tpu.memory_space<hbm>> -> memref<256x32xf32, #tpu.memory_space<hbm>>
    %dma_wait3A_2648 = arith.constant 0 : i32
    %dma_wait3A_2649 = tpu.memref_slice %arg2[%multiple_of3A_782, %dma_wait3A_2648] : memref<1000000x32xf32, #tpu.memory_space<hbm>> -> memref<256x32xf32, #tpu.memory_space<hbm>>
    tpu.wait_dma2 semaphore(%arg7 : memref<!tpu.dma_semaphore, #tpu.memory_space<semaphore_mem>>) src(%dma_wait3A_2649 : memref<256x32xf32, #tpu.memory_space<hbm>>) dst(%arg4 : memref<256x32xf32, #tpu.memory_space<vmem>>)
    %dma_start3A_2650 = arith.constant 0 : i32
    %dma_start3A_2651 = tpu.memref_slice %arg3[%multiple_of3A_782, %dma_start3A_2650] : memref<1000000x32xf32, #tpu.memory_space<hbm>> -> memref<256x32xf32, #tpu.memory_space<hbm>>
    %dma_start3A_2652 = arith.constant 0 : i32
    %dma_start3A_2653 = tpu.memref_slice %arg3[%multiple_of3A_782, %dma_start3A_2652] : memref<1000000x32xf32, #tpu.memory_space<hbm>> -> memref<256x32xf32, #tpu.memory_space<hbm>>
    tpu.enqueue_dma source(%arg4 : memref<256x32xf32, #tpu.memory_space<vmem>>) target(%dma_start3A_2653 : memref<256x32xf32, #tpu.memory_space<hbm>>) target_semaphore(%arg10 : memref<!tpu.dma_semaphore, #tpu.memory_space<semaphore_mem>>)
    %dma_wait3A_2654 = arith.constant 0 : i32
    %dma_wait3A_2655 = tpu.memref_slice %arg3[%multiple_of3A_782, %dma_wait3A_2654] : memref<1000000x32xf32, #tpu.memory_space<hbm>> -> memref<256x32xf32, #tpu.memory_space<hbm>>
    %dma_wait3A_2656 = arith.constant 0 : i32
    %dma_wait3A_2657 = tpu.memref_slice %arg3[%multiple_of3A_782, %dma_wait3A_2656] : memref<1000000x32xf32, #tpu.memory_space<hbm>> -> memref<256x32xf32, #tpu.memory_space<hbm>>
    tpu.wait_dma2 semaphore(%arg10 : memref<!tpu.dma_semaphore, #tpu.memory_space<semaphore_mem>>) src(%arg4 : memref<256x32xf32, #tpu.memory_space<vmem>>) dst(%dma_wait3A_2657 : memref<256x32xf32, #tpu.memory_space<hbm>>)
    %dma_start3A_2658 = arith.constant 0 : i32
    %dma_start3A_2659 = tpu.memref_slice %arg2[%multiple_of3A_803, %dma_start3A_2658] : memref<1000000x32xf32, #tpu.memory_space<hbm>> -> memref<256x32xf32, #tpu.memory_space<hbm>>
    %dma_start3A_2660 = arith.constant 0 : i32
    %dma_start3A_2661 = tpu.memref_slice %arg2[%multiple_of3A_803, %dma_start3A_2660] : memref<1000000x32xf32, #tpu.memory_space<hbm>> -> memref<256x32xf32, #tpu.memory_space<hbm>>
    tpu.enqueue_dma source(%dma_start3A_2661 : memref<256x32xf32, #tpu.memory_space<hbm>>) target(%arg4 : memref<256x32xf32, #tpu.memory_space<vmem>>) target_semaphore(%arg7 : memref<!tpu.dma_semaphore, #tpu.memory_space<semaphore_mem>>)
    %dma_wait3A_2662 = arith.constant 0 : i32
    %dma_wait3A_2663 = tpu.memref_slice %arg2[%multiple_of3A_789, %dma_wait3A_2662] : memref<1000000x32xf32, #tpu.memory_space<hbm>> -> memref<256x32xf32, #tpu.memory_space<hbm>>
    %dma_wait3A_2664 = arith.constant 0 : i32
    %dma_wait3A_2665 = tpu.memref_slice %arg2[%multiple_of3A_789, %dma_wait3A_2664] : memref<1000000x32xf32, #tpu.memory_space<hbm>> -> memref<256x32xf32, #tpu.memory_space<hbm>>
    tpu.wait_dma2 semaphore(%arg8 : memref<!tpu.dma_semaphore, #tpu.memory_space<semaphore_mem>>) src(%dma_wait3A_2665 : memref<256x32xf32, #tpu.memory_space<hbm>>) dst(%arg5 : memref<256x32xf32, #tpu.memory_space<vmem>>)
    %dma_start3A_2666 = arith.constant 0 : i32
    %dma_start3A_2667 = tpu.memref_slice %arg3[%multiple_of3A_789, %dma_start3A_2666] : memref<1000000x32xf32, #tpu.memory_space<hbm>> -> memref<256x32xf32, #tpu.memory_space<hbm>>
    %dma_start3A_2668 = arith.constant 0 : i32
    %dma_start3A_2669 = tpu.memref_slice %arg3[%multiple_of3A_789, %dma_start3A_2668] : memref<1000000x32xf32, #tpu.memory_space<hbm>> -> memref<256x32xf32, #tpu.memory_space<hbm>>
    tpu.enqueue_dma source(%arg5 : memref<256x32xf32, #tpu.memory_space<vmem>>) target(%dma_start3A_2669 : memref<256x32xf32, #tpu.memory_space<hbm>>) target_semaphore(%arg11 : memref<!tpu.dma_semaphore, #tpu.memory_space<semaphore_mem>>)
    %dma_wait3A_2670 = arith.constant 0 : i32
    %dma_wait3A_2671 = tpu.memref_slice %arg3[%multiple_of3A_789, %dma_wait3A_2670] : memref<1000000x32xf32, #tpu.memory_space<hbm>> -> memref<256x32xf32, #tpu.memory_space<hbm>>
    %dma_wait3A_2672 = arith.constant 0 : i32
    %dma_wait3A_2673 = tpu.memref_slice %arg3[%multiple_of3A_789, %dma_wait3A_2672] : memref<1000000x32xf32, #tpu.memory_space<hbm>> -> memref<256x32xf32, #tpu.memory_space<hbm>>
    tpu.wait_dma2 semaphore(%arg11 : memref<!tpu.dma_semaphore, #tpu.memory_space<semaphore_mem>>) src(%arg5 : memref<256x32xf32, #tpu.memory_space<vmem>>) dst(%dma_wait3A_2673 : memref<256x32xf32, #tpu.memory_space<hbm>>)
    %dma_start3A_2674 = arith.constant 0 : i32
    %dma_start3A_2675 = tpu.memref_slice %arg2[%multiple_of3A_810, %dma_start3A_2674] : memref<1000000x32xf32, #tpu.memory_space<hbm>> -> memref<256x32xf32, #tpu.memory_space<hbm>>
    %dma_start3A_2676 = arith.constant 0 : i32
    %dma_start3A_2677 = tpu.memref_slice %arg2[%multiple_of3A_810, %dma_start3A_2676] : memref<1000000x32xf32, #tpu.memory_space<hbm>> -> memref<256x32xf32, #tpu.memory_space<hbm>>
    tpu.enqueue_dma source(%dma_start3A_2677 : memref<256x32xf32, #tpu.memory_space<hbm>>) target(%arg5 : memref<256x32xf32, #tpu.memory_space<vmem>>) target_semaphore(%arg8 : memref<!tpu.dma_semaphore, #tpu.memory_space<semaphore_mem>>)
    %dma_wait3A_2678 = arith.constant 0 : i32
    %dma_wait3A_2679 = tpu.memref_slice %arg2[%multiple_of3A_796, %dma_wait3A_2678] : memref<1000000x32xf32, #tpu.memory_space<hbm>> -> memref<256x32xf32, #tpu.memory_space<hbm>>
    %dma_wait3A_2680 = arith.constant 0 : i32
    %dma_wait3A_2681 = tpu.memref_slice %arg2[%multiple_of3A_796, %dma_wait3A_2680] : memref<1000000x32xf32, #tpu.memory_space<hbm>> -> memref<256x32xf32, #tpu.memory_space<hbm>>
    tpu.wait_dma2 semaphore(%arg9 : memref<!tpu.dma_semaphore, #tpu.memory_space<semaphore_mem>>) src(%dma_wait3A_2681 : memref<256x32xf32, #tpu.memory_space<hbm>>) dst(%arg6 : memref<256x32xf32, #tpu.memory_space<vmem>>)
    %dma_start3A_2682 = arith.constant 0 : i32
    %dma_start3A_2683 = tpu.memref_slice %arg3[%multiple_of3A_796, %dma_start3A_2682] : memref<1000000x32xf32, #tpu.memory_space<hbm>> -> memref<256x32xf32, #tpu.memory_space<hbm>>
    %dma_start3A_2684 = arith.constant 0 : i32
    %dma_start3A_2685 = tpu.memref_slice %arg3[%multiple_of3A_796, %dma_start3A_2684] : memref<1000000x32xf32, #tpu.memory_space<hbm>> -> memref<256x32xf32, #tpu.memory_space<hbm>>
    tpu.enqueue_dma source(%arg6 : memref<256x32xf32, #tpu.memory_space<vmem>>) target(%dma_start3A_2685 : memref<256x32xf32, #tpu.memory_space<hbm>>) target_semaphore(%arg12 : memref<!tpu.dma_semaphore, #tpu.memory_space<semaphore_mem>>)
    %dma_wait3A_2686 = arith.constant 0 : i32
    %dma_wait3A_2687 = tpu.memref_slice %arg3[%multiple_of3A_796, %dma_wait3A_2686] : memref<1000000x32xf32, #tpu.memory_space<hbm>> -> memref<256x32xf32, #tpu.memory_space<hbm>>
    %dma_wait3A_2688 = arith.constant 0 : i32
    %dma_wait3A_2689 = tpu.memref_slice %arg3[%multiple_of3A_796, %dma_wait3A_2688] : memref<1000000x32xf32, #tpu.memory_space<hbm>> -> memref<256x32xf32, #tpu.memory_space<hbm>>
    tpu.wait_dma2 semaphore(%arg12 : memref<!tpu.dma_semaphore, #tpu.memory_space<semaphore_mem>>) src(%arg6 : memref<256x32xf32, #tpu.memory_space<vmem>>) dst(%dma_wait3A_2689 : memref<256x32xf32, #tpu.memory_space<hbm>>)
    %dma_start3A_2690 = arith.constant 0 : i32
    %dma_start3A_2691 = tpu.memref_slice %arg2[%multiple_of3A_817, %dma_start3A_2690] : memref<1000000x32xf32, #tpu.memory_space<hbm>> -> memref<256x32xf32, #tpu.memory_space<hbm>>
    %dma_start3A_2692 = arith.constant 0 : i32
    %dma_start3A_2693 = tpu.memref_slice %arg2[%multiple_of3A_817, %dma_start3A_2692] : memref<1000000x32xf32, #tpu.memory_space<hbm>> -> memref<256x32xf32, #tpu.memory_space<hbm>>
    tpu.enqueue_dma source(%dma_start3A_2693 : memref<256x32xf32, #tpu.memory_space<hbm>>) target(%arg6 : memref<256x32xf32, #tpu.memory_space<vmem>>) target_semaphore(%arg9 : memref<!tpu.dma_semaphore, #tpu.memory_space<semaphore_mem>>)
    %dma_wait3A_2694 = arith.constant 0 : i32
    %dma_wait3A_2695 = tpu.memref_slice %arg2[%multiple_of3A_803, %dma_wait3A_2694] : memref<1000000x32xf32, #tpu.memory_space<hbm>> -> memref<256x32xf32, #tpu.memory_space<hbm>>
    %dma_wait3A_2696 = arith.constant 0 : i32
    %dma_wait3A_2697 = tpu.memref_slice %arg2[%multiple_of3A_803, %dma_wait3A_2696] : memref<1000000x32xf32, #tpu.memory_space<hbm>> -> memref<256x32xf32, #tpu.memory_space<hbm>>
    tpu.wait_dma2 semaphore(%arg7 : memref<!tpu.dma_semaphore, #tpu.memory_space<semaphore_mem>>) src(%dma_wait3A_2697 : memref<256x32xf32, #tpu.memory_space<hbm>>) dst(%arg4 : memref<256x32xf32, #tpu.memory_space<vmem>>)
    %dma_start3A_2698 = arith.constant 0 : i32
    %dma_start3A_2699 = tpu.memref_slice %arg3[%multiple_of3A_803, %dma_start3A_2698] : memref<1000000x32xf32, #tpu.memory_space<hbm>> -> memref<256x32xf32, #tpu.memory_space<hbm>>
    %dma_start3A_2700 = arith.constant 0 : i32
    %dma_start3A_2701 = tpu.memref_slice %arg3[%multiple_of3A_803, %dma_start3A_2700] : memref<1000000x32xf32, #tpu.memory_space<hbm>> -> memref<256x32xf32, #tpu.memory_space<hbm>>
    tpu.enqueue_dma source(%arg4 : memref<256x32xf32, #tpu.memory_space<vmem>>) target(%dma_start3A_2701 : memref<256x32xf32, #tpu.memory_space<hbm>>) target_semaphore(%arg10 : memref<!tpu.dma_semaphore, #tpu.memory_space<semaphore_mem>>)
    %dma_wait3A_2702 = arith.constant 0 : i32
    %dma_wait3A_2703 = tpu.memref_slice %arg3[%multiple_of3A_803, %dma_wait3A_2702] : memref<1000000x32xf32, #tpu.memory_space<hbm>> -> memref<256x32xf32, #tpu.memory_space<hbm>>
    %dma_wait3A_2704 = arith.constant 0 : i32
    %dma_wait3A_2705 = tpu.memref_slice %arg3[%multiple_of3A_803, %dma_wait3A_2704] : memref<1000000x32xf32, #tpu.memory_space<hbm>> -> memref<256x32xf32, #tpu.memory_space<hbm>>
    tpu.wait_dma2 semaphore(%arg10 : memref<!tpu.dma_semaphore, #tpu.memory_space<semaphore_mem>>) src(%arg4 : memref<256x32xf32, #tpu.memory_space<vmem>>) dst(%dma_wait3A_2705 : memref<256x32xf32, #tpu.memory_space<hbm>>)
    %dma_start3A_2706 = arith.constant 0 : i32
    %dma_start3A_2707 = tpu.memref_slice %arg2[%multiple_of3A_824, %dma_start3A_2706] : memref<1000000x32xf32, #tpu.memory_space<hbm>> -> memref<256x32xf32, #tpu.memory_space<hbm>>
    %dma_start3A_2708 = arith.constant 0 : i32
    %dma_start3A_2709 = tpu.memref_slice %arg2[%multiple_of3A_824, %dma_start3A_2708] : memref<1000000x32xf32, #tpu.memory_space<hbm>> -> memref<256x32xf32, #tpu.memory_space<hbm>>
    tpu.enqueue_dma source(%dma_start3A_2709 : memref<256x32xf32, #tpu.memory_space<hbm>>) target(%arg4 : memref<256x32xf32, #tpu.memory_space<vmem>>) target_semaphore(%arg7 : memref<!tpu.dma_semaphore, #tpu.memory_space<semaphore_mem>>)
    %dma_wait3A_2710 = arith.constant 0 : i32
    %dma_wait3A_2711 = tpu.memref_slice %arg2[%multiple_of3A_810, %dma_wait3A_2710] : memref<1000000x32xf32, #tpu.memory_space<hbm>> -> memref<256x32xf32, #tpu.memory_space<hbm>>
    %dma_wait3A_2712 = arith.constant 0 : i32
    %dma_wait3A_2713 = tpu.memref_slice %arg2[%multiple_of3A_810, %dma_wait3A_2712] : memref<1000000x32xf32, #tpu.memory_space<hbm>> -> memref<256x32xf32, #tpu.memory_space<hbm>>
    tpu.wait_dma2 semaphore(%arg8 : memref<!tpu.dma_semaphore, #tpu.memory_space<semaphore_mem>>) src(%dma_wait3A_2713 : memref<256x32xf32, #tpu.memory_space<hbm>>) dst(%arg5 : memref<256x32xf32, #tpu.memory_space<vmem>>)
    %dma_start3A_2714 = arith.constant 0 : i32
    %dma_start3A_2715 = tpu.memref_slice %arg3[%multiple_of3A_810, %dma_start3A_2714] : memref<1000000x32xf32, #tpu.memory_space<hbm>> -> memref<256x32xf32, #tpu.memory_space<hbm>>
    %dma_start3A_2716 = arith.constant 0 : i32
    %dma_start3A_2717 = tpu.memref_slice %arg3[%multiple_of3A_810, %dma_start3A_2716] : memref<1000000x32xf32, #tpu.memory_space<hbm>> -> memref<256x32xf32, #tpu.memory_space<hbm>>
    tpu.enqueue_dma source(%arg5 : memref<256x32xf32, #tpu.memory_space<vmem>>) target(%dma_start3A_2717 : memref<256x32xf32, #tpu.memory_space<hbm>>) target_semaphore(%arg11 : memref<!tpu.dma_semaphore, #tpu.memory_space<semaphore_mem>>)
    %dma_wait3A_2718 = arith.constant 0 : i32
    %dma_wait3A_2719 = tpu.memref_slice %arg3[%multiple_of3A_810, %dma_wait3A_2718] : memref<1000000x32xf32, #tpu.memory_space<hbm>> -> memref<256x32xf32, #tpu.memory_space<hbm>>
    %dma_wait3A_2720 = arith.constant 0 : i32
    %dma_wait3A_2721 = tpu.memref_slice %arg3[%multiple_of3A_810, %dma_wait3A_2720] : memref<1000000x32xf32, #tpu.memory_space<hbm>> -> memref<256x32xf32, #tpu.memory_space<hbm>>
    tpu.wait_dma2 semaphore(%arg11 : memref<!tpu.dma_semaphore, #tpu.memory_space<semaphore_mem>>) src(%arg5 : memref<256x32xf32, #tpu.memory_space<vmem>>) dst(%dma_wait3A_2721 : memref<256x32xf32, #tpu.memory_space<hbm>>)
    %dma_start3A_2722 = arith.constant 0 : i32
    %dma_start3A_2723 = tpu.memref_slice %arg2[%multiple_of3A_831, %dma_start3A_2722] : memref<1000000x32xf32, #tpu.memory_space<hbm>> -> memref<256x32xf32, #tpu.memory_space<hbm>>
    %dma_start3A_2724 = arith.constant 0 : i32
    %dma_start3A_2725 = tpu.memref_slice %arg2[%multiple_of3A_831, %dma_start3A_2724] : memref<1000000x32xf32, #tpu.memory_space<hbm>> -> memref<256x32xf32, #tpu.memory_space<hbm>>
    tpu.enqueue_dma source(%dma_start3A_2725 : memref<256x32xf32, #tpu.memory_space<hbm>>) target(%arg5 : memref<256x32xf32, #tpu.memory_space<vmem>>) target_semaphore(%arg8 : memref<!tpu.dma_semaphore, #tpu.memory_space<semaphore_mem>>)
    %dma_wait3A_2726 = arith.constant 0 : i32
    %dma_wait3A_2727 = tpu.memref_slice %arg2[%multiple_of3A_817, %dma_wait3A_2726] : memref<1000000x32xf32, #tpu.memory_space<hbm>> -> memref<256x32xf32, #tpu.memory_space<hbm>>
    %dma_wait3A_2728 = arith.constant 0 : i32
    %dma_wait3A_2729 = tpu.memref_slice %arg2[%multiple_of3A_817, %dma_wait3A_2728] : memref<1000000x32xf32, #tpu.memory_space<hbm>> -> memref<256x32xf32, #tpu.memory_space<hbm>>
    tpu.wait_dma2 semaphore(%arg9 : memref<!tpu.dma_semaphore, #tpu.memory_space<semaphore_mem>>) src(%dma_wait3A_2729 : memref<256x32xf32, #tpu.memory_space<hbm>>) dst(%arg6 : memref<256x32xf32, #tpu.memory_space<vmem>>)
    %dma_start3A_2730 = arith.constant 0 : i32
    %dma_start3A_2731 = tpu.memref_slice %arg3[%multiple_of3A_817, %dma_start3A_2730] : memref<1000000x32xf32, #tpu.memory_space<hbm>> -> memref<256x32xf32, #tpu.memory_space<hbm>>
    %dma_start3A_2732 = arith.constant 0 : i32
    %dma_start3A_2733 = tpu.memref_slice %arg3[%multiple_of3A_817, %dma_start3A_2732] : memref<1000000x32xf32, #tpu.memory_space<hbm>> -> memref<256x32xf32, #tpu.memory_space<hbm>>
    tpu.enqueue_dma source(%arg6 : memref<256x32xf32, #tpu.memory_space<vmem>>) target(%dma_start3A_2733 : memref<256x32xf32, #tpu.memory_space<hbm>>) target_semaphore(%arg12 : memref<!tpu.dma_semaphore, #tpu.memory_space<semaphore_mem>>)
    %dma_wait3A_2734 = arith.constant 0 : i32
    %dma_wait3A_2735 = tpu.memref_slice %arg3[%multiple_of3A_817, %dma_wait3A_2734] : memref<1000000x32xf32, #tpu.memory_space<hbm>> -> memref<256x32xf32, #tpu.memory_space<hbm>>
    %dma_wait3A_2736 = arith.constant 0 : i32
    %dma_wait3A_2737 = tpu.memref_slice %arg3[%multiple_of3A_817, %dma_wait3A_2736] : memref<1000000x32xf32, #tpu.memory_space<hbm>> -> memref<256x32xf32, #tpu.memory_space<hbm>>
    tpu.wait_dma2 semaphore(%arg12 : memref<!tpu.dma_semaphore, #tpu.memory_space<semaphore_mem>>) src(%arg6 : memref<256x32xf32, #tpu.memory_space<vmem>>) dst(%dma_wait3A_2737 : memref<256x32xf32, #tpu.memory_space<hbm>>)
    %dma_start3A_2738 = arith.constant 0 : i32
    %dma_start3A_2739 = tpu.memref_slice %arg2[%multiple_of3A_838, %dma_start3A_2738] : memref<1000000x32xf32, #tpu.memory_space<hbm>> -> memref<256x32xf32, #tpu.memory_space<hbm>>
    %dma_start3A_2740 = arith.constant 0 : i32
    %dma_start3A_2741 = tpu.memref_slice %arg2[%multiple_of3A_838, %dma_start3A_2740] : memref<1000000x32xf32, #tpu.memory_space<hbm>> -> memref<256x32xf32, #tpu.memory_space<hbm>>
    tpu.enqueue_dma source(%dma_start3A_2741 : memref<256x32xf32, #tpu.memory_space<hbm>>) target(%arg6 : memref<256x32xf32, #tpu.memory_space<vmem>>) target_semaphore(%arg9 : memref<!tpu.dma_semaphore, #tpu.memory_space<semaphore_mem>>)
    %dma_wait3A_2742 = arith.constant 0 : i32
    %dma_wait3A_2743 = tpu.memref_slice %arg2[%multiple_of3A_824, %dma_wait3A_2742] : memref<1000000x32xf32, #tpu.memory_space<hbm>> -> memref<256x32xf32, #tpu.memory_space<hbm>>
    %dma_wait3A_2744 = arith.constant 0 : i32
    %dma_wait3A_2745 = tpu.memref_slice %arg2[%multiple_of3A_824, %dma_wait3A_2744] : memref<1000000x32xf32, #tpu.memory_space<hbm>> -> memref<256x32xf32, #tpu.memory_space<hbm>>
    tpu.wait_dma2 semaphore(%arg7 : memref<!tpu.dma_semaphore, #tpu.memory_space<semaphore_mem>>) src(%dma_wait3A_2745 : memref<256x32xf32, #tpu.memory_space<hbm>>) dst(%arg4 : memref<256x32xf32, #tpu.memory_space<vmem>>)
    %dma_start3A_2746 = arith.constant 0 : i32
    %dma_start3A_2747 = tpu.memref_slice %arg3[%multiple_of3A_824, %dma_start3A_2746] : memref<1000000x32xf32, #tpu.memory_space<hbm>> -> memref<256x32xf32, #tpu.memory_space<hbm>>
    %dma_start3A_2748 = arith.constant 0 : i32
    %dma_start3A_2749 = tpu.memref_slice %arg3[%multiple_of3A_824, %dma_start3A_2748] : memref<1000000x32xf32, #tpu.memory_space<hbm>> -> memref<256x32xf32, #tpu.memory_space<hbm>>
    tpu.enqueue_dma source(%arg4 : memref<256x32xf32, #tpu.memory_space<vmem>>) target(%dma_start3A_2749 : memref<256x32xf32, #tpu.memory_space<hbm>>) target_semaphore(%arg10 : memref<!tpu.dma_semaphore, #tpu.memory_space<semaphore_mem>>)
    %dma_wait3A_2750 = arith.constant 0 : i32
    %dma_wait3A_2751 = tpu.memref_slice %arg3[%multiple_of3A_824, %dma_wait3A_2750] : memref<1000000x32xf32, #tpu.memory_space<hbm>> -> memref<256x32xf32, #tpu.memory_space<hbm>>
    %dma_wait3A_2752 = arith.constant 0 : i32
    %dma_wait3A_2753 = tpu.memref_slice %arg3[%multiple_of3A_824, %dma_wait3A_2752] : memref<1000000x32xf32, #tpu.memory_space<hbm>> -> memref<256x32xf32, #tpu.memory_space<hbm>>
    tpu.wait_dma2 semaphore(%arg10 : memref<!tpu.dma_semaphore, #tpu.memory_space<semaphore_mem>>) src(%arg4 : memref<256x32xf32, #tpu.memory_space<vmem>>) dst(%dma_wait3A_2753 : memref<256x32xf32, #tpu.memory_space<hbm>>)
    %dma_start3A_2754 = arith.constant 0 : i32
    %dma_start3A_2755 = tpu.memref_slice %arg2[%multiple_of3A_845, %dma_start3A_2754] : memref<1000000x32xf32, #tpu.memory_space<hbm>> -> memref<256x32xf32, #tpu.memory_space<hbm>>
    %dma_start3A_2756 = arith.constant 0 : i32
    %dma_start3A_2757 = tpu.memref_slice %arg2[%multiple_of3A_845, %dma_start3A_2756] : memref<1000000x32xf32, #tpu.memory_space<hbm>> -> memref<256x32xf32, #tpu.memory_space<hbm>>
    tpu.enqueue_dma source(%dma_start3A_2757 : memref<256x32xf32, #tpu.memory_space<hbm>>) target(%arg4 : memref<256x32xf32, #tpu.memory_space<vmem>>) target_semaphore(%arg7 : memref<!tpu.dma_semaphore, #tpu.memory_space<semaphore_mem>>)
    %dma_wait3A_2758 = arith.constant 0 : i32
    %dma_wait3A_2759 = tpu.memref_slice %arg2[%multiple_of3A_831, %dma_wait3A_2758] : memref<1000000x32xf32, #tpu.memory_space<hbm>> -> memref<256x32xf32, #tpu.memory_space<hbm>>
    %dma_wait3A_2760 = arith.constant 0 : i32
    %dma_wait3A_2761 = tpu.memref_slice %arg2[%multiple_of3A_831, %dma_wait3A_2760] : memref<1000000x32xf32, #tpu.memory_space<hbm>> -> memref<256x32xf32, #tpu.memory_space<hbm>>
    tpu.wait_dma2 semaphore(%arg8 : memref<!tpu.dma_semaphore, #tpu.memory_space<semaphore_mem>>) src(%dma_wait3A_2761 : memref<256x32xf32, #tpu.memory_space<hbm>>) dst(%arg5 : memref<256x32xf32, #tpu.memory_space<vmem>>)
    %dma_start3A_2762 = arith.constant 0 : i32
    %dma_start3A_2763 = tpu.memref_slice %arg3[%multiple_of3A_831, %dma_start3A_2762] : memref<1000000x32xf32, #tpu.memory_space<hbm>> -> memref<256x32xf32, #tpu.memory_space<hbm>>
    %dma_start3A_2764 = arith.constant 0 : i32
    %dma_start3A_2765 = tpu.memref_slice %arg3[%multiple_of3A_831, %dma_start3A_2764] : memref<1000000x32xf32, #tpu.memory_space<hbm>> -> memref<256x32xf32, #tpu.memory_space<hbm>>
    tpu.enqueue_dma source(%arg5 : memref<256x32xf32, #tpu.memory_space<vmem>>) target(%dma_start3A_2765 : memref<256x32xf32, #tpu.memory_space<hbm>>) target_semaphore(%arg11 : memref<!tpu.dma_semaphore, #tpu.memory_space<semaphore_mem>>)
    %dma_wait3A_2766 = arith.constant 0 : i32
    %dma_wait3A_2767 = tpu.memref_slice %arg3[%multiple_of3A_831, %dma_wait3A_2766] : memref<1000000x32xf32, #tpu.memory_space<hbm>> -> memref<256x32xf32, #tpu.memory_space<hbm>>
    %dma_wait3A_2768 = arith.constant 0 : i32
    %dma_wait3A_2769 = tpu.memref_slice %arg3[%multiple_of3A_831, %dma_wait3A_2768] : memref<1000000x32xf32, #tpu.memory_space<hbm>> -> memref<256x32xf32, #tpu.memory_space<hbm>>
    tpu.wait_dma2 semaphore(%arg11 : memref<!tpu.dma_semaphore, #tpu.memory_space<semaphore_mem>>) src(%arg5 : memref<256x32xf32, #tpu.memory_space<vmem>>) dst(%dma_wait3A_2769 : memref<256x32xf32, #tpu.memory_space<hbm>>)
    %dma_start3A_2770 = arith.constant 0 : i32
    %dma_start3A_2771 = tpu.memref_slice %arg2[%multiple_of3A_852, %dma_start3A_2770] : memref<1000000x32xf32, #tpu.memory_space<hbm>> -> memref<256x32xf32, #tpu.memory_space<hbm>>
    %dma_start3A_2772 = arith.constant 0 : i32
    %dma_start3A_2773 = tpu.memref_slice %arg2[%multiple_of3A_852, %dma_start3A_2772] : memref<1000000x32xf32, #tpu.memory_space<hbm>> -> memref<256x32xf32, #tpu.memory_space<hbm>>
    tpu.enqueue_dma source(%dma_start3A_2773 : memref<256x32xf32, #tpu.memory_space<hbm>>) target(%arg5 : memref<256x32xf32, #tpu.memory_space<vmem>>) target_semaphore(%arg8 : memref<!tpu.dma_semaphore, #tpu.memory_space<semaphore_mem>>)
    %dma_wait3A_2774 = arith.constant 0 : i32
    %dma_wait3A_2775 = tpu.memref_slice %arg2[%multiple_of3A_838, %dma_wait3A_2774] : memref<1000000x32xf32, #tpu.memory_space<hbm>> -> memref<256x32xf32, #tpu.memory_space<hbm>>
    %dma_wait3A_2776 = arith.constant 0 : i32
    %dma_wait3A_2777 = tpu.memref_slice %arg2[%multiple_of3A_838, %dma_wait3A_2776] : memref<1000000x32xf32, #tpu.memory_space<hbm>> -> memref<256x32xf32, #tpu.memory_space<hbm>>
    tpu.wait_dma2 semaphore(%arg9 : memref<!tpu.dma_semaphore, #tpu.memory_space<semaphore_mem>>) src(%dma_wait3A_2777 : memref<256x32xf32, #tpu.memory_space<hbm>>) dst(%arg6 : memref<256x32xf32, #tpu.memory_space<vmem>>)
    %dma_start3A_2778 = arith.constant 0 : i32
    %dma_start3A_2779 = tpu.memref_slice %arg3[%multiple_of3A_838, %dma_start3A_2778] : memref<1000000x32xf32, #tpu.memory_space<hbm>> -> memref<256x32xf32, #tpu.memory_space<hbm>>
    %dma_start3A_2780 = arith.constant 0 : i32
    %dma_start3A_2781 = tpu.memref_slice %arg3[%multiple_of3A_838, %dma_start3A_2780] : memref<1000000x32xf32, #tpu.memory_space<hbm>> -> memref<256x32xf32, #tpu.memory_space<hbm>>
    tpu.enqueue_dma source(%arg6 : memref<256x32xf32, #tpu.memory_space<vmem>>) target(%dma_start3A_2781 : memref<256x32xf32, #tpu.memory_space<hbm>>) target_semaphore(%arg12 : memref<!tpu.dma_semaphore, #tpu.memory_space<semaphore_mem>>)
    %dma_wait3A_2782 = arith.constant 0 : i32
    %dma_wait3A_2783 = tpu.memref_slice %arg3[%multiple_of3A_838, %dma_wait3A_2782] : memref<1000000x32xf32, #tpu.memory_space<hbm>> -> memref<256x32xf32, #tpu.memory_space<hbm>>
    %dma_wait3A_2784 = arith.constant 0 : i32
    %dma_wait3A_2785 = tpu.memref_slice %arg3[%multiple_of3A_838, %dma_wait3A_2784] : memref<1000000x32xf32, #tpu.memory_space<hbm>> -> memref<256x32xf32, #tpu.memory_space<hbm>>
    tpu.wait_dma2 semaphore(%arg12 : memref<!tpu.dma_semaphore, #tpu.memory_space<semaphore_mem>>) src(%arg6 : memref<256x32xf32, #tpu.memory_space<vmem>>) dst(%dma_wait3A_2785 : memref<256x32xf32, #tpu.memory_space<hbm>>)
    %dma_start3A_2786 = arith.constant 0 : i32
    %dma_start3A_2787 = tpu.memref_slice %arg2[%multiple_of3A_859, %dma_start3A_2786] : memref<1000000x32xf32, #tpu.memory_space<hbm>> -> memref<256x32xf32, #tpu.memory_space<hbm>>
    %dma_start3A_2788 = arith.constant 0 : i32
    %dma_start3A_2789 = tpu.memref_slice %arg2[%multiple_of3A_859, %dma_start3A_2788] : memref<1000000x32xf32, #tpu.memory_space<hbm>> -> memref<256x32xf32, #tpu.memory_space<hbm>>
    tpu.enqueue_dma source(%dma_start3A_2789 : memref<256x32xf32, #tpu.memory_space<hbm>>) target(%arg6 : memref<256x32xf32, #tpu.memory_space<vmem>>) target_semaphore(%arg9 : memref<!tpu.dma_semaphore, #tpu.memory_space<semaphore_mem>>)
    %dma_wait3A_2790 = arith.constant 0 : i32
    %dma_wait3A_2791 = tpu.memref_slice %arg2[%multiple_of3A_845, %dma_wait3A_2790] : memref<1000000x32xf32, #tpu.memory_space<hbm>> -> memref<256x32xf32, #tpu.memory_space<hbm>>
    %dma_wait3A_2792 = arith.constant 0 : i32
    %dma_wait3A_2793 = tpu.memref_slice %arg2[%multiple_of3A_845, %dma_wait3A_2792] : memref<1000000x32xf32, #tpu.memory_space<hbm>> -> memref<256x32xf32, #tpu.memory_space<hbm>>
    tpu.wait_dma2 semaphore(%arg7 : memref<!tpu.dma_semaphore, #tpu.memory_space<semaphore_mem>>) src(%dma_wait3A_2793 : memref<256x32xf32, #tpu.memory_space<hbm>>) dst(%arg4 : memref<256x32xf32, #tpu.memory_space<vmem>>)
    %dma_start3A_2794 = arith.constant 0 : i32
    %dma_start3A_2795 = tpu.memref_slice %arg3[%multiple_of3A_845, %dma_start3A_2794] : memref<1000000x32xf32, #tpu.memory_space<hbm>> -> memref<256x32xf32, #tpu.memory_space<hbm>>
    %dma_start3A_2796 = arith.constant 0 : i32
    %dma_start3A_2797 = tpu.memref_slice %arg3[%multiple_of3A_845, %dma_start3A_2796] : memref<1000000x32xf32, #tpu.memory_space<hbm>> -> memref<256x32xf32, #tpu.memory_space<hbm>>
    tpu.enqueue_dma source(%arg4 : memref<256x32xf32, #tpu.memory_space<vmem>>) target(%dma_start3A_2797 : memref<256x32xf32, #tpu.memory_space<hbm>>) target_semaphore(%arg10 : memref<!tpu.dma_semaphore, #tpu.memory_space<semaphore_mem>>)
    %dma_wait3A_2798 = arith.constant 0 : i32
    %dma_wait3A_2799 = tpu.memref_slice %arg2[%multiple_of3A_852, %dma_wait3A_2798] : memref<1000000x32xf32, #tpu.memory_space<hbm>> -> memref<256x32xf32, #tpu.memory_space<hbm>>
    %dma_wait3A_2800 = arith.constant 0 : i32
    %dma_wait3A_2801 = tpu.memref_slice %arg2[%multiple_of3A_852, %dma_wait3A_2800] : memref<1000000x32xf32, #tpu.memory_space<hbm>> -> memref<256x32xf32, #tpu.memory_space<hbm>>
    tpu.wait_dma2 semaphore(%arg8 : memref<!tpu.dma_semaphore, #tpu.memory_space<semaphore_mem>>) src(%dma_wait3A_2801 : memref<256x32xf32, #tpu.memory_space<hbm>>) dst(%arg5 : memref<256x32xf32, #tpu.memory_space<vmem>>)
    %dma_start3A_2802 = arith.constant 0 : i32
    %dma_start3A_2803 = tpu.memref_slice %arg3[%multiple_of3A_852, %dma_start3A_2802] : memref<1000000x32xf32, #tpu.memory_space<hbm>> -> memref<256x32xf32, #tpu.memory_space<hbm>>
    %dma_start3A_2804 = arith.constant 0 : i32
    %dma_start3A_2805 = tpu.memref_slice %arg3[%multiple_of3A_852, %dma_start3A_2804] : memref<1000000x32xf32, #tpu.memory_space<hbm>> -> memref<256x32xf32, #tpu.memory_space<hbm>>
    tpu.enqueue_dma source(%arg5 : memref<256x32xf32, #tpu.memory_space<vmem>>) target(%dma_start3A_2805 : memref<256x32xf32, #tpu.memory_space<hbm>>) target_semaphore(%arg11 : memref<!tpu.dma_semaphore, #tpu.memory_space<semaphore_mem>>)
    %dma_wait3A_2806 = arith.constant 0 : i32
    %dma_wait3A_2807 = tpu.memref_slice %arg2[%multiple_of3A_859, %dma_wait3A_2806] : memref<1000000x32xf32, #tpu.memory_space<hbm>> -> memref<256x32xf32, #tpu.memory_space<hbm>>
    %dma_wait3A_2808 = arith.constant 0 : i32
    %dma_wait3A_2809 = tpu.memref_slice %arg2[%multiple_of3A_859, %dma_wait3A_2808] : memref<1000000x32xf32, #tpu.memory_space<hbm>> -> memref<256x32xf32, #tpu.memory_space<hbm>>
    tpu.wait_dma2 semaphore(%arg9 : memref<!tpu.dma_semaphore, #tpu.memory_space<semaphore_mem>>) src(%dma_wait3A_2809 : memref<256x32xf32, #tpu.memory_space<hbm>>) dst(%arg6 : memref<256x32xf32, #tpu.memory_space<vmem>>)
    %dma_start3A_2810 = arith.constant 0 : i32
    %dma_start3A_2811 = tpu.memref_slice %arg3[%multiple_of3A_859, %dma_start3A_2810] : memref<1000000x32xf32, #tpu.memory_space<hbm>> -> memref<256x32xf32, #tpu.memory_space<hbm>>
    %dma_start3A_2812 = arith.constant 0 : i32
    %dma_start3A_2813 = tpu.memref_slice %arg3[%multiple_of3A_859, %dma_start3A_2812] : memref<1000000x32xf32, #tpu.memory_space<hbm>> -> memref<256x32xf32, #tpu.memory_space<hbm>>
    tpu.enqueue_dma source(%arg6 : memref<256x32xf32, #tpu.memory_space<vmem>>) target(%dma_start3A_2813 : memref<256x32xf32, #tpu.memory_space<hbm>>) target_semaphore(%arg12 : memref<!tpu.dma_semaphore, #tpu.memory_space<semaphore_mem>>)
    %dma_wait3A_2814 = arith.constant 0 : i32
    %dma_wait3A_2815 = tpu.memref_slice %arg3[%multiple_of3A_845, %dma_wait3A_2814] : memref<1000000x32xf32, #tpu.memory_space<hbm>> -> memref<256x32xf32, #tpu.memory_space<hbm>>
    %dma_wait3A_2816 = arith.constant 0 : i32
    %dma_wait3A_2817 = tpu.memref_slice %arg3[%multiple_of3A_845, %dma_wait3A_2816] : memref<1000000x32xf32, #tpu.memory_space<hbm>> -> memref<256x32xf32, #tpu.memory_space<hbm>>
    tpu.wait_dma2 semaphore(%arg10 : memref<!tpu.dma_semaphore, #tpu.memory_space<semaphore_mem>>) src(%arg4 : memref<256x32xf32, #tpu.memory_space<vmem>>) dst(%dma_wait3A_2817 : memref<256x32xf32, #tpu.memory_space<hbm>>)
    %dma_wait3A_2818 = arith.constant 0 : i32
    %dma_wait3A_2819 = tpu.memref_slice %arg3[%multiple_of3A_852, %dma_wait3A_2818] : memref<1000000x32xf32, #tpu.memory_space<hbm>> -> memref<256x32xf32, #tpu.memory_space<hbm>>
    %dma_wait3A_2820 = arith.constant 0 : i32
    %dma_wait3A_2821 = tpu.memref_slice %arg3[%multiple_of3A_852, %dma_wait3A_2820] : memref<1000000x32xf32, #tpu.memory_space<hbm>> -> memref<256x32xf32, #tpu.memory_space<hbm>>
    tpu.wait_dma2 semaphore(%arg11 : memref<!tpu.dma_semaphore, #tpu.memory_space<semaphore_mem>>) src(%arg5 : memref<256x32xf32, #tpu.memory_space<vmem>>) dst(%dma_wait3A_2821 : memref<256x32xf32, #tpu.memory_space<hbm>>)
    %dma_wait3A_2822 = arith.constant 0 : i32
    %dma_wait3A_2823 = tpu.memref_slice %arg3[%multiple_of3A_859, %dma_wait3A_2822] : memref<1000000x32xf32, #tpu.memory_space<hbm>> -> memref<256x32xf32, #tpu.memory_space<hbm>>
    %dma_wait3A_2824 = arith.constant 0 : i32
    %dma_wait3A_2825 = tpu.memref_slice %arg3[%multiple_of3A_859, %dma_wait3A_2824] : memref<1000000x32xf32, #tpu.memory_space<hbm>> -> memref<256x32xf32, #tpu.memory_space<hbm>>
    tpu.wait_dma2 semaphore(%arg12 : memref<!tpu.dma_semaphore, #tpu.memory_space<semaphore_mem>>) src(%arg6 : memref<256x32xf32, #tpu.memory_space<vmem>>) dst(%dma_wait3A_2825 : memref<256x32xf32, #tpu.memory_space<hbm>>)
    return
  }
}

module attributes {stable_mosaic.version = 14 : i64} {
  func.func @_tc_copy_body(%arg0: i32, %arg1: memref<4000x32xf32, #tpu.memory_space<vmem>>, %arg2: memref<4000x32xf32, #tpu.memory_space<vmem>>) attributes {dimension_semantics = [#tpu.dimension_semantics<arbitrary>], iteration_bounds = array<i64: 25>, scalar_prefetch = 0 : i64, scratch_operands = 0 : i64, tpu.core_type = #tpu.core_type<tc>, window_params = [{transform_indices = @transform_0, window_bounds = array<i64: 4000, 32>}, {transform_indices = @transform_1, window_bounds = array<i64: 4000, 32>}]} {
    %get3A = arith.constant 0 : index
    %get3A_0 = arith.constant 0 : index
    %get3A_1 = vector.load %arg1[%get3A, %get3A_0] : memref<4000x32xf32, #tpu.memory_space<vmem>>, vector<4000x32xf32>
    %swap3A = arith.constant 0 : index
    %swap3A_2 = arith.constant 0 : index
    %swap3A_3 = vector.load %arg2[%swap3A, %swap3A_2] : memref<4000x32xf32, #tpu.memory_space<vmem>>, vector<4000x32xf32>
    tpu.vector_store %arg2[%swap3A, %swap3A_2], %get3A_1 {strides = array<i32>} : memref<4000x32xf32, #tpu.memory_space<vmem>>, vector<4000x32xf32>,
    return
  }
  func.func @transform_0(%arg0: i32) -> (i32, i32) {
    %c0_i32 = arith.constant 0 : i32
    %c0_i32_0 = arith.constant 0 : i32
    return %arg0, %c0_i32 : i32, i32
  }
  func.func @transform_1(%arg0: i32) -> (i32, i32) {
    %c0_i32 = arith.constant 0 : i32
    %c0_i32_0 = arith.constant 0 : i32
    return %arg0, %c0_i32 : i32, i32
  }
}

</mosaic_0001>

<sc_bundles>
// kernel: kernel.4.cloned.1.call-start
scs
__scs_entry_jumppad:
0x0: {  	(pc) =	sbr.rel $0x88, $3  }
0x1: {  	(tag) =	ssettag $0x0;
	lr =	simm.s32 $0x1  }
0x2: {  	[smem:$0x3F9F] =	sst lr;
	_ =	strace $0xD0000000  }
0x3: {  	_ = 	snop  }
0x4: {  	_ = 	snop  }
0x5: {  	_ = 	snop  }
0x6: {  	_ = 	snop  }
0x7: {  	_ = 	snop  }
__scs_overlays_trampoline_lowered:
0x8: {  	[smem:$0x3FAE] =	sst s0  }
0x9: {  	[smem:$0x3FAF] =	sst s1  }
0xa: {  	[smem:$0x3FB0] =	sst s2  }
0xb: {  	[smem:$0x3FB1] =	sst s3  }
0xc: {  	[smem:$0x3FB2] =	sst s4  }
0xd: {  	[smem:$0x3FB3] =	sst s5  }
0xe: {  	[smem:$0x3FB4] =	sst s6  }
0xf: {  	[smem:$0x3FB5] =	sst s7  }
0x10: {  	[smem:$0x3FB6] =	sst s8  }
0x11: {  	[smem:$0x3FB7] =	sst s9;
	s0 =	simm.s32 @!p0 $0x0  }
0x12: {  	s1 =	sld [smem:$0x3F9D];
	s0 =	simm.s32 @p0 $0x1  }
0x13: {  	[smem:$0x3FB8] =	sst s0;
	s0 =	simm.s32 @!p1 $0x0  }
0x14: {  	s2 =	sld [smem:$0x3F9C];
	s0 =	simm.s32 @p1 $0x1  }
0x15: {  	[smem:$0x3FB9] =	sst s0;
	s0 =	simm.s32 @!p2 $0x0  }
0x16: {  	s3 =	sld [smem:$0x3FDB];
	s0 =	simm.s32 @p2 $0x1  }
0x17: {  	s4 =	simm.s32 $0x1BF5;
	[smem:$0x3FBB] =	sst s0  }
0x18: {  	s0 =	sld [smem:$0x3F9E];
	_ =	swait.ge [sflag:s4], $0x0  }
0x19: {  	s7 =	sld [smem:$0x3F9F]  }
0x1a: {  	s8 =	sadd.s32 $0xFFFFE003, lr  }
0x1b: {  	s9 =	sadd.s32 $0xFFFFFEF7, lr;
	s5 =	simm.s32 $0xFFFFFFFF;
	p2 =	slt.u32 s8, $0xFFFFF086  }
0x1c: {  	p1 =	slt.u32 s9, $0xF7A;
	s5 =	simm.s32 @!p2 $0x0  }
0x1d: {  	s5 =	simm.s32 @p1 $0x1;
	p0 =	seq.s32 s7, s2  }
0x1e: {  	s7 =	smul.u32 @!p0 $0xF7A, s2;
	p2 =	seq.s32 @!p0 s5, $0x0  }
0x1f: {  	s9 =	smul.u32 $0xF7A, s1;
	s8 =	simm.s32 @!p0 $0x1BF5;
	p2 =	por !p2, p0  }
0x20: {  	[sflag:s8] =	ssyncset.s32 @!p0 $0xFFFFF086;
	s6 =	sadd.s32 @!p0 s3, s7;
	s7 =	simm.s32 @!p0 $0x108  }
0x21: {  	s3 =	sadd.s32 s3, s9;
	s6 =	sadd.s32 @!p0 $0x88, s6;
	s7 =	simm.s32 @p2 $0x1082  }
0x22: {  	[simem:s7], [sflag:s8] =	dma.local @!p0 [hbm:s6], $0xF7A  }
0x23: {  	s9 =	sor.u32 $0xD0000000, s2;
	s6 =	simm.s32 $0x108;
	_ =	swait.ge @!p0 [sflag:s8], $0x0  }
0x24: {  	s3 =	sadd.s32 $0x88, s3;
	s6 =	simm.s32 @!p1 $0x1082;
	[sflag:s4] =	ssyncset.s32 $0xFFFFF086  }
0x25: {  	[simem:s6], [sflag:s4] =	dma.local [hbm:s3], $0xF7A  }
0x26: {  	[smem:$0x3F9F] =	sst s1;
	(tag) =	ssettag s2;
	_ =	strace s9  }
0x27: {  	s1 =	sld [smem:$0x3FAF]  }
0x28: {  	s2 =	sld [smem:$0x3FB0]  }
0x29: {  	s4 =	sld [smem:$0x3FB2]  }
0x2a: {  	p0 =	seq.s32 s5, $0x0;
	s5 =	sld [smem:$0x3FB3]  }
0x2b: {  	s6 =	sld [smem:$0x3FB4]  }
0x2c: {  	s7 =	sld [smem:$0x3FB5]  }
0x2d: {  	s3 =	simm.s32 $0x108;
	s8 =	sld [smem:$0x3FB6]  }
0x2e: {  	s3 =	simm.s32 @!p0 $0x1082;
	s9 =	sld [smem:$0x3FB7]  }
0x2f: {  	lr =	sadd.s32 s0, s3;
	s0 =	sld [smem:$0x3FAE]  }
0x30: {  	s3 =	sld [smem:$0x3FB1]  }
0x31: {  	[smem:$0x3FBA] =	sst s10  }
0x32: {  	s10 =	sld [smem:$0x3FB8];
	_ =	sdelay $0x3  }
0x33: {  	p0 =	seq.s32 s10, $0x1;
	s10 =	sld [smem:$0x3FBA];
	_ =	sdelay $0x3  }
0x34: {  	[smem:$0x3FBA] =	sst s10  }
0x35: {  	s10 =	sld [smem:$0x3FB9];
	_ =	sdelay $0x3  }
0x36: {  	p1 =	seq.s32 s10, $0x1;
	s10 =	sld [smem:$0x3FBA];
	_ =	sdelay $0x3  }
0x37: {  	[smem:$0x3FBA] =	sst s10  }
0x38: {  	s10 =	sld [smem:$0x3FBB]  }
0x39: {  	_ = 	snop;
	(pc) =	sbr.ind lr, $3  }
0x3a: {  	_ = 	snop  }
0x3b: {  	_ = 	snop  }
0x3c: {  	p2 =	seq.s32 s10, $0x1;
	s10 =	sld [smem:$0x3FBA]  }
0x3d: {  	_ =	shalt  }
0x3e: {  	_ =	shalt  }
0x3f: {  	_ =	shalt  }
0x40: {  	_ =	shalt  }
0x41: {  	_ =	shalt  }
0x42: {  	_ =	shalt  }
0x43: {  	_ =	shalt  }
0x44: {  	_ =	shalt  }
0x45: {  	_ =	shalt  }
0x46: {  	_ =	shalt  }
0x47: {  	_ =	shalt  }
0x48: {  	_ =	shalt  }
0x49: {  	_ =	shalt  }
0x4a: {  	_ =	shalt  }
0x4b: {  	_ =	shalt  }
0x4c: {  	_ =	shalt  }
0x4d: {  	_ =	shalt  }
0x4e: {  	_ =	shalt  }
0x4f: {  	_ =	shalt  }
0x50: {  	_ =	shalt  }
0x51: {  	_ =	shalt  }
0x52: {  	_ =	shalt  }
0x53: {  	_ =	shalt  }
0x54: {  	_ =	shalt  }
0x55: {  	_ =	shalt  }
0x56: {  	_ =	shalt  }
0x57: {  	_ =	shalt  }
0x58: {  	_ =	shalt  }
0x59: {  	_ =	shalt  }
0x5a: {  	_ =	shalt  }
0x5b: {  	_ =	shalt  }
0x5c: {  	_ =	shalt  }
0x5d: {  	_ =	shalt  }
0x5e: {  	_ =	shalt  }
0x5f: {  	_ =	shalt  }
0x60: {  	_ =	shalt  }
0x61: {  	_ =	shalt  }
0x62: {  	_ =	shalt  }
0x63: {  	_ =	shalt  }
0x64: {  	_ =	shalt  }
0x65: {  	_ =	shalt  }
0x66: {  	_ =	shalt  }
0x67: {  	_ =	shalt  }
0x68: {  	_ =	shalt  }
0x69: {  	_ =	shalt  }
0x6a: {  	_ =	shalt  }
0x6b: {  	_ =	shalt  }
0x6c: {  	_ =	shalt  }
0x6d: {  	_ =	shalt  }
0x6e: {  	_ =	shalt  }
0x6f: {  	_ =	shalt  }
0x70: {  	_ =	shalt  }
0x71: {  	_ =	shalt  }
0x72: {  	_ =	shalt  }
0x73: {  	_ =	shalt  }
0x74: {  	_ =	shalt  }
0x75: {  	_ =	shalt  }
0x76: {  	_ =	shalt  }
0x77: {  	_ =	shalt  }
0x78: {  	_ =	shalt  }
0x79: {  	_ =	shalt  }
0x7a: {  	_ =	shalt  }
0x7b: {  	_ =	shalt  }
0x7c: {  	_ =	shalt  }
0x7d: {  	_ =	shalt  }
0x7e: {  	_ =	shalt  }
0x7f: {  	_ =	shalt  }
0x80: {  	_ =	shalt  }
0x81: {  	_ =	shalt  }
0x82: {  	_ =	shalt  }
0x83: {  	_ =	shalt  }
0x84: {  	_ =	shalt  }
0x85: {  	_ =	shalt  }
0x86: {  	_ =	shalt  }
0x87: {  	_ =	shalt  }
.Lfunc_end0:
.L_simem_size_0:
called_computation_lowered:
.L_overlay_start_0:
0x88: {  	s2 =	sld [smem:$0x3FD9]  }
0x89: {  	s3 =	sld [smem:$0x3FFE];
	_ =	sdelay $0x1  }
0x8a: {  	s1 =	srdreg.scid  }
0x8b: {  	s0 =	sand.u32 $0x1, s1  }
0x8c: {  	s16 =	sshll.u32 s0, $0xA;
	s2 =	sadd.s32 s3, s2  }
0x8d: {  	s2 =	sadd.s32 s2, s16  }
0x8e: {  	[smem:$0x3FC6] =	sst s2  }
0x8f: {  	_ = 	snop  }
0x90: {  	(tm) =	ssettm $0x1  }
0x91: {  	s17 =	sld [smem:$0x3FFB];
	_ =	sdelay $0x3  }
0x92: {  	_ =	strace s17  }
0x93: {  	s2 =	sld [smem:$0x3FFC];
	_ =	sdelay $0x3  }
0x94: {  	_ =	strace s2  }
0x95: {  	s2 =	sld [smem:$0x3FFD];
	_ =	sdelay $0x3  }
0x96: {  	_ =	strace s2  }
0x97: {  	_ =	strace $0x8FFFFFFF  }
0x98: {  	s18 =	sld [smem:$0x3FDB];
	_ =	sdelay $0x1  }
0x99: {  	s19 =	simm.s32 $_scs_section_size  }
0x9a: {  	s4 =	simm.s32 $_size__tile_overlayer_lowered;
	s5 =	simm.s32 $_tile_overlayer_lowered  }
0x9b: {  	s22 =	simm.s32 $0x1BFF;
	s21 =	sshll.u32 s5, $0x1;
	s2 =	sadd.s32 s19, s18  }
0x9c: {  	s6 =	simm.s32 $0x0;
	s20 =	sshll.u32 s4, $0x1;
	s4 =	sadd.s32 s21, s2  }
0x9d: {  	[timem:s6], [sflag:s22] =	dma.local [hbm:s4], s20  }
0x9e: {  	_ =	swait.ge [sflag:s22], s20  }
0x9f: {  	s3 =	ssub.s32 $0x0, s20;
	[sflag:s22] =	ssyncset.done $0x0  }
0xa0: {  	[sflag:s22] =	ssyncadd.s32 s3;
	_ =	sdelay $0x1  }
0xa1: {  	s23 =	simm.s32 $0x1B8B  }
0xa2: {  	_ =	swait.ge [sflag:s23], $0x1  }
0xa3: {  	[sflag:s23] =	ssyncset.done $0x0  }
0xa4: {  	s25 =	simm.s32 $0x1B8E;
	s24 =	sld [smem:$0x3FFE];
	[sflag:s23] =	ssyncadd.s32 $0xFFFFFFFF  }
0xa5: {  	s26 =	simm.s32 $execute0_lowered;
	[smem:$0x3FD2] =	sst s25  }
0xa6: {  	s4 =	sshll.u32 s26, $0x1;
	_ =	strace $0x80000046;
	[dreg:$0x1] =	wrdreg $0xFFFFFFFF  }
0xa7: {  	s28 =	simm.s32 $_size_execute0_lowered;
	s2 =	sadd.s32 s2, s4;
	[dreg:$0x0] =	wrdreg $0x0  }
0xa8: {  	s4 =	sshll.u32 s28, $0x1;
	[dreg:$0x2] =	wrdreg s2  }
0xa9: {  	[dreg:$0x3] =	wrdreg s4  }
0xaa: {  	[dreg:$0x4] =	wrdreg $0xC0  }
0xab: {  	_ =	task [dreg:s6], $0x5FFFF  }
0xac: {  	[dreg:$0x1] =	wrdreg $0xFFFFFFFF  }
0xad: {  	[dreg:$0x0] =	wrdreg $0x60  }
0xae: {  	[dreg:$0x2] =	wrdreg s24  }
0xaf: {  	[dreg:$0x3] =	wrdreg $0x9  }
0xb0: {  	_ =	task.clear_ibuf [dreg:s6], $0x4FFFF;
	_ =	strace $0x90000046  }
0xb1: {  	s29 =	simm.s32 $0x9;
	_ =	strace $0x80000048  }
0xb2: {  	_ =	swait.ge [sflag:s29], $0x1  }
0xb3: {  	[sflag:s29] =	ssyncadd.s32 $0xFFFFFFFF  }
0xb4: {  	_ =	strace $0x90000048  }
0xb5: {  	_ =	sfence  }
0xb6: {  	s30 =	sld [smem:$0x0];
	_ =	sdelay $0x2  }
0xb7: {  	s31 =	sshll.u32 s1, $0xD;
	s1 =	sshrl.u32 s1, $0x2  }
0xb8: {  	s3 =	sand.u32 $0x4000, s31;
	s1 =	sadd.s32 s1, s30  }
0xb9: {  	s0 =	sor.u32 s3, s0;
	s1 =	sshll.u32 s1, $0x11  }
0xba: {  	s0 =	sor.u32 s1, s0  }
0xbb: {  	s0 =	sadd.s32 $0x8F2B, s0  }
0xbc: {  	[sflag:s0] =	ssyncadd.remote.s32 $0x1  }
0xbd: {  	_ =	sfence.sel $0xFFFF  }
0xbe: {  	[dreg:$0x0] =	wrdreg $0xFFFFFFFF;
	(pc) =	sbr.abs _section_cstart, $3  }
0xbf: {  	[dreg:$0x1] =	wrdreg $0xFFFFFFFF  }
0xc0: {  	_ =	task.clear_ibuf [dreg:s6], $0x2FFFF;
	_ =	strace $0x9FFFFFFF  }
0xc1: {  	(tm) =	ssettm $0x7FFFFFFF  }
tec
execute0_lowered:
.L_overlay_start_1:
0x0: {  	(tag) =	ssettag $0x1  }
0x1: {  	s1 =	srdreg.scid  }
0x2: {  	s0 =	stileid.u32;
	s4 =	sand.u32 $0x1, s1  }
0x3: {  	s25 =	sshll.u32 s0, $0x9;
	s3 =	sshll.u32 s4, $0x8  }
0x4: {  	s5 =	rddreg [dreg:$0x0];
	s2 =	simm.s32 $0x0;
	s3 =	sor.u32 s3, s25  }
0x5: {  	[smem:$0x7FF] =	sst s2;
	s1 =	sadd.s32 $0x600, s5;
	s17 =	sshll.u32 s3, $0x4  }
0x6: {  	_ =	strace $0x80000047;
	s6 =	sadd.s32 s1, s17;
	s7 =	sor.u32 $0x20000, s17  }
0x7: {  	s8 =	sor.u32 $0x40000, s17;
	[dreg:$0x2] =	wrdreg s6;
	s26 =	sadd.s32 s1, s7  }
0x8: {  	s22 =	sadd.s32 $0xF42A00, s5;
	s0 =	sadd.s32 s1, s8;
	[dreg:$0x3] =	wrdreg s26  }
0x9: {  	s9 =	sor.u32 $0x60000, s17;
	s6 =	sadd.s32 s22, s17;
	[dreg:$0x4] =	wrdreg s0  }
0xa: {  	s10 =	sadd.s32 s1, s9;
	[dreg:$0x5] =	wrdreg s6  }
0xb: {  	s12 =	sor.u32 $0x80000, s17;
	s11 =	sadd.s32 s22, s7;
	[dreg:$0x6] =	wrdreg s10  }
0xc: {  	s13 =	sadd.s32 s1, s12;
	[dreg:$0x7] =	wrdreg s11  }
0xd: {  	s15 =	sor.u32 $0xA0000, s17;
	s14 =	sadd.s32 s22, s8;
	[dreg:$0x8] =	wrdreg s13  }
0xe: {  	s16 =	sadd.s32 s1, s15;
	[dreg:$0x9] =	wrdreg s14  }
0xf: {  	s19 =	sor.u32 $0xC0000, s17;
	s18 =	sadd.s32 s22, s9;
	[dreg:$0xa] =	wrdreg s16  }
0x10: {  	s20 =	sadd.s32 s1, s19;
	[dreg:$0xb] =	wrdreg s18  }
0x11: {  	s23 =	sor.u32 $0xE0000, s17;
	s21 =	sadd.s32 s22, s12;
	[dreg:$0xc] =	wrdreg s20  }
0x12: {  	s24 =	sadd.s32 s1, s23;
	[dreg:$0xd] =	wrdreg s21  }
0x13: {  	s25 =	sadd.s32 s22, s15;
	[dreg:$0xe] =	wrdreg s24  }
0x14: {  	s9 =	sor.u32 $0x120000, s17;
	[dreg:$0xf] =	wrdreg s25;
	s6 =	sadd.s32 s22, s19  }
0x15: {  	s10 =	sadd.s32 s1, s9;
	[dreg:$0x11] =	wrdreg s6  }
0x16: {  	s12 =	sor.u32 $0x140000, s17;
	s11 =	sadd.s32 s22, s23;
	[dreg:$0x12] =	wrdreg s10  }
0x17: {  	s15 =	sor.u32 $0x160000, s17;
	s13 =	sadd.s32 s1, s12;
	[dreg:$0x13] =	wrdreg s11  }
0x18: {  	s16 =	sadd.s32 s1, s15;
	[dreg:$0x14] =	wrdreg s13  }
0x19: {  	s18 =	sadd.s32 s22, s9;
	[dreg:$0x16] =	wrdreg s16  }
0x1a: {  	s21 =	sadd.s32 s22, s12;
	[dreg:$0x17] =	wrdreg s18  }
0x1b: {  	s26 =	sor.u32 $0x100000, s17;
	s25 =	sadd.s32 s22, s15;
	[dreg:$0x19] =	wrdreg s21  }
0x1c: {  	s0 =	sadd.s32 s1, s26;
	[dreg:$0x1b] =	wrdreg s25  }
0x1d: {  	s19 =	sor.u32 $0x180000, s17;
	s14 =	sadd.s32 s22, s26;
	[dreg:$0x10] =	wrdreg s0  }
0x1e: {  	s23 =	sor.u32 $0x1A0000, s17;
	s20 =	sadd.s32 s1, s19;
	[dreg:$0x15] =	wrdreg s14  }
0x1f: {  	s24 =	sadd.s32 s1, s23;
	[dreg:$0x18] =	wrdreg s20  }
0x20: {  	s9 =	sor.u32 $0x1E0000, s17;
	s6 =	sadd.s32 s22, s19;
	[dreg:$0x1a] =	wrdreg s24  }
0x21: {  	s10 =	sadd.s32 s1, s9;
	[dreg:$0x1d] =	wrdreg s6  }
0x22: {  	s12 =	sor.u32 $0x200000, s17;
	s11 =	sadd.s32 s22, s23;
	[dreg:$0x1e] =	wrdreg s10  }
0x23: {  	s15 =	sor.u32 $0x220000, s17;
	s13 =	sadd.s32 s1, s12;
	[dreg:$0x1f] =	wrdreg s11  }
0x24: {  	s16 =	sadd.s32 s1, s15;
	[smem:$0x739] =	sst s13  }
0x25: {  	s18 =	sadd.s32 s22, s9;
	[smem:$0x73B] =	sst s16  }
0x26: {  	s21 =	sadd.s32 s22, s12;
	[smem:$0x73C] =	sst s18  }
0x27: {  	s26 =	sor.u32 $0x1C0000, s17;
	s25 =	sadd.s32 s22, s15;
	[smem:$0x73E] =	sst s21  }
0x28: {  	s0 =	sadd.s32 s1, s26;
	[smem:$0x740] =	sst s25  }
0x29: {  	s19 =	sor.u32 $0x240000, s17;
	s14 =	sadd.s32 s22, s26;
	[dreg:$0x1c] =	wrdreg s0  }
0x2a: {  	s23 =	sor.u32 $0x260000, s17;
	s20 =	sadd.s32 s1, s19;
	[smem:$0x73A] =	sst s14  }
0x2b: {  	s24 =	sadd.s32 s1, s23;
	[smem:$0x73D] =	sst s20  }
0x2c: {  	s9 =	sor.u32 $0x2A0000, s17;
	s6 =	sadd.s32 s22, s19;
	[smem:$0x73F] =	sst s24  }
0x2d: {  	s10 =	sadd.s32 s1, s9;
	[smem:$0x742] =	sst s6  }
0x2e: {  	s12 =	sor.u32 $0x2C0000, s17;
	s11 =	sadd.s32 s22, s23;
	[smem:$0x743] =	sst s10  }
0x2f: {  	s15 =	sor.u32 $0x2E0000, s17;
	s13 =	sadd.s32 s1, s12;
	[smem:$0x744] =	sst s11  }
0x30: {  	s16 =	sadd.s32 s1, s15;
	[smem:$0x745] =	sst s13  }
0x31: {  	s18 =	sadd.s32 s22, s9;
	[smem:$0x747] =	sst s16  }
0x32: {  	s21 =	sadd.s32 s22, s12;
	[smem:$0x748] =	sst s18  }
0x33: {  	s26 =	sor.u32 $0x280000, s17;
	s25 =	sadd.s32 s22, s15;
	[smem:$0x74A] =	sst s21  }
0x34: {  	s0 =	sadd.s32 s1, s26;
	[smem:$0x74C] =	sst s25  }
0x35: {  	s19 =	sor.u32 $0x300000, s17;
	s14 =	sadd.s32 s22, s26;
	[smem:$0x741] =	sst s0  }
0x36: {  	s23 =	sor.u32 $0x320000, s17;
	s20 =	sadd.s32 s1, s19;
	[smem:$0x746] =	sst s14  }
0x37: {  	s24 =	sadd.s32 s1, s23;
	[smem:$0x749] =	sst s20  }
0x38: {  	s9 =	sor.u32 $0x360000, s17;
	s6 =	sadd.s32 s22, s19;
	[smem:$0x74B] =	sst s24  }
0x39: {  	s10 =	sadd.s32 s1, s9;
	[smem:$0x74E] =	sst s6  }
0x3a: {  	s12 =	sor.u32 $0x380000, s17;
	s11 =	sadd.s32 s22, s23;
	[smem:$0x74F] =	sst s10  }
0x3b: {  	s15 =	sor.u32 $0x3A0000, s17;
	s13 =	sadd.s32 s1, s12;
	[smem:$0x750] =	sst s11  }
0x3c: {  	s16 =	sadd.s32 s1, s15;
	[smem:$0x751] =	sst s13  }
0x3d: {  	s18 =	sadd.s32 s22, s9;
	[smem:$0x753] =	sst s16  }
0x3e: {  	s21 =	sadd.s32 s22, s12;
	[smem:$0x754] =	sst s18  }
0x3f: {  	s26 =	sor.u32 $0x340000, s17;
	s25 =	sadd.s32 s22, s15;
	[smem:$0x756] =	sst s21  }
0x40: {  	s0 =	sadd.s32 s1, s26;
	[smem:$0x758] =	sst s25  }
0x41: {  	s19 =	sor.u32 $0x3C0000, s17;
	s14 =	sadd.s32 s22, s26;
	[smem:$0x74D] =	sst s0  }
0x42: {  	s23 =	sor.u32 $0x3E0000, s17;
	s20 =	sadd.s32 s1, s19;
	[smem:$0x752] =	sst s14  }
0x43: {  	s24 =	sadd.s32 s1, s23;
	[smem:$0x755] =	sst s20  }
0x44: {  	s9 =	sor.u32 $0x420000, s17;
	s6 =	sadd.s32 s22, s19;
	[smem:$0x757] =	sst s24  }
0x45: {  	s10 =	sadd.s32 s1, s9;
	[smem:$0x75A] =	sst s6  }
0x46: {  	s12 =	sor.u32 $0x440000, s17;
	s11 =	sadd.s32 s22, s23;
	[smem:$0x75B] =	sst s10  }
0x47: {  	s15 =	sor.u32 $0x460000, s17;
	s13 =	sadd.s32 s1, s12;
	[smem:$0x75C] =	sst s11  }
0x48: {  	s16 =	sadd.s32 s1, s15;
	[smem:$0x75D] =	sst s13  }
0x49: {  	s18 =	sadd.s32 s22, s9;
	[smem:$0x75F] =	sst s16  }
0x4a: {  	s21 =	sadd.s32 s22, s12;
	[smem:$0x760] =	sst s18  }
0x4b: {  	s26 =	sor.u32 $0x400000, s17;
	s25 =	sadd.s32 s22, s15;
	[smem:$0x762] =	sst s21  }
0x4c: {  	s0 =	sadd.s32 s1, s26;
	[smem:$0x764] =	sst s25  }
0x4d: {  	s19 =	sor.u32 $0x480000, s17;
	s14 =	sadd.s32 s22, s26;
	[smem:$0x759] =	sst s0  }
0x4e: {  	s23 =	sor.u32 $0x4A0000, s17;
	s20 =	sadd.s32 s1, s19;
	[smem:$0x75E] =	sst s14  }
0x4f: {  	s24 =	sadd.s32 s1, s23;
	[smem:$0x761] =	sst s20  }
0x50: {  	s9 =	sor.u32 $0x4E0000, s17;
	s6 =	sadd.s32 s22, s19;
	[smem:$0x763] =	sst s24  }
0x51: {  	s10 =	sadd.s32 s1, s9;
	[smem:$0x766] =	sst s6  }
0x52: {  	s12 =	sor.u32 $0x500000, s17;
	s11 =	sadd.s32 s22, s23;
	[smem:$0x767] =	sst s10  }
0x53: {  	s15 =	sor.u32 $0x520000, s17;
	s13 =	sadd.s32 s1, s12;
	[smem:$0x768] =	sst s11  }
0x54: {  	s16 =	sadd.s32 s1, s15;
	[smem:$0x769] =	sst s13  }
0x55: {  	s18 =	sadd.s32 s22, s9;
	[smem:$0x76B] =	sst s16  }
0x56: {  	s21 =	sadd.s32 s22, s12;
	[smem:$0x76C] =	sst s18  }
0x57: {  	s26 =	sor.u32 $0x4C0000, s17;
	s25 =	sadd.s32 s22, s15;
	[smem:$0x76E] =	sst s21  }
0x58: {  	s0 =	sadd.s32 s1, s26;
	[smem:$0x770] =	sst s25  }
0x59: {  	s19 =	sor.u32 $0x540000, s17;
	s14 =	sadd.s32 s22, s26;
	[smem:$0x765] =	sst s0  }
0x5a: {  	s23 =	sor.u32 $0x560000, s17;
	s20 =	sadd.s32 s1, s19;
	[smem:$0x76A] =	sst s14  }
0x5b: {  	s24 =	sadd.s32 s1, s23;
	[smem:$0x76D] =	sst s20  }
0x5c: {  	s9 =	sor.u32 $0x5A0000, s17;
	s6 =	sadd.s32 s22, s19;
	[smem:$0x76F] =	sst s24  }
0x5d: {  	s10 =	sadd.s32 s1, s9;
	[smem:$0x772] =	sst s6  }
0x5e: {  	s12 =	sor.u32 $0x5C0000, s17;
	s11 =	sadd.s32 s22, s23;
	[smem:$0x773] =	sst s10  }
0x5f: {  	s15 =	sor.u32 $0x5E0000, s17;
	s13 =	sadd.s32 s1, s12;
	[smem:$0x774] =	sst s11  }
0x60: {  	s16 =	sadd.s32 s1, s15;
	[smem:$0x775] =	sst s13  }
0x61: {  	s18 =	sadd.s32 s22, s9;
	[smem:$0x777] =	sst s16  }
0x62: {  	s21 =	sadd.s32 s22, s12;
	[smem:$0x778] =	sst s18  }
0x63: {  	s26 =	sor.u32 $0x580000, s17;
	s25 =	sadd.s32 s22, s15;
	[smem:$0x77A] =	sst s21  }
0x64: {  	s0 =	sadd.s32 s1, s26;
	[smem:$0x77C] =	sst s25  }
0x65: {  	s19 =	sor.u32 $0x600000, s17;
	s14 =	sadd.s32 s22, s26;
	[smem:$0x771] =	sst s0  }
0x66: {  	s23 =	sor.u32 $0x620000, s17;
	s20 =	sadd.s32 s1, s19;
	[smem:$0x776] =	sst s14  }
0x67: {  	s24 =	sadd.s32 s1, s23;
	[smem:$0x779] =	sst s20  }
0x68: {  	s9 =	sor.u32 $0x660000, s17;
	s6 =	sadd.s32 s22, s19;
	[smem:$0x77B] =	sst s24  }
0x69: {  	s10 =	sadd.s32 s1, s9;
	[smem:$0x77E] =	sst s6  }
0x6a: {  	s12 =	sor.u32 $0x680000, s17;
	s11 =	sadd.s32 s22, s23;
	[smem:$0x77F] =	sst s10  }
0x6b: {  	s15 =	sor.u32 $0x6A0000, s17;
	s13 =	sadd.s32 s1, s12;
	[smem:$0x780] =	sst s11  }
0x6c: {  	s16 =	sadd.s32 s1, s15;
	[smem:$0x781] =	sst s13  }
0x6d: {  	s18 =	sadd.s32 s22, s9;
	[smem:$0x783] =	sst s16  }
0x6e: {  	s21 =	sadd.s32 s22, s12;
	[smem:$0x784] =	sst s18  }
0x6f: {  	s26 =	sor.u32 $0x640000, s17;
	s25 =	sadd.s32 s22, s15;
	[smem:$0x786] =	sst s21  }
0x70: {  	s0 =	sadd.s32 s1, s26;
	[smem:$0x788] =	sst s25  }
0x71: {  	s19 =	sor.u32 $0x6C0000, s17;
	s14 =	sadd.s32 s22, s26;
	[smem:$0x77D] =	sst s0  }
0x72: {  	s23 =	sor.u32 $0x6E0000, s17;
	s20 =	sadd.s32 s1, s19;
	[smem:$0x782] =	sst s14  }
0x73: {  	s24 =	sadd.s32 s1, s23;
	[smem:$0x785] =	sst s20  }
0x74: {  	s9 =	sor.u32 $0x720000, s17;
	s6 =	sadd.s32 s22, s19;
	[smem:$0x787] =	sst s24  }
0x75: {  	s10 =	sadd.s32 s1, s9;
	[smem:$0x78A] =	sst s6  }
0x76: {  	s12 =	sor.u32 $0x740000, s17;
	s11 =	sadd.s32 s22, s23;
	[smem:$0x78B] =	sst s10  }
0x77: {  	s15 =	sor.u32 $0x760000, s17;
	s13 =	sadd.s32 s1, s12;
	[smem:$0x78C] =	sst s11  }
0x78: {  	s16 =	sadd.s32 s1, s15;
	[smem:$0x78D] =	sst s13  }
0x79: {  	s18 =	sadd.s32 s22, s9;
	[smem:$0x78F] =	sst s16  }
0x7a: {  	s21 =	sadd.s32 s22, s12;
	[smem:$0x790] =	sst s18  }
0x7b: {  	s26 =	sor.u32 $0x700000, s17;
	s25 =	sadd.s32 s22, s15;
	[smem:$0x792] =	sst s21  }
0x7c: {  	s0 =	sadd.s32 s1, s26;
	[smem:$0x794] =	sst s25  }
0x7d: {  	s19 =	sor.u32 $0x780000, s17;
	s14 =	sadd.s32 s22, s26;
	[smem:$0x789] =	sst s0  }
0x7e: {  	s23 =	sor.u32 $0x7A0000, s17;
	s20 =	sadd.s32 s1, s19;
	[smem:$0x78E] =	sst s14  }
0x7f: {  	s24 =	sadd.s32 s1, s23;
	[smem:$0x791] =	sst s20  }
0x80: {  	s9 =	sor.u32 $0x7E0000, s17;
	s6 =	sadd.s32 s22, s19;
	[smem:$0x793] =	sst s24  }
0x81: {  	s10 =	sadd.s32 s1, s9;
	[smem:$0x796] =	sst s6  }
0x82: {  	s12 =	sor.u32 $0x800000, s17;
	s11 =	sadd.s32 s22, s23;
	[smem:$0x797] =	sst s10  }
0x83: {  	s15 =	sor.u32 $0x820000, s17;
	s13 =	sadd.s32 s1, s12;
	[smem:$0x798] =	sst s11  }
0x84: {  	s16 =	sadd.s32 s1, s15;
	[smem:$0x799] =	sst s13  }
0x85: {  	s18 =	sadd.s32 s22, s9;
	[smem:$0x79B] =	sst s16  }
0x86: {  	s21 =	sadd.s32 s22, s12;
	[smem:$0x79C] =	sst s18  }
0x87: {  	s26 =	sor.u32 $0x7C0000, s17;
	s25 =	sadd.s32 s22, s15;
	[smem:$0x79E] =	sst s21  }
0x88: {  	s0 =	sadd.s32 s1, s26;
	[smem:$0x7A0] =	sst s25  }
0x89: {  	s19 =	sor.u32 $0x840000, s17;
	s14 =	sadd.s32 s22, s26;
	[smem:$0x795] =	sst s0  }
0x8a: {  	s23 =	sor.u32 $0x860000, s17;
	s20 =	sadd.s32 s1, s19;
	[smem:$0x79A] =	sst s14  }
0x8b: {  	s24 =	sadd.s32 s1, s23;
	[smem:$0x79D] =	sst s20  }
0x8c: {  	s9 =	sor.u32 $0x8A0000, s17;
	s6 =	sadd.s32 s22, s19;
	[smem:$0x79F] =	sst s24  }
0x8d: {  	s10 =	sadd.s32 s1, s9;
	[smem:$0x7A2] =	sst s6  }
0x8e: {  	s12 =	sor.u32 $0x8C0000, s17;
	s11 =	sadd.s32 s22, s23;
	[smem:$0x7A3] =	sst s10  }
0x8f: {  	s15 =	sor.u32 $0x8E0000, s17;
	s13 =	sadd.s32 s1, s12;
	[smem:$0x7A4] =	sst s11  }
0x90: {  	s16 =	sadd.s32 s1, s15;
	[smem:$0x7A5] =	sst s13  }
0x91: {  	s18 =	sadd.s32 s22, s9;
	[smem:$0x7A7] =	sst s16  }
0x92: {  	s21 =	sadd.s32 s22, s12;
	[smem:$0x7A8] =	sst s18  }
0x93: {  	s26 =	sor.u32 $0x880000, s17;
	s25 =	sadd.s32 s22, s15;
	[smem:$0x7AA] =	sst s21  }
0x94: {  	s0 =	sadd.s32 s1, s26;
	[smem:$0x7AC] =	sst s25  }
0x95: {  	s19 =	sor.u32 $0x900000, s17;
	s14 =	sadd.s32 s22, s26;
	[smem:$0x7A1] =	sst s0  }
0x96: {  	s23 =	sor.u32 $0x920000, s17;
	s20 =	sadd.s32 s1, s19;
	[smem:$0x7A6] =	sst s14  }
0x97: {  	s24 =	sadd.s32 s1, s23;
	[smem:$0x7A9] =	sst s20  }
0x98: {  	s9 =	sor.u32 $0x960000, s17;
	s6 =	sadd.s32 s22, s19;
	[smem:$0x7AB] =	sst s24  }
0x99: {  	s10 =	sadd.s32 s1, s9;
	[smem:$0x7AE] =	sst s6  }
0x9a: {  	s12 =	sor.u32 $0x980000, s17;
	s11 =	sadd.s32 s22, s23;
	[smem:$0x7AF] =	sst s10  }
0x9b: {  	s15 =	sor.u32 $0x9A0000, s17;
	s13 =	sadd.s32 s1, s12;
	[smem:$0x7B0] =	sst s11  }
0x9c: {  	s16 =	sadd.s32 s1, s15;
	[smem:$0x7B1] =	sst s13  }
0x9d: {  	s18 =	sadd.s32 s22, s9;
	[smem:$0x7B3] =	sst s16  }
0x9e: {  	s21 =	sadd.s32 s22, s12;
	[smem:$0x7B4] =	sst s18  }
0x9f: {  	s26 =	sor.u32 $0x940000, s17;
	s25 =	sadd.s32 s22, s15;
	[smem:$0x7B6] =	sst s21  }
0xa0: {  	s0 =	sadd.s32 s1, s26;
	[smem:$0x7B8] =	sst s25  }
0xa1: {  	s19 =	sor.u32 $0x9C0000, s17;
	s14 =	sadd.s32 s22, s26;
	[smem:$0x7AD] =	sst s0  }
0xa2: {  	s23 =	sor.u32 $0x9E0000, s17;
	s20 =	sadd.s32 s1, s19;
	[smem:$0x7B2] =	sst s14  }
0xa3: {  	s24 =	sadd.s32 s1, s23;
	[smem:$0x7B5] =	sst s20  }
0xa4: {  	s9 =	sor.u32 $0xA20000, s17;
	s6 =	sadd.s32 s22, s19;
	[smem:$0x7B7] =	sst s24  }
0xa5: {  	s10 =	sadd.s32 s1, s9;
	[smem:$0x7BA] =	sst s6  }
0xa6: {  	s12 =	sor.u32 $0xA40000, s17;
	s11 =	sadd.s32 s22, s23;
	[smem:$0x7BB] =	sst s10  }
0xa7: {  	s15 =	sor.u32 $0xA60000, s17;
	s13 =	sadd.s32 s1, s12;
	[smem:$0x7BC] =	sst s11  }
0xa8: {  	s16 =	sadd.s32 s1, s15;
	[smem:$0x7BD] =	sst s13  }
0xa9: {  	s18 =	sadd.s32 s22, s9;
	[smem:$0x7BF] =	sst s16  }
0xaa: {  	s21 =	sadd.s32 s22, s12;
	[smem:$0x7C0] =	sst s18  }
0xab: {  	s26 =	sor.u32 $0xA00000, s17;
	s25 =	sadd.s32 s22, s15;
	[smem:$0x7C2] =	sst s21  }
0xac: {  	s0 =	sadd.s32 s1, s26;
	[smem:$0x7C4] =	sst s25  }
0xad: {  	s19 =	sor.u32 $0xA80000, s17;
	s14 =	sadd.s32 s22, s26;
	[smem:$0x7B9] =	sst s0  }
0xae: {  	s23 =	sor.u32 $0xAA0000, s17;
	s20 =	sadd.s32 s1, s19;
	[smem:$0x7BE] =	sst s14  }
0xaf: {  	s24 =	sadd.s32 s1, s23;
	[smem:$0x7C1] =	sst s20  }
0xb0: {  	s9 =	sor.u32 $0xAE0000, s17;
	s6 =	sadd.s32 s22, s19;
	[smem:$0x7C3] =	sst s24  }
0xb1: {  	s10 =	sadd.s32 s1, s9;
	[smem:$0x7C6] =	sst s6  }
0xb2: {  	s12 =	sor.u32 $0xB00000, s17;
	s11 =	sadd.s32 s22, s23;
	[smem:$0x7C7] =	sst s10  }
0xb3: {  	s15 =	sor.u32 $0xB20000, s17;
	s13 =	sadd.s32 s1, s12;
	[smem:$0x7C8] =	sst s11  }
0xb4: {  	s16 =	sadd.s32 s1, s15;
	[smem:$0x7C9] =	sst s13  }
0xb5: {  	s18 =	sadd.s32 s22, s9;
	[smem:$0x7CB] =	sst s16  }
0xb6: {  	s21 =	sadd.s32 s22, s12;
	[smem:$0x7CC] =	sst s18  }
0xb7: {  	s26 =	sor.u32 $0xAC0000, s17;
	s25 =	sadd.s32 s22, s15;
	[smem:$0x7CE] =	sst s21  }
0xb8: {  	s0 =	sadd.s32 s1, s26;
	[smem:$0x7D0] =	sst s25  }
0xb9: {  	s19 =	sor.u32 $0xB40000, s17;
	s14 =	sadd.s32 s22, s26;
	[smem:$0x7C5] =	sst s0  }
0xba: {  	s23 =	sor.u32 $0xB60000, s17;
	s20 =	sadd.s32 s1, s19;
	[smem:$0x7CA] =	sst s14  }
0xbb: {  	s24 =	sadd.s32 s1, s23;
	[smem:$0x7CD] =	sst s20  }
0xbc: {  	s9 =	sor.u32 $0xBA0000, s17;
	s6 =	sadd.s32 s22, s19;
	[smem:$0x7CF] =	sst s24  }
0xbd: {  	s10 =	sadd.s32 s1, s9;
	[smem:$0x7D2] =	sst s6  }
0xbe: {  	s12 =	sor.u32 $0xBC0000, s17;
	s11 =	sadd.s32 s22, s23;
	[smem:$0x7D3] =	sst s10  }
0xbf: {  	s15 =	sor.u32 $0xBE0000, s17;
	s13 =	sadd.s32 s1, s12;
	[smem:$0x7D4] =	sst s11  }
0xc0: {  	s16 =	sadd.s32 s1, s15;
	[smem:$0x7D5] =	sst s13  }
0xc1: {  	s18 =	sadd.s32 s22, s9;
	[smem:$0x7D7] =	sst s16  }
0xc2: {  	s21 =	sadd.s32 s22, s12;
	[smem:$0x7D8] =	sst s18  }
0xc3: {  	s26 =	sor.u32 $0xB80000, s17;
	s25 =	sadd.s32 s22, s15;
	[smem:$0x7DA] =	sst s21  }
0xc4: {  	s0 =	sadd.s32 s1, s26;
	[smem:$0x7DC] =	sst s25  }
0xc5: {  	s19 =	sor.u32 $0xC00000, s17;
	s14 =	sadd.s32 s22, s26;
	[smem:$0x7D1] =	sst s0  }
0xc6: {  	s23 =	sor.u32 $0xC20000, s17;
	s20 =	sadd.s32 s1, s19;
	[smem:$0x7D6] =	sst s14  }
0xc7: {  	s24 =	sadd.s32 s1, s23;
	[smem:$0x7D9] =	sst s20  }
0xc8: {  	s9 =	sor.u32 $0xC60000, s17;
	s6 =	sadd.s32 s22, s19;
	[smem:$0x7DB] =	sst s24  }
0xc9: {  	s10 =	sadd.s32 s1, s9;
	[smem:$0x7DE] =	sst s6  }
0xca: {  	s12 =	sor.u32 $0xC80000, s17;
	s11 =	sadd.s32 s22, s23;
	[smem:$0x7DF] =	sst s10  }
0xcb: {  	s15 =	sor.u32 $0xCA0000, s17;
	s13 =	sadd.s32 s1, s12;
	[smem:$0x7E0] =	sst s11  }
0xcc: {  	s28 =	simm.s32 $0x4;
	s16 =	sadd.s32 s1, s15;
	[smem:$0x7E1] =	sst s13  }
0xcd: {  	s29 =	simm.s32 $0x2;
	s18 =	sadd.s32 s22, s9;
	[smem:$0x7E3] =	sst s16  }
0xce: {  	s30 =	simm.s32 $0x5;
	s21 =	sadd.s32 s22, s12;
	[smem:$0x7E4] =	sst s18  }
0xcf: {  	s26 =	sor.u32 $0xC40000, s17;
	s25 =	sadd.s32 s22, s15;
	[smem:$0x7E6] =	sst s21  }
0xd0: {  	s31 =	simm.s32 $0x3;
	s0 =	sadd.s32 s1, s26;
	[smem:$0x7E8] =	sst s25  }
0xd1: {  	s19 =	sor.u32 $0xCC0000, s17;
	s14 =	sadd.s32 s22, s26;
	[smem:$0x7DD] =	sst s0  }
0xd2: {  	s23 =	sor.u32 $0xCE0000, s17;
	s20 =	sadd.s32 s1, s19;
	[smem:$0x7E2] =	sst s14  }
0xd3: {  	s4 =	ssub.s32 $0x2, s4;
	s24 =	sadd.s32 s1, s23;
	[smem:$0x7E5] =	sst s20  }
0xd4: {  	s26 =	sor.u32 $0xD00000, s17;
	s9 =	sadd.s32 s22, s19;
	[smem:$0x7E7] =	sst s24  }
0xd5: {  	s10 =	sor.u32 $0xD20000, s17;
	s12 =	sadd.s32 s22, s23;
	[smem:$0x7EA] =	sst s9  }
0xd6: {  	s13 =	sor.u32 $0xD40000, s17;
	s0 =	sadd.s32 s1, s26;
	[smem:$0x7EC] =	sst s12  }
0xd7: {  	s16 =	sor.u32 $0xD60000, s17;
	s11 =	sadd.s32 s1, s10;
	[smem:$0x7E9] =	sst s0  }
0xd8: {  	s14 =	sadd.s32 s1, s13;
	s15 =	sadd.s32 s22, s26;
	[smem:$0x7EB] =	sst s11  }
0xd9: {  	s18 =	sadd.s32 s1, s16;
	s19 =	sadd.s32 s22, s10;
	[smem:$0x7ED] =	sst s14  }
0xda: {  	s20 =	sor.u32 $0xD80000, s17;
	s23 =	sadd.s32 s22, s13;
	[smem:$0x7EE] =	sst s15  }
0xdb: {  	s24 =	sor.u32 $0xDA0000, s17;
	s26 =	sadd.s32 s22, s16;
	[smem:$0x7EF] =	sst s18  }
0xdc: {  	s12 =	sor.u32 $0xDE0000, s17;
	s9 =	sshrl.u32 s4, $0x1;
	[smem:$0x7F0] =	sst s19  }
0xdd: {  	s16 =	smin.u32 s3, $0x140;
	s21 =	sadd.s32 s1, s20;
	[smem:$0x7F2] =	sst s23  }
0xde: {  	s25 =	sadd.s32 s1, s24;
	s0 =	sor.u32 $0xDC0000, s17;
	[smem:$0x7F4] =	sst s26  }
0xdf: {  	s11 =	sadd.s32 s22, s20;
	s13 =	sadd.s32 s1, s12;
	[smem:$0x7F1] =	sst s21  }
0xe0: {  	s14 =	sadd.s32 s22, s24;
	s15 =	sor.u32 $0xE00000, s17;
	[smem:$0x7F3] =	sst s25  }
0xe1: {  	s23 =	ssub.s32 s4, s9;
	s20 =	sor.u32 $0xE20000, s17;
	[smem:$0x7F6] =	sst s11  }
0xe2: {  	s24 =	sadd.s32 s22, s12;
	s12 =	sor.u32 $0xE80000, s17;
	[smem:$0x7F7] =	sst s13  }
0xe3: {  	s10 =	sadd.s32 s1, s0;
	[smem:$0x7F8] =	sst s14;
	s18 =	sadd.s32 s1, s15  }
0xe4: {  	s19 =	sadd.s32 s22, s0;
	s21 =	sadd.s32 s1, s20;
	s25 =	sor.u32 $0xE40000, s17  }
0xe5: {  	[smem:$0x7FC] =	sst s24;
	s4 =	sadd.s32 s22, s15;
	s6 =	sadd.s32 s22, s20  }
0xe6: {  	s7 =	sadd.s32 s1, s12;
	s14 =	sor.u32 $0xEA0000, s17;
	[smem:$0x7F5] =	sst s10  }
0xe7: {  	s12 =	sadd.s32 s22, s12;
	s20 =	sor.u32 $0xF00000, s17;
	[smem:$0x7F9] =	sst s18  }
0xe8: {  	s24 =	sor.u32 $0xF20000, s17;
	s23 =	smax.u32 s23, $0x1;
	[smem:$0x7FA] =	sst s19  }
0xe9: {  	[smem:$0x7FB] =	sst s21;
	s26 =	sadd.s32 s1, s25;
	s10 =	sor.u32 $0xE60000, s17  }
0xea: {  	s8 =	sadd.s32 s22, s25;
	s9 =	sadd.s32 s1, s14;
	s18 =	sor.u32 $0xEC0000, s17  }
0xeb: {  	s19 =	sor.u32 $0xEE0000, s17;
	s14 =	sadd.s32 s22, s14;
	s15 =	sadd.s32 s1, s20  }
0xec: {  	s21 =	sshll.u32 s16, $0x4;
	s17 =	sadd.s32 s1, s24;
	s20 =	sadd.s32 s22, s20  }
0xed: {  	[smem:$0x7FD] =	sst s26;
	s5 =	sadd.s32 s1, s10;
	s10 =	sadd.s32 s22, s10  }
0xee: {  	s11 =	sadd.s32 s1, s18;
	s13 =	sadd.s32 s1, s19;
	s16 =	sadd.s32 s22, s18  }
0xef: {  	s25 =	sor.u32 $0xF40000, s21;
	s18 =	sadd.s32 s22, s19;
	s21 =	sadd.s32 s22, s24  }
0xf0: {  	s24 =	simm.s32 $0x8000;
	s26 =	simm.s32 $0x1;
	s19 =	sadd.s32 s1, s25  }
0xf1: {  	s22 =	sadd.s32 s22, s25;
	s25 =	simm.s32 $0x10000;
	s1 =	simm.s32 $0x6  }
.LBB2_1:
0xf2: {  	s0 =	rddreg [dreg:$0x2]  }
0xf3: {  	[tilespmem:s2], [sflag:$0x1] =	stream.linear.gather [hbm4b:s0+s2], $0x8000, $0x38;
	[tilespmem:$0x18000] =	vst v63  }
0xf4: {  	s3 =	rddreg [dreg:$0x3]  }
0xf5: {  	[tilespmem:s24], [sflag:$0x2] =	stream.linear.gather [hbm4b:s3+s2], $0x8000, $0x38;
	[tilespmem:$0x18000] =	vst v63  }
0xf6: {  	s0 =	rddreg [dreg:$0x4]  }
0xf7: {  	[tilespmem:s25], [sflag:$0x3] =	stream.linear.gather [hbm4b:s0+s2], $0x8000, $0x38;
	[tilespmem:$0x18000] =	vst v63  }
0xf8: {  	_ =	swait.ge [sflag:s26], $0x8000  }
0xf9: {  	[sflag:s26] =	ssyncset.done $0x0  }
0xfa: {  	s3 =	rddreg [dreg:$0x5];
	[sflag:s26] =	ssyncadd.s32 $0xFFFF8000  }
0xfb: {  	[hbm4b:s3+s2] =	stream.linear.scatter [tilespmem:s2], [sflag:$0x4], $0x8000, $0x38;
	[tilespmem:$0x18000] =	vst v63  }
0xfc: {  	_ =	swait.ge [sflag:s28], $0x8000  }
0xfd: {  	[sflag:s28] =	ssyncset.done $0x0  }
0xfe: {  	s3 =	rddreg [dreg:$0x6];
	[sflag:s28] =	ssyncadd.s32 $0xFFFF8000  }
0xff: {  	[tilespmem:s2], [sflag:$0x1] =	stream.linear.gather [hbm4b:s3+s2], $0x8000, $0x38;
	[tilespmem:$0x18000] =	vst v63  }
0x100: {  	_ =	swait.ge [sflag:s29], $0x8000  }
0x101: {  	[sflag:s29] =	ssyncset.done $0x0  }
0x102: {  	s3 =	rddreg [dreg:$0x7];
	[sflag:s29] =	ssyncadd.s32 $0xFFFF8000  }
0x103: {  	[hbm4b:s3+s2] =	stream.linear.scatter [tilespmem:s24], [sflag:$0x5], $0x8000, $0x38;
	[tilespmem:$0x18000] =	vst v63  }
0x104: {  	_ =	swait.ge [sflag:s30], $0x8000  }
0x105: {  	[sflag:s30] =	ssyncset.done $0x0  }
0x106: {  	s3 =	rddreg [dreg:$0x8];
	[sflag:s30] =	ssyncadd.s32 $0xFFFF8000  }
0x107: {  	[tilespmem:s24], [sflag:$0x2] =	stream.linear.gather [hbm4b:s3+s2], $0x8000, $0x38;
	[tilespmem:$0x18000] =	vst v63  }
0x108: {  	_ =	swait.ge [sflag:s31], $0x8000  }
0x109: {  	[sflag:s31] =	ssyncset.done $0x0  }
0x10a: {  	s3 =	rddreg [dreg:$0x9];
	[sflag:s31] =	ssyncadd.s32 $0xFFFF8000  }
0x10b: {  	[hbm4b:s3+s2] =	stream.linear.scatter [tilespmem:s25], [sflag:$0x6], $0x8000, $0x38;
	[tilespmem:$0x18000] =	vst v63  }
0x10c: {  	_ =	swait.ge [sflag:s1], $0x8000  }
0x10d: {  	[sflag:s1] =	ssyncset.done $0x0  }
0x10e: {  	s3 =	rddreg [dreg:$0xa];
	[sflag:s1] =	ssyncadd.s32 $0xFFFF8000  }
0x10f: {  	[tilespmem:s25], [sflag:$0x3] =	stream.linear.gather [hbm4b:s3+s2], $0x8000, $0x38;
	[tilespmem:$0x18000] =	vst v63  }
0x110: {  	_ =	swait.ge [sflag:s26], $0x8000  }
0x111: {  	[sflag:s26] =	ssyncset.done $0x0  }
0x112: {  	s3 =	rddreg [dreg:$0xb];
	[sflag:s26] =	ssyncadd.s32 $0xFFFF8000  }
0x113: {  	[hbm4b:s3+s2] =	stream.linear.scatter [tilespmem:s2], [sflag:$0x4], $0x8000, $0x38;
	[tilespmem:$0x18000] =	vst v63  }
0x114: {  	_ =	swait.ge [sflag:s28], $0x8000  }
0x115: {  	[sflag:s28] =	ssyncset.done $0x0  }
0x116: {  	s3 =	rddreg [dreg:$0xc];
	[sflag:s28] =	ssyncadd.s32 $0xFFFF8000  }
0x117: {  	[tilespmem:s2], [sflag:$0x1] =	stream.linear.gather [hbm4b:s3+s2], $0x8000, $0x38;
	[tilespmem:$0x18000] =	vst v63  }
0x118: {  	_ =	swait.ge [sflag:s29], $0x8000  }
0x119: {  	[sflag:s29] =	ssyncset.done $0x0  }
0x11a: {  	s3 =	rddreg [dreg:$0xd];
	[sflag:s29] =	ssyncadd.s32 $0xFFFF8000  }
0x11b: {  	[hbm4b:s3+s2] =	stream.linear.scatter [tilespmem:s24], [sflag:$0x5], $0x8000, $0x38;
	[tilespmem:$0x18000] =	vst v63  }
0x11c: {  	_ =	swait.ge [sflag:s30], $0x8000  }
0x11d: {  	[sflag:s30] =	ssyncset.done $0x0  }
0x11e: {  	s3 =	rddreg [dreg:$0xe];
	[sflag:s30] =	ssyncadd.s32 $0xFFFF8000  }
0x11f: {  	[tilespmem:s24], [sflag:$0x2] =	stream.linear.gather [hbm4b:s3+s2], $0x8000, $0x38;
	[tilespmem:$0x18000] =	vst v63  }
0x120: {  	_ =	swait.ge [sflag:s31], $0x8000  }
0x121: {  	[sflag:s31] =	ssyncset.done $0x0  }
0x122: {  	s3 =	rddreg [dreg:$0xf];
	[sflag:s31] =	ssyncadd.s32 $0xFFFF8000  }
0x123: {  	[hbm4b:s3+s2] =	stream.linear.scatter [tilespmem:s25], [sflag:$0x6], $0x8000, $0x38;
	[tilespmem:$0x18000] =	vst v63  }
0x124: {  	_ =	swait.ge [sflag:s1], $0x8000  }
0x125: {  	[sflag:s1] =	ssyncset.done $0x0  }
0x126: {  	s3 =	rddreg [dreg:$0x10];
	[sflag:s1] =	ssyncadd.s32 $0xFFFF8000  }
0x127: {  	[tilespmem:s25], [sflag:$0x3] =	stream.linear.gather [hbm4b:s3+s2], $0x8000, $0x38;
	[tilespmem:$0x18000] =	vst v63  }
0x128: {  	_ =	swait.ge [sflag:s26], $0x8000  }
0x129: {  	[sflag:s26] =	ssyncset.done $0x0  }
0x12a: {  	s3 =	rddreg [dreg:$0x11];
	[sflag:s26] =	ssyncadd.s32 $0xFFFF8000  }
0x12b: {  	[hbm4b:s3+s2] =	stream.linear.scatter [tilespmem:s2], [sflag:$0x4], $0x8000, $0x38;
	[tilespmem:$0x18000] =	vst v63  }
0x12c: {  	_ =	swait.ge [sflag:s28], $0x8000  }
0x12d: {  	[sflag:s28] =	ssyncset.done $0x0  }
0x12e: {  	s3 =	rddreg [dreg:$0x12];
	[sflag:s28] =	ssyncadd.s32 $0xFFFF8000  }
0x12f: {  	[tilespmem:s2], [sflag:$0x1] =	stream.linear.gather [hbm4b:s3+s2], $0x8000, $0x38;
	[tilespmem:$0x18000] =	vst v63  }
0x130: {  	_ =	swait.ge [sflag:s29], $0x8000  }
0x131: {  	[sflag:s29] =	ssyncset.done $0x0  }
0x132: {  	s3 =	rddreg [dreg:$0x13];
	[sflag:s29] =	ssyncadd.s32 $0xFFFF8000  }
0x133: {  	[hbm4b:s3+s2] =	stream.linear.scatter [tilespmem:s24], [sflag:$0x5], $0x8000, $0x38;
	[tilespmem:$0x18000] =	vst v63  }
0x134: {  	_ =	swait.ge [sflag:s30], $0x8000  }
0x135: {  	[sflag:s30] =	ssyncset.done $0x0  }
0x136: {  	s3 =	rddreg [dreg:$0x14];
	[sflag:s30] =	ssyncadd.s32 $0xFFFF8000  }
0x137: {  	[tilespmem:s24], [sflag:$0x2] =	stream.linear.gather [hbm4b:s3+s2], $0x8000, $0x38;
	[tilespmem:$0x18000] =	vst v63  }
0x138: {  	_ =	swait.ge [sflag:s31], $0x8000  }
0x139: {  	[sflag:s31] =	ssyncset.done $0x0  }
0x13a: {  	s3 =	rddreg [dreg:$0x15];
	[sflag:s31] =	ssyncadd.s32 $0xFFFF8000  }
0x13b: {  	[hbm4b:s3+s2] =	stream.linear.scatter [tilespmem:s25], [sflag:$0x6], $0x8000, $0x38;
	[tilespmem:$0x18000] =	vst v63  }
0x13c: {  	_ =	swait.ge [sflag:s1], $0x8000  }
0x13d: {  	[sflag:s1] =	ssyncset.done $0x0  }
0x13e: {  	s3 =	rddreg [dreg:$0x16];
	[sflag:s1] =	ssyncadd.s32 $0xFFFF8000  }
0x13f: {  	[tilespmem:s25], [sflag:$0x3] =	stream.linear.gather [hbm4b:s3+s2], $0x8000, $0x38;
	[tilespmem:$0x18000] =	vst v63  }
0x140: {  	_ =	swait.ge [sflag:s26], $0x8000  }
0x141: {  	[sflag:s26] =	ssyncset.done $0x0  }
0x142: {  	s3 =	rddreg [dreg:$0x17];
	[sflag:s26] =	ssyncadd.s32 $0xFFFF8000  }
0x143: {  	[hbm4b:s3+s2] =	stream.linear.scatter [tilespmem:s2], [sflag:$0x4], $0x8000, $0x38;
	[tilespmem:$0x18000] =	vst v63  }
0x144: {  	_ =	swait.ge [sflag:s28], $0x8000  }
0x145: {  	[sflag:s28] =	ssyncset.done $0x0  }
0x146: {  	s3 =	rddreg [dreg:$0x18];
	[sflag:s28] =	ssyncadd.s32 $0xFFFF8000  }
0x147: {  	[tilespmem:s2], [sflag:$0x1] =	stream.linear.gather [hbm4b:s3+s2], $0x8000, $0x38;
	[tilespmem:$0x18000] =	vst v63  }
0x148: {  	_ =	swait.ge [sflag:s29], $0x8000  }
0x149: {  	[sflag:s29] =	ssyncset.done $0x0  }
0x14a: {  	s3 =	rddreg [dreg:$0x19];
	[sflag:s29] =	ssyncadd.s32 $0xFFFF8000  }
0x14b: {  	[hbm4b:s3+s2] =	stream.linear.scatter [tilespmem:s24], [sflag:$0x5], $0x8000, $0x38;
	[tilespmem:$0x18000] =	vst v63  }
0x14c: {  	_ =	swait.ge [sflag:s30], $0x8000  }
0x14d: {  	[sflag:s30] =	ssyncset.done $0x0  }
0x14e: {  	s3 =	rddreg [dreg:$0x1a];
	[sflag:s30] =	ssyncadd.s32 $0xFFFF8000  }
0x14f: {  	[tilespmem:s24], [sflag:$0x2] =	stream.linear.gather [hbm4b:s3+s2], $0x8000, $0x38;
	[tilespmem:$0x18000] =	vst v63  }
0x150: {  	_ =	swait.ge [sflag:s31], $0x8000  }
0x151: {  	[sflag:s31] =	ssyncset.done $0x0  }
0x152: {  	s3 =	rddreg [dreg:$0x1b];
	[sflag:s31] =	ssyncadd.s32 $0xFFFF8000  }
0x153: {  	[hbm4b:s3+s2] =	stream.linear.scatter [tilespmem:s25], [sflag:$0x6], $0x8000, $0x38;
	[tilespmem:$0x18000] =	vst v63  }
0x154: {  	_ =	swait.ge [sflag:s1], $0x8000  }
0x155: {  	[sflag:s1] =	ssyncset.done $0x0  }
0x156: {  	s3 =	rddreg [dreg:$0x1c];
	[sflag:s1] =	ssyncadd.s32 $0xFFFF8000  }
0x157: {  	[tilespmem:s25], [sflag:$0x3] =	stream.linear.gather [hbm4b:s3+s2], $0x8000, $0x38;
	[tilespmem:$0x18000] =	vst v63  }
0x158: {  	_ =	swait.ge [sflag:s26], $0x8000  }
0x159: {  	[sflag:s26] =	ssyncset.done $0x0  }
0x15a: {  	s3 =	rddreg [dreg:$0x1d];
	[sflag:s26] =	ssyncadd.s32 $0xFFFF8000  }
0x15b: {  	[hbm4b:s3+s2] =	stream.linear.scatter [tilespmem:s2], [sflag:$0x4], $0x8000, $0x38;
	[tilespmem:$0x18000] =	vst v63  }
0x15c: {  	_ =	swait.ge [sflag:s28], $0x8000  }
0x15d: {  	[sflag:s28] =	ssyncset.done $0x0  }
0x15e: {  	s3 =	rddreg [dreg:$0x1e];
	[sflag:s28] =	ssyncadd.s32 $0xFFFF8000  }
0x15f: {  	[tilespmem:s2], [sflag:$0x1] =	stream.linear.gather [hbm4b:s3+s2], $0x8000, $0x38;
	[tilespmem:$0x18000] =	vst v63  }
0x160: {  	_ =	swait.ge [sflag:s29], $0x8000  }
0x161: {  	[sflag:s29] =	ssyncset.done $0x0  }
0x162: {  	s3 =	rddreg [dreg:$0x1f];
	[sflag:s29] =	ssyncadd.s32 $0xFFFF8000  }
0x163: {  	[hbm4b:s3+s2] =	stream.linear.scatter [tilespmem:s24], [sflag:$0x5], $0x8000, $0x38;
	[tilespmem:$0x18000] =	vst v63  }
0x164: {  	_ =	swait.ge [sflag:s30], $0x8000  }
0x165: {  	s3 =	sld [smem:$0x739]  }
0x166: {  	[sflag:s30] =	ssyncset.done $0x0  }
0x167: {  	[sflag:s30] =	ssyncadd.s32 $0xFFFF8000  }
0x168: {  	[tilespmem:s24], [sflag:$0x2] =	stream.linear.gather [hbm4b:s3+s2], $0x8000, $0x38;
	[tilespmem:$0x18000] =	vst v63  }
0x169: {  	_ =	swait.ge [sflag:s31], $0x8000  }
0x16a: {  	s3 =	sld [smem:$0x73A]  }
0x16b: {  	[sflag:s31] =	ssyncset.done $0x0  }
0x16c: {  	[sflag:s31] =	ssyncadd.s32 $0xFFFF8000  }
0x16d: {  	[hbm4b:s3+s2] =	stream.linear.scatter [tilespmem:s25], [sflag:$0x6], $0x8000, $0x38;
	[tilespmem:$0x18000] =	vst v63  }
0x16e: {  	_ =	swait.ge [sflag:s1], $0x8000  }
0x16f: {  	s3 =	sld [smem:$0x73B]  }
0x170: {  	[sflag:s1] =	ssyncset.done $0x0  }
0x171: {  	[sflag:s1] =	ssyncadd.s32 $0xFFFF8000  }
0x172: {  	[tilespmem:s25], [sflag:$0x3] =	stream.linear.gather [hbm4b:s3+s2], $0x8000, $0x38;
	[tilespmem:$0x18000] =	vst v63  }
0x173: {  	_ =	swait.ge [sflag:s26], $0x8000  }
0x174: {  	s3 =	sld [smem:$0x73C]  }
0x175: {  	[sflag:s26] =	ssyncset.done $0x0  }
0x176: {  	[sflag:s26] =	ssyncadd.s32 $0xFFFF8000  }
0x177: {  	[hbm4b:s3+s2] =	stream.linear.scatter [tilespmem:s2], [sflag:$0x4], $0x8000, $0x38;
	[tilespmem:$0x18000] =	vst v63  }
0x178: {  	_ =	swait.ge [sflag:s28], $0x8000  }
0x179: {  	s3 =	sld [smem:$0x73D]  }
0x17a: {  	[sflag:s28] =	ssyncset.done $0x0  }
0x17b: {  	[sflag:s28] =	ssyncadd.s32 $0xFFFF8000  }
0x17c: {  	[tilespmem:s2], [sflag:$0x1] =	stream.linear.gather [hbm4b:s3+s2], $0x8000, $0x38;
	[tilespmem:$0x18000] =	vst v63  }
0x17d: {  	_ =	swait.ge [sflag:s29], $0x8000  }
0x17e: {  	s3 =	sld [smem:$0x73E]  }
0x17f: {  	[sflag:s29] =	ssyncset.done $0x0  }
0x180: {  	[sflag:s29] =	ssyncadd.s32 $0xFFFF8000  }
0x181: {  	[hbm4b:s3+s2] =	stream.linear.scatter [tilespmem:s24], [sflag:$0x5], $0x8000, $0x38;
	[tilespmem:$0x18000] =	vst v63  }
0x182: {  	_ =	swait.ge [sflag:s30], $0x8000  }
0x183: {  	s3 =	sld [smem:$0x73F]  }
0x184: {  	[sflag:s30] =	ssyncset.done $0x0  }
0x185: {  	[sflag:s30] =	ssyncadd.s32 $0xFFFF8000  }
0x186: {  	[tilespmem:s24], [sflag:$0x2] =	stream.linear.gather [hbm4b:s3+s2], $0x8000, $0x38;
	[tilespmem:$0x18000] =	vst v63  }
0x187: {  	_ =	swait.ge [sflag:s31], $0x8000  }
0x188: {  	s3 =	sld [smem:$0x740]  }
0x189: {  	[sflag:s31] =	ssyncset.done $0x0  }
0x18a: {  	[sflag:s31] =	ssyncadd.s32 $0xFFFF8000  }
0x18b: {  	[hbm4b:s3+s2] =	stream.linear.scatter [tilespmem:s25], [sflag:$0x6], $0x8000, $0x38;
	[tilespmem:$0x18000] =	vst v63  }
0x18c: {  	_ =	swait.ge [sflag:s1], $0x8000  }
0x18d: {  	s3 =	sld [smem:$0x741]  }
0x18e: {  	[sflag:s1] =	ssyncset.done $0x0  }
0x18f: {  	[sflag:s1] =	ssyncadd.s32 $0xFFFF8000  }
0x190: {  	[tilespmem:s25], [sflag:$0x3] =	stream.linear.gather [hbm4b:s3+s2], $0x8000, $0x38;
	[tilespmem:$0x18000] =	vst v63  }
0x191: {  	_ =	swait.ge [sflag:s26], $0x8000  }
0x192: {  	s3 =	sld [smem:$0x742]  }
0x193: {  	[sflag:s26] =	ssyncset.done $0x0  }
0x194: {  	[sflag:s26] =	ssyncadd.s32 $0xFFFF8000  }
0x195: {  	[hbm4b:s3+s2] =	stream.linear.scatter [tilespmem:s2], [sflag:$0x4], $0x8000, $0x38;
	[tilespmem:$0x18000] =	vst v63  }
0x196: {  	_ =	swait.ge [sflag:s28], $0x8000  }
0x197: {  	s3 =	sld [smem:$0x743]  }
0x198: {  	[sflag:s28] =	ssyncset.done $0x0  }
0x199: {  	[sflag:s28] =	ssyncadd.s32 $0xFFFF8000  }
0x19a: {  	[tilespmem:s2], [sflag:$0x1] =	stream.linear.gather [hbm4b:s3+s2], $0x8000, $0x38;
	[tilespmem:$0x18000] =	vst v63  }
0x19b: {  	_ =	swait.ge [sflag:s29], $0x8000  }
0x19c: {  	s3 =	sld [smem:$0x744]  }
0x19d: {  	[sflag:s29] =	ssyncset.done $0x0  }
0x19e: {  	[sflag:s29] =	ssyncadd.s32 $0xFFFF8000  }
0x19f: {  	[hbm4b:s3+s2] =	stream.linear.scatter [tilespmem:s24], [sflag:$0x5], $0x8000, $0x38;
	[tilespmem:$0x18000] =	vst v63  }
0x1a0: {  	_ =	swait.ge [sflag:s30], $0x8000  }
0x1a1: {  	s3 =	sld [smem:$0x745]  }
0x1a2: {  	[sflag:s30] =	ssyncset.done $0x0  }
0x1a3: {  	[sflag:s30] =	ssyncadd.s32 $0xFFFF8000  }
0x1a4: {  	[tilespmem:s24], [sflag:$0x2] =	stream.linear.gather [hbm4b:s3+s2], $0x8000, $0x38;
	[tilespmem:$0x18000] =	vst v63  }
0x1a5: {  	_ =	swait.ge [sflag:s31], $0x8000  }
0x1a6: {  	s3 =	sld [smem:$0x746]  }
0x1a7: {  	[sflag:s31] =	ssyncset.done $0x0  }
0x1a8: {  	[sflag:s31] =	ssyncadd.s32 $0xFFFF8000  }
0x1a9: {  	[hbm4b:s3+s2] =	stream.linear.scatter [tilespmem:s25], [sflag:$0x6], $0x8000, $0x38;
	[tilespmem:$0x18000] =	vst v63  }
0x1aa: {  	_ =	swait.ge [sflag:s1], $0x8000  }
0x1ab: {  	s3 =	sld [smem:$0x747]  }
0x1ac: {  	[sflag:s1] =	ssyncset.done $0x0  }
0x1ad: {  	[sflag:s1] =	ssyncadd.s32 $0xFFFF8000  }
0x1ae: {  	[tilespmem:s25], [sflag:$0x3] =	stream.linear.gather [hbm4b:s3+s2], $0x8000, $0x38;
	[tilespmem:$0x18000] =	vst v63  }
0x1af: {  	_ =	swait.ge [sflag:s26], $0x8000  }
0x1b0: {  	s3 =	sld [smem:$0x748]  }
0x1b1: {  	[sflag:s26] =	ssyncset.done $0x0  }
0x1b2: {  	[sflag:s26] =	ssyncadd.s32 $0xFFFF8000  }
0x1b3: {  	[hbm4b:s3+s2] =	stream.linear.scatter [tilespmem:s2], [sflag:$0x4], $0x8000, $0x38;
	[tilespmem:$0x18000] =	vst v63  }
0x1b4: {  	_ =	swait.ge [sflag:s28], $0x8000  }
0x1b5: {  	s3 =	sld [smem:$0x749]  }
0x1b6: {  	[sflag:s28] =	ssyncset.done $0x0  }
0x1b7: {  	[sflag:s28] =	ssyncadd.s32 $0xFFFF8000  }
0x1b8: {  	[tilespmem:s2], [sflag:$0x1] =	stream.linear.gather [hbm4b:s3+s2], $0x8000, $0x38;
	[tilespmem:$0x18000] =	vst v63  }
0x1b9: {  	_ =	swait.ge [sflag:s29], $0x8000  }
0x1ba: {  	s3 =	sld [smem:$0x74A]  }
0x1bb: {  	[sflag:s29] =	ssyncset.done $0x0  }
0x1bc: {  	[sflag:s29] =	ssyncadd.s32 $0xFFFF8000  }
0x1bd: {  	[hbm4b:s3+s2] =	stream.linear.scatter [tilespmem:s24], [sflag:$0x5], $0x8000, $0x38;
	[tilespmem:$0x18000] =	vst v63  }
0x1be: {  	_ =	swait.ge [sflag:s30], $0x8000  }
0x1bf: {  	s3 =	sld [smem:$0x74B]  }
0x1c0: {  	[sflag:s30] =	ssyncset.done $0x0  }
0x1c1: {  	[sflag:s30] =	ssyncadd.s32 $0xFFFF8000  }
0x1c2: {  	[tilespmem:s24], [sflag:$0x2] =	stream.linear.gather [hbm4b:s3+s2], $0x8000, $0x38;
	[tilespmem:$0x18000] =	vst v63  }
0x1c3: {  	_ =	swait.ge [sflag:s31], $0x8000  }
0x1c4: {  	s3 =	sld [smem:$0x74C]  }
0x1c5: {  	[sflag:s31] =	ssyncset.done $0x0  }
0x1c6: {  	[sflag:s31] =	ssyncadd.s32 $0xFFFF8000  }
0x1c7: {  	[hbm4b:s3+s2] =	stream.linear.scatter [tilespmem:s25], [sflag:$0x6], $0x8000, $0x38;
	[tilespmem:$0x18000] =	vst v63  }
0x1c8: {  	_ =	swait.ge [sflag:s1], $0x8000  }
0x1c9: {  	s3 =	sld [smem:$0x74D]  }
0x1ca: {  	[sflag:s1] =	ssyncset.done $0x0  }
0x1cb: {  	[sflag:s1] =	ssyncadd.s32 $0xFFFF8000  }
0x1cc: {  	[tilespmem:s25], [sflag:$0x3] =	stream.linear.gather [hbm4b:s3+s2], $0x8000, $0x38;
	[tilespmem:$0x18000] =	vst v63  }
0x1cd: {  	_ =	swait.ge [sflag:s26], $0x8000  }
0x1ce: {  	s3 =	sld [smem:$0x74E]  }
0x1cf: {  	[sflag:s26] =	ssyncset.done $0x0  }
0x1d0: {  	[sflag:s26] =	ssyncadd.s32 $0xFFFF8000  }
0x1d1: {  	[hbm4b:s3+s2] =	stream.linear.scatter [tilespmem:s2], [sflag:$0x4], $0x8000, $0x38;
	[tilespmem:$0x18000] =	vst v63  }
0x1d2: {  	_ =	swait.ge [sflag:s28], $0x8000  }
0x1d3: {  	s3 =	sld [smem:$0x74F]  }
0x1d4: {  	[sflag:s28] =	ssyncset.done $0x0  }
0x1d5: {  	[sflag:s28] =	ssyncadd.s32 $0xFFFF8000  }
0x1d6: {  	[tilespmem:s2], [sflag:$0x1] =	stream.linear.gather [hbm4b:s3+s2], $0x8000, $0x38;
	[tilespmem:$0x18000] =	vst v63  }
0x1d7: {  	_ =	swait.ge [sflag:s29], $0x8000  }
0x1d8: {  	s3 =	sld [smem:$0x750]  }
0x1d9: {  	[sflag:s29] =	ssyncset.done $0x0  }
0x1da: {  	[sflag:s29] =	ssyncadd.s32 $0xFFFF8000  }
0x1db: {  	[hbm4b:s3+s2] =	stream.linear.scatter [tilespmem:s24], [sflag:$0x5], $0x8000, $0x38;
	[tilespmem:$0x18000] =	vst v63  }
0x1dc: {  	_ =	swait.ge [sflag:s30], $0x8000  }
0x1dd: {  	s3 =	sld [smem:$0x751]  }
0x1de: {  	[sflag:s30] =	ssyncset.done $0x0  }
0x1df: {  	[sflag:s30] =	ssyncadd.s32 $0xFFFF8000  }
0x1e0: {  	[tilespmem:s24], [sflag:$0x2] =	stream.linear.gather [hbm4b:s3+s2], $0x8000, $0x38;
	[tilespmem:$0x18000] =	vst v63  }
0x1e1: {  	_ =	swait.ge [sflag:s31], $0x8000  }
0x1e2: {  	s3 =	sld [smem:$0x752]  }
0x1e3: {  	[sflag:s31] =	ssyncset.done $0x0  }
0x1e4: {  	[sflag:s31] =	ssyncadd.s32 $0xFFFF8000  }
0x1e5: {  	[hbm4b:s3+s2] =	stream.linear.scatter [tilespmem:s25], [sflag:$0x6], $0x8000, $0x38;
	[tilespmem:$0x18000] =	vst v63  }
0x1e6: {  	_ =	swait.ge [sflag:s1], $0x8000  }
0x1e7: {  	s3 =	sld [smem:$0x753]  }
0x1e8: {  	[sflag:s1] =	ssyncset.done $0x0  }
0x1e9: {  	[sflag:s1] =	ssyncadd.s32 $0xFFFF8000  }
0x1ea: {  	[tilespmem:s25], [sflag:$0x3] =	stream.linear.gather [hbm4b:s3+s2], $0x8000, $0x38;
	[tilespmem:$0x18000] =	vst v63  }
0x1eb: {  	_ =	swait.ge [sflag:s26], $0x8000  }
0x1ec: {  	s3 =	sld [smem:$0x754]  }
0x1ed: {  	[sflag:s26] =	ssyncset.done $0x0  }
0x1ee: {  	[sflag:s26] =	ssyncadd.s32 $0xFFFF8000  }
0x1ef: {  	[hbm4b:s3+s2] =	stream.linear.scatter [tilespmem:s2], [sflag:$0x4], $0x8000, $0x38;
	[tilespmem:$0x18000] =	vst v63  }
0x1f0: {  	_ =	swait.ge [sflag:s28], $0x8000  }
0x1f1: {  	s3 =	sld [smem:$0x755]  }
0x1f2: {  	[sflag:s28] =	ssyncset.done $0x0  }
0x1f3: {  	[sflag:s28] =	ssyncadd.s32 $0xFFFF8000  }
0x1f4: {  	[tilespmem:s2], [sflag:$0x1] =	stream.linear.gather [hbm4b:s3+s2], $0x8000, $0x38;
	[tilespmem:$0x18000] =	vst v63  }
0x1f5: {  	_ =	swait.ge [sflag:s29], $0x8000  }
0x1f6: {  	s3 =	sld [smem:$0x756]  }
0x1f7: {  	[sflag:s29] =	ssyncset.done $0x0  }
0x1f8: {  	[sflag:s29] =	ssyncadd.s32 $0xFFFF8000  }
0x1f9: {  	[hbm4b:s3+s2] =	stream.linear.scatter [tilespmem:s24], [sflag:$0x5], $0x8000, $0x38;
	[tilespmem:$0x18000] =	vst v63  }
0x1fa: {  	_ =	swait.ge [sflag:s30], $0x8000  }
0x1fb: {  	s3 =	sld [smem:$0x757]  }
0x1fc: {  	[sflag:s30] =	ssyncset.done $0x0  }
0x1fd: {  	[sflag:s30] =	ssyncadd.s32 $0xFFFF8000  }
0x1fe: {  	[tilespmem:s24], [sflag:$0x2] =	stream.linear.gather [hbm4b:s3+s2], $0x8000, $0x38;
	[tilespmem:$0x18000] =	vst v63  }
0x1ff: {  	_ =	swait.ge [sflag:s31], $0x8000  }
0x200: {  	s3 =	sld [smem:$0x758]  }
0x201: {  	[sflag:s31] =	ssyncset.done $0x0  }
0x202: {  	[sflag:s31] =	ssyncadd.s32 $0xFFFF8000  }
0x203: {  	[hbm4b:s3+s2] =	stream.linear.scatter [tilespmem:s25], [sflag:$0x6], $0x8000, $0x38;
	[tilespmem:$0x18000] =	vst v63  }
0x204: {  	_ =	swait.ge [sflag:s1], $0x8000  }
0x205: {  	s3 =	sld [smem:$0x759]  }
0x206: {  	[sflag:s1] =	ssyncset.done $0x0  }
0x207: {  	[sflag:s1] =	ssyncadd.s32 $0xFFFF8000  }
0x208: {  	[tilespmem:s25], [sflag:$0x3] =	stream.linear.gather [hbm4b:s3+s2], $0x8000, $0x38;
	[tilespmem:$0x18000] =	vst v63  }
0x209: {  	_ =	swait.ge [sflag:s26], $0x8000  }
0x20a: {  	s3 =	sld [smem:$0x75A]  }
0x20b: {  	[sflag:s26] =	ssyncset.done $0x0  }
0x20c: {  	[sflag:s26] =	ssyncadd.s32 $0xFFFF8000  }
0x20d: {  	[hbm4b:s3+s2] =	stream.linear.scatter [tilespmem:s2], [sflag:$0x4], $0x8000, $0x38;
	[tilespmem:$0x18000] =	vst v63  }
0x20e: {  	_ =	swait.ge [sflag:s28], $0x8000  }
0x20f: {  	s3 =	sld [smem:$0x75B]  }
0x210: {  	[sflag:s28] =	ssyncset.done $0x0  }
0x211: {  	[sflag:s28] =	ssyncadd.s32 $0xFFFF8000  }
0x212: {  	[tilespmem:s2], [sflag:$0x1] =	stream.linear.gather [hbm4b:s3+s2], $0x8000, $0x38;
	[tilespmem:$0x18000] =	vst v63  }
0x213: {  	_ =	swait.ge [sflag:s29], $0x8000  }
0x214: {  	s3 =	sld [smem:$0x75C]  }
0x215: {  	[sflag:s29] =	ssyncset.done $0x0  }
0x216: {  	[sflag:s29] =	ssyncadd.s32 $0xFFFF8000  }
0x217: {  	[hbm4b:s3+s2] =	stream.linear.scatter [tilespmem:s24], [sflag:$0x5], $0x8000, $0x38;
	[tilespmem:$0x18000] =	vst v63  }
0x218: {  	_ =	swait.ge [sflag:s30], $0x8000  }
0x219: {  	s3 =	sld [smem:$0x75D]  }
0x21a: {  	[sflag:s30] =	ssyncset.done $0x0  }
0x21b: {  	[sflag:s30] =	ssyncadd.s32 $0xFFFF8000  }
0x21c: {  	[tilespmem:s24], [sflag:$0x2] =	stream.linear.gather [hbm4b:s3+s2], $0x8000, $0x38;
	[tilespmem:$0x18000] =	vst v63  }
0x21d: {  	_ =	swait.ge [sflag:s31], $0x8000  }
0x21e: {  	s3 =	sld [smem:$0x75E]  }
0x21f: {  	[sflag:s31] =	ssyncset.done $0x0  }
0x220: {  	[sflag:s31] =	ssyncadd.s32 $0xFFFF8000  }
0x221: {  	[hbm4b:s3+s2] =	stream.linear.scatter [tilespmem:s25], [sflag:$0x6], $0x8000, $0x38;
	[tilespmem:$0x18000] =	vst v63  }
0x222: {  	_ =	swait.ge [sflag:s1], $0x8000  }
0x223: {  	s3 =	sld [smem:$0x75F]  }
0x224: {  	[sflag:s1] =	ssyncset.done $0x0  }
0x225: {  	[sflag:s1] =	ssyncadd.s32 $0xFFFF8000  }
0x226: {  	[tilespmem:s25], [sflag:$0x3] =	stream.linear.gather [hbm4b:s3+s2], $0x8000, $0x38;
	[tilespmem:$0x18000] =	vst v63  }
0x227: {  	_ =	swait.ge [sflag:s26], $0x8000  }
0x228: {  	s3 =	sld [smem:$0x760]  }
0x229: {  	[sflag:s26] =	ssyncset.done $0x0  }
0x22a: {  	[sflag:s26] =	ssyncadd.s32 $0xFFFF8000  }
0x22b: {  	[hbm4b:s3+s2] =	stream.linear.scatter [tilespmem:s2], [sflag:$0x4], $0x8000, $0x38;
	[tilespmem:$0x18000] =	vst v63  }
0x22c: {  	_ =	swait.ge [sflag:s28], $0x8000  }
0x22d: {  	s3 =	sld [smem:$0x761]  }
0x22e: {  	[sflag:s28] =	ssyncset.done $0x0  }
0x22f: {  	[sflag:s28] =	ssyncadd.s32 $0xFFFF8000  }
0x230: {  	[tilespmem:s2], [sflag:$0x1] =	stream.linear.gather [hbm4b:s3+s2], $0x8000, $0x38;
	[tilespmem:$0x18000] =	vst v63  }
0x231: {  	_ =	swait.ge [sflag:s29], $0x8000  }
0x232: {  	s3 =	sld [smem:$0x762]  }
0x233: {  	[sflag:s29] =	ssyncset.done $0x0  }
0x234: {  	[sflag:s29] =	ssyncadd.s32 $0xFFFF8000  }
0x235: {  	[hbm4b:s3+s2] =	stream.linear.scatter [tilespmem:s24], [sflag:$0x5], $0x8000, $0x38;
	[tilespmem:$0x18000] =	vst v63  }
0x236: {  	_ =	swait.ge [sflag:s30], $0x8000  }
0x237: {  	s3 =	sld [smem:$0x763]  }
0x238: {  	[sflag:s30] =	ssyncset.done $0x0  }
0x239: {  	[sflag:s30] =	ssyncadd.s32 $0xFFFF8000  }
0x23a: {  	[tilespmem:s24], [sflag:$0x2] =	stream.linear.gather [hbm4b:s3+s2], $0x8000, $0x38;
	[tilespmem:$0x18000] =	vst v63  }
0x23b: {  	_ =	swait.ge [sflag:s31], $0x8000  }
0x23c: {  	s3 =	sld [smem:$0x764]  }
0x23d: {  	[sflag:s31] =	ssyncset.done $0x0  }
0x23e: {  	[sflag:s31] =	ssyncadd.s32 $0xFFFF8000  }
0x23f: {  	[hbm4b:s3+s2] =	stream.linear.scatter [tilespmem:s25], [sflag:$0x6], $0x8000, $0x38;
	[tilespmem:$0x18000] =	vst v63  }
0x240: {  	_ =	swait.ge [sflag:s1], $0x8000  }
0x241: {  	s3 =	sld [smem:$0x765]  }
0x242: {  	[sflag:s1] =	ssyncset.done $0x0  }
0x243: {  	[sflag:s1] =	ssyncadd.s32 $0xFFFF8000  }
0x244: {  	[tilespmem:s25], [sflag:$0x3] =	stream.linear.gather [hbm4b:s3+s2], $0x8000, $0x38;
	[tilespmem:$0x18000] =	vst v63  }
0x245: {  	_ =	swait.ge [sflag:s26], $0x8000  }
0x246: {  	s3 =	sld [smem:$0x766]  }
0x247: {  	[sflag:s26] =	ssyncset.done $0x0  }
0x248: {  	[sflag:s26] =	ssyncadd.s32 $0xFFFF8000  }
0x249: {  	[hbm4b:s3+s2] =	stream.linear.scatter [tilespmem:s2], [sflag:$0x4], $0x8000, $0x38;
	[tilespmem:$0x18000] =	vst v63  }
0x24a: {  	_ =	swait.ge [sflag:s28], $0x8000  }
0x24b: {  	s3 =	sld [smem:$0x767]  }
0x24c: {  	[sflag:s28] =	ssyncset.done $0x0  }
0x24d: {  	[sflag:s28] =	ssyncadd.s32 $0xFFFF8000  }
0x24e: {  	[tilespmem:s2], [sflag:$0x1] =	stream.linear.gather [hbm4b:s3+s2], $0x8000, $0x38;
	[tilespmem:$0x18000] =	vst v63  }
0x24f: {  	_ =	swait.ge [sflag:s29], $0x8000  }
0x250: {  	s3 =	sld [smem:$0x768]  }
0x251: {  	[sflag:s29] =	ssyncset.done $0x0  }
0x252: {  	[sflag:s29] =	ssyncadd.s32 $0xFFFF8000  }
0x253: {  	[hbm4b:s3+s2] =	stream.linear.scatter [tilespmem:s24], [sflag:$0x5], $0x8000, $0x38;
	[tilespmem:$0x18000] =	vst v63  }
0x254: {  	_ =	swait.ge [sflag:s30], $0x8000  }
0x255: {  	s3 =	sld [smem:$0x769]  }
0x256: {  	[sflag:s30] =	ssyncset.done $0x0  }
0x257: {  	[sflag:s30] =	ssyncadd.s32 $0xFFFF8000  }
0x258: {  	[tilespmem:s24], [sflag:$0x2] =	stream.linear.gather [hbm4b:s3+s2], $0x8000, $0x38;
	[tilespmem:$0x18000] =	vst v63  }
0x259: {  	_ =	swait.ge [sflag:s31], $0x8000  }
0x25a: {  	s3 =	sld [smem:$0x76A]  }
0x25b: {  	[sflag:s31] =	ssyncset.done $0x0  }
0x25c: {  	[sflag:s31] =	ssyncadd.s32 $0xFFFF8000  }
0x25d: {  	[hbm4b:s3+s2] =	stream.linear.scatter [tilespmem:s25], [sflag:$0x6], $0x8000, $0x38;
	[tilespmem:$0x18000] =	vst v63  }
0x25e: {  	_ =	swait.ge [sflag:s1], $0x8000  }
0x25f: {  	s3 =	sld [smem:$0x76B]  }
0x260: {  	[sflag:s1] =	ssyncset.done $0x0  }
0x261: {  	[sflag:s1] =	ssyncadd.s32 $0xFFFF8000  }
0x262: {  	[tilespmem:s25], [sflag:$0x3] =	stream.linear.gather [hbm4b:s3+s2], $0x8000, $0x38;
	[tilespmem:$0x18000] =	vst v63  }
0x263: {  	_ =	swait.ge [sflag:s26], $0x8000  }
0x264: {  	s3 =	sld [smem:$0x76C]  }
0x265: {  	[sflag:s26] =	ssyncset.done $0x0  }
0x266: {  	[sflag:s26] =	ssyncadd.s32 $0xFFFF8000  }
0x267: {  	[hbm4b:s3+s2] =	stream.linear.scatter [tilespmem:s2], [sflag:$0x4], $0x8000, $0x38;
	[tilespmem:$0x18000] =	vst v63  }
0x268: {  	_ =	swait.ge [sflag:s28], $0x8000  }
0x269: {  	s3 =	sld [smem:$0x76D]  }
0x26a: {  	[sflag:s28] =	ssyncset.done $0x0  }
0x26b: {  	[sflag:s28] =	ssyncadd.s32 $0xFFFF8000  }
0x26c: {  	[tilespmem:s2], [sflag:$0x1] =	stream.linear.gather [hbm4b:s3+s2], $0x8000, $0x38;
	[tilespmem:$0x18000] =	vst v63  }
0x26d: {  	_ =	swait.ge [sflag:s29], $0x8000  }
0x26e: {  	s3 =	sld [smem:$0x76E]  }
0x26f: {  	[sflag:s29] =	ssyncset.done $0x0  }
0x270: {  	[sflag:s29] =	ssyncadd.s32 $0xFFFF8000  }
0x271: {  	[hbm4b:s3+s2] =	stream.linear.scatter [tilespmem:s24], [sflag:$0x5], $0x8000, $0x38;
	[tilespmem:$0x18000] =	vst v63  }
0x272: {  	_ =	swait.ge [sflag:s30], $0x8000  }
0x273: {  	s3 =	sld [smem:$0x76F]  }
0x274: {  	[sflag:s30] =	ssyncset.done $0x0  }
0x275: {  	[sflag:s30] =	ssyncadd.s32 $0xFFFF8000  }
0x276: {  	[tilespmem:s24], [sflag:$0x2] =	stream.linear.gather [hbm4b:s3+s2], $0x8000, $0x38;
	[tilespmem:$0x18000] =	vst v63  }
0x277: {  	_ =	swait.ge [sflag:s31], $0x8000  }
0x278: {  	s3 =	sld [smem:$0x770]  }
0x279: {  	[sflag:s31] =	ssyncset.done $0x0  }
0x27a: {  	[sflag:s31] =	ssyncadd.s32 $0xFFFF8000  }
0x27b: {  	[hbm4b:s3+s2] =	stream.linear.scatter [tilespmem:s25], [sflag:$0x6], $0x8000, $0x38;
	[tilespmem:$0x18000] =	vst v63  }
0x27c: {  	_ =	swait.ge [sflag:s1], $0x8000  }
0x27d: {  	s3 =	sld [smem:$0x771]  }
0x27e: {  	[sflag:s1] =	ssyncset.done $0x0  }
0x27f: {  	[sflag:s1] =	ssyncadd.s32 $0xFFFF8000  }
0x280: {  	[tilespmem:s25], [sflag:$0x3] =	stream.linear.gather [hbm4b:s3+s2], $0x8000, $0x38;
	[tilespmem:$0x18000] =	vst v63  }
0x281: {  	_ =	swait.ge [sflag:s26], $0x8000  }
0x282: {  	s3 =	sld [smem:$0x772]  }
0x283: {  	[sflag:s26] =	ssyncset.done $0x0  }
0x284: {  	[sflag:s26] =	ssyncadd.s32 $0xFFFF8000  }
0x285: {  	[hbm4b:s3+s2] =	stream.linear.scatter [tilespmem:s2], [sflag:$0x4], $0x8000, $0x38;
	[tilespmem:$0x18000] =	vst v63  }
0x286: {  	_ =	swait.ge [sflag:s28], $0x8000  }
0x287: {  	s3 =	sld [smem:$0x773]  }
0x288: {  	[sflag:s28] =	ssyncset.done $0x0  }
0x289: {  	[sflag:s28] =	ssyncadd.s32 $0xFFFF8000  }
0x28a: {  	[tilespmem:s2], [sflag:$0x1] =	stream.linear.gather [hbm4b:s3+s2], $0x8000, $0x38;
	[tilespmem:$0x18000] =	vst v63  }
0x28b: {  	_ =	swait.ge [sflag:s29], $0x8000  }
0x28c: {  	s3 =	sld [smem:$0x774]  }
0x28d: {  	[sflag:s29] =	ssyncset.done $0x0  }
0x28e: {  	[sflag:s29] =	ssyncadd.s32 $0xFFFF8000  }
0x28f: {  	[hbm4b:s3+s2] =	stream.linear.scatter [tilespmem:s24], [sflag:$0x5], $0x8000, $0x38;
	[tilespmem:$0x18000] =	vst v63  }
0x290: {  	_ =	swait.ge [sflag:s30], $0x8000  }
0x291: {  	s3 =	sld [smem:$0x775]  }
0x292: {  	[sflag:s30] =	ssyncset.done $0x0  }
0x293: {  	[sflag:s30] =	ssyncadd.s32 $0xFFFF8000  }
0x294: {  	[tilespmem:s24], [sflag:$0x2] =	stream.linear.gather [hbm4b:s3+s2], $0x8000, $0x38;
	[tilespmem:$0x18000] =	vst v63  }
0x295: {  	_ =	swait.ge [sflag:s31], $0x8000  }
0x296: {  	s3 =	sld [smem:$0x776]  }
0x297: {  	[sflag:s31] =	ssyncset.done $0x0  }
0x298: {  	[sflag:s31] =	ssyncadd.s32 $0xFFFF8000  }
0x299: {  	[hbm4b:s3+s2] =	stream.linear.scatter [tilespmem:s25], [sflag:$0x6], $0x8000, $0x38;
	[tilespmem:$0x18000] =	vst v63  }
0x29a: {  	_ =	swait.ge [sflag:s1], $0x8000  }
0x29b: {  	s3 =	sld [smem:$0x777]  }
0x29c: {  	[sflag:s1] =	ssyncset.done $0x0  }
0x29d: {  	[sflag:s1] =	ssyncadd.s32 $0xFFFF8000  }
0x29e: {  	[tilespmem:s25], [sflag:$0x3] =	stream.linear.gather [hbm4b:s3+s2], $0x8000, $0x38;
	[tilespmem:$0x18000] =	vst v63  }
0x29f: {  	_ =	swait.ge [sflag:s26], $0x8000  }
0x2a0: {  	s3 =	sld [smem:$0x778]  }
0x2a1: {  	[sflag:s26] =	ssyncset.done $0x0  }
0x2a2: {  	[sflag:s26] =	ssyncadd.s32 $0xFFFF8000  }
0x2a3: {  	[hbm4b:s3+s2] =	stream.linear.scatter [tilespmem:s2], [sflag:$0x4], $0x8000, $0x38;
	[tilespmem:$0x18000] =	vst v63  }
0x2a4: {  	_ =	swait.ge [sflag:s28], $0x8000  }
0x2a5: {  	s3 =	sld [smem:$0x779]  }
0x2a6: {  	[sflag:s28] =	ssyncset.done $0x0  }
0x2a7: {  	[sflag:s28] =	ssyncadd.s32 $0xFFFF8000  }
0x2a8: {  	[tilespmem:s2], [sflag:$0x1] =	stream.linear.gather [hbm4b:s3+s2], $0x8000, $0x38;
	[tilespmem:$0x18000] =	vst v63  }
0x2a9: {  	_ =	swait.ge [sflag:s29], $0x8000  }
0x2aa: {  	s3 =	sld [smem:$0x77A]  }
0x2ab: {  	[sflag:s29] =	ssyncset.done $0x0  }
0x2ac: {  	[sflag:s29] =	ssyncadd.s32 $0xFFFF8000  }
0x2ad: {  	[hbm4b:s3+s2] =	stream.linear.scatter [tilespmem:s24], [sflag:$0x5], $0x8000, $0x38;
	[tilespmem:$0x18000] =	vst v63  }
0x2ae: {  	_ =	swait.ge [sflag:s30], $0x8000  }
0x2af: {  	s3 =	sld [smem:$0x77B]  }
0x2b0: {  	[sflag:s30] =	ssyncset.done $0x0  }
0x2b1: {  	[sflag:s30] =	ssyncadd.s32 $0xFFFF8000  }
0x2b2: {  	[tilespmem:s24], [sflag:$0x2] =	stream.linear.gather [hbm4b:s3+s2], $0x8000, $0x38;
	[tilespmem:$0x18000] =	vst v63  }
0x2b3: {  	_ =	swait.ge [sflag:s31], $0x8000  }
0x2b4: {  	s3 =	sld [smem:$0x77C]  }
0x2b5: {  	[sflag:s31] =	ssyncset.done $0x0  }
0x2b6: {  	[sflag:s31] =	ssyncadd.s32 $0xFFFF8000  }
0x2b7: {  	[hbm4b:s3+s2] =	stream.linear.scatter [tilespmem:s25], [sflag:$0x6], $0x8000, $0x38;
	[tilespmem:$0x18000] =	vst v63  }
0x2b8: {  	_ =	swait.ge [sflag:s1], $0x8000  }
0x2b9: {  	s3 =	sld [smem:$0x77D]  }
0x2ba: {  	[sflag:s1] =	ssyncset.done $0x0  }
0x2bb: {  	[sflag:s1] =	ssyncadd.s32 $0xFFFF8000  }
0x2bc: {  	[tilespmem:s25], [sflag:$0x3] =	stream.linear.gather [hbm4b:s3+s2], $0x8000, $0x38;
	[tilespmem:$0x18000] =	vst v63  }
0x2bd: {  	_ =	swait.ge [sflag:s26], $0x8000  }
0x2be: {  	s3 =	sld [smem:$0x77E]  }
0x2bf: {  	[sflag:s26] =	ssyncset.done $0x0  }
0x2c0: {  	[sflag:s26] =	ssyncadd.s32 $0xFFFF8000  }
0x2c1: {  	[hbm4b:s3+s2] =	stream.linear.scatter [tilespmem:s2], [sflag:$0x4], $0x8000, $0x38;
	[tilespmem:$0x18000] =	vst v63  }
0x2c2: {  	_ =	swait.ge [sflag:s28], $0x8000  }
0x2c3: {  	s3 =	sld [smem:$0x77F]  }
0x2c4: {  	[sflag:s28] =	ssyncset.done $0x0  }
0x2c5: {  	[sflag:s28] =	ssyncadd.s32 $0xFFFF8000  }
0x2c6: {  	[tilespmem:s2], [sflag:$0x1] =	stream.linear.gather [hbm4b:s3+s2], $0x8000, $0x38;
	[tilespmem:$0x18000] =	vst v63  }
0x2c7: {  	_ =	swait.ge [sflag:s29], $0x8000  }
0x2c8: {  	s3 =	sld [smem:$0x780]  }
0x2c9: {  	[sflag:s29] =	ssyncset.done $0x0  }
0x2ca: {  	[sflag:s29] =	ssyncadd.s32 $0xFFFF8000  }
0x2cb: {  	[hbm4b:s3+s2] =	stream.linear.scatter [tilespmem:s24], [sflag:$0x5], $0x8000, $0x38;
	[tilespmem:$0x18000] =	vst v63  }
0x2cc: {  	_ =	swait.ge [sflag:s30], $0x8000  }
0x2cd: {  	s3 =	sld [smem:$0x781]  }
0x2ce: {  	[sflag:s30] =	ssyncset.done $0x0  }
0x2cf: {  	[sflag:s30] =	ssyncadd.s32 $0xFFFF8000  }
0x2d0: {  	[tilespmem:s24], [sflag:$0x2] =	stream.linear.gather [hbm4b:s3+s2], $0x8000, $0x38;
	[tilespmem:$0x18000] =	vst v63  }
0x2d1: {  	_ =	swait.ge [sflag:s31], $0x8000  }
0x2d2: {  	s3 =	sld [smem:$0x782]  }
0x2d3: {  	[sflag:s31] =	ssyncset.done $0x0  }
0x2d4: {  	[sflag:s31] =	ssyncadd.s32 $0xFFFF8000  }
0x2d5: {  	[hbm4b:s3+s2] =	stream.linear.scatter [tilespmem:s25], [sflag:$0x6], $0x8000, $0x38;
	[tilespmem:$0x18000] =	vst v63  }
0x2d6: {  	_ =	swait.ge [sflag:s1], $0x8000  }
0x2d7: {  	s3 =	sld [smem:$0x783]  }
0x2d8: {  	[sflag:s1] =	ssyncset.done $0x0  }
0x2d9: {  	[sflag:s1] =	ssyncadd.s32 $0xFFFF8000  }
0x2da: {  	[tilespmem:s25], [sflag:$0x3] =	stream.linear.gather [hbm4b:s3+s2], $0x8000, $0x38;
	[tilespmem:$0x18000] =	vst v63  }
0x2db: {  	_ =	swait.ge [sflag:s26], $0x8000  }
0x2dc: {  	s3 =	sld [smem:$0x784]  }
0x2dd: {  	[sflag:s26] =	ssyncset.done $0x0  }
0x2de: {  	[sflag:s26] =	ssyncadd.s32 $0xFFFF8000  }
0x2df: {  	[hbm4b:s3+s2] =	stream.linear.scatter [tilespmem:s2], [sflag:$0x4], $0x8000, $0x38;
	[tilespmem:$0x18000] =	vst v63  }
0x2e0: {  	_ =	swait.ge [sflag:s28], $0x8000  }
0x2e1: {  	s3 =	sld [smem:$0x785]  }
0x2e2: {  	[sflag:s28] =	ssyncset.done $0x0  }
0x2e3: {  	[sflag:s28] =	ssyncadd.s32 $0xFFFF8000  }
0x2e4: {  	[tilespmem:s2], [sflag:$0x1] =	stream.linear.gather [hbm4b:s3+s2], $0x8000, $0x38;
	[tilespmem:$0x18000] =	vst v63  }
0x2e5: {  	_ =	swait.ge [sflag:s29], $0x8000  }
0x2e6: {  	s3 =	sld [smem:$0x786]  }
0x2e7: {  	[sflag:s29] =	ssyncset.done $0x0  }
0x2e8: {  	[sflag:s29] =	ssyncadd.s32 $0xFFFF8000  }
0x2e9: {  	[hbm4b:s3+s2] =	stream.linear.scatter [tilespmem:s24], [sflag:$0x5], $0x8000, $0x38;
	[tilespmem:$0x18000] =	vst v63  }
0x2ea: {  	_ =	swait.ge [sflag:s30], $0x8000  }
0x2eb: {  	s3 =	sld [smem:$0x787]  }
0x2ec: {  	[sflag:s30] =	ssyncset.done $0x0  }
0x2ed: {  	[sflag:s30] =	ssyncadd.s32 $0xFFFF8000  }
0x2ee: {  	[tilespmem:s24], [sflag:$0x2] =	stream.linear.gather [hbm4b:s3+s2], $0x8000, $0x38;
	[tilespmem:$0x18000] =	vst v63  }
0x2ef: {  	_ =	swait.ge [sflag:s31], $0x8000  }
0x2f0: {  	s3 =	sld [smem:$0x788]  }
0x2f1: {  	[sflag:s31] =	ssyncset.done $0x0  }
0x2f2: {  	[sflag:s31] =	ssyncadd.s32 $0xFFFF8000  }
0x2f3: {  	[hbm4b:s3+s2] =	stream.linear.scatter [tilespmem:s25], [sflag:$0x6], $0x8000, $0x38;
	[tilespmem:$0x18000] =	vst v63  }
0x2f4: {  	_ =	swait.ge [sflag:s1], $0x8000  }
0x2f5: {  	s3 =	sld [smem:$0x789]  }
0x2f6: {  	[sflag:s1] =	ssyncset.done $0x0  }
0x2f7: {  	[sflag:s1] =	ssyncadd.s32 $0xFFFF8000  }
0x2f8: {  	[tilespmem:s25], [sflag:$0x3] =	stream.linear.gather [hbm4b:s3+s2], $0x8000, $0x38;
	[tilespmem:$0x18000] =	vst v63  }
0x2f9: {  	_ =	swait.ge [sflag:s26], $0x8000  }
0x2fa: {  	s3 =	sld [smem:$0x78A]  }
0x2fb: {  	[sflag:s26] =	ssyncset.done $0x0  }
0x2fc: {  	[sflag:s26] =	ssyncadd.s32 $0xFFFF8000  }
0x2fd: {  	[hbm4b:s3+s2] =	stream.linear.scatter [tilespmem:s2], [sflag:$0x4], $0x8000, $0x38;
	[tilespmem:$0x18000] =	vst v63  }
0x2fe: {  	_ =	swait.ge [sflag:s28], $0x8000  }
0x2ff: {  	s3 =	sld [smem:$0x78B]  }
0x300: {  	[sflag:s28] =	ssyncset.done $0x0  }
0x301: {  	[sflag:s28] =	ssyncadd.s32 $0xFFFF8000  }
0x302: {  	[tilespmem:s2], [sflag:$0x1] =	stream.linear.gather [hbm4b:s3+s2], $0x8000, $0x38;
	[tilespmem:$0x18000] =	vst v63  }
0x303: {  	_ =	swait.ge [sflag:s29], $0x8000  }
0x304: {  	s3 =	sld [smem:$0x78C]  }
0x305: {  	[sflag:s29] =	ssyncset.done $0x0  }
0x306: {  	[sflag:s29] =	ssyncadd.s32 $0xFFFF8000  }
0x307: {  	[hbm4b:s3+s2] =	stream.linear.scatter [tilespmem:s24], [sflag:$0x5], $0x8000, $0x38;
	[tilespmem:$0x18000] =	vst v63  }
0x308: {  	_ =	swait.ge [sflag:s30], $0x8000  }
0x309: {  	s3 =	sld [smem:$0x78D]  }
0x30a: {  	[sflag:s30] =	ssyncset.done $0x0  }
0x30b: {  	[sflag:s30] =	ssyncadd.s32 $0xFFFF8000  }
0x30c: {  	[tilespmem:s24], [sflag:$0x2] =	stream.linear.gather [hbm4b:s3+s2], $0x8000, $0x38;
	[tilespmem:$0x18000] =	vst v63  }
0x30d: {  	_ =	swait.ge [sflag:s31], $0x8000  }
0x30e: {  	s3 =	sld [smem:$0x78E]  }
0x30f: {  	[sflag:s31] =	ssyncset.done $0x0  }
0x310: {  	[sflag:s31] =	ssyncadd.s32 $0xFFFF8000  }
0x311: {  	[hbm4b:s3+s2] =	stream.linear.scatter [tilespmem:s25], [sflag:$0x6], $0x8000, $0x38;
	[tilespmem:$0x18000] =	vst v63  }
0x312: {  	_ =	swait.ge [sflag:s1], $0x8000  }
0x313: {  	s3 =	sld [smem:$0x78F]  }
0x314: {  	[sflag:s1] =	ssyncset.done $0x0  }
0x315: {  	[sflag:s1] =	ssyncadd.s32 $0xFFFF8000  }
0x316: {  	[tilespmem:s25], [sflag:$0x3] =	stream.linear.gather [hbm4b:s3+s2], $0x8000, $0x38;
	[tilespmem:$0x18000] =	vst v63  }
0x317: {  	_ =	swait.ge [sflag:s26], $0x8000  }
0x318: {  	s3 =	sld [smem:$0x790]  }
0x319: {  	[sflag:s26] =	ssyncset.done $0x0  }
0x31a: {  	[sflag:s26] =	ssyncadd.s32 $0xFFFF8000  }
0x31b: {  	[hbm4b:s3+s2] =	stream.linear.scatter [tilespmem:s2], [sflag:$0x4], $0x8000, $0x38;
	[tilespmem:$0x18000] =	vst v63  }
0x31c: {  	_ =	swait.ge [sflag:s28], $0x8000  }
0x31d: {  	s3 =	sld [smem:$0x791]  }
0x31e: {  	[sflag:s28] =	ssyncset.done $0x0  }
0x31f: {  	[sflag:s28] =	ssyncadd.s32 $0xFFFF8000  }
0x320: {  	[tilespmem:s2], [sflag:$0x1] =	stream.linear.gather [hbm4b:s3+s2], $0x8000, $0x38;
	[tilespmem:$0x18000] =	vst v63  }
0x321: {  	_ =	swait.ge [sflag:s29], $0x8000  }
0x322: {  	s3 =	sld [smem:$0x792]  }
0x323: {  	[sflag:s29] =	ssyncset.done $0x0  }
0x324: {  	[sflag:s29] =	ssyncadd.s32 $0xFFFF8000  }
0x325: {  	[hbm4b:s3+s2] =	stream.linear.scatter [tilespmem:s24], [sflag:$0x5], $0x8000, $0x38;
	[tilespmem:$0x18000] =	vst v63  }
0x326: {  	_ =	swait.ge [sflag:s30], $0x8000  }
0x327: {  	s3 =	sld [smem:$0x793]  }
0x328: {  	[sflag:s30] =	ssyncset.done $0x0  }
0x329: {  	[sflag:s30] =	ssyncadd.s32 $0xFFFF8000  }
0x32a: {  	[tilespmem:s24], [sflag:$0x2] =	stream.linear.gather [hbm4b:s3+s2], $0x8000, $0x38;
	[tilespmem:$0x18000] =	vst v63  }
0x32b: {  	_ =	swait.ge [sflag:s31], $0x8000  }
0x32c: {  	s3 =	sld [smem:$0x794]  }
0x32d: {  	[sflag:s31] =	ssyncset.done $0x0  }
0x32e: {  	[sflag:s31] =	ssyncadd.s32 $0xFFFF8000  }
0x32f: {  	[hbm4b:s3+s2] =	stream.linear.scatter [tilespmem:s25], [sflag:$0x6], $0x8000, $0x38;
	[tilespmem:$0x18000] =	vst v63  }
0x330: {  	_ =	swait.ge [sflag:s1], $0x8000  }
0x331: {  	s3 =	sld [smem:$0x795]  }
0x332: {  	[sflag:s1] =	ssyncset.done $0x0  }
0x333: {  	[sflag:s1] =	ssyncadd.s32 $0xFFFF8000  }
0x334: {  	[tilespmem:s25], [sflag:$0x3] =	stream.linear.gather [hbm4b:s3+s2], $0x8000, $0x38;
	[tilespmem:$0x18000] =	vst v63  }
0x335: {  	_ =	swait.ge [sflag:s26], $0x8000  }
0x336: {  	s3 =	sld [smem:$0x796]  }
0x337: {  	[sflag:s26] =	ssyncset.done $0x0  }
0x338: {  	[sflag:s26] =	ssyncadd.s32 $0xFFFF8000  }
0x339: {  	[hbm4b:s3+s2] =	stream.linear.scatter [tilespmem:s2], [sflag:$0x4], $0x8000, $0x38;
	[tilespmem:$0x18000] =	vst v63  }
0x33a: {  	_ =	swait.ge [sflag:s28], $0x8000  }
0x33b: {  	s3 =	sld [smem:$0x797]  }
0x33c: {  	[sflag:s28] =	ssyncset.done $0x0  }
0x33d: {  	[sflag:s28] =	ssyncadd.s32 $0xFFFF8000  }
0x33e: {  	[tilespmem:s2], [sflag:$0x1] =	stream.linear.gather [hbm4b:s3+s2], $0x8000, $0x38;
	[tilespmem:$0x18000] =	vst v63  }
0x33f: {  	_ =	swait.ge [sflag:s29], $0x8000  }
0x340: {  	s3 =	sld [smem:$0x798]  }
0x341: {  	[sflag:s29] =	ssyncset.done $0x0  }
0x342: {  	[sflag:s29] =	ssyncadd.s32 $0xFFFF8000  }
0x343: {  	[hbm4b:s3+s2] =	stream.linear.scatter [tilespmem:s24], [sflag:$0x5], $0x8000, $0x38;
	[tilespmem:$0x18000] =	vst v63  }
0x344: {  	_ =	swait.ge [sflag:s30], $0x8000  }
0x345: {  	s3 =	sld [smem:$0x799]  }
0x346: {  	[sflag:s30] =	ssyncset.done $0x0  }
0x347: {  	[sflag:s30] =	ssyncadd.s32 $0xFFFF8000  }
0x348: {  	[tilespmem:s24], [sflag:$0x2] =	stream.linear.gather [hbm4b:s3+s2], $0x8000, $0x38;
	[tilespmem:$0x18000] =	vst v63  }
0x349: {  	_ =	swait.ge [sflag:s31], $0x8000  }
0x34a: {  	s3 =	sld [smem:$0x79A]  }
0x34b: {  	[sflag:s31] =	ssyncset.done $0x0  }
0x34c: {  	[sflag:s31] =	ssyncadd.s32 $0xFFFF8000  }
0x34d: {  	[hbm4b:s3+s2] =	stream.linear.scatter [tilespmem:s25], [sflag:$0x6], $0x8000, $0x38;
	[tilespmem:$0x18000] =	vst v63  }
0x34e: {  	_ =	swait.ge [sflag:s1], $0x8000  }
0x34f: {  	s3 =	sld [smem:$0x79B]  }
0x350: {  	[sflag:s1] =	ssyncset.done $0x0  }
0x351: {  	[sflag:s1] =	ssyncadd.s32 $0xFFFF8000  }
0x352: {  	[tilespmem:s25], [sflag:$0x3] =	stream.linear.gather [hbm4b:s3+s2], $0x8000, $0x38;
	[tilespmem:$0x18000] =	vst v63  }
0x353: {  	_ =	swait.ge [sflag:s26], $0x8000  }
0x354: {  	s3 =	sld [smem:$0x79C]  }
0x355: {  	[sflag:s26] =	ssyncset.done $0x0  }
0x356: {  	[sflag:s26] =	ssyncadd.s32 $0xFFFF8000  }
0x357: {  	[hbm4b:s3+s2] =	stream.linear.scatter [tilespmem:s2], [sflag:$0x4], $0x8000, $0x38;
	[tilespmem:$0x18000] =	vst v63  }
0x358: {  	_ =	swait.ge [sflag:s28], $0x8000  }
0x359: {  	s3 =	sld [smem:$0x79D]  }
0x35a: {  	[sflag:s28] =	ssyncset.done $0x0  }
0x35b: {  	[sflag:s28] =	ssyncadd.s32 $0xFFFF8000  }
0x35c: {  	[tilespmem:s2], [sflag:$0x1] =	stream.linear.gather [hbm4b:s3+s2], $0x8000, $0x38;
	[tilespmem:$0x18000] =	vst v63  }
0x35d: {  	_ =	swait.ge [sflag:s29], $0x8000  }
0x35e: {  	s3 =	sld [smem:$0x79E]  }
0x35f: {  	[sflag:s29] =	ssyncset.done $0x0  }
0x360: {  	[sflag:s29] =	ssyncadd.s32 $0xFFFF8000  }
0x361: {  	[hbm4b:s3+s2] =	stream.linear.scatter [tilespmem:s24], [sflag:$0x5], $0x8000, $0x38;
	[tilespmem:$0x18000] =	vst v63  }
0x362: {  	_ =	swait.ge [sflag:s30], $0x8000  }
0x363: {  	s3 =	sld [smem:$0x79F]  }
0x364: {  	[sflag:s30] =	ssyncset.done $0x0  }
0x365: {  	[sflag:s30] =	ssyncadd.s32 $0xFFFF8000  }
0x366: {  	[tilespmem:s24], [sflag:$0x2] =	stream.linear.gather [hbm4b:s3+s2], $0x8000, $0x38;
	[tilespmem:$0x18000] =	vst v63  }
0x367: {  	_ =	swait.ge [sflag:s31], $0x8000  }
0x368: {  	s3 =	sld [smem:$0x7A0]  }
0x369: {  	[sflag:s31] =	ssyncset.done $0x0  }
0x36a: {  	[sflag:s31] =	ssyncadd.s32 $0xFFFF8000  }
0x36b: {  	[hbm4b:s3+s2] =	stream.linear.scatter [tilespmem:s25], [sflag:$0x6], $0x8000, $0x38;
	[tilespmem:$0x18000] =	vst v63  }
0x36c: {  	_ =	swait.ge [sflag:s1], $0x8000  }
0x36d: {  	s3 =	sld [smem:$0x7A1]  }
0x36e: {  	[sflag:s1] =	ssyncset.done $0x0  }
0x36f: {  	[sflag:s1] =	ssyncadd.s32 $0xFFFF8000  }
0x370: {  	[tilespmem:s25], [sflag:$0x3] =	stream.linear.gather [hbm4b:s3+s2], $0x8000, $0x38;
	[tilespmem:$0x18000] =	vst v63  }
0x371: {  	_ =	swait.ge [sflag:s26], $0x8000  }
0x372: {  	s3 =	sld [smem:$0x7A2]  }
0x373: {  	[sflag:s26] =	ssyncset.done $0x0  }
0x374: {  	[sflag:s26] =	ssyncadd.s32 $0xFFFF8000  }
0x375: {  	[hbm4b:s3+s2] =	stream.linear.scatter [tilespmem:s2], [sflag:$0x4], $0x8000, $0x38;
	[tilespmem:$0x18000] =	vst v63  }
0x376: {  	_ =	swait.ge [sflag:s28], $0x8000  }
0x377: {  	s3 =	sld [smem:$0x7A3]  }
0x378: {  	[sflag:s28] =	ssyncset.done $0x0  }
0x379: {  	[sflag:s28] =	ssyncadd.s32 $0xFFFF8000  }
0x37a: {  	[tilespmem:s2], [sflag:$0x1] =	stream.linear.gather [hbm4b:s3+s2], $0x8000, $0x38;
	[tilespmem:$0x18000] =	vst v63  }
0x37b: {  	_ =	swait.ge [sflag:s29], $0x8000  }
0x37c: {  	s3 =	sld [smem:$0x7A4]  }
0x37d: {  	[sflag:s29] =	ssyncset.done $0x0  }
0x37e: {  	[sflag:s29] =	ssyncadd.s32 $0xFFFF8000  }
0x37f: {  	[hbm4b:s3+s2] =	stream.linear.scatter [tilespmem:s24], [sflag:$0x5], $0x8000, $0x38;
	[tilespmem:$0x18000] =	vst v63  }
0x380: {  	_ =	swait.ge [sflag:s30], $0x8000  }
0x381: {  	s3 =	sld [smem:$0x7A5]  }
0x382: {  	[sflag:s30] =	ssyncset.done $0x0  }
0x383: {  	[sflag:s30] =	ssyncadd.s32 $0xFFFF8000  }
0x384: {  	[tilespmem:s24], [sflag:$0x2] =	stream.linear.gather [hbm4b:s3+s2], $0x8000, $0x38;
	[tilespmem:$0x18000] =	vst v63  }
0x385: {  	_ =	swait.ge [sflag:s31], $0x8000  }
0x386: {  	s3 =	sld [smem:$0x7A6]  }
0x387: {  	[sflag:s31] =	ssyncset.done $0x0  }
0x388: {  	[sflag:s31] =	ssyncadd.s32 $0xFFFF8000  }
0x389: {  	[hbm4b:s3+s2] =	stream.linear.scatter [tilespmem:s25], [sflag:$0x6], $0x8000, $0x38;
	[tilespmem:$0x18000] =	vst v63  }
0x38a: {  	_ =	swait.ge [sflag:s1], $0x8000  }
0x38b: {  	s3 =	sld [smem:$0x7A7]  }
0x38c: {  	[sflag:s1] =	ssyncset.done $0x0  }
0x38d: {  	[sflag:s1] =	ssyncadd.s32 $0xFFFF8000  }
0x38e: {  	[tilespmem:s25], [sflag:$0x3] =	stream.linear.gather [hbm4b:s3+s2], $0x8000, $0x38;
	[tilespmem:$0x18000] =	vst v63  }
0x38f: {  	_ =	swait.ge [sflag:s26], $0x8000  }
0x390: {  	s3 =	sld [smem:$0x7A8]  }
0x391: {  	[sflag:s26] =	ssyncset.done $0x0  }
0x392: {  	[sflag:s26] =	ssyncadd.s32 $0xFFFF8000  }
0x393: {  	[hbm4b:s3+s2] =	stream.linear.scatter [tilespmem:s2], [sflag:$0x4], $0x8000, $0x38;
	[tilespmem:$0x18000] =	vst v63  }
0x394: {  	_ =	swait.ge [sflag:s28], $0x8000  }
0x395: {  	s3 =	sld [smem:$0x7A9]  }
0x396: {  	[sflag:s28] =	ssyncset.done $0x0  }
0x397: {  	[sflag:s28] =	ssyncadd.s32 $0xFFFF8000  }
0x398: {  	[tilespmem:s2], [sflag:$0x1] =	stream.linear.gather [hbm4b:s3+s2], $0x8000, $0x38;
	[tilespmem:$0x18000] =	vst v63  }
0x399: {  	_ =	swait.ge [sflag:s29], $0x8000  }
0x39a: {  	s3 =	sld [smem:$0x7AA]  }
0x39b: {  	[sflag:s29] =	ssyncset.done $0x0  }
0x39c: {  	[sflag:s29] =	ssyncadd.s32 $0xFFFF8000  }
0x39d: {  	[hbm4b:s3+s2] =	stream.linear.scatter [tilespmem:s24], [sflag:$0x5], $0x8000, $0x38;
	[tilespmem:$0x18000] =	vst v63  }
0x39e: {  	_ =	swait.ge [sflag:s30], $0x8000  }
0x39f: {  	s3 =	sld [smem:$0x7AB]  }
0x3a0: {  	[sflag:s30] =	ssyncset.done $0x0  }
0x3a1: {  	[sflag:s30] =	ssyncadd.s32 $0xFFFF8000  }
0x3a2: {  	[tilespmem:s24], [sflag:$0x2] =	stream.linear.gather [hbm4b:s3+s2], $0x8000, $0x38;
	[tilespmem:$0x18000] =	vst v63  }
0x3a3: {  	_ =	swait.ge [sflag:s31], $0x8000  }
0x3a4: {  	s3 =	sld [smem:$0x7AC]  }
0x3a5: {  	[sflag:s31] =	ssyncset.done $0x0  }
0x3a6: {  	[sflag:s31] =	ssyncadd.s32 $0xFFFF8000  }
0x3a7: {  	[hbm4b:s3+s2] =	stream.linear.scatter [tilespmem:s25], [sflag:$0x6], $0x8000, $0x38;
	[tilespmem:$0x18000] =	vst v63  }
0x3a8: {  	_ =	swait.ge [sflag:s1], $0x8000  }
0x3a9: {  	s3 =	sld [smem:$0x7AD]  }
0x3aa: {  	[sflag:s1] =	ssyncset.done $0x0  }
0x3ab: {  	[sflag:s1] =	ssyncadd.s32 $0xFFFF8000  }
0x3ac: {  	[tilespmem:s25], [sflag:$0x3] =	stream.linear.gather [hbm4b:s3+s2], $0x8000, $0x38;
	[tilespmem:$0x18000] =	vst v63  }
0x3ad: {  	_ =	swait.ge [sflag:s26], $0x8000  }
0x3ae: {  	s3 =	sld [smem:$0x7AE]  }
0x3af: {  	[sflag:s26] =	ssyncset.done $0x0  }
0x3b0: {  	[sflag:s26] =	ssyncadd.s32 $0xFFFF8000  }
0x3b1: {  	[hbm4b:s3+s2] =	stream.linear.scatter [tilespmem:s2], [sflag:$0x4], $0x8000, $0x38;
	[tilespmem:$0x18000] =	vst v63  }
0x3b2: {  	_ =	swait.ge [sflag:s28], $0x8000  }
0x3b3: {  	s3 =	sld [smem:$0x7AF]  }
0x3b4: {  	[sflag:s28] =	ssyncset.done $0x0  }
0x3b5: {  	[sflag:s28] =	ssyncadd.s32 $0xFFFF8000  }
0x3b6: {  	[tilespmem:s2], [sflag:$0x1] =	stream.linear.gather [hbm4b:s3+s2], $0x8000, $0x38;
	[tilespmem:$0x18000] =	vst v63  }
0x3b7: {  	_ =	swait.ge [sflag:s29], $0x8000  }
0x3b8: {  	s3 =	sld [smem:$0x7B0]  }
0x3b9: {  	[sflag:s29] =	ssyncset.done $0x0  }
0x3ba: {  	[sflag:s29] =	ssyncadd.s32 $0xFFFF8000  }
0x3bb: {  	[hbm4b:s3+s2] =	stream.linear.scatter [tilespmem:s24], [sflag:$0x5], $0x8000, $0x38;
	[tilespmem:$0x18000] =	vst v63  }
0x3bc: {  	_ =	swait.ge [sflag:s30], $0x8000  }
0x3bd: {  	s3 =	sld [smem:$0x7B1]  }
0x3be: {  	[sflag:s30] =	ssyncset.done $0x0  }
0x3bf: {  	[sflag:s30] =	ssyncadd.s32 $0xFFFF8000  }
0x3c0: {  	[tilespmem:s24], [sflag:$0x2] =	stream.linear.gather [hbm4b:s3+s2], $0x8000, $0x38;
	[tilespmem:$0x18000] =	vst v63  }
0x3c1: {  	_ =	swait.ge [sflag:s31], $0x8000  }
0x3c2: {  	s3 =	sld [smem:$0x7B2]  }
0x3c3: {  	[sflag:s31] =	ssyncset.done $0x0  }
0x3c4: {  	[sflag:s31] =	ssyncadd.s32 $0xFFFF8000  }
0x3c5: {  	[hbm4b:s3+s2] =	stream.linear.scatter [tilespmem:s25], [sflag:$0x6], $0x8000, $0x38;
	[tilespmem:$0x18000] =	vst v63  }
0x3c6: {  	_ =	swait.ge [sflag:s1], $0x8000  }
0x3c7: {  	s3 =	sld [smem:$0x7B3]  }
0x3c8: {  	[sflag:s1] =	ssyncset.done $0x0  }
0x3c9: {  	[sflag:s1] =	ssyncadd.s32 $0xFFFF8000  }
0x3ca: {  	[tilespmem:s25], [sflag:$0x3] =	stream.linear.gather [hbm4b:s3+s2], $0x8000, $0x38;
	[tilespmem:$0x18000] =	vst v63  }
0x3cb: {  	_ =	swait.ge [sflag:s26], $0x8000  }
0x3cc: {  	s3 =	sld [smem:$0x7B4]  }
0x3cd: {  	[sflag:s26] =	ssyncset.done $0x0  }
0x3ce: {  	[sflag:s26] =	ssyncadd.s32 $0xFFFF8000  }
0x3cf: {  	[hbm4b:s3+s2] =	stream.linear.scatter [tilespmem:s2], [sflag:$0x4], $0x8000, $0x38;
	[tilespmem:$0x18000] =	vst v63  }
0x3d0: {  	_ =	swait.ge [sflag:s28], $0x8000  }
0x3d1: {  	s3 =	sld [smem:$0x7B5]  }
0x3d2: {  	[sflag:s28] =	ssyncset.done $0x0  }
0x3d3: {  	[sflag:s28] =	ssyncadd.s32 $0xFFFF8000  }
0x3d4: {  	[tilespmem:s2], [sflag:$0x1] =	stream.linear.gather [hbm4b:s3+s2], $0x8000, $0x38;
	[tilespmem:$0x18000] =	vst v63  }
0x3d5: {  	_ =	swait.ge [sflag:s29], $0x8000  }
0x3d6: {  	s3 =	sld [smem:$0x7B6]  }
0x3d7: {  	[sflag:s29] =	ssyncset.done $0x0  }
0x3d8: {  	[sflag:s29] =	ssyncadd.s32 $0xFFFF8000  }
0x3d9: {  	[hbm4b:s3+s2] =	stream.linear.scatter [tilespmem:s24], [sflag:$0x5], $0x8000, $0x38;
	[tilespmem:$0x18000] =	vst v63  }
0x3da: {  	_ =	swait.ge [sflag:s30], $0x8000  }
0x3db: {  	s3 =	sld [smem:$0x7B7]  }
0x3dc: {  	[sflag:s30] =	ssyncset.done $0x0  }
0x3dd: {  	[sflag:s30] =	ssyncadd.s32 $0xFFFF8000  }
0x3de: {  	[tilespmem:s24], [sflag:$0x2] =	stream.linear.gather [hbm4b:s3+s2], $0x8000, $0x38;
	[tilespmem:$0x18000] =	vst v63  }
0x3df: {  	_ =	swait.ge [sflag:s31], $0x8000  }
0x3e0: {  	s3 =	sld [smem:$0x7B8]  }
0x3e1: {  	[sflag:s31] =	ssyncset.done $0x0  }
0x3e2: {  	[sflag:s31] =	ssyncadd.s32 $0xFFFF8000  }
0x3e3: {  	[hbm4b:s3+s2] =	stream.linear.scatter [tilespmem:s25], [sflag:$0x6], $0x8000, $0x38;
	[tilespmem:$0x18000] =	vst v63  }
0x3e4: {  	_ =	swait.ge [sflag:s1], $0x8000  }
0x3e5: {  	s3 =	sld [smem:$0x7B9]  }
0x3e6: {  	[sflag:s1] =	ssyncset.done $0x0  }
0x3e7: {  	[sflag:s1] =	ssyncadd.s32 $0xFFFF8000  }
0x3e8: {  	[tilespmem:s25], [sflag:$0x3] =	stream.linear.gather [hbm4b:s3+s2], $0x8000, $0x38;
	[tilespmem:$0x18000] =	vst v63  }
0x3e9: {  	_ =	swait.ge [sflag:s26], $0x8000  }
0x3ea: {  	s3 =	sld [smem:$0x7BA]  }
0x3eb: {  	[sflag:s26] =	ssyncset.done $0x0  }
0x3ec: {  	[sflag:s26] =	ssyncadd.s32 $0xFFFF8000  }
0x3ed: {  	[hbm4b:s3+s2] =	stream.linear.scatter [tilespmem:s2], [sflag:$0x4], $0x8000, $0x38;
	[tilespmem:$0x18000] =	vst v63  }
0x3ee: {  	_ =	swait.ge [sflag:s28], $0x8000  }
0x3ef: {  	s3 =	sld [smem:$0x7BB]  }
0x3f0: {  	[sflag:s28] =	ssyncset.done $0x0  }
0x3f1: {  	[sflag:s28] =	ssyncadd.s32 $0xFFFF8000  }
0x3f2: {  	[tilespmem:s2], [sflag:$0x1] =	stream.linear.gather [hbm4b:s3+s2], $0x8000, $0x38;
	[tilespmem:$0x18000] =	vst v63  }
0x3f3: {  	_ =	swait.ge [sflag:s29], $0x8000  }
0x3f4: {  	s3 =	sld [smem:$0x7BC]  }
0x3f5: {  	[sflag:s29] =	ssyncset.done $0x0  }
0x3f6: {  	[sflag:s29] =	ssyncadd.s32 $0xFFFF8000  }
0x3f7: {  	[hbm4b:s3+s2] =	stream.linear.scatter [tilespmem:s24], [sflag:$0x5], $0x8000, $0x38;
	[tilespmem:$0x18000] =	vst v63  }
0x3f8: {  	_ =	swait.ge [sflag:s30], $0x8000  }
0x3f9: {  	s3 =	sld [smem:$0x7BD]  }
0x3fa: {  	[sflag:s30] =	ssyncset.done $0x0  }
0x3fb: {  	[sflag:s30] =	ssyncadd.s32 $0xFFFF8000  }
0x3fc: {  	[tilespmem:s24], [sflag:$0x2] =	stream.linear.gather [hbm4b:s3+s2], $0x8000, $0x38;
	[tilespmem:$0x18000] =	vst v63  }
0x3fd: {  	_ =	swait.ge [sflag:s31], $0x8000  }
0x3fe: {  	s3 =	sld [smem:$0x7BE]  }
0x3ff: {  	[sflag:s31] =	ssyncset.done $0x0  }
0x400: {  	[sflag:s31] =	ssyncadd.s32 $0xFFFF8000  }
0x401: {  	[hbm4b:s3+s2] =	stream.linear.scatter [tilespmem:s25], [sflag:$0x6], $0x8000, $0x38;
	[tilespmem:$0x18000] =	vst v63  }
0x402: {  	_ =	swait.ge [sflag:s1], $0x8000  }
0x403: {  	s3 =	sld [smem:$0x7BF]  }
0x404: {  	[sflag:s1] =	ssyncset.done $0x0  }
0x405: {  	[sflag:s1] =	ssyncadd.s32 $0xFFFF8000  }
0x406: {  	[tilespmem:s25], [sflag:$0x3] =	stream.linear.gather [hbm4b:s3+s2], $0x8000, $0x38;
	[tilespmem:$0x18000] =	vst v63  }
0x407: {  	_ =	swait.ge [sflag:s26], $0x8000  }
0x408: {  	s3 =	sld [smem:$0x7C0]  }
0x409: {  	[sflag:s26] =	ssyncset.done $0x0  }
0x40a: {  	[sflag:s26] =	ssyncadd.s32 $0xFFFF8000  }
0x40b: {  	[hbm4b:s3+s2] =	stream.linear.scatter [tilespmem:s2], [sflag:$0x4], $0x8000, $0x38;
	[tilespmem:$0x18000] =	vst v63  }
0x40c: {  	_ =	swait.ge [sflag:s28], $0x8000  }
0x40d: {  	s3 =	sld [smem:$0x7C1]  }
0x40e: {  	[sflag:s28] =	ssyncset.done $0x0  }
0x40f: {  	[sflag:s28] =	ssyncadd.s32 $0xFFFF8000  }
0x410: {  	[tilespmem:s2], [sflag:$0x1] =	stream.linear.gather [hbm4b:s3+s2], $0x8000, $0x38;
	[tilespmem:$0x18000] =	vst v63  }
0x411: {  	_ =	swait.ge [sflag:s29], $0x8000  }
0x412: {  	s3 =	sld [smem:$0x7C2]  }
0x413: {  	[sflag:s29] =	ssyncset.done $0x0  }
0x414: {  	[sflag:s29] =	ssyncadd.s32 $0xFFFF8000  }
0x415: {  	[hbm4b:s3+s2] =	stream.linear.scatter [tilespmem:s24], [sflag:$0x5], $0x8000, $0x38;
	[tilespmem:$0x18000] =	vst v63  }
0x416: {  	_ =	swait.ge [sflag:s30], $0x8000  }
0x417: {  	s3 =	sld [smem:$0x7C3]  }
0x418: {  	[sflag:s30] =	ssyncset.done $0x0  }
0x419: {  	[sflag:s30] =	ssyncadd.s32 $0xFFFF8000  }
0x41a: {  	[tilespmem:s24], [sflag:$0x2] =	stream.linear.gather [hbm4b:s3+s2], $0x8000, $0x38;
	[tilespmem:$0x18000] =	vst v63  }
0x41b: {  	_ =	swait.ge [sflag:s31], $0x8000  }
0x41c: {  	s3 =	sld [smem:$0x7C4]  }
0x41d: {  	[sflag:s31] =	ssyncset.done $0x0  }
0x41e: {  	[sflag:s31] =	ssyncadd.s32 $0xFFFF8000  }
0x41f: {  	[hbm4b:s3+s2] =	stream.linear.scatter [tilespmem:s25], [sflag:$0x6], $0x8000, $0x38;
	[tilespmem:$0x18000] =	vst v63  }
0x420: {  	_ =	swait.ge [sflag:s1], $0x8000  }
0x421: {  	s3 =	sld [smem:$0x7C5]  }
0x422: {  	[sflag:s1] =	ssyncset.done $0x0  }
0x423: {  	[sflag:s1] =	ssyncadd.s32 $0xFFFF8000  }
0x424: {  	[tilespmem:s25], [sflag:$0x3] =	stream.linear.gather [hbm4b:s3+s2], $0x8000, $0x38;
	[tilespmem:$0x18000] =	vst v63  }
0x425: {  	_ =	swait.ge [sflag:s26], $0x8000  }
0x426: {  	s3 =	sld [smem:$0x7C6]  }
0x427: {  	[sflag:s26] =	ssyncset.done $0x0  }
0x428: {  	[sflag:s26] =	ssyncadd.s32 $0xFFFF8000  }
0x429: {  	[hbm4b:s3+s2] =	stream.linear.scatter [tilespmem:s2], [sflag:$0x4], $0x8000, $0x38;
	[tilespmem:$0x18000] =	vst v63  }
0x42a: {  	_ =	swait.ge [sflag:s28], $0x8000  }
0x42b: {  	s3 =	sld [smem:$0x7C7]  }
0x42c: {  	[sflag:s28] =	ssyncset.done $0x0  }
0x42d: {  	[sflag:s28] =	ssyncadd.s32 $0xFFFF8000  }
0x42e: {  	[tilespmem:s2], [sflag:$0x1] =	stream.linear.gather [hbm4b:s3+s2], $0x8000, $0x38;
	[tilespmem:$0x18000] =	vst v63  }
0x42f: {  	_ =	swait.ge [sflag:s29], $0x8000  }
0x430: {  	s3 =	sld [smem:$0x7C8]  }
0x431: {  	[sflag:s29] =	ssyncset.done $0x0  }
0x432: {  	[sflag:s29] =	ssyncadd.s32 $0xFFFF8000  }
0x433: {  	[hbm4b:s3+s2] =	stream.linear.scatter [tilespmem:s24], [sflag:$0x5], $0x8000, $0x38;
	[tilespmem:$0x18000] =	vst v63  }
0x434: {  	_ =	swait.ge [sflag:s30], $0x8000  }
0x435: {  	s3 =	sld [smem:$0x7C9]  }
0x436: {  	[sflag:s30] =	ssyncset.done $0x0  }
0x437: {  	[sflag:s30] =	ssyncadd.s32 $0xFFFF8000  }
0x438: {  	[tilespmem:s24], [sflag:$0x2] =	stream.linear.gather [hbm4b:s3+s2], $0x8000, $0x38;
	[tilespmem:$0x18000] =	vst v63  }
0x439: {  	_ =	swait.ge [sflag:s31], $0x8000  }
0x43a: {  	s3 =	sld [smem:$0x7CA]  }
0x43b: {  	[sflag:s31] =	ssyncset.done $0x0  }
0x43c: {  	[sflag:s31] =	ssyncadd.s32 $0xFFFF8000  }
0x43d: {  	[hbm4b:s3+s2] =	stream.linear.scatter [tilespmem:s25], [sflag:$0x6], $0x8000, $0x38;
	[tilespmem:$0x18000] =	vst v63  }
0x43e: {  	_ =	swait.ge [sflag:s1], $0x8000  }
0x43f: {  	s3 =	sld [smem:$0x7CB]  }
0x440: {  	[sflag:s1] =	ssyncset.done $0x0  }
0x441: {  	[sflag:s1] =	ssyncadd.s32 $0xFFFF8000  }
0x442: {  	[tilespmem:s25], [sflag:$0x3] =	stream.linear.gather [hbm4b:s3+s2], $0x8000, $0x38;
	[tilespmem:$0x18000] =	vst v63  }
0x443: {  	_ =	swait.ge [sflag:s26], $0x8000  }
0x444: {  	s3 =	sld [smem:$0x7CC]  }
0x445: {  	[sflag:s26] =	ssyncset.done $0x0  }
0x446: {  	[sflag:s26] =	ssyncadd.s32 $0xFFFF8000  }
0x447: {  	[hbm4b:s3+s2] =	stream.linear.scatter [tilespmem:s2], [sflag:$0x4], $0x8000, $0x38;
	[tilespmem:$0x18000] =	vst v63  }
0x448: {  	_ =	swait.ge [sflag:s28], $0x8000  }
0x449: {  	s3 =	sld [smem:$0x7CD]  }
0x44a: {  	[sflag:s28] =	ssyncset.done $0x0  }
0x44b: {  	[sflag:s28] =	ssyncadd.s32 $0xFFFF8000  }
0x44c: {  	[tilespmem:s2], [sflag:$0x1] =	stream.linear.gather [hbm4b:s3+s2], $0x8000, $0x38;
	[tilespmem:$0x18000] =	vst v63  }
0x44d: {  	_ =	swait.ge [sflag:s29], $0x8000  }
0x44e: {  	s3 =	sld [smem:$0x7CE]  }
0x44f: {  	[sflag:s29] =	ssyncset.done $0x0  }
0x450: {  	[sflag:s29] =	ssyncadd.s32 $0xFFFF8000  }
0x451: {  	[hbm4b:s3+s2] =	stream.linear.scatter [tilespmem:s24], [sflag:$0x5], $0x8000, $0x38;
	[tilespmem:$0x18000] =	vst v63  }
0x452: {  	_ =	swait.ge [sflag:s30], $0x8000  }
0x453: {  	s3 =	sld [smem:$0x7CF]  }
0x454: {  	[sflag:s30] =	ssyncset.done $0x0  }
0x455: {  	[sflag:s30] =	ssyncadd.s32 $0xFFFF8000  }
0x456: {  	[tilespmem:s24], [sflag:$0x2] =	stream.linear.gather [hbm4b:s3+s2], $0x8000, $0x38;
	[tilespmem:$0x18000] =	vst v63  }
0x457: {  	_ =	swait.ge [sflag:s31], $0x8000  }
0x458: {  	s3 =	sld [smem:$0x7D0]  }
0x459: {  	[sflag:s31] =	ssyncset.done $0x0  }
0x45a: {  	[sflag:s31] =	ssyncadd.s32 $0xFFFF8000  }
0x45b: {  	[hbm4b:s3+s2] =	stream.linear.scatter [tilespmem:s25], [sflag:$0x6], $0x8000, $0x38;
	[tilespmem:$0x18000] =	vst v63  }
0x45c: {  	_ =	swait.ge [sflag:s1], $0x8000  }
0x45d: {  	s3 =	sld [smem:$0x7D1]  }
0x45e: {  	[sflag:s1] =	ssyncset.done $0x0  }
0x45f: {  	[sflag:s1] =	ssyncadd.s32 $0xFFFF8000  }
0x460: {  	[tilespmem:s25], [sflag:$0x3] =	stream.linear.gather [hbm4b:s3+s2], $0x8000, $0x38;
	[tilespmem:$0x18000] =	vst v63  }
0x461: {  	_ =	swait.ge [sflag:s26], $0x8000  }
0x462: {  	s3 =	sld [smem:$0x7D2]  }
0x463: {  	[sflag:s26] =	ssyncset.done $0x0  }
0x464: {  	[sflag:s26] =	ssyncadd.s32 $0xFFFF8000  }
0x465: {  	[hbm4b:s3+s2] =	stream.linear.scatter [tilespmem:s2], [sflag:$0x4], $0x8000, $0x38;
	[tilespmem:$0x18000] =	vst v63  }
0x466: {  	_ =	swait.ge [sflag:s28], $0x8000  }
0x467: {  	s3 =	sld [smem:$0x7D3]  }
0x468: {  	[sflag:s28] =	ssyncset.done $0x0  }
0x469: {  	[sflag:s28] =	ssyncadd.s32 $0xFFFF8000  }
0x46a: {  	[tilespmem:s2], [sflag:$0x1] =	stream.linear.gather [hbm4b:s3+s2], $0x8000, $0x38;
	[tilespmem:$0x18000] =	vst v63  }
0x46b: {  	_ =	swait.ge [sflag:s29], $0x8000  }
0x46c: {  	s3 =	sld [smem:$0x7D4]  }
0x46d: {  	[sflag:s29] =	ssyncset.done $0x0  }
0x46e: {  	[sflag:s29] =	ssyncadd.s32 $0xFFFF8000  }
0x46f: {  	[hbm4b:s3+s2] =	stream.linear.scatter [tilespmem:s24], [sflag:$0x5], $0x8000, $0x38;
	[tilespmem:$0x18000] =	vst v63  }
0x470: {  	_ =	swait.ge [sflag:s30], $0x8000  }
0x471: {  	s3 =	sld [smem:$0x7D5]  }
0x472: {  	[sflag:s30] =	ssyncset.done $0x0  }
0x473: {  	[sflag:s30] =	ssyncadd.s32 $0xFFFF8000  }
0x474: {  	[tilespmem:s24], [sflag:$0x2] =	stream.linear.gather [hbm4b:s3+s2], $0x8000, $0x38;
	[tilespmem:$0x18000] =	vst v63  }
0x475: {  	_ =	swait.ge [sflag:s31], $0x8000  }
0x476: {  	s3 =	sld [smem:$0x7D6]  }
0x477: {  	[sflag:s31] =	ssyncset.done $0x0  }
0x478: {  	[sflag:s31] =	ssyncadd.s32 $0xFFFF8000  }
0x479: {  	[hbm4b:s3+s2] =	stream.linear.scatter [tilespmem:s25], [sflag:$0x6], $0x8000, $0x38;
	[tilespmem:$0x18000] =	vst v63  }
0x47a: {  	_ =	swait.ge [sflag:s1], $0x8000  }
0x47b: {  	s3 =	sld [smem:$0x7D7]  }
0x47c: {  	[sflag:s1] =	ssyncset.done $0x0  }
0x47d: {  	[sflag:s1] =	ssyncadd.s32 $0xFFFF8000  }
0x47e: {  	[tilespmem:s25], [sflag:$0x3] =	stream.linear.gather [hbm4b:s3+s2], $0x8000, $0x38;
	[tilespmem:$0x18000] =	vst v63  }
0x47f: {  	_ =	swait.ge [sflag:s26], $0x8000  }
0x480: {  	s3 =	sld [smem:$0x7D8]  }
0x481: {  	[sflag:s26] =	ssyncset.done $0x0  }
0x482: {  	[sflag:s26] =	ssyncadd.s32 $0xFFFF8000  }
0x483: {  	[hbm4b:s3+s2] =	stream.linear.scatter [tilespmem:s2], [sflag:$0x4], $0x8000, $0x38;
	[tilespmem:$0x18000] =	vst v63  }
0x484: {  	_ =	swait.ge [sflag:s28], $0x8000  }
0x485: {  	s3 =	sld [smem:$0x7D9]  }
0x486: {  	[sflag:s28] =	ssyncset.done $0x0  }
0x487: {  	[sflag:s28] =	ssyncadd.s32 $0xFFFF8000  }
0x488: {  	[tilespmem:s2], [sflag:$0x1] =	stream.linear.gather [hbm4b:s3+s2], $0x8000, $0x38;
	[tilespmem:$0x18000] =	vst v63  }
0x489: {  	_ =	swait.ge [sflag:s29], $0x8000  }
0x48a: {  	s3 =	sld [smem:$0x7DA]  }
0x48b: {  	[sflag:s29] =	ssyncset.done $0x0  }
0x48c: {  	[sflag:s29] =	ssyncadd.s32 $0xFFFF8000  }
0x48d: {  	[hbm4b:s3+s2] =	stream.linear.scatter [tilespmem:s24], [sflag:$0x5], $0x8000, $0x38;
	[tilespmem:$0x18000] =	vst v63  }
0x48e: {  	_ =	swait.ge [sflag:s30], $0x8000  }
0x48f: {  	s3 =	sld [smem:$0x7DB]  }
0x490: {  	[sflag:s30] =	ssyncset.done $0x0  }
0x491: {  	[sflag:s30] =	ssyncadd.s32 $0xFFFF8000  }
0x492: {  	[tilespmem:s24], [sflag:$0x2] =	stream.linear.gather [hbm4b:s3+s2], $0x8000, $0x38;
	[tilespmem:$0x18000] =	vst v63  }
0x493: {  	_ =	swait.ge [sflag:s31], $0x8000  }
0x494: {  	s3 =	sld [smem:$0x7DC]  }
0x495: {  	[sflag:s31] =	ssyncset.done $0x0  }
0x496: {  	[sflag:s31] =	ssyncadd.s32 $0xFFFF8000  }
0x497: {  	[hbm4b:s3+s2] =	stream.linear.scatter [tilespmem:s25], [sflag:$0x6], $0x8000, $0x38;
	[tilespmem:$0x18000] =	vst v63  }
0x498: {  	_ =	swait.ge [sflag:s1], $0x8000  }
0x499: {  	s3 =	sld [smem:$0x7DD]  }
0x49a: {  	[sflag:s1] =	ssyncset.done $0x0  }
0x49b: {  	[sflag:s1] =	ssyncadd.s32 $0xFFFF8000  }
0x49c: {  	[tilespmem:s25], [sflag:$0x3] =	stream.linear.gather [hbm4b:s3+s2], $0x8000, $0x38;
	[tilespmem:$0x18000] =	vst v63  }
0x49d: {  	_ =	swait.ge [sflag:s26], $0x8000  }
0x49e: {  	s3 =	sld [smem:$0x7DE]  }
0x49f: {  	[sflag:s26] =	ssyncset.done $0x0  }
0x4a0: {  	[sflag:s26] =	ssyncadd.s32 $0xFFFF8000  }
0x4a1: {  	[hbm4b:s3+s2] =	stream.linear.scatter [tilespmem:s2], [sflag:$0x4], $0x8000, $0x38;
	[tilespmem:$0x18000] =	vst v63  }
0x4a2: {  	_ =	swait.ge [sflag:s28], $0x8000  }
0x4a3: {  	s3 =	sld [smem:$0x7DF]  }
0x4a4: {  	[sflag:s28] =	ssyncset.done $0x0  }
0x4a5: {  	[sflag:s28] =	ssyncadd.s32 $0xFFFF8000  }
0x4a6: {  	[tilespmem:s2], [sflag:$0x1] =	stream.linear.gather [hbm4b:s3+s2], $0x8000, $0x38;
	[tilespmem:$0x18000] =	vst v63  }
0x4a7: {  	_ =	swait.ge [sflag:s29], $0x8000  }
0x4a8: {  	s3 =	sld [smem:$0x7E0]  }
0x4a9: {  	[sflag:s29] =	ssyncset.done $0x0  }
0x4aa: {  	[sflag:s29] =	ssyncadd.s32 $0xFFFF8000  }
0x4ab: {  	[hbm4b:s3+s2] =	stream.linear.scatter [tilespmem:s24], [sflag:$0x5], $0x8000, $0x38;
	[tilespmem:$0x18000] =	vst v63  }
0x4ac: {  	_ =	swait.ge [sflag:s30], $0x8000  }
0x4ad: {  	s3 =	sld [smem:$0x7E1]  }
0x4ae: {  	[sflag:s30] =	ssyncset.done $0x0  }
0x4af: {  	[sflag:s30] =	ssyncadd.s32 $0xFFFF8000  }
0x4b0: {  	[tilespmem:s24], [sflag:$0x2] =	stream.linear.gather [hbm4b:s3+s2], $0x8000, $0x38;
	[tilespmem:$0x18000] =	vst v63  }
0x4b1: {  	_ =	swait.ge [sflag:s31], $0x8000  }
0x4b2: {  	s3 =	sld [smem:$0x7E2]  }
0x4b3: {  	[sflag:s31] =	ssyncset.done $0x0  }
0x4b4: {  	[sflag:s31] =	ssyncadd.s32 $0xFFFF8000  }
0x4b5: {  	[hbm4b:s3+s2] =	stream.linear.scatter [tilespmem:s25], [sflag:$0x6], $0x8000, $0x38;
	[tilespmem:$0x18000] =	vst v63  }
0x4b6: {  	_ =	swait.ge [sflag:s1], $0x8000  }
0x4b7: {  	s3 =	sld [smem:$0x7E3]  }
0x4b8: {  	[sflag:s1] =	ssyncset.done $0x0  }
0x4b9: {  	[sflag:s1] =	ssyncadd.s32 $0xFFFF8000  }
0x4ba: {  	[tilespmem:s25], [sflag:$0x3] =	stream.linear.gather [hbm4b:s3+s2], $0x8000, $0x38;
	[tilespmem:$0x18000] =	vst v63  }
0x4bb: {  	_ =	swait.ge [sflag:s26], $0x8000  }
0x4bc: {  	s3 =	sld [smem:$0x7E4]  }
0x4bd: {  	[sflag:s26] =	ssyncset.done $0x0  }
0x4be: {  	[sflag:s26] =	ssyncadd.s32 $0xFFFF8000  }
0x4bf: {  	[hbm4b:s3+s2] =	stream.linear.scatter [tilespmem:s2], [sflag:$0x4], $0x8000, $0x38;
	[tilespmem:$0x18000] =	vst v63  }
0x4c0: {  	_ =	swait.ge [sflag:s28], $0x8000  }
0x4c1: {  	s3 =	sld [smem:$0x7E5]  }
0x4c2: {  	[sflag:s28] =	ssyncset.done $0x0  }
0x4c3: {  	[sflag:s28] =	ssyncadd.s32 $0xFFFF8000  }
0x4c4: {  	[tilespmem:s2], [sflag:$0x1] =	stream.linear.gather [hbm4b:s3+s2], $0x8000, $0x38;
	[tilespmem:$0x18000] =	vst v63  }
0x4c5: {  	_ =	swait.ge [sflag:s29], $0x8000  }
0x4c6: {  	s3 =	sld [smem:$0x7E6]  }
0x4c7: {  	[sflag:s29] =	ssyncset.done $0x0  }
0x4c8: {  	[sflag:s29] =	ssyncadd.s32 $0xFFFF8000  }
0x4c9: {  	[hbm4b:s3+s2] =	stream.linear.scatter [tilespmem:s24], [sflag:$0x5], $0x8000, $0x38;
	[tilespmem:$0x18000] =	vst v63  }
0x4ca: {  	_ =	swait.ge [sflag:s30], $0x8000  }
0x4cb: {  	s3 =	sld [smem:$0x7E7]  }
0x4cc: {  	[sflag:s30] =	ssyncset.done $0x0  }
0x4cd: {  	[sflag:s30] =	ssyncadd.s32 $0xFFFF8000  }
0x4ce: {  	[tilespmem:s24], [sflag:$0x2] =	stream.linear.gather [hbm4b:s3+s2], $0x8000, $0x38;
	[tilespmem:$0x18000] =	vst v63  }
0x4cf: {  	_ =	swait.ge [sflag:s31], $0x8000  }
0x4d0: {  	s3 =	sld [smem:$0x7E8]  }
0x4d1: {  	[sflag:s31] =	ssyncset.done $0x0  }
0x4d2: {  	[sflag:s31] =	ssyncadd.s32 $0xFFFF8000  }
0x4d3: {  	[hbm4b:s3+s2] =	stream.linear.scatter [tilespmem:s25], [sflag:$0x6], $0x8000, $0x38;
	[tilespmem:$0x18000] =	vst v63  }
0x4d4: {  	_ =	swait.ge [sflag:s1], $0x8000  }
0x4d5: {  	s3 =	sld [smem:$0x7E9]  }
0x4d6: {  	[sflag:s1] =	ssyncset.done $0x0  }
0x4d7: {  	[sflag:s1] =	ssyncadd.s32 $0xFFFF8000  }
0x4d8: {  	[tilespmem:s25], [sflag:$0x3] =	stream.linear.gather [hbm4b:s3+s2], $0x8000, $0x38;
	[tilespmem:$0x18000] =	vst v63  }
0x4d9: {  	_ =	swait.ge [sflag:s26], $0x8000  }
0x4da: {  	s3 =	sld [smem:$0x7EA]  }
0x4db: {  	[sflag:s26] =	ssyncset.done $0x0  }
0x4dc: {  	[sflag:s26] =	ssyncadd.s32 $0xFFFF8000  }
0x4dd: {  	[hbm4b:s3+s2] =	stream.linear.scatter [tilespmem:s2], [sflag:$0x4], $0x8000, $0x38;
	[tilespmem:$0x18000] =	vst v63  }
0x4de: {  	_ =	swait.ge [sflag:s28], $0x8000  }
0x4df: {  	s3 =	sld [smem:$0x7EB]  }
0x4e0: {  	[sflag:s28] =	ssyncset.done $0x0  }
0x4e1: {  	[sflag:s28] =	ssyncadd.s32 $0xFFFF8000  }
0x4e2: {  	[tilespmem:s2], [sflag:$0x1] =	stream.linear.gather [hbm4b:s3+s2], $0x8000, $0x38;
	[tilespmem:$0x18000] =	vst v63  }
0x4e3: {  	_ =	swait.ge [sflag:s29], $0x8000  }
0x4e4: {  	s3 =	sld [smem:$0x7EC]  }
0x4e5: {  	[sflag:s29] =	ssyncset.done $0x0  }
0x4e6: {  	[sflag:s29] =	ssyncadd.s32 $0xFFFF8000  }
0x4e7: {  	[hbm4b:s3+s2] =	stream.linear.scatter [tilespmem:s24], [sflag:$0x5], $0x8000, $0x38;
	[tilespmem:$0x18000] =	vst v63  }
0x4e8: {  	_ =	swait.ge [sflag:s30], $0x8000  }
0x4e9: {  	s3 =	sld [smem:$0x7ED]  }
0x4ea: {  	[sflag:s30] =	ssyncset.done $0x0  }
0x4eb: {  	[sflag:s30] =	ssyncadd.s32 $0xFFFF8000  }
0x4ec: {  	[tilespmem:s24], [sflag:$0x2] =	stream.linear.gather [hbm4b:s3+s2], $0x8000, $0x38;
	[tilespmem:$0x18000] =	vst v63  }
0x4ed: {  	_ =	swait.ge [sflag:s31], $0x8000  }
0x4ee: {  	s3 =	sld [smem:$0x7EE]  }
0x4ef: {  	[sflag:s31] =	ssyncset.done $0x0  }
0x4f0: {  	[sflag:s31] =	ssyncadd.s32 $0xFFFF8000  }
0x4f1: {  	[hbm4b:s3+s2] =	stream.linear.scatter [tilespmem:s25], [sflag:$0x6], $0x8000, $0x38;
	[tilespmem:$0x18000] =	vst v63  }
0x4f2: {  	_ =	swait.ge [sflag:s1], $0x8000  }
0x4f3: {  	s3 =	sld [smem:$0x7EF]  }
0x4f4: {  	[sflag:s1] =	ssyncset.done $0x0  }
0x4f5: {  	[sflag:s1] =	ssyncadd.s32 $0xFFFF8000  }
0x4f6: {  	[tilespmem:s25], [sflag:$0x3] =	stream.linear.gather [hbm4b:s3+s2], $0x8000, $0x38;
	[tilespmem:$0x18000] =	vst v63  }
0x4f7: {  	_ =	swait.ge [sflag:s26], $0x8000  }
0x4f8: {  	s3 =	sld [smem:$0x7F0]  }
0x4f9: {  	[sflag:s26] =	ssyncset.done $0x0  }
0x4fa: {  	[sflag:s26] =	ssyncadd.s32 $0xFFFF8000  }
0x4fb: {  	[hbm4b:s3+s2] =	stream.linear.scatter [tilespmem:s2], [sflag:$0x4], $0x8000, $0x38;
	[tilespmem:$0x18000] =	vst v63  }
0x4fc: {  	_ =	swait.ge [sflag:s28], $0x8000  }
0x4fd: {  	s3 =	sld [smem:$0x7F1]  }
0x4fe: {  	[sflag:s28] =	ssyncset.done $0x0  }
0x4ff: {  	[sflag:s28] =	ssyncadd.s32 $0xFFFF8000  }
0x500: {  	[tilespmem:s2], [sflag:$0x1] =	stream.linear.gather [hbm4b:s3+s2], $0x8000, $0x38;
	[tilespmem:$0x18000] =	vst v63  }
0x501: {  	_ =	swait.ge [sflag:s29], $0x8000  }
0x502: {  	s3 =	sld [smem:$0x7F2]  }
0x503: {  	[sflag:s29] =	ssyncset.done $0x0  }
0x504: {  	[sflag:s29] =	ssyncadd.s32 $0xFFFF8000  }
0x505: {  	[hbm4b:s3+s2] =	stream.linear.scatter [tilespmem:s24], [sflag:$0x5], $0x8000, $0x38;
	[tilespmem:$0x18000] =	vst v63  }
0x506: {  	_ =	swait.ge [sflag:s30], $0x8000  }
0x507: {  	s3 =	sld [smem:$0x7F3]  }
0x508: {  	[sflag:s30] =	ssyncset.done $0x0  }
0x509: {  	[sflag:s30] =	ssyncadd.s32 $0xFFFF8000  }
0x50a: {  	[tilespmem:s24], [sflag:$0x2] =	stream.linear.gather [hbm4b:s3+s2], $0x8000, $0x38;
	[tilespmem:$0x18000] =	vst v63  }
0x50b: {  	_ =	swait.ge [sflag:s31], $0x8000  }
0x50c: {  	s3 =	sld [smem:$0x7F4]  }
0x50d: {  	[sflag:s31] =	ssyncset.done $0x0  }
0x50e: {  	[sflag:s31] =	ssyncadd.s32 $0xFFFF8000  }
0x50f: {  	[hbm4b:s3+s2] =	stream.linear.scatter [tilespmem:s25], [sflag:$0x6], $0x8000, $0x38;
	[tilespmem:$0x18000] =	vst v63  }
0x510: {  	_ =	swait.ge [sflag:s1], $0x8000  }
0x511: {  	s3 =	sld [smem:$0x7F5]  }
0x512: {  	[sflag:s1] =	ssyncset.done $0x0  }
0x513: {  	[sflag:s1] =	ssyncadd.s32 $0xFFFF8000  }
0x514: {  	[tilespmem:s25], [sflag:$0x3] =	stream.linear.gather [hbm4b:s3+s2], $0x8000, $0x38;
	[tilespmem:$0x18000] =	vst v63  }
0x515: {  	_ =	swait.ge [sflag:s26], $0x8000  }
0x516: {  	s3 =	sld [smem:$0x7F6]  }
0x517: {  	[sflag:s26] =	ssyncset.done $0x0  }
0x518: {  	[sflag:s26] =	ssyncadd.s32 $0xFFFF8000  }
0x519: {  	[hbm4b:s3+s2] =	stream.linear.scatter [tilespmem:s2], [sflag:$0x4], $0x8000, $0x38;
	[tilespmem:$0x18000] =	vst v63  }
0x51a: {  	_ =	swait.ge [sflag:s28], $0x8000  }
0x51b: {  	s3 =	sld [smem:$0x7F7]  }
0x51c: {  	[sflag:s28] =	ssyncset.done $0x0  }
0x51d: {  	[sflag:s28] =	ssyncadd.s32 $0xFFFF8000  }
0x51e: {  	[tilespmem:s2], [sflag:$0x1] =	stream.linear.gather [hbm4b:s3+s2], $0x8000, $0x38;
	[tilespmem:$0x18000] =	vst v63  }
0x51f: {  	_ =	swait.ge [sflag:s29], $0x8000  }
0x520: {  	s3 =	sld [smem:$0x7F8]  }
0x521: {  	[sflag:s29] =	ssyncset.done $0x0  }
0x522: {  	[sflag:s29] =	ssyncadd.s32 $0xFFFF8000  }
0x523: {  	[hbm4b:s3+s2] =	stream.linear.scatter [tilespmem:s24], [sflag:$0x5], $0x8000, $0x38;
	[tilespmem:$0x18000] =	vst v63  }
0x524: {  	_ =	swait.ge [sflag:s30], $0x8000  }
0x525: {  	s3 =	sld [smem:$0x7F9]  }
0x526: {  	[sflag:s30] =	ssyncset.done $0x0  }
0x527: {  	[sflag:s30] =	ssyncadd.s32 $0xFFFF8000  }
0x528: {  	[tilespmem:s24], [sflag:$0x2] =	stream.linear.gather [hbm4b:s3+s2], $0x8000, $0x38;
	[tilespmem:$0x18000] =	vst v63  }
0x529: {  	_ =	swait.ge [sflag:s31], $0x8000  }
0x52a: {  	s3 =	sld [smem:$0x7FA]  }
0x52b: {  	[sflag:s31] =	ssyncset.done $0x0  }
0x52c: {  	[sflag:s31] =	ssyncadd.s32 $0xFFFF8000  }
0x52d: {  	[hbm4b:s3+s2] =	stream.linear.scatter [tilespmem:s25], [sflag:$0x6], $0x8000, $0x38;
	[tilespmem:$0x18000] =	vst v63  }
0x52e: {  	_ =	swait.ge [sflag:s1], $0x8000  }
0x52f: {  	s3 =	sld [smem:$0x7FB]  }
0x530: {  	[sflag:s1] =	ssyncset.done $0x0  }
0x531: {  	[sflag:s1] =	ssyncadd.s32 $0xFFFF8000  }
0x532: {  	[tilespmem:s25], [sflag:$0x3] =	stream.linear.gather [hbm4b:s3+s2], $0x8000, $0x38;
	[tilespmem:$0x18000] =	vst v63  }
0x533: {  	_ =	swait.ge [sflag:s26], $0x8000  }
0x534: {  	s3 =	sld [smem:$0x7FC]  }
0x535: {  	[sflag:s26] =	ssyncset.done $0x0  }
0x536: {  	[sflag:s26] =	ssyncadd.s32 $0xFFFF8000  }
0x537: {  	[hbm4b:s3+s2] =	stream.linear.scatter [tilespmem:s2], [sflag:$0x4], $0x8000, $0x38;
	[tilespmem:$0x18000] =	vst v63  }
0x538: {  	_ =	swait.ge [sflag:s28], $0x8000  }
0x539: {  	s3 =	sld [smem:$0x7FD]  }
0x53a: {  	[sflag:s28] =	ssyncset.done $0x0  }
0x53b: {  	[sflag:s28] =	ssyncadd.s32 $0xFFFF8000  }
0x53c: {  	[tilespmem:s2], [sflag:$0x1] =	stream.linear.gather [hbm4b:s3+s2], $0x8000, $0x38;
	[tilespmem:$0x18000] =	vst v63  }
0x53d: {  	_ =	swait.ge [sflag:s29], $0x8000  }
0x53e: {  	[sflag:s29] =	ssyncset.done $0x0  }
0x53f: {  	[sflag:s29] =	ssyncadd.s32 $0xFFFF8000  }
0x540: {  	[hbm4b:s4+s2] =	stream.linear.scatter [tilespmem:s24], [sflag:$0x5], $0x8000, $0x38;
	[tilespmem:$0x18000] =	vst v63  }
0x541: {  	_ =	swait.ge [sflag:s30], $0x8000  }
0x542: {  	[sflag:s30] =	ssyncset.done $0x0  }
0x543: {  	[sflag:s30] =	ssyncadd.s32 $0xFFFF8000  }
0x544: {  	[tilespmem:s24], [sflag:$0x2] =	stream.linear.gather [hbm4b:s5+s2], $0x8000, $0x38;
	[tilespmem:$0x18000] =	vst v63  }
0x545: {  	_ =	swait.ge [sflag:s31], $0x8000  }
0x546: {  	[sflag:s31] =	ssyncset.done $0x0  }
0x547: {  	[sflag:s31] =	ssyncadd.s32 $0xFFFF8000  }
0x548: {  	[hbm4b:s6+s2] =	stream.linear.scatter [tilespmem:s25], [sflag:$0x6], $0x8000, $0x38;
	[tilespmem:$0x18000] =	vst v63  }
0x549: {  	_ =	swait.ge [sflag:s1], $0x8000  }
0x54a: {  	[sflag:s1] =	ssyncset.done $0x0  }
0x54b: {  	[sflag:s1] =	ssyncadd.s32 $0xFFFF8000  }
0x54c: {  	[tilespmem:s25], [sflag:$0x3] =	stream.linear.gather [hbm4b:s7+s2], $0x8000, $0x38;
	[tilespmem:$0x18000] =	vst v63  }
0x54d: {  	_ =	swait.ge [sflag:s26], $0x8000  }
0x54e: {  	[sflag:s26] =	ssyncset.done $0x0  }
0x54f: {  	[sflag:s26] =	ssyncadd.s32 $0xFFFF8000  }
0x550: {  	[hbm4b:s8+s2] =	stream.linear.scatter [tilespmem:s2], [sflag:$0x4], $0x8000, $0x38;
	[tilespmem:$0x18000] =	vst v63  }
0x551: {  	_ =	swait.ge [sflag:s28], $0x8000  }
0x552: {  	[sflag:s28] =	ssyncset.done $0x0  }
0x553: {  	[sflag:s28] =	ssyncadd.s32 $0xFFFF8000  }
0x554: {  	[tilespmem:s2], [sflag:$0x1] =	stream.linear.gather [hbm4b:s9+s2], $0x8000, $0x38;
	[tilespmem:$0x18000] =	vst v63  }
0x555: {  	_ =	swait.ge [sflag:s29], $0x8000  }
0x556: {  	[sflag:s29] =	ssyncset.done $0x0  }
0x557: {  	[sflag:s29] =	ssyncadd.s32 $0xFFFF8000  }
0x558: {  	[hbm4b:s10+s2] =	stream.linear.scatter [tilespmem:s24], [sflag:$0x5], $0x8000, $0x38;
	[tilespmem:$0x18000] =	vst v63  }
0x559: {  	_ =	swait.ge [sflag:s30], $0x8000  }
0x55a: {  	[sflag:s30] =	ssyncset.done $0x0  }
0x55b: {  	[sflag:s30] =	ssyncadd.s32 $0xFFFF8000  }
0x55c: {  	[tilespmem:s24], [sflag:$0x2] =	stream.linear.gather [hbm4b:s11+s2], $0x8000, $0x38;
	[tilespmem:$0x18000] =	vst v63  }
0x55d: {  	_ =	swait.ge [sflag:s31], $0x8000  }
0x55e: {  	[sflag:s31] =	ssyncset.done $0x0  }
0x55f: {  	[sflag:s31] =	ssyncadd.s32 $0xFFFF8000  }
0x560: {  	[hbm4b:s12+s2] =	stream.linear.scatter [tilespmem:s25], [sflag:$0x6], $0x8000, $0x38;
	[tilespmem:$0x18000] =	vst v63  }
0x561: {  	_ =	swait.ge [sflag:s1], $0x8000  }
0x562: {  	[sflag:s1] =	ssyncset.done $0x0  }
0x563: {  	[sflag:s1] =	ssyncadd.s32 $0xFFFF8000  }
0x564: {  	[tilespmem:s25], [sflag:$0x3] =	stream.linear.gather [hbm4b:s13+s2], $0x8000, $0x38;
	[tilespmem:$0x18000] =	vst v63  }
0x565: {  	_ =	swait.ge [sflag:s26], $0x8000  }
0x566: {  	[sflag:s26] =	ssyncset.done $0x0  }
0x567: {  	[sflag:s26] =	ssyncadd.s32 $0xFFFF8000  }
0x568: {  	[hbm4b:s14+s2] =	stream.linear.scatter [tilespmem:s2], [sflag:$0x4], $0x8000, $0x38;
	[tilespmem:$0x18000] =	vst v63  }
0x569: {  	_ =	swait.ge [sflag:s28], $0x8000  }
0x56a: {  	[sflag:s28] =	ssyncset.done $0x0  }
0x56b: {  	[sflag:s28] =	ssyncadd.s32 $0xFFFF8000  }
0x56c: {  	[tilespmem:s2], [sflag:$0x1] =	stream.linear.gather [hbm4b:s15+s2], $0x8000, $0x38;
	[tilespmem:$0x18000] =	vst v63  }
0x56d: {  	_ =	swait.ge [sflag:s29], $0x8000  }
0x56e: {  	[sflag:s29] =	ssyncset.done $0x0  }
0x56f: {  	[sflag:s29] =	ssyncadd.s32 $0xFFFF8000  }
0x570: {  	[hbm4b:s16+s2] =	stream.linear.scatter [tilespmem:s24], [sflag:$0x5], $0x8000, $0x38;
	[tilespmem:$0x18000] =	vst v63  }
0x571: {  	_ =	swait.ge [sflag:s30], $0x8000  }
0x572: {  	[sflag:s30] =	ssyncset.done $0x0  }
0x573: {  	[sflag:s30] =	ssyncadd.s32 $0xFFFF8000  }
0x574: {  	[tilespmem:s24], [sflag:$0x2] =	stream.linear.gather [hbm4b:s17+s2], $0x8000, $0x38;
	[tilespmem:$0x18000] =	vst v63  }
0x575: {  	_ =	swait.ge [sflag:s31], $0x8000  }
0x576: {  	[sflag:s31] =	ssyncset.done $0x0  }
0x577: {  	[sflag:s31] =	ssyncadd.s32 $0xFFFF8000  }
0x578: {  	[hbm4b:s18+s2] =	stream.linear.scatter [tilespmem:s25], [sflag:$0x6], $0x8000, $0x38;
	[tilespmem:$0x18000] =	vst v63  }
0x579: {  	_ =	swait.ge [sflag:s1], $0x8000  }
0x57a: {  	[sflag:s1] =	ssyncset.done $0x0  }
0x57b: {  	[sflag:s1] =	ssyncadd.s32 $0xFFFF8000  }
0x57c: {  	[tilespmem:s25], [sflag:$0x3] =	stream.linear.gather [hbm4b:s19+s2], $0x8000, $0x38;
	[tilespmem:$0x18000] =	vst v63  }
0x57d: {  	_ =	swait.ge [sflag:s26], $0x8000  }
0x57e: {  	[sflag:s26] =	ssyncset.done $0x0  }
0x57f: {  	[sflag:s26] =	ssyncadd.s32 $0xFFFF8000  }
0x580: {  	[hbm4b:s20+s2] =	stream.linear.scatter [tilespmem:s2], [sflag:$0x4], $0x8000, $0x38;
	[tilespmem:$0x18000] =	vst v63  }
0x581: {  	_ =	swait.ge [sflag:s29], $0x8000  }
0x582: {  	[sflag:s29] =	ssyncset.done $0x0  }
0x583: {  	[sflag:s29] =	ssyncadd.s32 $0xFFFF8000  }
0x584: {  	[hbm4b:s21+s2] =	stream.linear.scatter [tilespmem:s24], [sflag:$0x5], $0x8000, $0x38;
	[tilespmem:$0x18000] =	vst v63  }
0x585: {  	_ =	swait.ge [sflag:s31], $0x8000  }
0x586: {  	[sflag:s31] =	ssyncset.done $0x0  }
0x587: {  	[sflag:s31] =	ssyncadd.s32 $0xFFFF8000  }
0x588: {  	[hbm4b:s22+s2] =	stream.linear.scatter [tilespmem:s25], [sflag:$0x6], $0x8000, $0x38;
	[tilespmem:$0x18000] =	vst v63  }
0x589: {  	_ =	swait.ge [sflag:s28], $0x8000  }
0x58a: {  	[sflag:s28] =	ssyncset.done $0x0  }
0x58b: {  	[sflag:s28] =	ssyncadd.s32 $0xFFFF8000  }
0x58c: {  	p0 =	sne.s32 s23, $0x1;
	_ =	swait.ge [sflag:s30], $0x8000  }
.Ltmp0:
0x58d: {  	[sflag:s30] =	ssyncset.done $0x0;
	(pc) =	sbr.rel @p0 .LBB2_1-.Ltmp0, $4  }
0x58e: {  	[sflag:s30] =	ssyncadd.s32 $0xFFFF8000  }
0x58f: {  	_ =	swait.ge [sflag:s1], $0x8000  }
0x590: {  	[sflag:s1] =	ssyncset.done $0x0  }
0x591: {  	s23 =	sadd.s32 $0xFFFFFFFF, s23;
	[sflag:s1] =	ssyncadd.s32 $0xFFFF8000  }
0x592: {  	_ =	sfence.sel $0x180000  }
0x593: {  	[bflag:$0x0] =	sbarrier.arrive $0xFFFF  }
0x594: {  	_ =	strace $0x90000047  }
0x595: {  	s0 =	stileid.u32;
	[bflag:$0x2] =	sbarrier.arrive $0xFFFF  }
0x596: {  	p0 =	sne.s32 s0, $0x0;
	s0 =	rddreg [dreg:$0x1]  }
0x597: {  	s0 =	sadd.s32 @!p0 $0x100000, s0  }
0x598: {  	[sflag:s0] =	ssyncadd.tile.s32 @!p0 $0x1;
	_ =	shalt  }
.Lfunc_end2:
_tile_overlayer_lowered:
.L_overlay_start_2:
0x599: {  	(tag) =	ssettag $0x2  }
0x59a: {  	s0 =	rddreg [dreg:$0x0];
	s2 =	stileid.u32  }
0x59b: {  	s1 =	rddreg [dreg:$0x1];
	p0 =	sne.s32 s2, $0x0  }
0x59c: {  	s3 =	rddreg [dreg:$0x2];
	[bflag:$0x3] =	sbarrier.arrive $0xFFFF;
	s2 =	simm.s32 @!p0 $0x1C07  }
0x59d: {  	[timem:s3], [sflag:s2] =	dma.local @!p0 [hbm:s0], s1  }
0x59e: {  	s0 =	simm.s32 @!p0 $0x7  }
0x59f: {  	_ =	swait.ge @!p0 [sflag:s0], s1  }
0x5a0: {  	s1 =	ssub.s32 @!p0 $0x0, s1;
	[sflag:s0] =	ssyncset.done @!p0 $0x0  }
0x5a1: {  	[sflag:s0] =	ssyncadd.s32 @!p0 s1  }
0x5a2: {  	[bflag:$0x3] =	sbarrier.arrive $0xFFFF  }
0x5a3: {  	_ =	shalt  }

</sc_bundles>
